<compile_context>
chip_gen: v7x
topology: tpu7x:2x2x1
jax: 0.10.2.dev20260603
libtpu: 0.0.44.dev20260713+nightly
codegen_flags: <defaults>
</compile_context>

<pallas_src>
import functools

import jax
import jax.numpy as jnp
from jax import lax
from jax.experimental import pallas as pl
from jax.experimental.pallas import tpu as pltpu
from jax.experimental.pallas import tpu_sc as plsc

N_NODES = 10000
N_EDGES = 320000
D_IN = 128
D_HID = 256

NPAD = 10240
DUMP = 10000
NC = 2
NS = 16
CHUNK = 64
NCHUNK = 160
PART = 40
EPAD = NC * NS * NCHUNK * CHUNK
EPW = EPAD // (NC * NS)
ROWS_PER_TILE = NPAD // NS


def _sc_counts_body(dst_hbm, out_hbm, dst_v, cnt_v):
    c = lax.axis_index("c")
    s = lax.axis_index("s")
    w = c * NS + s

    def zero_body(i, _):
        cnt_v[i, pl.ds(0, 16)] = jnp.zeros((16,), jnp.float32)
        cnt_v[i, pl.ds(16, 16)] = jnp.zeros((16,), jnp.float32)
        cnt_v[i, pl.ds(32, 16)] = jnp.zeros((16,), jnp.float32)
        cnt_v[i, pl.ds(48, 16)] = jnp.zeros((16,), jnp.float32)
        cnt_v[i, pl.ds(64, 16)] = jnp.zeros((16,), jnp.float32)
        cnt_v[i, pl.ds(80, 16)] = jnp.zeros((16,), jnp.float32)
        cnt_v[i, pl.ds(96, 16)] = jnp.zeros((16,), jnp.float32)
        cnt_v[i, pl.ds(112, 16)] = jnp.zeros((16,), jnp.float32)
        return 0

    lax.fori_loop(0, NPAD // 128, zero_body, 0)
    pltpu.sync_copy(dst_hbm.at[pl.ds(w * EPW, EPW)], dst_v)
    ones = jnp.ones((16,), jnp.float32)

    def body(i, _):
        idx = dst_v[pl.ds(i * 16, 16)]
        row = lax.shift_right_logical(idx, 7)
        col = jnp.bitwise_and(idx, 127)
        plsc.addupdate_scatter(cnt_v, [row, col], ones)
        return 0

    lax.fori_loop(0, EPW // 16, body, 0)
    pltpu.sync_copy(cnt_v, out_hbm.at[w])


def _sc_scatter_body(table_hbm, src_hbm, dst_hbm, out_hbm, src_v, dst_v,
                     bufa, bufb, bufc, bufd, acc, sema, semb, semc, semd):
    c = lax.axis_index("c")
    s = lax.axis_index("s")
    w = c * NS + s

    def zero_body(i, _):
        bufa[i, pl.ds(0, 16)] = jnp.zeros((16,), jnp.float32)
        bufa[i, pl.ds(16, 16)] = jnp.zeros((16,), jnp.float32)
        bufa[i, pl.ds(32, 16)] = jnp.zeros((16,), jnp.float32)
        bufa[i, pl.ds(48, 16)] = jnp.zeros((16,), jnp.float32)
        bufa[i, pl.ds(64, 16)] = jnp.zeros((16,), jnp.float32)
        bufa[i, pl.ds(80, 16)] = jnp.zeros((16,), jnp.float32)
        bufa[i, pl.ds(96, 16)] = jnp.zeros((16,), jnp.float32)
        bufa[i, pl.ds(112, 16)] = jnp.zeros((16,), jnp.float32)
        return 0

    lax.fori_loop(0, CHUNK, zero_body, 0)
    for k in range(ROWS_PER_TILE // CHUNK):
        pltpu.sync_copy(bufa,
                        acc.at[pl.ds(s * ROWS_PER_TILE + k * CHUNK, CHUNK)])
    plsc.subcore_barrier()

    bufs = (bufa, bufb, bufc, bufd)
    sems = (sema, semb, semc, semd)

    def gather(e, b):
        pltpu.async_copy(table_hbm.at[src_v.at[e]], bufs[b], sems[b])

    def wait_scatter(e, b):
        pltpu.make_async_copy(table_hbm.at[src_v.at[e]], bufs[b],
                              sems[b]).wait()
        pltpu.sync_copy(bufs[b], acc.at[dst_v.at[e]], add=True)

    for part in range(NCHUNK // PART):
        base = w * NCHUNK + part * PART
        pltpu.sync_copy(src_hbm.at[pl.ds(base, PART)], src_v)
        pltpu.sync_copy(dst_hbm.at[pl.ds(base, PART)], dst_v)
        for b in range(4):
            gather(b, b)

        def body(t, _):
            e = 4 * t
            wait_scatter(e, 0)
            gather(e + 4, 0)
            wait_scatter(e + 1, 1)
            gather(e + 5, 1)
            wait_scatter(e + 2, 2)
            gather(e + 6, 2)
            wait_scatter(e + 3, 3)
            gather(e + 7, 3)
            return 0

        lax.fori_loop(0, PART // 4 - 1, body, 0)
        for b in range(4):
            wait_scatter(PART - 4 + b, b)

    plsc.subcore_barrier()
    pltpu.sync_copy(
        acc.at[pl.ds(s * ROWS_PER_TILE, ROWS_PER_TILE)],
        out_hbm.at[pl.ds(c * NPAD + s * ROWS_PER_TILE, ROWS_PER_TILE)])


@functools.cache
def _sc_kernels():
    mesh = plsc.VectorSubcoreMesh(core_axis_name="c", subcore_axis_name="s")
    params = pltpu.CompilerParams(needs_layout_passes=False)
    counts = pl.kernel(
        _sc_counts_body,
        out_type=jax.ShapeDtypeStruct((NC * NS, NPAD // 128, 128),
                                      jnp.float32),
        mesh=mesh,
        scratch_types=[
            pltpu.VMEM((EPW,), jnp.int32),
            pltpu.VMEM((NPAD // 128, 128), jnp.float32),
        ],
        compiler_params=params,
    )
    scatter = pl.kernel(
        _sc_scatter_body,
        out_type=jax.ShapeDtypeStruct((NC * NPAD, D_IN), jnp.float32),
        mesh=mesh,
        scratch_types=[
            pltpu.VMEM((PART, CHUNK), jnp.int32),
            pltpu.VMEM((PART, CHUNK), jnp.int32),
            pltpu.VMEM((CHUNK, D_IN), jnp.float32),
            pltpu.VMEM((CHUNK, D_IN), jnp.float32),
            pltpu.VMEM((CHUNK, D_IN), jnp.float32),
            pltpu.VMEM((CHUNK, D_IN), jnp.float32),
            pltpu.VMEM_SHARED((NPAD, D_IN), jnp.float32),
            pltpu.SemaphoreType.DMA,
            pltpu.SemaphoreType.DMA,
            pltpu.SemaphoreType.DMA,
            pltpu.SemaphoreType.DMA,
        ],
        compiler_params=params,
    )
    return counts, scatter



def _tc_prep_body(cnt_ref, x_ref, dinv_ref, xs_ref):
    deg = jnp.sum(cnt_ref[...], axis=0) + 1.0
    dinv = lax.rsqrt(deg)
    eye = jnp.eye(128, dtype=jnp.float32)
    cols = [
        lax.dot_general(eye, dinv[r:r + 1], (((1,), (1,)), ((), ())),
                        preferred_element_type=jnp.float32)
        for r in range(8)
    ]
    dcol = jnp.concatenate(cols, axis=0)
    dinv_ref[...] = dcol
    xs_ref[...] = x_ref[...] * dcol


def _tc_mid_body(acc_ref, xs_ref, dinv_ref, w1_ref, b1_ref, w2_ref, out_ref):
    dinv = dinv_ref[...]
    z = (acc_ref[0] + acc_ref[1] + xs_ref[...]) * dinv
    h1 = jnp.dot(z, w1_ref[...], preferred_element_type=jnp.float32)
    h1 = jnp.maximum(h1 + b1_ref[...], 0.0)
    out_ref[...] = jnp.dot(h1, w2_ref[...],
                           preferred_element_type=jnp.float32) * dinv


def _tc_out_body(acc_ref, g2_ref, dinv_ref, b2_ref, out_ref):
    pre = (acc_ref[0] + acc_ref[1] + g2_ref[...]) * dinv_ref[...]
    out_ref[...] = jnp.maximum(pre + b2_ref[...], 0.0)



def kernel(x, edge_index, W1, b1, W2, b2):
    src = edge_index[0]
    dst = edge_index[1]
    pad = DUMP + jnp.arange(EPAD - N_EDGES, dtype=jnp.int32) % (NPAD - DUMP)
    src_p = jnp.concatenate([src, pad])
    dst_p = jnp.concatenate([dst, pad])
    src_r = src_p.reshape(NC * NS * NCHUNK, CHUNK)
    dst_r = dst_p.reshape(NC * NS * NCHUNK, CHUNK)

    _sc_counts, _sc_scatter = _sc_kernels()
    counts = _sc_counts(dst_p)

    dinv_col, xs = pl.pallas_call(
        _tc_prep_body,
        grid=(10,),
        in_specs=[
            pl.BlockSpec((NC * NS, 8, 128), lambda i: (0, i, 0)),
            pl.BlockSpec((1024, D_IN), lambda i: (i, 0)),
        ],
        out_specs=[
            pl.BlockSpec((1024, 1), lambda i: (i, 0)),
            pl.BlockSpec((1024, D_IN), lambda i: (i, 0)),
        ],
        out_shape=[
            jax.ShapeDtypeStruct((NPAD, 1), jnp.float32),
            jax.ShapeDtypeStruct((NPAD, D_IN), jnp.float32),
        ],
    )(counts, x)

    acc1 = _sc_scatter(xs, src_r, dst_r).reshape(NC, NPAD, D_IN)

    g2 = pl.pallas_call(
        _tc_mid_body,
        grid=(8,),
        in_specs=[
            pl.BlockSpec((NC, 1280, D_IN), lambda i: (0, i, 0)),
            pl.BlockSpec((1280, D_IN), lambda i: (i, 0)),
            pl.BlockSpec((1280, 1), lambda i: (i, 0)),
            pl.BlockSpec((D_IN, D_HID), lambda i: (0, 0)),
            pl.BlockSpec((1, D_HID), lambda i: (0, 0)),
            pl.BlockSpec((D_HID, D_IN), lambda i: (0, 0)),
        ],
        out_specs=pl.BlockSpec((1280, D_IN), lambda i: (i, 0)),
        out_shape=jax.ShapeDtypeStruct((NPAD, D_IN), jnp.float32),
    )(acc1, xs, dinv_col, W1, b1.reshape(1, D_HID), W2)

    acc2 = _sc_scatter(g2, src_r, dst_r).reshape(NC, NPAD, D_IN)

    out = pl.pallas_call(
        _tc_out_body,
        grid=(5,),
        in_specs=[
            pl.BlockSpec((NC, 2000, D_IN), lambda i: (0, i, 0)),
            pl.BlockSpec((2000, D_IN), lambda i: (i, 0)),
            pl.BlockSpec((2000, 1), lambda i: (i, 0)),
            pl.BlockSpec((1, D_IN), lambda i: (0, 0)),
        ],
        out_specs=pl.BlockSpec((2000, D_IN), lambda i: (i, 0)),
        out_shape=jax.ShapeDtypeStruct((N_NODES, D_IN), jnp.float32),
    )(acc2, g2, dinv_col, b2.reshape(1, D_IN))

    return out

# --- scband reference (transcript-rebuilt; emitter-appended) ---
"""Pipeline reference for scband-gcnencoder-54812372632350 (READ-ONLY COPY).

The authoritative reference and input builder live on the scoring server;
editing this copy changes nothing except your own understanding.
"""

import jax, jax.numpy as jnp
import numpy as np

N_NODES = 10000
N_EDGES = 320000
D_IN = 128
D_HID = 256


def gcn_conv(x, W, b, src, dst):
    n = x.shape[0]
    h = x @ W
    loop = jnp.arange(n, dtype=src.dtype)
    s = jnp.concatenate([src, loop])
    d = jnp.concatenate([dst, loop])
    deg = jax.ops.segment_sum(jnp.ones(s.shape[0], dtype=h.dtype), d, num_segments=n)
    dinv = jnp.where(deg > 0, 1.0 / jnp.sqrt(deg), 0.0)
    norm = dinv[s] * dinv[d]
    msg = h[s] * norm[:, None]
    out = jax.ops.segment_sum(msg, d, num_segments=n)
    return out + b


def setup_inputs(seed: int = 0) -> dict:
    key = jax.random.key(seed)
    ks = jax.random.split(key, 6)
    x = jax.random.normal(ks[0], (N_NODES, D_IN), dtype=jnp.float32)
    edge_index = jax.random.randint(ks[1], (2, N_EDGES), 0, N_NODES, dtype=jnp.int32)
    W1 = jax.random.normal(ks[2], (D_IN, D_HID), dtype=jnp.float32) * (1.0 / np.sqrt(D_IN))
    b1 = jnp.zeros((D_HID,), dtype=jnp.float32)
    W2 = jax.random.normal(ks[3], (D_HID, D_IN), dtype=jnp.float32) * (1.0 / np.sqrt(D_HID))
    b2 = jnp.zeros((D_IN,), dtype=jnp.float32)
    return {"x": x, "edge_index": edge_index, "W1": W1, "b1": b1, "W2": W2, "b2": b2}


def reference(x, edge_index, W1, b1, W2, b2):
    src = edge_index[0]
    dst = edge_index[1]
    h = jax.nn.relu(gcn_conv(x, W1, b1, src, dst))
    h = jax.nn.relu(gcn_conv(h, W2, b2, src, dst))
    return h

if __name__ == "__main__":
    import jax
    _d = setup_inputs()
    print(jax.jit(kernel)(*tuple(_d.values())))

</pallas_src>

<mosaic_0001>
#map = affine_map<(d0, d1) -> (0, 0)>
module attributes {stable_mosaic.version = 14 : i64} {
  func.func @_sc_scatter_body(%arg0: i32, %arg1: i32, %arg2: memref<10240x128xf32, #tpu.memory_space<hbm>>, %arg3: memref<5120x64xi32, #tpu.memory_space<hbm>>, %arg4: memref<5120x64xi32, #tpu.memory_space<hbm>>, %arg5: memref<20480x128xf32, #tpu.memory_space<hbm>>, %arg6: memref<40x64xi32, #tpu.memory_space<vmem>>, %arg7: memref<40x64xi32, #tpu.memory_space<vmem>>, %arg8: memref<64x128xf32, #tpu.memory_space<vmem>>, %arg9: memref<64x128xf32, #tpu.memory_space<vmem>>, %arg10: memref<64x128xf32, #tpu.memory_space<vmem>>, %arg11: memref<64x128xf32, #tpu.memory_space<vmem>>, %arg12: memref<10240x128xf32, #tpu.memory_space<vmem_shared>>, %arg13: memref<!tpu.dma_semaphore, #tpu.memory_space<semaphore_mem>>, %arg14: memref<!tpu.dma_semaphore, #tpu.memory_space<semaphore_mem>>, %arg15: memref<!tpu.dma_semaphore, #tpu.memory_space<semaphore_mem>>, %arg16: memref<!tpu.dma_semaphore, #tpu.memory_space<semaphore_mem>>) attributes {dimension_semantics = [#tpu.dimension_semantics<core_parallel>, #tpu.dimension_semantics<subcore_parallel>], iteration_bounds = array<i64: 2, 16>, scalar_prefetch = 0 : i64, scratch_operands = 11 : i64, tpu.core_type = #tpu.core_type<sc_vector_subcore>, window_params = [{transform_indices = #map}, {transform_indices = #map}, {transform_indices = #map}, {transform_indices = #map}]} {
    %mul3A = arith.constant 16 : i32
    %mul3A_0 = arith.muli %arg0, %mul3A : i32
    %add3A = arith.addi %mul3A_0, %arg1 : i32
    %scan3A = arith.constant 0 : i32
    %scan3A_1 = arith.constant 0 : i32
    %scan3A_2 = arith.constant 64 : i32
    %scan3A_3 = arith.addi %scan3A_1, %scan3A_2 : i32
    %scan3A_4 = arith.constant 1 : i32
    %scan3A_5 = scf.for %scan3A_336 = %scan3A_1 to %scan3A_3 step %scan3A_4 iter_args(%scan3A_337 = %scan3A) -> (i32)  : i32 {
      %broadcast_in_dim3A = arith.constant 0.000000e+00 : f32
      %broadcast_in_dim3A_338 = vector.broadcast %broadcast_in_dim3A : f32 to vector<16xf32>
      %swap3A = arith.index_cast %scan3A_336 : i32 to index
      %swap3A_339 = arith.constant 0 : index
      %swap3A_340 = tpu.vector_load %arg8[%swap3A, %swap3A_339] {strides = array<i32>} : memref<64x128xf32, #tpu.memory_space<vmem>>, vector<16xf32>,
      tpu.vector_store %arg8[%swap3A, %swap3A_339], %broadcast_in_dim3A_338 {strides = array<i32>} : memref<64x128xf32, #tpu.memory_space<vmem>>, vector<16xf32>,
      %broadcast_in_dim3A_341 = arith.constant 0.000000e+00 : f32
      %broadcast_in_dim3A_342 = vector.broadcast %broadcast_in_dim3A_341 : f32 to vector<16xf32>
      %swap3A_343 = arith.index_cast %scan3A_336 : i32 to index
      %swap3A_344 = arith.constant 16 : index
      %swap3A_345 = tpu.vector_load %arg8[%swap3A_343, %swap3A_344] {strides = array<i32>} : memref<64x128xf32, #tpu.memory_space<vmem>>, vector<16xf32>,
      tpu.vector_store %arg8[%swap3A_343, %swap3A_344], %broadcast_in_dim3A_342 {strides = array<i32>} : memref<64x128xf32, #tpu.memory_space<vmem>>, vector<16xf32>,
      %broadcast_in_dim3A_346 = arith.constant 0.000000e+00 : f32
      %broadcast_in_dim3A_347 = vector.broadcast %broadcast_in_dim3A_346 : f32 to vector<16xf32>
      %swap3A_348 = arith.index_cast %scan3A_336 : i32 to index
      %swap3A_349 = arith.constant 32 : index
      %swap3A_350 = tpu.vector_load %arg8[%swap3A_348, %swap3A_349] {strides = array<i32>} : memref<64x128xf32, #tpu.memory_space<vmem>>, vector<16xf32>,
      tpu.vector_store %arg8[%swap3A_348, %swap3A_349], %broadcast_in_dim3A_347 {strides = array<i32>} : memref<64x128xf32, #tpu.memory_space<vmem>>, vector<16xf32>,
      %broadcast_in_dim3A_351 = arith.constant 0.000000e+00 : f32
      %broadcast_in_dim3A_352 = vector.broadcast %broadcast_in_dim3A_351 : f32 to vector<16xf32>
      %swap3A_353 = arith.index_cast %scan3A_336 : i32 to index
      %swap3A_354 = arith.constant 48 : index
      %swap3A_355 = tpu.vector_load %arg8[%swap3A_353, %swap3A_354] {strides = array<i32>} : memref<64x128xf32, #tpu.memory_space<vmem>>, vector<16xf32>,
      tpu.vector_store %arg8[%swap3A_353, %swap3A_354], %broadcast_in_dim3A_352 {strides = array<i32>} : memref<64x128xf32, #tpu.memory_space<vmem>>, vector<16xf32>,
      %broadcast_in_dim3A_356 = arith.constant 0.000000e+00 : f32
      %broadcast_in_dim3A_357 = vector.broadcast %broadcast_in_dim3A_356 : f32 to vector<16xf32>
      %swap3A_358 = arith.index_cast %scan3A_336 : i32 to index
      %swap3A_359 = arith.constant 64 : index
      %swap3A_360 = tpu.vector_load %arg8[%swap3A_358, %swap3A_359] {strides = array<i32>} : memref<64x128xf32, #tpu.memory_space<vmem>>, vector<16xf32>,
      tpu.vector_store %arg8[%swap3A_358, %swap3A_359], %broadcast_in_dim3A_357 {strides = array<i32>} : memref<64x128xf32, #tpu.memory_space<vmem>>, vector<16xf32>,
      %broadcast_in_dim3A_361 = arith.constant 0.000000e+00 : f32
      %broadcast_in_dim3A_362 = vector.broadcast %broadcast_in_dim3A_361 : f32 to vector<16xf32>
      %swap3A_363 = arith.index_cast %scan3A_336 : i32 to index
      %swap3A_364 = arith.constant 80 : index
      %swap3A_365 = tpu.vector_load %arg8[%swap3A_363, %swap3A_364] {strides = array<i32>} : memref<64x128xf32, #tpu.memory_space<vmem>>, vector<16xf32>,
      tpu.vector_store %arg8[%swap3A_363, %swap3A_364], %broadcast_in_dim3A_362 {strides = array<i32>} : memref<64x128xf32, #tpu.memory_space<vmem>>, vector<16xf32>,
      %broadcast_in_dim3A_366 = arith.constant 0.000000e+00 : f32
      %broadcast_in_dim3A_367 = vector.broadcast %broadcast_in_dim3A_366 : f32 to vector<16xf32>
      %swap3A_368 = arith.index_cast %scan3A_336 : i32 to index
      %swap3A_369 = arith.constant 96 : index
      %swap3A_370 = tpu.vector_load %arg8[%swap3A_368, %swap3A_369] {strides = array<i32>} : memref<64x128xf32, #tpu.memory_space<vmem>>, vector<16xf32>,
      tpu.vector_store %arg8[%swap3A_368, %swap3A_369], %broadcast_in_dim3A_367 {strides = array<i32>} : memref<64x128xf32, #tpu.memory_space<vmem>>, vector<16xf32>,
      %broadcast_in_dim3A_371 = arith.constant 0.000000e+00 : f32
      %broadcast_in_dim3A_372 = vector.broadcast %broadcast_in_dim3A_371 : f32 to vector<16xf32>
      %swap3A_373 = arith.index_cast %scan3A_336 : i32 to index
      %swap3A_374 = arith.constant 112 : index
      %swap3A_375 = tpu.vector_load %arg8[%swap3A_373, %swap3A_374] {strides = array<i32>} : memref<64x128xf32, #tpu.memory_space<vmem>>, vector<16xf32>,
      tpu.vector_store %arg8[%swap3A_373, %swap3A_374], %broadcast_in_dim3A_372 {strides = array<i32>} : memref<64x128xf32, #tpu.memory_space<vmem>>, vector<16xf32>,
      %scan3A_376 = arith.constant 0 : i32
      scf.yield %scan3A_376 : i32
    }
    %scan3A_6 = arith.constant 64 : i32
    %mul3A_7 = arith.constant 640 : i32
    %mul3A_8 = arith.muli %arg1, %mul3A_7 : i32
    %add3A_9 = arith.constant 0 : i32
    %add3A_10 = arith.addi %mul3A_8, %add3A_9 : i32
    "tpu.region"() ({
      %run_scoped3A_336 = tpu.sem_alloc : memref<!tpu.dma_semaphore, #tpu.memory_space<semaphore_mem>>
      %dma_start3A_337 = arith.constant 0 : i32
      %dma_start3A_338 = tpu.memref_slice %arg12[%add3A_10, %dma_start3A_337] : memref<10240x128xf32, #tpu.memory_space<vmem_shared>> -> memref<64x128xf32, #tpu.memory_space<vmem_shared>>
      %dma_start3A_339 = arith.constant 0 : i32
      %dma_start3A_340 = tpu.memref_slice %arg12[%add3A_10, %dma_start3A_339] : memref<10240x128xf32, #tpu.memory_space<vmem_shared>> -> memref<64x128xf32, #tpu.memory_space<vmem_shared>>
      tpu.enqueue_dma source(%arg8 : memref<64x128xf32, #tpu.memory_space<vmem>>) target(%dma_start3A_340 : memref<64x128xf32, #tpu.memory_space<vmem_shared>>) target_semaphore(%run_scoped3A_336 : memref<!tpu.dma_semaphore, #tpu.memory_space<semaphore_mem>>)
      %dma_wait3A_341 = arith.constant 0 : i32
      %dma_wait3A_342 = tpu.memref_slice %arg12[%add3A_10, %dma_wait3A_341] : memref<10240x128xf32, #tpu.memory_space<vmem_shared>> -> memref<64x128xf32, #tpu.memory_space<vmem_shared>>
      %dma_wait3A_343 = arith.constant 0 : i32
      %dma_wait3A_344 = tpu.memref_slice %arg12[%add3A_10, %dma_wait3A_343] : memref<10240x128xf32, #tpu.memory_space<vmem_shared>> -> memref<64x128xf32, #tpu.memory_space<vmem_shared>>
      tpu.wait_dma2 semaphore(%run_scoped3A_336 : memref<!tpu.dma_semaphore, #tpu.memory_space<semaphore_mem>>) src(%arg8 : memref<64x128xf32, #tpu.memory_space<vmem>>) dst(%dma_wait3A_344 : memref<64x128xf32, #tpu.memory_space<vmem_shared>>)
      tpu.yield
    }) : () -> ()
    %mul3A_11 = arith.constant 640 : i32
    %mul3A_12 = arith.muli %arg1, %mul3A_11 : i32
    %add3A_13 = arith.constant 64 : i32
    %add3A_14 = arith.addi %mul3A_12, %add3A_13 : i32
    "tpu.region"() ({
      %run_scoped3A_336 = tpu.sem_alloc : memref<!tpu.dma_semaphore, #tpu.memory_space<semaphore_mem>>
      %dma_start3A_337 = arith.constant 0 : i32
      %dma_start3A_338 = tpu.memref_slice %arg12[%add3A_14, %dma_start3A_337] : memref<10240x128xf32, #tpu.memory_space<vmem_shared>> -> memref<64x128xf32, #tpu.memory_space<vmem_shared>>
      %dma_start3A_339 = arith.constant 0 : i32
      %dma_start3A_340 = tpu.memref_slice %arg12[%add3A_14, %dma_start3A_339] : memref<10240x128xf32, #tpu.memory_space<vmem_shared>> -> memref<64x128xf32, #tpu.memory_space<vmem_shared>>
      tpu.enqueue_dma source(%arg8 : memref<64x128xf32, #tpu.memory_space<vmem>>) target(%dma_start3A_340 : memref<64x128xf32, #tpu.memory_space<vmem_shared>>) target_semaphore(%run_scoped3A_336 : memref<!tpu.dma_semaphore, #tpu.memory_space<semaphore_mem>>)
      %dma_wait3A_341 = arith.constant 0 : i32
      %dma_wait3A_342 = tpu.memref_slice %arg12[%add3A_14, %dma_wait3A_341] : memref<10240x128xf32, #tpu.memory_space<vmem_shared>> -> memref<64x128xf32, #tpu.memory_space<vmem_shared>>
      %dma_wait3A_343 = arith.constant 0 : i32
      %dma_wait3A_344 = tpu.memref_slice %arg12[%add3A_14, %dma_wait3A_343] : memref<10240x128xf32, #tpu.memory_space<vmem_shared>> -> memref<64x128xf32, #tpu.memory_space<vmem_shared>>
      tpu.wait_dma2 semaphore(%run_scoped3A_336 : memref<!tpu.dma_semaphore, #tpu.memory_space<semaphore_mem>>) src(%arg8 : memref<64x128xf32, #tpu.memory_space<vmem>>) dst(%dma_wait3A_344 : memref<64x128xf32, #tpu.memory_space<vmem_shared>>)
      tpu.yield
    }) : () -> ()
    %mul3A_15 = arith.constant 640 : i32
    %mul3A_16 = arith.muli %arg1, %mul3A_15 : i32
    %add3A_17 = arith.constant 128 : i32
    %add3A_18 = arith.addi %mul3A_16, %add3A_17 : i32
    "tpu.region"() ({
      %run_scoped3A_336 = tpu.sem_alloc : memref<!tpu.dma_semaphore, #tpu.memory_space<semaphore_mem>>
      %dma_start3A_337 = arith.constant 0 : i32
      %dma_start3A_338 = tpu.memref_slice %arg12[%add3A_18, %dma_start3A_337] : memref<10240x128xf32, #tpu.memory_space<vmem_shared>> -> memref<64x128xf32, #tpu.memory_space<vmem_shared>>
      %dma_start3A_339 = arith.constant 0 : i32
      %dma_start3A_340 = tpu.memref_slice %arg12[%add3A_18, %dma_start3A_339] : memref<10240x128xf32, #tpu.memory_space<vmem_shared>> -> memref<64x128xf32, #tpu.memory_space<vmem_shared>>
      tpu.enqueue_dma source(%arg8 : memref<64x128xf32, #tpu.memory_space<vmem>>) target(%dma_start3A_340 : memref<64x128xf32, #tpu.memory_space<vmem_shared>>) target_semaphore(%run_scoped3A_336 : memref<!tpu.dma_semaphore, #tpu.memory_space<semaphore_mem>>)
      %dma_wait3A_341 = arith.constant 0 : i32
      %dma_wait3A_342 = tpu.memref_slice %arg12[%add3A_18, %dma_wait3A_341] : memref<10240x128xf32, #tpu.memory_space<vmem_shared>> -> memref<64x128xf32, #tpu.memory_space<vmem_shared>>
      %dma_wait3A_343 = arith.constant 0 : i32
      %dma_wait3A_344 = tpu.memref_slice %arg12[%add3A_18, %dma_wait3A_343] : memref<10240x128xf32, #tpu.memory_space<vmem_shared>> -> memref<64x128xf32, #tpu.memory_space<vmem_shared>>
      tpu.wait_dma2 semaphore(%run_scoped3A_336 : memref<!tpu.dma_semaphore, #tpu.memory_space<semaphore_mem>>) src(%arg8 : memref<64x128xf32, #tpu.memory_space<vmem>>) dst(%dma_wait3A_344 : memref<64x128xf32, #tpu.memory_space<vmem_shared>>)
      tpu.yield
    }) : () -> ()
    %mul3A_19 = arith.constant 640 : i32
    %mul3A_20 = arith.muli %arg1, %mul3A_19 : i32
    %add3A_21 = arith.constant 192 : i32
    %add3A_22 = arith.addi %mul3A_20, %add3A_21 : i32
    "tpu.region"() ({
      %run_scoped3A_336 = tpu.sem_alloc : memref<!tpu.dma_semaphore, #tpu.memory_space<semaphore_mem>>
      %dma_start3A_337 = arith.constant 0 : i32
      %dma_start3A_338 = tpu.memref_slice %arg12[%add3A_22, %dma_start3A_337] : memref<10240x128xf32, #tpu.memory_space<vmem_shared>> -> memref<64x128xf32, #tpu.memory_space<vmem_shared>>
      %dma_start3A_339 = arith.constant 0 : i32
      %dma_start3A_340 = tpu.memref_slice %arg12[%add3A_22, %dma_start3A_339] : memref<10240x128xf32, #tpu.memory_space<vmem_shared>> -> memref<64x128xf32, #tpu.memory_space<vmem_shared>>
      tpu.enqueue_dma source(%arg8 : memref<64x128xf32, #tpu.memory_space<vmem>>) target(%dma_start3A_340 : memref<64x128xf32, #tpu.memory_space<vmem_shared>>) target_semaphore(%run_scoped3A_336 : memref<!tpu.dma_semaphore, #tpu.memory_space<semaphore_mem>>)
      %dma_wait3A_341 = arith.constant 0 : i32
      %dma_wait3A_342 = tpu.memref_slice %arg12[%add3A_22, %dma_wait3A_341] : memref<10240x128xf32, #tpu.memory_space<vmem_shared>> -> memref<64x128xf32, #tpu.memory_space<vmem_shared>>
      %dma_wait3A_343 = arith.constant 0 : i32
      %dma_wait3A_344 = tpu.memref_slice %arg12[%add3A_22, %dma_wait3A_343] : memref<10240x128xf32, #tpu.memory_space<vmem_shared>> -> memref<64x128xf32, #tpu.memory_space<vmem_shared>>
      tpu.wait_dma2 semaphore(%run_scoped3A_336 : memref<!tpu.dma_semaphore, #tpu.memory_space<semaphore_mem>>) src(%arg8 : memref<64x128xf32, #tpu.memory_space<vmem>>) dst(%dma_wait3A_344 : memref<64x128xf32, #tpu.memory_space<vmem_shared>>)
      tpu.yield
    }) : () -> ()
    %mul3A_23 = arith.constant 640 : i32
    %mul3A_24 = arith.muli %arg1, %mul3A_23 : i32
    %add3A_25 = arith.constant 256 : i32
    %add3A_26 = arith.addi %mul3A_24, %add3A_25 : i32
    "tpu.region"() ({
      %run_scoped3A_336 = tpu.sem_alloc : memref<!tpu.dma_semaphore, #tpu.memory_space<semaphore_mem>>
      %dma_start3A_337 = arith.constant 0 : i32
      %dma_start3A_338 = tpu.memref_slice %arg12[%add3A_26, %dma_start3A_337] : memref<10240x128xf32, #tpu.memory_space<vmem_shared>> -> memref<64x128xf32, #tpu.memory_space<vmem_shared>>
      %dma_start3A_339 = arith.constant 0 : i32
      %dma_start3A_340 = tpu.memref_slice %arg12[%add3A_26, %dma_start3A_339] : memref<10240x128xf32, #tpu.memory_space<vmem_shared>> -> memref<64x128xf32, #tpu.memory_space<vmem_shared>>
      tpu.enqueue_dma source(%arg8 : memref<64x128xf32, #tpu.memory_space<vmem>>) target(%dma_start3A_340 : memref<64x128xf32, #tpu.memory_space<vmem_shared>>) target_semaphore(%run_scoped3A_336 : memref<!tpu.dma_semaphore, #tpu.memory_space<semaphore_mem>>)
      %dma_wait3A_341 = arith.constant 0 : i32
      %dma_wait3A_342 = tpu.memref_slice %arg12[%add3A_26, %dma_wait3A_341] : memref<10240x128xf32, #tpu.memory_space<vmem_shared>> -> memref<64x128xf32, #tpu.memory_space<vmem_shared>>
      %dma_wait3A_343 = arith.constant 0 : i32
      %dma_wait3A_344 = tpu.memref_slice %arg12[%add3A_26, %dma_wait3A_343] : memref<10240x128xf32, #tpu.memory_space<vmem_shared>> -> memref<64x128xf32, #tpu.memory_space<vmem_shared>>
      tpu.wait_dma2 semaphore(%run_scoped3A_336 : memref<!tpu.dma_semaphore, #tpu.memory_space<semaphore_mem>>) src(%arg8 : memref<64x128xf32, #tpu.memory_space<vmem>>) dst(%dma_wait3A_344 : memref<64x128xf32, #tpu.memory_space<vmem_shared>>)
      tpu.yield
    }) : () -> ()
    %mul3A_27 = arith.constant 640 : i32
    %mul3A_28 = arith.muli %arg1, %mul3A_27 : i32
    %add3A_29 = arith.constant 320 : i32
    %add3A_30 = arith.addi %mul3A_28, %add3A_29 : i32
    "tpu.region"() ({
      %run_scoped3A_336 = tpu.sem_alloc : memref<!tpu.dma_semaphore, #tpu.memory_space<semaphore_mem>>
      %dma_start3A_337 = arith.constant 0 : i32
      %dma_start3A_338 = tpu.memref_slice %arg12[%add3A_30, %dma_start3A_337] : memref<10240x128xf32, #tpu.memory_space<vmem_shared>> -> memref<64x128xf32, #tpu.memory_space<vmem_shared>>
      %dma_start3A_339 = arith.constant 0 : i32
      %dma_start3A_340 = tpu.memref_slice %arg12[%add3A_30, %dma_start3A_339] : memref<10240x128xf32, #tpu.memory_space<vmem_shared>> -> memref<64x128xf32, #tpu.memory_space<vmem_shared>>
      tpu.enqueue_dma source(%arg8 : memref<64x128xf32, #tpu.memory_space<vmem>>) target(%dma_start3A_340 : memref<64x128xf32, #tpu.memory_space<vmem_shared>>) target_semaphore(%run_scoped3A_336 : memref<!tpu.dma_semaphore, #tpu.memory_space<semaphore_mem>>)
      %dma_wait3A_341 = arith.constant 0 : i32
      %dma_wait3A_342 = tpu.memref_slice %arg12[%add3A_30, %dma_wait3A_341] : memref<10240x128xf32, #tpu.memory_space<vmem_shared>> -> memref<64x128xf32, #tpu.memory_space<vmem_shared>>
      %dma_wait3A_343 = arith.constant 0 : i32
      %dma_wait3A_344 = tpu.memref_slice %arg12[%add3A_30, %dma_wait3A_343] : memref<10240x128xf32, #tpu.memory_space<vmem_shared>> -> memref<64x128xf32, #tpu.memory_space<vmem_shared>>
      tpu.wait_dma2 semaphore(%run_scoped3A_336 : memref<!tpu.dma_semaphore, #tpu.memory_space<semaphore_mem>>) src(%arg8 : memref<64x128xf32, #tpu.memory_space<vmem>>) dst(%dma_wait3A_344 : memref<64x128xf32, #tpu.memory_space<vmem_shared>>)
      tpu.yield
    }) : () -> ()
    %mul3A_31 = arith.constant 640 : i32
    %mul3A_32 = arith.muli %arg1, %mul3A_31 : i32
    %add3A_33 = arith.constant 384 : i32
    %add3A_34 = arith.addi %mul3A_32, %add3A_33 : i32
    "tpu.region"() ({
      %run_scoped3A_336 = tpu.sem_alloc : memref<!tpu.dma_semaphore, #tpu.memory_space<semaphore_mem>>
      %dma_start3A_337 = arith.constant 0 : i32
      %dma_start3A_338 = tpu.memref_slice %arg12[%add3A_34, %dma_start3A_337] : memref<10240x128xf32, #tpu.memory_space<vmem_shared>> -> memref<64x128xf32, #tpu.memory_space<vmem_shared>>
      %dma_start3A_339 = arith.constant 0 : i32
      %dma_start3A_340 = tpu.memref_slice %arg12[%add3A_34, %dma_start3A_339] : memref<10240x128xf32, #tpu.memory_space<vmem_shared>> -> memref<64x128xf32, #tpu.memory_space<vmem_shared>>
      tpu.enqueue_dma source(%arg8 : memref<64x128xf32, #tpu.memory_space<vmem>>) target(%dma_start3A_340 : memref<64x128xf32, #tpu.memory_space<vmem_shared>>) target_semaphore(%run_scoped3A_336 : memref<!tpu.dma_semaphore, #tpu.memory_space<semaphore_mem>>)
      %dma_wait3A_341 = arith.constant 0 : i32
      %dma_wait3A_342 = tpu.memref_slice %arg12[%add3A_34, %dma_wait3A_341] : memref<10240x128xf32, #tpu.memory_space<vmem_shared>> -> memref<64x128xf32, #tpu.memory_space<vmem_shared>>
      %dma_wait3A_343 = arith.constant 0 : i32
      %dma_wait3A_344 = tpu.memref_slice %arg12[%add3A_34, %dma_wait3A_343] : memref<10240x128xf32, #tpu.memory_space<vmem_shared>> -> memref<64x128xf32, #tpu.memory_space<vmem_shared>>
      tpu.wait_dma2 semaphore(%run_scoped3A_336 : memref<!tpu.dma_semaphore, #tpu.memory_space<semaphore_mem>>) src(%arg8 : memref<64x128xf32, #tpu.memory_space<vmem>>) dst(%dma_wait3A_344 : memref<64x128xf32, #tpu.memory_space<vmem_shared>>)
      tpu.yield
    }) : () -> ()
    %mul3A_35 = arith.constant 640 : i32
    %mul3A_36 = arith.muli %arg1, %mul3A_35 : i32
    %add3A_37 = arith.constant 448 : i32
    %add3A_38 = arith.addi %mul3A_36, %add3A_37 : i32
    "tpu.region"() ({
      %run_scoped3A_336 = tpu.sem_alloc : memref<!tpu.dma_semaphore, #tpu.memory_space<semaphore_mem>>
      %dma_start3A_337 = arith.constant 0 : i32
      %dma_start3A_338 = tpu.memref_slice %arg12[%add3A_38, %dma_start3A_337] : memref<10240x128xf32, #tpu.memory_space<vmem_shared>> -> memref<64x128xf32, #tpu.memory_space<vmem_shared>>
      %dma_start3A_339 = arith.constant 0 : i32
      %dma_start3A_340 = tpu.memref_slice %arg12[%add3A_38, %dma_start3A_339] : memref<10240x128xf32, #tpu.memory_space<vmem_shared>> -> memref<64x128xf32, #tpu.memory_space<vmem_shared>>
      tpu.enqueue_dma source(%arg8 : memref<64x128xf32, #tpu.memory_space<vmem>>) target(%dma_start3A_340 : memref<64x128xf32, #tpu.memory_space<vmem_shared>>) target_semaphore(%run_scoped3A_336 : memref<!tpu.dma_semaphore, #tpu.memory_space<semaphore_mem>>)
      %dma_wait3A_341 = arith.constant 0 : i32
      %dma_wait3A_342 = tpu.memref_slice %arg12[%add3A_38, %dma_wait3A_341] : memref<10240x128xf32, #tpu.memory_space<vmem_shared>> -> memref<64x128xf32, #tpu.memory_space<vmem_shared>>
      %dma_wait3A_343 = arith.constant 0 : i32
      %dma_wait3A_344 = tpu.memref_slice %arg12[%add3A_38, %dma_wait3A_343] : memref<10240x128xf32, #tpu.memory_space<vmem_shared>> -> memref<64x128xf32, #tpu.memory_space<vmem_shared>>
      tpu.wait_dma2 semaphore(%run_scoped3A_336 : memref<!tpu.dma_semaphore, #tpu.memory_space<semaphore_mem>>) src(%arg8 : memref<64x128xf32, #tpu.memory_space<vmem>>) dst(%dma_wait3A_344 : memref<64x128xf32, #tpu.memory_space<vmem_shared>>)
      tpu.yield
    }) : () -> ()
    %mul3A_39 = arith.constant 640 : i32
    %mul3A_40 = arith.muli %arg1, %mul3A_39 : i32
    %add3A_41 = arith.constant 512 : i32
    %add3A_42 = arith.addi %mul3A_40, %add3A_41 : i32
    "tpu.region"() ({
      %run_scoped3A_336 = tpu.sem_alloc : memref<!tpu.dma_semaphore, #tpu.memory_space<semaphore_mem>>
      %dma_start3A_337 = arith.constant 0 : i32
      %dma_start3A_338 = tpu.memref_slice %arg12[%add3A_42, %dma_start3A_337] : memref<10240x128xf32, #tpu.memory_space<vmem_shared>> -> memref<64x128xf32, #tpu.memory_space<vmem_shared>>
      %dma_start3A_339 = arith.constant 0 : i32
      %dma_start3A_340 = tpu.memref_slice %arg12[%add3A_42, %dma_start3A_339] : memref<10240x128xf32, #tpu.memory_space<vmem_shared>> -> memref<64x128xf32, #tpu.memory_space<vmem_shared>>
      tpu.enqueue_dma source(%arg8 : memref<64x128xf32, #tpu.memory_space<vmem>>) target(%dma_start3A_340 : memref<64x128xf32, #tpu.memory_space<vmem_shared>>) target_semaphore(%run_scoped3A_336 : memref<!tpu.dma_semaphore, #tpu.memory_space<semaphore_mem>>)
      %dma_wait3A_341 = arith.constant 0 : i32
      %dma_wait3A_342 = tpu.memref_slice %arg12[%add3A_42, %dma_wait3A_341] : memref<10240x128xf32, #tpu.memory_space<vmem_shared>> -> memref<64x128xf32, #tpu.memory_space<vmem_shared>>
      %dma_wait3A_343 = arith.constant 0 : i32
      %dma_wait3A_344 = tpu.memref_slice %arg12[%add3A_42, %dma_wait3A_343] : memref<10240x128xf32, #tpu.memory_space<vmem_shared>> -> memref<64x128xf32, #tpu.memory_space<vmem_shared>>
      tpu.wait_dma2 semaphore(%run_scoped3A_336 : memref<!tpu.dma_semaphore, #tpu.memory_space<semaphore_mem>>) src(%arg8 : memref<64x128xf32, #tpu.memory_space<vmem>>) dst(%dma_wait3A_344 : memref<64x128xf32, #tpu.memory_space<vmem_shared>>)
      tpu.yield
    }) : () -> ()
    %mul3A_43 = arith.constant 640 : i32
    %mul3A_44 = arith.muli %arg1, %mul3A_43 : i32
    %add3A_45 = arith.constant 576 : i32
    %add3A_46 = arith.addi %mul3A_44, %add3A_45 : i32
    "tpu.region"() ({
      %run_scoped3A_336 = tpu.sem_alloc : memref<!tpu.dma_semaphore, #tpu.memory_space<semaphore_mem>>
      %dma_start3A_337 = arith.constant 0 : i32
      %dma_start3A_338 = tpu.memref_slice %arg12[%add3A_46, %dma_start3A_337] : memref<10240x128xf32, #tpu.memory_space<vmem_shared>> -> memref<64x128xf32, #tpu.memory_space<vmem_shared>>
      %dma_start3A_339 = arith.constant 0 : i32
      %dma_start3A_340 = tpu.memref_slice %arg12[%add3A_46, %dma_start3A_339] : memref<10240x128xf32, #tpu.memory_space<vmem_shared>> -> memref<64x128xf32, #tpu.memory_space<vmem_shared>>
      tpu.enqueue_dma source(%arg8 : memref<64x128xf32, #tpu.memory_space<vmem>>) target(%dma_start3A_340 : memref<64x128xf32, #tpu.memory_space<vmem_shared>>) target_semaphore(%run_scoped3A_336 : memref<!tpu.dma_semaphore, #tpu.memory_space<semaphore_mem>>)
      %dma_wait3A_341 = arith.constant 0 : i32
      %dma_wait3A_342 = tpu.memref_slice %arg12[%add3A_46, %dma_wait3A_341] : memref<10240x128xf32, #tpu.memory_space<vmem_shared>> -> memref<64x128xf32, #tpu.memory_space<vmem_shared>>
      %dma_wait3A_343 = arith.constant 0 : i32
      %dma_wait3A_344 = tpu.memref_slice %arg12[%add3A_46, %dma_wait3A_343] : memref<10240x128xf32, #tpu.memory_space<vmem_shared>> -> memref<64x128xf32, #tpu.memory_space<vmem_shared>>
      tpu.wait_dma2 semaphore(%run_scoped3A_336 : memref<!tpu.dma_semaphore, #tpu.memory_space<semaphore_mem>>) src(%arg8 : memref<64x128xf32, #tpu.memory_space<vmem>>) dst(%dma_wait3A_344 : memref<64x128xf32, #tpu.memory_space<vmem_shared>>)
      tpu.yield
    }) : () -> ()
    %barrier3A = arith.constant 0 : index
    tpu.barrier barrier_id(%barrier3A)
    %mul3A_47 = arith.constant 160 : i32
    %mul3A_48 = arith.muli %add3A, %mul3A_47 : i32
    %add3A_49 = arith.constant 0 : i32
    %add3A_50 = arith.addi %mul3A_48, %add3A_49 : i32
    "tpu.region"() ({
      %run_scoped3A_336 = tpu.sem_alloc : memref<!tpu.dma_semaphore, #tpu.memory_space<semaphore_mem>>
      %dma_start3A_337 = arith.constant 0 : i32
      %dma_start3A_338 = tpu.memref_slice %arg3[%add3A_50, %dma_start3A_337] : memref<5120x64xi32, #tpu.memory_space<hbm>> -> memref<40x64xi32, #tpu.memory_space<hbm>>
      %dma_start3A_339 = arith.constant 0 : i32
      %dma_start3A_340 = tpu.memref_slice %arg3[%add3A_50, %dma_start3A_339] : memref<5120x64xi32, #tpu.memory_space<hbm>> -> memref<40x64xi32, #tpu.memory_space<hbm>>
      tpu.enqueue_dma source(%dma_start3A_340 : memref<40x64xi32, #tpu.memory_space<hbm>>) target(%arg6 : memref<40x64xi32, #tpu.memory_space<vmem>>) target_semaphore(%run_scoped3A_336 : memref<!tpu.dma_semaphore, #tpu.memory_space<semaphore_mem>>)
      %dma_wait3A_341 = arith.constant 0 : i32
      %dma_wait3A_342 = tpu.memref_slice %arg3[%add3A_50, %dma_wait3A_341] : memref<5120x64xi32, #tpu.memory_space<hbm>> -> memref<40x64xi32, #tpu.memory_space<hbm>>
      %dma_wait3A_343 = arith.constant 0 : i32
      %dma_wait3A_344 = tpu.memref_slice %arg3[%add3A_50, %dma_wait3A_343] : memref<5120x64xi32, #tpu.memory_space<hbm>> -> memref<40x64xi32, #tpu.memory_space<hbm>>
      tpu.wait_dma2 semaphore(%run_scoped3A_336 : memref<!tpu.dma_semaphore, #tpu.memory_space<semaphore_mem>>) src(%dma_wait3A_344 : memref<40x64xi32, #tpu.memory_space<hbm>>) dst(%arg6 : memref<40x64xi32, #tpu.memory_space<vmem>>)
      tpu.yield
    }) : () -> ()
    "tpu.region"() ({
      %run_scoped3A_336 = tpu.sem_alloc : memref<!tpu.dma_semaphore, #tpu.memory_space<semaphore_mem>>
      %dma_start3A_337 = arith.constant 0 : i32
      %dma_start3A_338 = tpu.memref_slice %arg4[%add3A_50, %dma_start3A_337] : memref<5120x64xi32, #tpu.memory_space<hbm>> -> memref<40x64xi32, #tpu.memory_space<hbm>>
      %dma_start3A_339 = arith.constant 0 : i32
      %dma_start3A_340 = tpu.memref_slice %arg4[%add3A_50, %dma_start3A_339] : memref<5120x64xi32, #tpu.memory_space<hbm>> -> memref<40x64xi32, #tpu.memory_space<hbm>>
      tpu.enqueue_dma source(%dma_start3A_340 : memref<40x64xi32, #tpu.memory_space<hbm>>) target(%arg7 : memref<40x64xi32, #tpu.memory_space<vmem>>) target_semaphore(%run_scoped3A_336 : memref<!tpu.dma_semaphore, #tpu.memory_space<semaphore_mem>>)
      %dma_wait3A_341 = arith.constant 0 : i32
      %dma_wait3A_342 = tpu.memref_slice %arg4[%add3A_50, %dma_wait3A_341] : memref<5120x64xi32, #tpu.memory_space<hbm>> -> memref<40x64xi32, #tpu.memory_space<hbm>>
      %dma_wait3A_343 = arith.constant 0 : i32
      %dma_wait3A_344 = tpu.memref_slice %arg4[%add3A_50, %dma_wait3A_343] : memref<5120x64xi32, #tpu.memory_space<hbm>> -> memref<40x64xi32, #tpu.memory_space<hbm>>
      tpu.wait_dma2 semaphore(%run_scoped3A_336 : memref<!tpu.dma_semaphore, #tpu.memory_space<semaphore_mem>>) src(%dma_wait3A_344 : memref<40x64xi32, #tpu.memory_space<hbm>>) dst(%arg7 : memref<40x64xi32, #tpu.memory_space<vmem>>)
      tpu.yield
    }) : () -> ()
    %dma_start3A = arith.constant 0 : i32
    %dma_start3A_51 = arith.constant 0 : i32
    %dma_start3A_52 = tpu.memref_slice %arg6[%dma_start3A, %dma_start3A_51] : memref<40x64xi32, #tpu.memory_space<vmem>> -> memref<1x64xi32, #tpu.memory_space<vmem>>
    %dma_start3A_53 = tpu.memref_squeeze %dma_start3A_52 : memref<1x64xi32, #tpu.memory_space<vmem>> -> memref<64xi32, #tpu.memory_space<vmem>>
    %dma_start3A_54 = arith.constant 0 : i32
    %dma_start3A_55 = arith.constant 0 : i32
    %dma_start3A_56 = tpu.memref_slice %arg2[%dma_start3A_54, %dma_start3A_55] : memref<10240x128xf32, #tpu.memory_space<hbm>> -> memref<10240x128xf32, #tpu.memory_space<hbm>>
    tpu.enqueue_indirect_dma source(%dma_start3A_56 : memref<10240x128xf32, #tpu.memory_space<hbm>>) target(%arg8 : memref<64x128xf32, #tpu.memory_space<vmem>>) offsets(%dma_start3A_53 : memref<64xi32, #tpu.memory_space<vmem>>) semaphore(%arg13 : memref<!tpu.dma_semaphore, #tpu.memory_space<semaphore_mem>>)
    %dma_start3A_57 = arith.constant 1 : i32
    %dma_start3A_58 = arith.constant 0 : i32
    %dma_start3A_59 = tpu.memref_slice %arg6[%dma_start3A_57, %dma_start3A_58] : memref<40x64xi32, #tpu.memory_space<vmem>> -> memref<1x64xi32, #tpu.memory_space<vmem>>
    %dma_start3A_60 = tpu.memref_squeeze %dma_start3A_59 : memref<1x64xi32, #tpu.memory_space<vmem>> -> memref<64xi32, #tpu.memory_space<vmem>>
    %dma_start3A_61 = arith.constant 0 : i32
    %dma_start3A_62 = arith.constant 0 : i32
    %dma_start3A_63 = tpu.memref_slice %arg2[%dma_start3A_61, %dma_start3A_62] : memref<10240x128xf32, #tpu.memory_space<hbm>> -> memref<10240x128xf32, #tpu.memory_space<hbm>>
    tpu.enqueue_indirect_dma source(%dma_start3A_63 : memref<10240x128xf32, #tpu.memory_space<hbm>>) target(%arg9 : memref<64x128xf32, #tpu.memory_space<vmem>>) offsets(%dma_start3A_60 : memref<64xi32, #tpu.memory_space<vmem>>) semaphore(%arg14 : memref<!tpu.dma_semaphore, #tpu.memory_space<semaphore_mem>>)
    %dma_start3A_64 = arith.constant 2 : i32
    %dma_start3A_65 = arith.constant 0 : i32
    %dma_start3A_66 = tpu.memref_slice %arg6[%dma_start3A_64, %dma_start3A_65] : memref<40x64xi32, #tpu.memory_space<vmem>> -> memref<1x64xi32, #tpu.memory_space<vmem>>
    %dma_start3A_67 = tpu.memref_squeeze %dma_start3A_66 : memref<1x64xi32, #tpu.memory_space<vmem>> -> memref<64xi32, #tpu.memory_space<vmem>>
    %dma_start3A_68 = arith.constant 0 : i32
    %dma_start3A_69 = arith.constant 0 : i32
    %dma_start3A_70 = tpu.memref_slice %arg2[%dma_start3A_68, %dma_start3A_69] : memref<10240x128xf32, #tpu.memory_space<hbm>> -> memref<10240x128xf32, #tpu.memory_space<hbm>>
    tpu.enqueue_indirect_dma source(%dma_start3A_70 : memref<10240x128xf32, #tpu.memory_space<hbm>>) target(%arg10 : memref<64x128xf32, #tpu.memory_space<vmem>>) offsets(%dma_start3A_67 : memref<64xi32, #tpu.memory_space<vmem>>) semaphore(%arg15 : memref<!tpu.dma_semaphore, #tpu.memory_space<semaphore_mem>>)
    %dma_start3A_71 = arith.constant 3 : i32
    %dma_start3A_72 = arith.constant 0 : i32
    %dma_start3A_73 = tpu.memref_slice %arg6[%dma_start3A_71, %dma_start3A_72] : memref<40x64xi32, #tpu.memory_space<vmem>> -> memref<1x64xi32, #tpu.memory_space<vmem>>
    %dma_start3A_74 = tpu.memref_squeeze %dma_start3A_73 : memref<1x64xi32, #tpu.memory_space<vmem>> -> memref<64xi32, #tpu.memory_space<vmem>>
    %dma_start3A_75 = arith.constant 0 : i32
    %dma_start3A_76 = arith.constant 0 : i32
    %dma_start3A_77 = tpu.memref_slice %arg2[%dma_start3A_75, %dma_start3A_76] : memref<10240x128xf32, #tpu.memory_space<hbm>> -> memref<10240x128xf32, #tpu.memory_space<hbm>>
    tpu.enqueue_indirect_dma source(%dma_start3A_77 : memref<10240x128xf32, #tpu.memory_space<hbm>>) target(%arg11 : memref<64x128xf32, #tpu.memory_space<vmem>>) offsets(%dma_start3A_74 : memref<64xi32, #tpu.memory_space<vmem>>) semaphore(%arg16 : memref<!tpu.dma_semaphore, #tpu.memory_space<semaphore_mem>>)
    %scan3A_78 = arith.constant 0 : i32
    %scan3A_79 = arith.constant 0 : i32
    %scan3A_80 = arith.constant 9 : i32
    %scan3A_81 = arith.addi %scan3A_79, %scan3A_80 : i32
    %scan3A_82 = arith.constant 1 : i32
    %scan3A_83 = scf.for %scan3A_336 = %scan3A_79 to %scan3A_81 step %scan3A_82 iter_args(%scan3A_337 = %scan3A_78) -> (i32)  : i32 {
      %mul3A_338 = arith.constant 4 : i32
      %mul3A_339 = arith.muli %mul3A_338, %scan3A_336 : i32
      %dma_wait3A_340 = arith.constant 0 : i32
      %dma_wait3A_341 = tpu.memref_slice %arg6[%mul3A_339, %dma_wait3A_340] : memref<40x64xi32, #tpu.memory_space<vmem>> -> memref<1x64xi32, #tpu.memory_space<vmem>>
      %dma_wait3A_342 = tpu.memref_squeeze %dma_wait3A_341 : memref<1x64xi32, #tpu.memory_space<vmem>> -> memref<64xi32, #tpu.memory_space<vmem>>
      %dma_wait3A_343 = arith.constant 0 : i32
      %dma_wait3A_344 = arith.constant 0 : i32
      %dma_wait3A_345 = tpu.memref_slice %arg2[%dma_wait3A_343, %dma_wait3A_344] : memref<10240x128xf32, #tpu.memory_space<hbm>> -> memref<10240x128xf32, #tpu.memory_space<hbm>>
      tpu.wait_indirect_dma semaphore(%arg13 : memref<!tpu.dma_semaphore, #tpu.memory_space<semaphore_mem>>) src(%dma_wait3A_345 : memref<10240x128xf32, #tpu.memory_space<hbm>>) dst(%arg8 : memref<64x128xf32, #tpu.memory_space<vmem>>)
      "tpu.region"() ({
        %run_scoped3A_403 = tpu.sem_alloc : memref<!tpu.dma_semaphore, #tpu.memory_space<semaphore_mem>>
        %dma_start3A_404 = arith.constant 0 : i32
        %dma_start3A_405 = tpu.memref_slice %arg7[%mul3A_339, %dma_start3A_404] : memref<40x64xi32, #tpu.memory_space<vmem>> -> memref<1x64xi32, #tpu.memory_space<vmem>>
        %dma_start3A_406 = tpu.memref_squeeze %dma_start3A_405 : memref<1x64xi32, #tpu.memory_space<vmem>> -> memref<64xi32, #tpu.memory_space<vmem>>
        %dma_start3A_407 = arith.constant 0 : i32
        %dma_start3A_408 = arith.constant 0 : i32
        %dma_start3A_409 = tpu.memref_slice %arg12[%dma_start3A_407, %dma_start3A_408] : memref<10240x128xf32, #tpu.memory_space<vmem_shared>> -> memref<10240x128xf32, #tpu.memory_space<vmem_shared>>
        tpu.enqueue_indirect_dma source(%arg8 : memref<64x128xf32, #tpu.memory_space<vmem>>) target(%dma_start3A_409 : memref<10240x128xf32, #tpu.memory_space<vmem_shared>>) offsets(%dma_start3A_406 : memref<64xi32, #tpu.memory_space<vmem>>) semaphore(%run_scoped3A_403 : memref<!tpu.dma_semaphore, #tpu.memory_space<semaphore_mem>>) {add = true}
        %dma_wait3A_410 = arith.constant 0 : i32
        %dma_wait3A_411 = tpu.memref_slice %arg7[%mul3A_339, %dma_wait3A_410] : memref<40x64xi32, #tpu.memory_space<vmem>> -> memref<1x64xi32, #tpu.memory_space<vmem>>
        %dma_wait3A_412 = tpu.memref_squeeze %dma_wait3A_411 : memref<1x64xi32, #tpu.memory_space<vmem>> -> memref<64xi32, #tpu.memory_space<vmem>>
        %dma_wait3A_413 = arith.constant 0 : i32
        %dma_wait3A_414 = arith.constant 0 : i32
        %dma_wait3A_415 = tpu.memref_slice %arg12[%dma_wait3A_413, %dma_wait3A_414] : memref<10240x128xf32, #tpu.memory_space<vmem_shared>> -> memref<10240x128xf32, #tpu.memory_space<vmem_shared>>
        tpu.wait_indirect_dma semaphore(%run_scoped3A_403 : memref<!tpu.dma_semaphore, #tpu.memory_space<semaphore_mem>>) src(%arg8 : memref<64x128xf32, #tpu.memory_space<vmem>>) dst(%dma_wait3A_415 : memref<10240x128xf32, #tpu.memory_space<vmem_shared>>)
        tpu.yield
      }) : () -> ()
      %add3A_346 = arith.constant 4 : i32
      %add3A_347 = arith.addi %mul3A_339, %add3A_346 : i32
      %dma_start3A_348 = arith.constant 0 : i32
      %dma_start3A_349 = tpu.memref_slice %arg6[%add3A_347, %dma_start3A_348] : memref<40x64xi32, #tpu.memory_space<vmem>> -> memref<1x64xi32, #tpu.memory_space<vmem>>
      %dma_start3A_350 = tpu.memref_squeeze %dma_start3A_349 : memref<1x64xi32, #tpu.memory_space<vmem>> -> memref<64xi32, #tpu.memory_space<vmem>>
      %dma_start3A_351 = arith.constant 0 : i32
      %dma_start3A_352 = arith.constant 0 : i32
      %dma_start3A_353 = tpu.memref_slice %arg2[%dma_start3A_351, %dma_start3A_352] : memref<10240x128xf32, #tpu.memory_space<hbm>> -> memref<10240x128xf32, #tpu.memory_space<hbm>>
      tpu.enqueue_indirect_dma source(%dma_start3A_353 : memref<10240x128xf32, #tpu.memory_space<hbm>>) target(%arg8 : memref<64x128xf32, #tpu.memory_space<vmem>>) offsets(%dma_start3A_350 : memref<64xi32, #tpu.memory_space<vmem>>) semaphore(%arg13 : memref<!tpu.dma_semaphore, #tpu.memory_space<semaphore_mem>>)
      %add3A_354 = arith.constant 1 : i32
      %add3A_355 = arith.addi %mul3A_339, %add3A_354 : i32
      %dma_wait3A_356 = arith.constant 0 : i32
      %dma_wait3A_357 = tpu.memref_slice %arg6[%add3A_355, %dma_wait3A_356] : memref<40x64xi32, #tpu.memory_space<vmem>> -> memref<1x64xi32, #tpu.memory_space<vmem>>
      %dma_wait3A_358 = tpu.memref_squeeze %dma_wait3A_357 : memref<1x64xi32, #tpu.memory_space<vmem>> -> memref<64xi32, #tpu.memory_space<vmem>>
      %dma_wait3A_359 = arith.constant 0 : i32
      %dma_wait3A_360 = arith.constant 0 : i32
      %dma_wait3A_361 = tpu.memref_slice %arg2[%dma_wait3A_359, %dma_wait3A_360] : memref<10240x128xf32, #tpu.memory_space<hbm>> -> memref<10240x128xf32, #tpu.memory_space<hbm>>
      tpu.wait_indirect_dma semaphore(%arg14 : memref<!tpu.dma_semaphore, #tpu.memory_space<semaphore_mem>>) src(%dma_wait3A_361 : memref<10240x128xf32, #tpu.memory_space<hbm>>) dst(%arg9 : memref<64x128xf32, #tpu.memory_space<vmem>>)
      "tpu.region"() ({
        %run_scoped3A_403 = tpu.sem_alloc : memref<!tpu.dma_semaphore, #tpu.memory_space<semaphore_mem>>
        %dma_start3A_404 = arith.constant 0 : i32
        %dma_start3A_405 = tpu.memref_slice %arg7[%add3A_355, %dma_start3A_404] : memref<40x64xi32, #tpu.memory_space<vmem>> -> memref<1x64xi32, #tpu.memory_space<vmem>>
        %dma_start3A_406 = tpu.memref_squeeze %dma_start3A_405 : memref<1x64xi32, #tpu.memory_space<vmem>> -> memref<64xi32, #tpu.memory_space<vmem>>
        %dma_start3A_407 = arith.constant 0 : i32
        %dma_start3A_408 = arith.constant 0 : i32
        %dma_start3A_409 = tpu.memref_slice %arg12[%dma_start3A_407, %dma_start3A_408] : memref<10240x128xf32, #tpu.memory_space<vmem_shared>> -> memref<10240x128xf32, #tpu.memory_space<vmem_shared>>
        tpu.enqueue_indirect_dma source(%arg9 : memref<64x128xf32, #tpu.memory_space<vmem>>) target(%dma_start3A_409 : memref<10240x128xf32, #tpu.memory_space<vmem_shared>>) offsets(%dma_start3A_406 : memref<64xi32, #tpu.memory_space<vmem>>) semaphore(%run_scoped3A_403 : memref<!tpu.dma_semaphore, #tpu.memory_space<semaphore_mem>>) {add = true}
        %dma_wait3A_410 = arith.constant 0 : i32
        %dma_wait3A_411 = tpu.memref_slice %arg7[%add3A_355, %dma_wait3A_410] : memref<40x64xi32, #tpu.memory_space<vmem>> -> memref<1x64xi32, #tpu.memory_space<vmem>>
        %dma_wait3A_412 = tpu.memref_squeeze %dma_wait3A_411 : memref<1x64xi32, #tpu.memory_space<vmem>> -> memref<64xi32, #tpu.memory_space<vmem>>
        %dma_wait3A_413 = arith.constant 0 : i32
        %dma_wait3A_414 = arith.constant 0 : i32
        %dma_wait3A_415 = tpu.memref_slice %arg12[%dma_wait3A_413, %dma_wait3A_414] : memref<10240x128xf32, #tpu.memory_space<vmem_shared>> -> memref<10240x128xf32, #tpu.memory_space<vmem_shared>>
        tpu.wait_indirect_dma semaphore(%run_scoped3A_403 : memref<!tpu.dma_semaphore, #tpu.memory_space<semaphore_mem>>) src(%arg9 : memref<64x128xf32, #tpu.memory_space<vmem>>) dst(%dma_wait3A_415 : memref<10240x128xf32, #tpu.memory_space<vmem_shared>>)
        tpu.yield
      }) : () -> ()
      %add3A_362 = arith.constant 5 : i32
      %add3A_363 = arith.addi %mul3A_339, %add3A_362 : i32
      %dma_start3A_364 = arith.constant 0 : i32
      %dma_start3A_365 = tpu.memref_slice %arg6[%add3A_363, %dma_start3A_364] : memref<40x64xi32, #tpu.memory_space<vmem>> -> memref<1x64xi32, #tpu.memory_space<vmem>>
      %dma_start3A_366 = tpu.memref_squeeze %dma_start3A_365 : memref<1x64xi32, #tpu.memory_space<vmem>> -> memref<64xi32, #tpu.memory_space<vmem>>
      %dma_start3A_367 = arith.constant 0 : i32
      %dma_start3A_368 = arith.constant 0 : i32
      %dma_start3A_369 = tpu.memref_slice %arg2[%dma_start3A_367, %dma_start3A_368] : memref<10240x128xf32, #tpu.memory_space<hbm>> -> memref<10240x128xf32, #tpu.memory_space<hbm>>
      tpu.enqueue_indirect_dma source(%dma_start3A_369 : memref<10240x128xf32, #tpu.memory_space<hbm>>) target(%arg9 : memref<64x128xf32, #tpu.memory_space<vmem>>) offsets(%dma_start3A_366 : memref<64xi32, #tpu.memory_space<vmem>>) semaphore(%arg14 : memref<!tpu.dma_semaphore, #tpu.memory_space<semaphore_mem>>)
      %add3A_370 = arith.constant 2 : i32
      %add3A_371 = arith.addi %mul3A_339, %add3A_370 : i32
      %dma_wait3A_372 = arith.constant 0 : i32
      %dma_wait3A_373 = tpu.memref_slice %arg6[%add3A_371, %dma_wait3A_372] : memref<40x64xi32, #tpu.memory_space<vmem>> -> memref<1x64xi32, #tpu.memory_space<vmem>>
      %dma_wait3A_374 = tpu.memref_squeeze %dma_wait3A_373 : memref<1x64xi32, #tpu.memory_space<vmem>> -> memref<64xi32, #tpu.memory_space<vmem>>
      %dma_wait3A_375 = arith.constant 0 : i32
      %dma_wait3A_376 = arith.constant 0 : i32
      %dma_wait3A_377 = tpu.memref_slice %arg2[%dma_wait3A_375, %dma_wait3A_376] : memref<10240x128xf32, #tpu.memory_space<hbm>> -> memref<10240x128xf32, #tpu.memory_space<hbm>>
      tpu.wait_indirect_dma semaphore(%arg15 : memref<!tpu.dma_semaphore, #tpu.memory_space<semaphore_mem>>) src(%dma_wait3A_377 : memref<10240x128xf32, #tpu.memory_space<hbm>>) dst(%arg10 : memref<64x128xf32, #tpu.memory_space<vmem>>)
      "tpu.region"() ({
        %run_scoped3A_403 = tpu.sem_alloc : memref<!tpu.dma_semaphore, #tpu.memory_space<semaphore_mem>>
        %dma_start3A_404 = arith.constant 0 : i32
        %dma_start3A_405 = tpu.memref_slice %arg7[%add3A_371, %dma_start3A_404] : memref<40x64xi32, #tpu.memory_space<vmem>> -> memref<1x64xi32, #tpu.memory_space<vmem>>
        %dma_start3A_406 = tpu.memref_squeeze %dma_start3A_405 : memref<1x64xi32, #tpu.memory_space<vmem>> -> memref<64xi32, #tpu.memory_space<vmem>>
        %dma_start3A_407 = arith.constant 0 : i32
        %dma_start3A_408 = arith.constant 0 : i32
        %dma_start3A_409 = tpu.memref_slice %arg12[%dma_start3A_407, %dma_start3A_408] : memref<10240x128xf32, #tpu.memory_space<vmem_shared>> -> memref<10240x128xf32, #tpu.memory_space<vmem_shared>>
        tpu.enqueue_indirect_dma source(%arg10 : memref<64x128xf32, #tpu.memory_space<vmem>>) target(%dma_start3A_409 : memref<10240x128xf32, #tpu.memory_space<vmem_shared>>) offsets(%dma_start3A_406 : memref<64xi32, #tpu.memory_space<vmem>>) semaphore(%run_scoped3A_403 : memref<!tpu.dma_semaphore, #tpu.memory_space<semaphore_mem>>) {add = true}
        %dma_wait3A_410 = arith.constant 0 : i32
        %dma_wait3A_411 = tpu.memref_slice %arg7[%add3A_371, %dma_wait3A_410] : memref<40x64xi32, #tpu.memory_space<vmem>> -> memref<1x64xi32, #tpu.memory_space<vmem>>
        %dma_wait3A_412 = tpu.memref_squeeze %dma_wait3A_411 : memref<1x64xi32, #tpu.memory_space<vmem>> -> memref<64xi32, #tpu.memory_space<vmem>>
        %dma_wait3A_413 = arith.constant 0 : i32
        %dma_wait3A_414 = arith.constant 0 : i32
        %dma_wait3A_415 = tpu.memref_slice %arg12[%dma_wait3A_413, %dma_wait3A_414] : memref<10240x128xf32, #tpu.memory_space<vmem_shared>> -> memref<10240x128xf32, #tpu.memory_space<vmem_shared>>
        tpu.wait_indirect_dma semaphore(%run_scoped3A_403 : memref<!tpu.dma_semaphore, #tpu.memory_space<semaphore_mem>>) src(%arg10 : memref<64x128xf32, #tpu.memory_space<vmem>>) dst(%dma_wait3A_415 : memref<10240x128xf32, #tpu.memory_space<vmem_shared>>)
        tpu.yield
      }) : () -> ()
      %add3A_378 = arith.constant 6 : i32
      %add3A_379 = arith.addi %mul3A_339, %add3A_378 : i32
      %dma_start3A_380 = arith.constant 0 : i32
      %dma_start3A_381 = tpu.memref_slice %arg6[%add3A_379, %dma_start3A_380] : memref<40x64xi32, #tpu.memory_space<vmem>> -> memref<1x64xi32, #tpu.memory_space<vmem>>
      %dma_start3A_382 = tpu.memref_squeeze %dma_start3A_381 : memref<1x64xi32, #tpu.memory_space<vmem>> -> memref<64xi32, #tpu.memory_space<vmem>>
      %dma_start3A_383 = arith.constant 0 : i32
      %dma_start3A_384 = arith.constant 0 : i32
      %dma_start3A_385 = tpu.memref_slice %arg2[%dma_start3A_383, %dma_start3A_384] : memref<10240x128xf32, #tpu.memory_space<hbm>> -> memref<10240x128xf32, #tpu.memory_space<hbm>>
      tpu.enqueue_indirect_dma source(%dma_start3A_385 : memref<10240x128xf32, #tpu.memory_space<hbm>>) target(%arg10 : memref<64x128xf32, #tpu.memory_space<vmem>>) offsets(%dma_start3A_382 : memref<64xi32, #tpu.memory_space<vmem>>) semaphore(%arg15 : memref<!tpu.dma_semaphore, #tpu.memory_space<semaphore_mem>>)
      %add3A_386 = arith.constant 3 : i32
      %add3A_387 = arith.addi %mul3A_339, %add3A_386 : i32
      %dma_wait3A_388 = arith.constant 0 : i32
      %dma_wait3A_389 = tpu.memref_slice %arg6[%add3A_387, %dma_wait3A_388] : memref<40x64xi32, #tpu.memory_space<vmem>> -> memref<1x64xi32, #tpu.memory_space<vmem>>
      %dma_wait3A_390 = tpu.memref_squeeze %dma_wait3A_389 : memref<1x64xi32, #tpu.memory_space<vmem>> -> memref<64xi32, #tpu.memory_space<vmem>>
      %dma_wait3A_391 = arith.constant 0 : i32
      %dma_wait3A_392 = arith.constant 0 : i32
      %dma_wait3A_393 = tpu.memref_slice %arg2[%dma_wait3A_391, %dma_wait3A_392] : memref<10240x128xf32, #tpu.memory_space<hbm>> -> memref<10240x128xf32, #tpu.memory_space<hbm>>
      tpu.wait_indirect_dma semaphore(%arg16 : memref<!tpu.dma_semaphore, #tpu.memory_space<semaphore_mem>>) src(%dma_wait3A_393 : memref<10240x128xf32, #tpu.memory_space<hbm>>) dst(%arg11 : memref<64x128xf32, #tpu.memory_space<vmem>>)
      "tpu.region"() ({
        %run_scoped3A_403 = tpu.sem_alloc : memref<!tpu.dma_semaphore, #tpu.memory_space<semaphore_mem>>
        %dma_start3A_404 = arith.constant 0 : i32
        %dma_start3A_405 = tpu.memref_slice %arg7[%add3A_387, %dma_start3A_404] : memref<40x64xi32, #tpu.memory_space<vmem>> -> memref<1x64xi32, #tpu.memory_space<vmem>>
        %dma_start3A_406 = tpu.memref_squeeze %dma_start3A_405 : memref<1x64xi32, #tpu.memory_space<vmem>> -> memref<64xi32, #tpu.memory_space<vmem>>
        %dma_start3A_407 = arith.constant 0 : i32
        %dma_start3A_408 = arith.constant 0 : i32
        %dma_start3A_409 = tpu.memref_slice %arg12[%dma_start3A_407, %dma_start3A_408] : memref<10240x128xf32, #tpu.memory_space<vmem_shared>> -> memref<10240x128xf32, #tpu.memory_space<vmem_shared>>
        tpu.enqueue_indirect_dma source(%arg11 : memref<64x128xf32, #tpu.memory_space<vmem>>) target(%dma_start3A_409 : memref<10240x128xf32, #tpu.memory_space<vmem_shared>>) offsets(%dma_start3A_406 : memref<64xi32, #tpu.memory_space<vmem>>) semaphore(%run_scoped3A_403 : memref<!tpu.dma_semaphore, #tpu.memory_space<semaphore_mem>>) {add = true}
        %dma_wait3A_410 = arith.constant 0 : i32
        %dma_wait3A_411 = tpu.memref_slice %arg7[%add3A_387, %dma_wait3A_410] : memref<40x64xi32, #tpu.memory_space<vmem>> -> memref<1x64xi32, #tpu.memory_space<vmem>>
        %dma_wait3A_412 = tpu.memref_squeeze %dma_wait3A_411 : memref<1x64xi32, #tpu.memory_space<vmem>> -> memref<64xi32, #tpu.memory_space<vmem>>
        %dma_wait3A_413 = arith.constant 0 : i32
        %dma_wait3A_414 = arith.constant 0 : i32
        %dma_wait3A_415 = tpu.memref_slice %arg12[%dma_wait3A_413, %dma_wait3A_414] : memref<10240x128xf32, #tpu.memory_space<vmem_shared>> -> memref<10240x128xf32, #tpu.memory_space<vmem_shared>>
        tpu.wait_indirect_dma semaphore(%run_scoped3A_403 : memref<!tpu.dma_semaphore, #tpu.memory_space<semaphore_mem>>) src(%arg11 : memref<64x128xf32, #tpu.memory_space<vmem>>) dst(%dma_wait3A_415 : memref<10240x128xf32, #tpu.memory_space<vmem_shared>>)
        tpu.yield
      }) : () -> ()
      %add3A_394 = arith.constant 7 : i32
      %add3A_395 = arith.addi %mul3A_339, %add3A_394 : i32
      %dma_start3A_396 = arith.constant 0 : i32
      %dma_start3A_397 = tpu.memref_slice %arg6[%add3A_395, %dma_start3A_396] : memref<40x64xi32, #tpu.memory_space<vmem>> -> memref<1x64xi32, #tpu.memory_space<vmem>>
      %dma_start3A_398 = tpu.memref_squeeze %dma_start3A_397 : memref<1x64xi32, #tpu.memory_space<vmem>> -> memref<64xi32, #tpu.memory_space<vmem>>
      %dma_start3A_399 = arith.constant 0 : i32
      %dma_start3A_400 = arith.constant 0 : i32
      %dma_start3A_401 = tpu.memref_slice %arg2[%dma_start3A_399, %dma_start3A_400] : memref<10240x128xf32, #tpu.memory_space<hbm>> -> memref<10240x128xf32, #tpu.memory_space<hbm>>
      tpu.enqueue_indirect_dma source(%dma_start3A_401 : memref<10240x128xf32, #tpu.memory_space<hbm>>) target(%arg11 : memref<64x128xf32, #tpu.memory_space<vmem>>) offsets(%dma_start3A_398 : memref<64xi32, #tpu.memory_space<vmem>>) semaphore(%arg16 : memref<!tpu.dma_semaphore, #tpu.memory_space<semaphore_mem>>)
      %scan3A_402 = arith.constant 0 : i32
      scf.yield %scan3A_402 : i32
    }
    %scan3A_84 = arith.constant 9 : i32
    %dma_wait3A = arith.constant 36 : i32
    %dma_wait3A_85 = arith.constant 0 : i32
    %dma_wait3A_86 = tpu.memref_slice %arg6[%dma_wait3A, %dma_wait3A_85] : memref<40x64xi32, #tpu.memory_space<vmem>> -> memref<1x64xi32, #tpu.memory_space<vmem>>
    %dma_wait3A_87 = tpu.memref_squeeze %dma_wait3A_86 : memref<1x64xi32, #tpu.memory_space<vmem>> -> memref<64xi32, #tpu.memory_space<vmem>>
    %dma_wait3A_88 = arith.constant 0 : i32
    %dma_wait3A_89 = arith.constant 0 : i32
    %dma_wait3A_90 = tpu.memref_slice %arg2[%dma_wait3A_88, %dma_wait3A_89] : memref<10240x128xf32, #tpu.memory_space<hbm>> -> memref<10240x128xf32, #tpu.memory_space<hbm>>
    tpu.wait_indirect_dma semaphore(%arg13 : memref<!tpu.dma_semaphore, #tpu.memory_space<semaphore_mem>>) src(%dma_wait3A_90 : memref<10240x128xf32, #tpu.memory_space<hbm>>) dst(%arg8 : memref<64x128xf32, #tpu.memory_space<vmem>>)
    %run_scoped3A = arith.constant 36 : i32
    "tpu.region"() ({
      %run_scoped3A_336 = tpu.sem_alloc : memref<!tpu.dma_semaphore, #tpu.memory_space<semaphore_mem>>
      %dma_start3A_337 = arith.constant 0 : i32
      %dma_start3A_338 = tpu.memref_slice %arg7[%run_scoped3A, %dma_start3A_337] : memref<40x64xi32, #tpu.memory_space<vmem>> -> memref<1x64xi32, #tpu.memory_space<vmem>>
      %dma_start3A_339 = tpu.memref_squeeze %dma_start3A_338 : memref<1x64xi32, #tpu.memory_space<vmem>> -> memref<64xi32, #tpu.memory_space<vmem>>
      %dma_start3A_340 = arith.constant 0 : i32
      %dma_start3A_341 = arith.constant 0 : i32
      %dma_start3A_342 = tpu.memref_slice %arg12[%dma_start3A_340, %dma_start3A_341] : memref<10240x128xf32, #tpu.memory_space<vmem_shared>> -> memref<10240x128xf32, #tpu.memory_space<vmem_shared>>
      tpu.enqueue_indirect_dma source(%arg8 : memref<64x128xf32, #tpu.memory_space<vmem>>) target(%dma_start3A_342 : memref<10240x128xf32, #tpu.memory_space<vmem_shared>>) offsets(%dma_start3A_339 : memref<64xi32, #tpu.memory_space<vmem>>) semaphore(%run_scoped3A_336 : memref<!tpu.dma_semaphore, #tpu.memory_space<semaphore_mem>>) {add = true}
      %dma_wait3A_343 = arith.constant 0 : i32
      %dma_wait3A_344 = tpu.memref_slice %arg7[%run_scoped3A, %dma_wait3A_343] : memref<40x64xi32, #tpu.memory_space<vmem>> -> memref<1x64xi32, #tpu.memory_space<vmem>>
      %dma_wait3A_345 = tpu.memref_squeeze %dma_wait3A_344 : memref<1x64xi32, #tpu.memory_space<vmem>> -> memref<64xi32, #tpu.memory_space<vmem>>
      %dma_wait3A_346 = arith.constant 0 : i32
      %dma_wait3A_347 = arith.constant 0 : i32
      %dma_wait3A_348 = tpu.memref_slice %arg12[%dma_wait3A_346, %dma_wait3A_347] : memref<10240x128xf32, #tpu.memory_space<vmem_shared>> -> memref<10240x128xf32, #tpu.memory_space<vmem_shared>>
      tpu.wait_indirect_dma semaphore(%run_scoped3A_336 : memref<!tpu.dma_semaphore, #tpu.memory_space<semaphore_mem>>) src(%arg8 : memref<64x128xf32, #tpu.memory_space<vmem>>) dst(%dma_wait3A_348 : memref<10240x128xf32, #tpu.memory_space<vmem_shared>>)
      tpu.yield
    }) : () -> ()
    %dma_wait3A_91 = arith.constant 37 : i32
    %dma_wait3A_92 = arith.constant 0 : i32
    %dma_wait3A_93 = tpu.memref_slice %arg6[%dma_wait3A_91, %dma_wait3A_92] : memref<40x64xi32, #tpu.memory_space<vmem>> -> memref<1x64xi32, #tpu.memory_space<vmem>>
    %dma_wait3A_94 = tpu.memref_squeeze %dma_wait3A_93 : memref<1x64xi32, #tpu.memory_space<vmem>> -> memref<64xi32, #tpu.memory_space<vmem>>
    %dma_wait3A_95 = arith.constant 0 : i32
    %dma_wait3A_96 = arith.constant 0 : i32
    %dma_wait3A_97 = tpu.memref_slice %arg2[%dma_wait3A_95, %dma_wait3A_96] : memref<10240x128xf32, #tpu.memory_space<hbm>> -> memref<10240x128xf32, #tpu.memory_space<hbm>>
    tpu.wait_indirect_dma semaphore(%arg14 : memref<!tpu.dma_semaphore, #tpu.memory_space<semaphore_mem>>) src(%dma_wait3A_97 : memref<10240x128xf32, #tpu.memory_space<hbm>>) dst(%arg9 : memref<64x128xf32, #tpu.memory_space<vmem>>)
    %run_scoped3A_98 = arith.constant 37 : i32
    "tpu.region"() ({
      %run_scoped3A_336 = tpu.sem_alloc : memref<!tpu.dma_semaphore, #tpu.memory_space<semaphore_mem>>
      %dma_start3A_337 = arith.constant 0 : i32
      %dma_start3A_338 = tpu.memref_slice %arg7[%run_scoped3A_98, %dma_start3A_337] : memref<40x64xi32, #tpu.memory_space<vmem>> -> memref<1x64xi32, #tpu.memory_space<vmem>>
      %dma_start3A_339 = tpu.memref_squeeze %dma_start3A_338 : memref<1x64xi32, #tpu.memory_space<vmem>> -> memref<64xi32, #tpu.memory_space<vmem>>
      %dma_start3A_340 = arith.constant 0 : i32
      %dma_start3A_341 = arith.constant 0 : i32
      %dma_start3A_342 = tpu.memref_slice %arg12[%dma_start3A_340, %dma_start3A_341] : memref<10240x128xf32, #tpu.memory_space<vmem_shared>> -> memref<10240x128xf32, #tpu.memory_space<vmem_shared>>
      tpu.enqueue_indirect_dma source(%arg9 : memref<64x128xf32, #tpu.memory_space<vmem>>) target(%dma_start3A_342 : memref<10240x128xf32, #tpu.memory_space<vmem_shared>>) offsets(%dma_start3A_339 : memref<64xi32, #tpu.memory_space<vmem>>) semaphore(%run_scoped3A_336 : memref<!tpu.dma_semaphore, #tpu.memory_space<semaphore_mem>>) {add = true}
      %dma_wait3A_343 = arith.constant 0 : i32
      %dma_wait3A_344 = tpu.memref_slice %arg7[%run_scoped3A_98, %dma_wait3A_343] : memref<40x64xi32, #tpu.memory_space<vmem>> -> memref<1x64xi32, #tpu.memory_space<vmem>>
      %dma_wait3A_345 = tpu.memref_squeeze %dma_wait3A_344 : memref<1x64xi32, #tpu.memory_space<vmem>> -> memref<64xi32, #tpu.memory_space<vmem>>
      %dma_wait3A_346 = arith.constant 0 : i32
      %dma_wait3A_347 = arith.constant 0 : i32
      %dma_wait3A_348 = tpu.memref_slice %arg12[%dma_wait3A_346, %dma_wait3A_347] : memref<10240x128xf32, #tpu.memory_space<vmem_shared>> -> memref<10240x128xf32, #tpu.memory_space<vmem_shared>>
      tpu.wait_indirect_dma semaphore(%run_scoped3A_336 : memref<!tpu.dma_semaphore, #tpu.memory_space<semaphore_mem>>) src(%arg9 : memref<64x128xf32, #tpu.memory_space<vmem>>) dst(%dma_wait3A_348 : memref<10240x128xf32, #tpu.memory_space<vmem_shared>>)
      tpu.yield
    }) : () -> ()
    %dma_wait3A_99 = arith.constant 38 : i32
    %dma_wait3A_100 = arith.constant 0 : i32
    %dma_wait3A_101 = tpu.memref_slice %arg6[%dma_wait3A_99, %dma_wait3A_100] : memref<40x64xi32, #tpu.memory_space<vmem>> -> memref<1x64xi32, #tpu.memory_space<vmem>>
    %dma_wait3A_102 = tpu.memref_squeeze %dma_wait3A_101 : memref<1x64xi32, #tpu.memory_space<vmem>> -> memref<64xi32, #tpu.memory_space<vmem>>
    %dma_wait3A_103 = arith.constant 0 : i32
    %dma_wait3A_104 = arith.constant 0 : i32
    %dma_wait3A_105 = tpu.memref_slice %arg2[%dma_wait3A_103, %dma_wait3A_104] : memref<10240x128xf32, #tpu.memory_space<hbm>> -> memref<10240x128xf32, #tpu.memory_space<hbm>>
    tpu.wait_indirect_dma semaphore(%arg15 : memref<!tpu.dma_semaphore, #tpu.memory_space<semaphore_mem>>) src(%dma_wait3A_105 : memref<10240x128xf32, #tpu.memory_space<hbm>>) dst(%arg10 : memref<64x128xf32, #tpu.memory_space<vmem>>)
    %run_scoped3A_106 = arith.constant 38 : i32
    "tpu.region"() ({
      %run_scoped3A_336 = tpu.sem_alloc : memref<!tpu.dma_semaphore, #tpu.memory_space<semaphore_mem>>
      %dma_start3A_337 = arith.constant 0 : i32
      %dma_start3A_338 = tpu.memref_slice %arg7[%run_scoped3A_106, %dma_start3A_337] : memref<40x64xi32, #tpu.memory_space<vmem>> -> memref<1x64xi32, #tpu.memory_space<vmem>>
      %dma_start3A_339 = tpu.memref_squeeze %dma_start3A_338 : memref<1x64xi32, #tpu.memory_space<vmem>> -> memref<64xi32, #tpu.memory_space<vmem>>
      %dma_start3A_340 = arith.constant 0 : i32
      %dma_start3A_341 = arith.constant 0 : i32
      %dma_start3A_342 = tpu.memref_slice %arg12[%dma_start3A_340, %dma_start3A_341] : memref<10240x128xf32, #tpu.memory_space<vmem_shared>> -> memref<10240x128xf32, #tpu.memory_space<vmem_shared>>
      tpu.enqueue_indirect_dma source(%arg10 : memref<64x128xf32, #tpu.memory_space<vmem>>) target(%dma_start3A_342 : memref<10240x128xf32, #tpu.memory_space<vmem_shared>>) offsets(%dma_start3A_339 : memref<64xi32, #tpu.memory_space<vmem>>) semaphore(%run_scoped3A_336 : memref<!tpu.dma_semaphore, #tpu.memory_space<semaphore_mem>>) {add = true}
      %dma_wait3A_343 = arith.constant 0 : i32
      %dma_wait3A_344 = tpu.memref_slice %arg7[%run_scoped3A_106, %dma_wait3A_343] : memref<40x64xi32, #tpu.memory_space<vmem>> -> memref<1x64xi32, #tpu.memory_space<vmem>>
      %dma_wait3A_345 = tpu.memref_squeeze %dma_wait3A_344 : memref<1x64xi32, #tpu.memory_space<vmem>> -> memref<64xi32, #tpu.memory_space<vmem>>
      %dma_wait3A_346 = arith.constant 0 : i32
      %dma_wait3A_347 = arith.constant 0 : i32
      %dma_wait3A_348 = tpu.memref_slice %arg12[%dma_wait3A_346, %dma_wait3A_347] : memref<10240x128xf32, #tpu.memory_space<vmem_shared>> -> memref<10240x128xf32, #tpu.memory_space<vmem_shared>>
      tpu.wait_indirect_dma semaphore(%run_scoped3A_336 : memref<!tpu.dma_semaphore, #tpu.memory_space<semaphore_mem>>) src(%arg10 : memref<64x128xf32, #tpu.memory_space<vmem>>) dst(%dma_wait3A_348 : memref<10240x128xf32, #tpu.memory_space<vmem_shared>>)
      tpu.yield
    }) : () -> ()
    %dma_wait3A_107 = arith.constant 39 : i32
    %dma_wait3A_108 = arith.constant 0 : i32
    %dma_wait3A_109 = tpu.memref_slice %arg6[%dma_wait3A_107, %dma_wait3A_108] : memref<40x64xi32, #tpu.memory_space<vmem>> -> memref<1x64xi32, #tpu.memory_space<vmem>>
    %dma_wait3A_110 = tpu.memref_squeeze %dma_wait3A_109 : memref<1x64xi32, #tpu.memory_space<vmem>> -> memref<64xi32, #tpu.memory_space<vmem>>
    %dma_wait3A_111 = arith.constant 0 : i32
    %dma_wait3A_112 = arith.constant 0 : i32
    %dma_wait3A_113 = tpu.memref_slice %arg2[%dma_wait3A_111, %dma_wait3A_112] : memref<10240x128xf32, #tpu.memory_space<hbm>> -> memref<10240x128xf32, #tpu.memory_space<hbm>>
    tpu.wait_indirect_dma semaphore(%arg16 : memref<!tpu.dma_semaphore, #tpu.memory_space<semaphore_mem>>) src(%dma_wait3A_113 : memref<10240x128xf32, #tpu.memory_space<hbm>>) dst(%arg11 : memref<64x128xf32, #tpu.memory_space<vmem>>)
    %run_scoped3A_114 = arith.constant 39 : i32
    "tpu.region"() ({
      %run_scoped3A_336 = tpu.sem_alloc : memref<!tpu.dma_semaphore, #tpu.memory_space<semaphore_mem>>
      %dma_start3A_337 = arith.constant 0 : i32
      %dma_start3A_338 = tpu.memref_slice %arg7[%run_scoped3A_114, %dma_start3A_337] : memref<40x64xi32, #tpu.memory_space<vmem>> -> memref<1x64xi32, #tpu.memory_space<vmem>>
      %dma_start3A_339 = tpu.memref_squeeze %dma_start3A_338 : memref<1x64xi32, #tpu.memory_space<vmem>> -> memref<64xi32, #tpu.memory_space<vmem>>
      %dma_start3A_340 = arith.constant 0 : i32
      %dma_start3A_341 = arith.constant 0 : i32
      %dma_start3A_342 = tpu.memref_slice %arg12[%dma_start3A_340, %dma_start3A_341] : memref<10240x128xf32, #tpu.memory_space<vmem_shared>> -> memref<10240x128xf32, #tpu.memory_space<vmem_shared>>
      tpu.enqueue_indirect_dma source(%arg11 : memref<64x128xf32, #tpu.memory_space<vmem>>) target(%dma_start3A_342 : memref<10240x128xf32, #tpu.memory_space<vmem_shared>>) offsets(%dma_start3A_339 : memref<64xi32, #tpu.memory_space<vmem>>) semaphore(%run_scoped3A_336 : memref<!tpu.dma_semaphore, #tpu.memory_space<semaphore_mem>>) {add = true}
      %dma_wait3A_343 = arith.constant 0 : i32
      %dma_wait3A_344 = tpu.memref_slice %arg7[%run_scoped3A_114, %dma_wait3A_343] : memref<40x64xi32, #tpu.memory_space<vmem>> -> memref<1x64xi32, #tpu.memory_space<vmem>>
      %dma_wait3A_345 = tpu.memref_squeeze %dma_wait3A_344 : memref<1x64xi32, #tpu.memory_space<vmem>> -> memref<64xi32, #tpu.memory_space<vmem>>
      %dma_wait3A_346 = arith.constant 0 : i32
      %dma_wait3A_347 = arith.constant 0 : i32
      %dma_wait3A_348 = tpu.memref_slice %arg12[%dma_wait3A_346, %dma_wait3A_347] : memref<10240x128xf32, #tpu.memory_space<vmem_shared>> -> memref<10240x128xf32, #tpu.memory_space<vmem_shared>>
      tpu.wait_indirect_dma semaphore(%run_scoped3A_336 : memref<!tpu.dma_semaphore, #tpu.memory_space<semaphore_mem>>) src(%arg11 : memref<64x128xf32, #tpu.memory_space<vmem>>) dst(%dma_wait3A_348 : memref<10240x128xf32, #tpu.memory_space<vmem_shared>>)
      tpu.yield
    }) : () -> ()
    %mul3A_115 = arith.constant 160 : i32
    %mul3A_116 = arith.muli %add3A, %mul3A_115 : i32
    %add3A_117 = arith.constant 40 : i32
    %add3A_118 = arith.addi %mul3A_116, %add3A_117 : i32
    "tpu.region"() ({
      %run_scoped3A_336 = tpu.sem_alloc : memref<!tpu.dma_semaphore, #tpu.memory_space<semaphore_mem>>
      %dma_start3A_337 = arith.constant 0 : i32
      %dma_start3A_338 = tpu.memref_slice %arg3[%add3A_118, %dma_start3A_337] : memref<5120x64xi32, #tpu.memory_space<hbm>> -> memref<40x64xi32, #tpu.memory_space<hbm>>
      %dma_start3A_339 = arith.constant 0 : i32
      %dma_start3A_340 = tpu.memref_slice %arg3[%add3A_118, %dma_start3A_339] : memref<5120x64xi32, #tpu.memory_space<hbm>> -> memref<40x64xi32, #tpu.memory_space<hbm>>
      tpu.enqueue_dma source(%dma_start3A_340 : memref<40x64xi32, #tpu.memory_space<hbm>>) target(%arg6 : memref<40x64xi32, #tpu.memory_space<vmem>>) target_semaphore(%run_scoped3A_336 : memref<!tpu.dma_semaphore, #tpu.memory_space<semaphore_mem>>)
      %dma_wait3A_341 = arith.constant 0 : i32
      %dma_wait3A_342 = tpu.memref_slice %arg3[%add3A_118, %dma_wait3A_341] : memref<5120x64xi32, #tpu.memory_space<hbm>> -> memref<40x64xi32, #tpu.memory_space<hbm>>
      %dma_wait3A_343 = arith.constant 0 : i32
      %dma_wait3A_344 = tpu.memref_slice %arg3[%add3A_118, %dma_wait3A_343] : memref<5120x64xi32, #tpu.memory_space<hbm>> -> memref<40x64xi32, #tpu.memory_space<hbm>>
      tpu.wait_dma2 semaphore(%run_scoped3A_336 : memref<!tpu.dma_semaphore, #tpu.memory_space<semaphore_mem>>) src(%dma_wait3A_344 : memref<40x64xi32, #tpu.memory_space<hbm>>) dst(%arg6 : memref<40x64xi32, #tpu.memory_space<vmem>>)
      tpu.yield
    }) : () -> ()
    "tpu.region"() ({
      %run_scoped3A_336 = tpu.sem_alloc : memref<!tpu.dma_semaphore, #tpu.memory_space<semaphore_mem>>
      %dma_start3A_337 = arith.constant 0 : i32
      %dma_start3A_338 = tpu.memref_slice %arg4[%add3A_118, %dma_start3A_337] : memref<5120x64xi32, #tpu.memory_space<hbm>> -> memref<40x64xi32, #tpu.memory_space<hbm>>
      %dma_start3A_339 = arith.constant 0 : i32
      %dma_start3A_340 = tpu.memref_slice %arg4[%add3A_118, %dma_start3A_339] : memref<5120x64xi32, #tpu.memory_space<hbm>> -> memref<40x64xi32, #tpu.memory_space<hbm>>
      tpu.enqueue_dma source(%dma_start3A_340 : memref<40x64xi32, #tpu.memory_space<hbm>>) target(%arg7 : memref<40x64xi32, #tpu.memory_space<vmem>>) target_semaphore(%run_scoped3A_336 : memref<!tpu.dma_semaphore, #tpu.memory_space<semaphore_mem>>)
      %dma_wait3A_341 = arith.constant 0 : i32
      %dma_wait3A_342 = tpu.memref_slice %arg4[%add3A_118, %dma_wait3A_341] : memref<5120x64xi32, #tpu.memory_space<hbm>> -> memref<40x64xi32, #tpu.memory_space<hbm>>
      %dma_wait3A_343 = arith.constant 0 : i32
      %dma_wait3A_344 = tpu.memref_slice %arg4[%add3A_118, %dma_wait3A_343] : memref<5120x64xi32, #tpu.memory_space<hbm>> -> memref<40x64xi32, #tpu.memory_space<hbm>>
      tpu.wait_dma2 semaphore(%run_scoped3A_336 : memref<!tpu.dma_semaphore, #tpu.memory_space<semaphore_mem>>) src(%dma_wait3A_344 : memref<40x64xi32, #tpu.memory_space<hbm>>) dst(%arg7 : memref<40x64xi32, #tpu.memory_space<vmem>>)
      tpu.yield
    }) : () -> ()
    %dma_start3A_119 = arith.constant 0 : i32
    %dma_start3A_120 = arith.constant 0 : i32
    %dma_start3A_121 = tpu.memref_slice %arg6[%dma_start3A_119, %dma_start3A_120] : memref<40x64xi32, #tpu.memory_space<vmem>> -> memref<1x64xi32, #tpu.memory_space<vmem>>
    %dma_start3A_122 = tpu.memref_squeeze %dma_start3A_121 : memref<1x64xi32, #tpu.memory_space<vmem>> -> memref<64xi32, #tpu.memory_space<vmem>>
    %dma_start3A_123 = arith.constant 0 : i32
    %dma_start3A_124 = arith.constant 0 : i32
    %dma_start3A_125 = tpu.memref_slice %arg2[%dma_start3A_123, %dma_start3A_124] : memref<10240x128xf32, #tpu.memory_space<hbm>> -> memref<10240x128xf32, #tpu.memory_space<hbm>>
    tpu.enqueue_indirect_dma source(%dma_start3A_125 : memref<10240x128xf32, #tpu.memory_space<hbm>>) target(%arg8 : memref<64x128xf32, #tpu.memory_space<vmem>>) offsets(%dma_start3A_122 : memref<64xi32, #tpu.memory_space<vmem>>) semaphore(%arg13 : memref<!tpu.dma_semaphore, #tpu.memory_space<semaphore_mem>>)
    %dma_start3A_126 = arith.constant 1 : i32
    %dma_start3A_127 = arith.constant 0 : i32
    %dma_start3A_128 = tpu.memref_slice %arg6[%dma_start3A_126, %dma_start3A_127] : memref<40x64xi32, #tpu.memory_space<vmem>> -> memref<1x64xi32, #tpu.memory_space<vmem>>
    %dma_start3A_129 = tpu.memref_squeeze %dma_start3A_128 : memref<1x64xi32, #tpu.memory_space<vmem>> -> memref<64xi32, #tpu.memory_space<vmem>>
    %dma_start3A_130 = arith.constant 0 : i32
    %dma_start3A_131 = arith.constant 0 : i32
    %dma_start3A_132 = tpu.memref_slice %arg2[%dma_start3A_130, %dma_start3A_131] : memref<10240x128xf32, #tpu.memory_space<hbm>> -> memref<10240x128xf32, #tpu.memory_space<hbm>>
    tpu.enqueue_indirect_dma source(%dma_start3A_132 : memref<10240x128xf32, #tpu.memory_space<hbm>>) target(%arg9 : memref<64x128xf32, #tpu.memory_space<vmem>>) offsets(%dma_start3A_129 : memref<64xi32, #tpu.memory_space<vmem>>) semaphore(%arg14 : memref<!tpu.dma_semaphore, #tpu.memory_space<semaphore_mem>>)
    %dma_start3A_133 = arith.constant 2 : i32
    %dma_start3A_134 = arith.constant 0 : i32
    %dma_start3A_135 = tpu.memref_slice %arg6[%dma_start3A_133, %dma_start3A_134] : memref<40x64xi32, #tpu.memory_space<vmem>> -> memref<1x64xi32, #tpu.memory_space<vmem>>
    %dma_start3A_136 = tpu.memref_squeeze %dma_start3A_135 : memref<1x64xi32, #tpu.memory_space<vmem>> -> memref<64xi32, #tpu.memory_space<vmem>>
    %dma_start3A_137 = arith.constant 0 : i32
    %dma_start3A_138 = arith.constant 0 : i32
    %dma_start3A_139 = tpu.memref_slice %arg2[%dma_start3A_137, %dma_start3A_138] : memref<10240x128xf32, #tpu.memory_space<hbm>> -> memref<10240x128xf32, #tpu.memory_space<hbm>>
    tpu.enqueue_indirect_dma source(%dma_start3A_139 : memref<10240x128xf32, #tpu.memory_space<hbm>>) target(%arg10 : memref<64x128xf32, #tpu.memory_space<vmem>>) offsets(%dma_start3A_136 : memref<64xi32, #tpu.memory_space<vmem>>) semaphore(%arg15 : memref<!tpu.dma_semaphore, #tpu.memory_space<semaphore_mem>>)
    %dma_start3A_140 = arith.constant 3 : i32
    %dma_start3A_141 = arith.constant 0 : i32
    %dma_start3A_142 = tpu.memref_slice %arg6[%dma_start3A_140, %dma_start3A_141] : memref<40x64xi32, #tpu.memory_space<vmem>> -> memref<1x64xi32, #tpu.memory_space<vmem>>
    %dma_start3A_143 = tpu.memref_squeeze %dma_start3A_142 : memref<1x64xi32, #tpu.memory_space<vmem>> -> memref<64xi32, #tpu.memory_space<vmem>>
    %dma_start3A_144 = arith.constant 0 : i32
    %dma_start3A_145 = arith.constant 0 : i32
    %dma_start3A_146 = tpu.memref_slice %arg2[%dma_start3A_144, %dma_start3A_145] : memref<10240x128xf32, #tpu.memory_space<hbm>> -> memref<10240x128xf32, #tpu.memory_space<hbm>>
    tpu.enqueue_indirect_dma source(%dma_start3A_146 : memref<10240x128xf32, #tpu.memory_space<hbm>>) target(%arg11 : memref<64x128xf32, #tpu.memory_space<vmem>>) offsets(%dma_start3A_143 : memref<64xi32, #tpu.memory_space<vmem>>) semaphore(%arg16 : memref<!tpu.dma_semaphore, #tpu.memory_space<semaphore_mem>>)
    %scan3A_147 = arith.constant 0 : i32
    %scan3A_148 = arith.constant 0 : i32
    %scan3A_149 = arith.constant 9 : i32
    %scan3A_150 = arith.addi %scan3A_148, %scan3A_149 : i32
    %scan3A_151 = arith.constant 1 : i32
    %scan3A_152 = scf.for %scan3A_336 = %scan3A_148 to %scan3A_150 step %scan3A_151 iter_args(%scan3A_337 = %scan3A_147) -> (i32)  : i32 {
      %mul3A_338 = arith.constant 4 : i32
      %mul3A_339 = arith.muli %mul3A_338, %scan3A_336 : i32
      %dma_wait3A_340 = arith.constant 0 : i32
      %dma_wait3A_341 = tpu.memref_slice %arg6[%mul3A_339, %dma_wait3A_340] : memref<40x64xi32, #tpu.memory_space<vmem>> -> memref<1x64xi32, #tpu.memory_space<vmem>>
      %dma_wait3A_342 = tpu.memref_squeeze %dma_wait3A_341 : memref<1x64xi32, #tpu.memory_space<vmem>> -> memref<64xi32, #tpu.memory_space<vmem>>
      %dma_wait3A_343 = arith.constant 0 : i32
      %dma_wait3A_344 = arith.constant 0 : i32
      %dma_wait3A_345 = tpu.memref_slice %arg2[%dma_wait3A_343, %dma_wait3A_344] : memref<10240x128xf32, #tpu.memory_space<hbm>> -> memref<10240x128xf32, #tpu.memory_space<hbm>>
      tpu.wait_indirect_dma semaphore(%arg13 : memref<!tpu.dma_semaphore, #tpu.memory_space<semaphore_mem>>) src(%dma_wait3A_345 : memref<10240x128xf32, #tpu.memory_space<hbm>>) dst(%arg8 : memref<64x128xf32, #tpu.memory_space<vmem>>)
      "tpu.region"() ({
        %run_scoped3A_403 = tpu.sem_alloc : memref<!tpu.dma_semaphore, #tpu.memory_space<semaphore_mem>>
        %dma_start3A_404 = arith.constant 0 : i32
        %dma_start3A_405 = tpu.memref_slice %arg7[%mul3A_339, %dma_start3A_404] : memref<40x64xi32, #tpu.memory_space<vmem>> -> memref<1x64xi32, #tpu.memory_space<vmem>>
        %dma_start3A_406 = tpu.memref_squeeze %dma_start3A_405 : memref<1x64xi32, #tpu.memory_space<vmem>> -> memref<64xi32, #tpu.memory_space<vmem>>
        %dma_start3A_407 = arith.constant 0 : i32
        %dma_start3A_408 = arith.constant 0 : i32
        %dma_start3A_409 = tpu.memref_slice %arg12[%dma_start3A_407, %dma_start3A_408] : memref<10240x128xf32, #tpu.memory_space<vmem_shared>> -> memref<10240x128xf32, #tpu.memory_space<vmem_shared>>
        tpu.enqueue_indirect_dma source(%arg8 : memref<64x128xf32, #tpu.memory_space<vmem>>) target(%dma_start3A_409 : memref<10240x128xf32, #tpu.memory_space<vmem_shared>>) offsets(%dma_start3A_406 : memref<64xi32, #tpu.memory_space<vmem>>) semaphore(%run_scoped3A_403 : memref<!tpu.dma_semaphore, #tpu.memory_space<semaphore_mem>>) {add = true}
        %dma_wait3A_410 = arith.constant 0 : i32
        %dma_wait3A_411 = tpu.memref_slice %arg7[%mul3A_339, %dma_wait3A_410] : memref<40x64xi32, #tpu.memory_space<vmem>> -> memref<1x64xi32, #tpu.memory_space<vmem>>
        %dma_wait3A_412 = tpu.memref_squeeze %dma_wait3A_411 : memref<1x64xi32, #tpu.memory_space<vmem>> -> memref<64xi32, #tpu.memory_space<vmem>>
        %dma_wait3A_413 = arith.constant 0 : i32
        %dma_wait3A_414 = arith.constant 0 : i32
        %dma_wait3A_415 = tpu.memref_slice %arg12[%dma_wait3A_413, %dma_wait3A_414] : memref<10240x128xf32, #tpu.memory_space<vmem_shared>> -> memref<10240x128xf32, #tpu.memory_space<vmem_shared>>
        tpu.wait_indirect_dma semaphore(%run_scoped3A_403 : memref<!tpu.dma_semaphore, #tpu.memory_space<semaphore_mem>>) src(%arg8 : memref<64x128xf32, #tpu.memory_space<vmem>>) dst(%dma_wait3A_415 : memref<10240x128xf32, #tpu.memory_space<vmem_shared>>)
        tpu.yield
      }) : () -> ()
      %add3A_346 = arith.constant 4 : i32
      %add3A_347 = arith.addi %mul3A_339, %add3A_346 : i32
      %dma_start3A_348 = arith.constant 0 : i32
      %dma_start3A_349 = tpu.memref_slice %arg6[%add3A_347, %dma_start3A_348] : memref<40x64xi32, #tpu.memory_space<vmem>> -> memref<1x64xi32, #tpu.memory_space<vmem>>
      %dma_start3A_350 = tpu.memref_squeeze %dma_start3A_349 : memref<1x64xi32, #tpu.memory_space<vmem>> -> memref<64xi32, #tpu.memory_space<vmem>>
      %dma_start3A_351 = arith.constant 0 : i32
      %dma_start3A_352 = arith.constant 0 : i32
      %dma_start3A_353 = tpu.memref_slice %arg2[%dma_start3A_351, %dma_start3A_352] : memref<10240x128xf32, #tpu.memory_space<hbm>> -> memref<10240x128xf32, #tpu.memory_space<hbm>>
      tpu.enqueue_indirect_dma source(%dma_start3A_353 : memref<10240x128xf32, #tpu.memory_space<hbm>>) target(%arg8 : memref<64x128xf32, #tpu.memory_space<vmem>>) offsets(%dma_start3A_350 : memref<64xi32, #tpu.memory_space<vmem>>) semaphore(%arg13 : memref<!tpu.dma_semaphore, #tpu.memory_space<semaphore_mem>>)
      %add3A_354 = arith.constant 1 : i32
      %add3A_355 = arith.addi %mul3A_339, %add3A_354 : i32
      %dma_wait3A_356 = arith.constant 0 : i32
      %dma_wait3A_357 = tpu.memref_slice %arg6[%add3A_355, %dma_wait3A_356] : memref<40x64xi32, #tpu.memory_space<vmem>> -> memref<1x64xi32, #tpu.memory_space<vmem>>
      %dma_wait3A_358 = tpu.memref_squeeze %dma_wait3A_357 : memref<1x64xi32, #tpu.memory_space<vmem>> -> memref<64xi32, #tpu.memory_space<vmem>>
      %dma_wait3A_359 = arith.constant 0 : i32
      %dma_wait3A_360 = arith.constant 0 : i32
      %dma_wait3A_361 = tpu.memref_slice %arg2[%dma_wait3A_359, %dma_wait3A_360] : memref<10240x128xf32, #tpu.memory_space<hbm>> -> memref<10240x128xf32, #tpu.memory_space<hbm>>
      tpu.wait_indirect_dma semaphore(%arg14 : memref<!tpu.dma_semaphore, #tpu.memory_space<semaphore_mem>>) src(%dma_wait3A_361 : memref<10240x128xf32, #tpu.memory_space<hbm>>) dst(%arg9 : memref<64x128xf32, #tpu.memory_space<vmem>>)
      "tpu.region"() ({
        %run_scoped3A_403 = tpu.sem_alloc : memref<!tpu.dma_semaphore, #tpu.memory_space<semaphore_mem>>
        %dma_start3A_404 = arith.constant 0 : i32
        %dma_start3A_405 = tpu.memref_slice %arg7[%add3A_355, %dma_start3A_404] : memref<40x64xi32, #tpu.memory_space<vmem>> -> memref<1x64xi32, #tpu.memory_space<vmem>>
        %dma_start3A_406 = tpu.memref_squeeze %dma_start3A_405 : memref<1x64xi32, #tpu.memory_space<vmem>> -> memref<64xi32, #tpu.memory_space<vmem>>
        %dma_start3A_407 = arith.constant 0 : i32
        %dma_start3A_408 = arith.constant 0 : i32
        %dma_start3A_409 = tpu.memref_slice %arg12[%dma_start3A_407, %dma_start3A_408] : memref<10240x128xf32, #tpu.memory_space<vmem_shared>> -> memref<10240x128xf32, #tpu.memory_space<vmem_shared>>
        tpu.enqueue_indirect_dma source(%arg9 : memref<64x128xf32, #tpu.memory_space<vmem>>) target(%dma_start3A_409 : memref<10240x128xf32, #tpu.memory_space<vmem_shared>>) offsets(%dma_start3A_406 : memref<64xi32, #tpu.memory_space<vmem>>) semaphore(%run_scoped3A_403 : memref<!tpu.dma_semaphore, #tpu.memory_space<semaphore_mem>>) {add = true}
        %dma_wait3A_410 = arith.constant 0 : i32
        %dma_wait3A_411 = tpu.memref_slice %arg7[%add3A_355, %dma_wait3A_410] : memref<40x64xi32, #tpu.memory_space<vmem>> -> memref<1x64xi32, #tpu.memory_space<vmem>>
        %dma_wait3A_412 = tpu.memref_squeeze %dma_wait3A_411 : memref<1x64xi32, #tpu.memory_space<vmem>> -> memref<64xi32, #tpu.memory_space<vmem>>
        %dma_wait3A_413 = arith.constant 0 : i32
        %dma_wait3A_414 = arith.constant 0 : i32
        %dma_wait3A_415 = tpu.memref_slice %arg12[%dma_wait3A_413, %dma_wait3A_414] : memref<10240x128xf32, #tpu.memory_space<vmem_shared>> -> memref<10240x128xf32, #tpu.memory_space<vmem_shared>>
        tpu.wait_indirect_dma semaphore(%run_scoped3A_403 : memref<!tpu.dma_semaphore, #tpu.memory_space<semaphore_mem>>) src(%arg9 : memref<64x128xf32, #tpu.memory_space<vmem>>) dst(%dma_wait3A_415 : memref<10240x128xf32, #tpu.memory_space<vmem_shared>>)
        tpu.yield
      }) : () -> ()
      %add3A_362 = arith.constant 5 : i32
      %add3A_363 = arith.addi %mul3A_339, %add3A_362 : i32
      %dma_start3A_364 = arith.constant 0 : i32
      %dma_start3A_365 = tpu.memref_slice %arg6[%add3A_363, %dma_start3A_364] : memref<40x64xi32, #tpu.memory_space<vmem>> -> memref<1x64xi32, #tpu.memory_space<vmem>>
      %dma_start3A_366 = tpu.memref_squeeze %dma_start3A_365 : memref<1x64xi32, #tpu.memory_space<vmem>> -> memref<64xi32, #tpu.memory_space<vmem>>
      %dma_start3A_367 = arith.constant 0 : i32
      %dma_start3A_368 = arith.constant 0 : i32
      %dma_start3A_369 = tpu.memref_slice %arg2[%dma_start3A_367, %dma_start3A_368] : memref<10240x128xf32, #tpu.memory_space<hbm>> -> memref<10240x128xf32, #tpu.memory_space<hbm>>
      tpu.enqueue_indirect_dma source(%dma_start3A_369 : memref<10240x128xf32, #tpu.memory_space<hbm>>) target(%arg9 : memref<64x128xf32, #tpu.memory_space<vmem>>) offsets(%dma_start3A_366 : memref<64xi32, #tpu.memory_space<vmem>>) semaphore(%arg14 : memref<!tpu.dma_semaphore, #tpu.memory_space<semaphore_mem>>)
      %add3A_370 = arith.constant 2 : i32
      %add3A_371 = arith.addi %mul3A_339, %add3A_370 : i32
      %dma_wait3A_372 = arith.constant 0 : i32
      %dma_wait3A_373 = tpu.memref_slice %arg6[%add3A_371, %dma_wait3A_372] : memref<40x64xi32, #tpu.memory_space<vmem>> -> memref<1x64xi32, #tpu.memory_space<vmem>>
      %dma_wait3A_374 = tpu.memref_squeeze %dma_wait3A_373 : memref<1x64xi32, #tpu.memory_space<vmem>> -> memref<64xi32, #tpu.memory_space<vmem>>
      %dma_wait3A_375 = arith.constant 0 : i32
      %dma_wait3A_376 = arith.constant 0 : i32
      %dma_wait3A_377 = tpu.memref_slice %arg2[%dma_wait3A_375, %dma_wait3A_376] : memref<10240x128xf32, #tpu.memory_space<hbm>> -> memref<10240x128xf32, #tpu.memory_space<hbm>>
      tpu.wait_indirect_dma semaphore(%arg15 : memref<!tpu.dma_semaphore, #tpu.memory_space<semaphore_mem>>) src(%dma_wait3A_377 : memref<10240x128xf32, #tpu.memory_space<hbm>>) dst(%arg10 : memref<64x128xf32, #tpu.memory_space<vmem>>)
      "tpu.region"() ({
        %run_scoped3A_403 = tpu.sem_alloc : memref<!tpu.dma_semaphore, #tpu.memory_space<semaphore_mem>>
        %dma_start3A_404 = arith.constant 0 : i32
        %dma_start3A_405 = tpu.memref_slice %arg7[%add3A_371, %dma_start3A_404] : memref<40x64xi32, #tpu.memory_space<vmem>> -> memref<1x64xi32, #tpu.memory_space<vmem>>
        %dma_start3A_406 = tpu.memref_squeeze %dma_start3A_405 : memref<1x64xi32, #tpu.memory_space<vmem>> -> memref<64xi32, #tpu.memory_space<vmem>>
        %dma_start3A_407 = arith.constant 0 : i32
        %dma_start3A_408 = arith.constant 0 : i32
        %dma_start3A_409 = tpu.memref_slice %arg12[%dma_start3A_407, %dma_start3A_408] : memref<10240x128xf32, #tpu.memory_space<vmem_shared>> -> memref<10240x128xf32, #tpu.memory_space<vmem_shared>>
        tpu.enqueue_indirect_dma source(%arg10 : memref<64x128xf32, #tpu.memory_space<vmem>>) target(%dma_start3A_409 : memref<10240x128xf32, #tpu.memory_space<vmem_shared>>) offsets(%dma_start3A_406 : memref<64xi32, #tpu.memory_space<vmem>>) semaphore(%run_scoped3A_403 : memref<!tpu.dma_semaphore, #tpu.memory_space<semaphore_mem>>) {add = true}
        %dma_wait3A_410 = arith.constant 0 : i32
        %dma_wait3A_411 = tpu.memref_slice %arg7[%add3A_371, %dma_wait3A_410] : memref<40x64xi32, #tpu.memory_space<vmem>> -> memref<1x64xi32, #tpu.memory_space<vmem>>
        %dma_wait3A_412 = tpu.memref_squeeze %dma_wait3A_411 : memref<1x64xi32, #tpu.memory_space<vmem>> -> memref<64xi32, #tpu.memory_space<vmem>>
        %dma_wait3A_413 = arith.constant 0 : i32
        %dma_wait3A_414 = arith.constant 0 : i32
        %dma_wait3A_415 = tpu.memref_slice %arg12[%dma_wait3A_413, %dma_wait3A_414] : memref<10240x128xf32, #tpu.memory_space<vmem_shared>> -> memref<10240x128xf32, #tpu.memory_space<vmem_shared>>
        tpu.wait_indirect_dma semaphore(%run_scoped3A_403 : memref<!tpu.dma_semaphore, #tpu.memory_space<semaphore_mem>>) src(%arg10 : memref<64x128xf32, #tpu.memory_space<vmem>>) dst(%dma_wait3A_415 : memref<10240x128xf32, #tpu.memory_space<vmem_shared>>)
        tpu.yield
      }) : () -> ()
      %add3A_378 = arith.constant 6 : i32
      %add3A_379 = arith.addi %mul3A_339, %add3A_378 : i32
      %dma_start3A_380 = arith.constant 0 : i32
      %dma_start3A_381 = tpu.memref_slice %arg6[%add3A_379, %dma_start3A_380] : memref<40x64xi32, #tpu.memory_space<vmem>> -> memref<1x64xi32, #tpu.memory_space<vmem>>
      %dma_start3A_382 = tpu.memref_squeeze %dma_start3A_381 : memref<1x64xi32, #tpu.memory_space<vmem>> -> memref<64xi32, #tpu.memory_space<vmem>>
      %dma_start3A_383 = arith.constant 0 : i32
      %dma_start3A_384 = arith.constant 0 : i32
      %dma_start3A_385 = tpu.memref_slice %arg2[%dma_start3A_383, %dma_start3A_384] : memref<10240x128xf32, #tpu.memory_space<hbm>> -> memref<10240x128xf32, #tpu.memory_space<hbm>>
      tpu.enqueue_indirect_dma source(%dma_start3A_385 : memref<10240x128xf32, #tpu.memory_space<hbm>>) target(%arg10 : memref<64x128xf32, #tpu.memory_space<vmem>>) offsets(%dma_start3A_382 : memref<64xi32, #tpu.memory_space<vmem>>) semaphore(%arg15 : memref<!tpu.dma_semaphore, #tpu.memory_space<semaphore_mem>>)
      %add3A_386 = arith.constant 3 : i32
      %add3A_387 = arith.addi %mul3A_339, %add3A_386 : i32
      %dma_wait3A_388 = arith.constant 0 : i32
      %dma_wait3A_389 = tpu.memref_slice %arg6[%add3A_387, %dma_wait3A_388] : memref<40x64xi32, #tpu.memory_space<vmem>> -> memref<1x64xi32, #tpu.memory_space<vmem>>
      %dma_wait3A_390 = tpu.memref_squeeze %dma_wait3A_389 : memref<1x64xi32, #tpu.memory_space<vmem>> -> memref<64xi32, #tpu.memory_space<vmem>>
      %dma_wait3A_391 = arith.constant 0 : i32
      %dma_wait3A_392 = arith.constant 0 : i32
      %dma_wait3A_393 = tpu.memref_slice %arg2[%dma_wait3A_391, %dma_wait3A_392] : memref<10240x128xf32, #tpu.memory_space<hbm>> -> memref<10240x128xf32, #tpu.memory_space<hbm>>
      tpu.wait_indirect_dma semaphore(%arg16 : memref<!tpu.dma_semaphore, #tpu.memory_space<semaphore_mem>>) src(%dma_wait3A_393 : memref<10240x128xf32, #tpu.memory_space<hbm>>) dst(%arg11 : memref<64x128xf32, #tpu.memory_space<vmem>>)
      "tpu.region"() ({
        %run_scoped3A_403 = tpu.sem_alloc : memref<!tpu.dma_semaphore, #tpu.memory_space<semaphore_mem>>
        %dma_start3A_404 = arith.constant 0 : i32
        %dma_start3A_405 = tpu.memref_slice %arg7[%add3A_387, %dma_start3A_404] : memref<40x64xi32, #tpu.memory_space<vmem>> -> memref<1x64xi32, #tpu.memory_space<vmem>>
        %dma_start3A_406 = tpu.memref_squeeze %dma_start3A_405 : memref<1x64xi32, #tpu.memory_space<vmem>> -> memref<64xi32, #tpu.memory_space<vmem>>
        %dma_start3A_407 = arith.constant 0 : i32
        %dma_start3A_408 = arith.constant 0 : i32
        %dma_start3A_409 = tpu.memref_slice %arg12[%dma_start3A_407, %dma_start3A_408] : memref<10240x128xf32, #tpu.memory_space<vmem_shared>> -> memref<10240x128xf32, #tpu.memory_space<vmem_shared>>
        tpu.enqueue_indirect_dma source(%arg11 : memref<64x128xf32, #tpu.memory_space<vmem>>) target(%dma_start3A_409 : memref<10240x128xf32, #tpu.memory_space<vmem_shared>>) offsets(%dma_start3A_406 : memref<64xi32, #tpu.memory_space<vmem>>) semaphore(%run_scoped3A_403 : memref<!tpu.dma_semaphore, #tpu.memory_space<semaphore_mem>>) {add = true}
        %dma_wait3A_410 = arith.constant 0 : i32
        %dma_wait3A_411 = tpu.memref_slice %arg7[%add3A_387, %dma_wait3A_410] : memref<40x64xi32, #tpu.memory_space<vmem>> -> memref<1x64xi32, #tpu.memory_space<vmem>>
        %dma_wait3A_412 = tpu.memref_squeeze %dma_wait3A_411 : memref<1x64xi32, #tpu.memory_space<vmem>> -> memref<64xi32, #tpu.memory_space<vmem>>
        %dma_wait3A_413 = arith.constant 0 : i32
        %dma_wait3A_414 = arith.constant 0 : i32
        %dma_wait3A_415 = tpu.memref_slice %arg12[%dma_wait3A_413, %dma_wait3A_414] : memref<10240x128xf32, #tpu.memory_space<vmem_shared>> -> memref<10240x128xf32, #tpu.memory_space<vmem_shared>>
        tpu.wait_indirect_dma semaphore(%run_scoped3A_403 : memref<!tpu.dma_semaphore, #tpu.memory_space<semaphore_mem>>) src(%arg11 : memref<64x128xf32, #tpu.memory_space<vmem>>) dst(%dma_wait3A_415 : memref<10240x128xf32, #tpu.memory_space<vmem_shared>>)
        tpu.yield
      }) : () -> ()
      %add3A_394 = arith.constant 7 : i32
      %add3A_395 = arith.addi %mul3A_339, %add3A_394 : i32
      %dma_start3A_396 = arith.constant 0 : i32
      %dma_start3A_397 = tpu.memref_slice %arg6[%add3A_395, %dma_start3A_396] : memref<40x64xi32, #tpu.memory_space<vmem>> -> memref<1x64xi32, #tpu.memory_space<vmem>>
      %dma_start3A_398 = tpu.memref_squeeze %dma_start3A_397 : memref<1x64xi32, #tpu.memory_space<vmem>> -> memref<64xi32, #tpu.memory_space<vmem>>
      %dma_start3A_399 = arith.constant 0 : i32
      %dma_start3A_400 = arith.constant 0 : i32
      %dma_start3A_401 = tpu.memref_slice %arg2[%dma_start3A_399, %dma_start3A_400] : memref<10240x128xf32, #tpu.memory_space<hbm>> -> memref<10240x128xf32, #tpu.memory_space<hbm>>
      tpu.enqueue_indirect_dma source(%dma_start3A_401 : memref<10240x128xf32, #tpu.memory_space<hbm>>) target(%arg11 : memref<64x128xf32, #tpu.memory_space<vmem>>) offsets(%dma_start3A_398 : memref<64xi32, #tpu.memory_space<vmem>>) semaphore(%arg16 : memref<!tpu.dma_semaphore, #tpu.memory_space<semaphore_mem>>)
      %scan3A_402 = arith.constant 0 : i32
      scf.yield %scan3A_402 : i32
    }
    %scan3A_153 = arith.constant 9 : i32
    %dma_wait3A_154 = arith.constant 36 : i32
    %dma_wait3A_155 = arith.constant 0 : i32
    %dma_wait3A_156 = tpu.memref_slice %arg6[%dma_wait3A_154, %dma_wait3A_155] : memref<40x64xi32, #tpu.memory_space<vmem>> -> memref<1x64xi32, #tpu.memory_space<vmem>>
    %dma_wait3A_157 = tpu.memref_squeeze %dma_wait3A_156 : memref<1x64xi32, #tpu.memory_space<vmem>> -> memref<64xi32, #tpu.memory_space<vmem>>
    %dma_wait3A_158 = arith.constant 0 : i32
    %dma_wait3A_159 = arith.constant 0 : i32
    %dma_wait3A_160 = tpu.memref_slice %arg2[%dma_wait3A_158, %dma_wait3A_159] : memref<10240x128xf32, #tpu.memory_space<hbm>> -> memref<10240x128xf32, #tpu.memory_space<hbm>>
    tpu.wait_indirect_dma semaphore(%arg13 : memref<!tpu.dma_semaphore, #tpu.memory_space<semaphore_mem>>) src(%dma_wait3A_160 : memref<10240x128xf32, #tpu.memory_space<hbm>>) dst(%arg8 : memref<64x128xf32, #tpu.memory_space<vmem>>)
    %run_scoped3A_161 = arith.constant 36 : i32
    "tpu.region"() ({
      %run_scoped3A_336 = tpu.sem_alloc : memref<!tpu.dma_semaphore, #tpu.memory_space<semaphore_mem>>
      %dma_start3A_337 = arith.constant 0 : i32
      %dma_start3A_338 = tpu.memref_slice %arg7[%run_scoped3A_161, %dma_start3A_337] : memref<40x64xi32, #tpu.memory_space<vmem>> -> memref<1x64xi32, #tpu.memory_space<vmem>>
      %dma_start3A_339 = tpu.memref_squeeze %dma_start3A_338 : memref<1x64xi32, #tpu.memory_space<vmem>> -> memref<64xi32, #tpu.memory_space<vmem>>
      %dma_start3A_340 = arith.constant 0 : i32
      %dma_start3A_341 = arith.constant 0 : i32
      %dma_start3A_342 = tpu.memref_slice %arg12[%dma_start3A_340, %dma_start3A_341] : memref<10240x128xf32, #tpu.memory_space<vmem_shared>> -> memref<10240x128xf32, #tpu.memory_space<vmem_shared>>
      tpu.enqueue_indirect_dma source(%arg8 : memref<64x128xf32, #tpu.memory_space<vmem>>) target(%dma_start3A_342 : memref<10240x128xf32, #tpu.memory_space<vmem_shared>>) offsets(%dma_start3A_339 : memref<64xi32, #tpu.memory_space<vmem>>) semaphore(%run_scoped3A_336 : memref<!tpu.dma_semaphore, #tpu.memory_space<semaphore_mem>>) {add = true}
      %dma_wait3A_343 = arith.constant 0 : i32
      %dma_wait3A_344 = tpu.memref_slice %arg7[%run_scoped3A_161, %dma_wait3A_343] : memref<40x64xi32, #tpu.memory_space<vmem>> -> memref<1x64xi32, #tpu.memory_space<vmem>>
      %dma_wait3A_345 = tpu.memref_squeeze %dma_wait3A_344 : memref<1x64xi32, #tpu.memory_space<vmem>> -> memref<64xi32, #tpu.memory_space<vmem>>
      %dma_wait3A_346 = arith.constant 0 : i32
      %dma_wait3A_347 = arith.constant 0 : i32
      %dma_wait3A_348 = tpu.memref_slice %arg12[%dma_wait3A_346, %dma_wait3A_347] : memref<10240x128xf32, #tpu.memory_space<vmem_shared>> -> memref<10240x128xf32, #tpu.memory_space<vmem_shared>>
      tpu.wait_indirect_dma semaphore(%run_scoped3A_336 : memref<!tpu.dma_semaphore, #tpu.memory_space<semaphore_mem>>) src(%arg8 : memref<64x128xf32, #tpu.memory_space<vmem>>) dst(%dma_wait3A_348 : memref<10240x128xf32, #tpu.memory_space<vmem_shared>>)
      tpu.yield
    }) : () -> ()
    %dma_wait3A_162 = arith.constant 37 : i32
    %dma_wait3A_163 = arith.constant 0 : i32
    %dma_wait3A_164 = tpu.memref_slice %arg6[%dma_wait3A_162, %dma_wait3A_163] : memref<40x64xi32, #tpu.memory_space<vmem>> -> memref<1x64xi32, #tpu.memory_space<vmem>>
    %dma_wait3A_165 = tpu.memref_squeeze %dma_wait3A_164 : memref<1x64xi32, #tpu.memory_space<vmem>> -> memref<64xi32, #tpu.memory_space<vmem>>
    %dma_wait3A_166 = arith.constant 0 : i32
    %dma_wait3A_167 = arith.constant 0 : i32
    %dma_wait3A_168 = tpu.memref_slice %arg2[%dma_wait3A_166, %dma_wait3A_167] : memref<10240x128xf32, #tpu.memory_space<hbm>> -> memref<10240x128xf32, #tpu.memory_space<hbm>>
    tpu.wait_indirect_dma semaphore(%arg14 : memref<!tpu.dma_semaphore, #tpu.memory_space<semaphore_mem>>) src(%dma_wait3A_168 : memref<10240x128xf32, #tpu.memory_space<hbm>>) dst(%arg9 : memref<64x128xf32, #tpu.memory_space<vmem>>)
    %run_scoped3A_169 = arith.constant 37 : i32
    "tpu.region"() ({
      %run_scoped3A_336 = tpu.sem_alloc : memref<!tpu.dma_semaphore, #tpu.memory_space<semaphore_mem>>
      %dma_start3A_337 = arith.constant 0 : i32
      %dma_start3A_338 = tpu.memref_slice %arg7[%run_scoped3A_169, %dma_start3A_337] : memref<40x64xi32, #tpu.memory_space<vmem>> -> memref<1x64xi32, #tpu.memory_space<vmem>>
      %dma_start3A_339 = tpu.memref_squeeze %dma_start3A_338 : memref<1x64xi32, #tpu.memory_space<vmem>> -> memref<64xi32, #tpu.memory_space<vmem>>
      %dma_start3A_340 = arith.constant 0 : i32
      %dma_start3A_341 = arith.constant 0 : i32
      %dma_start3A_342 = tpu.memref_slice %arg12[%dma_start3A_340, %dma_start3A_341] : memref<10240x128xf32, #tpu.memory_space<vmem_shared>> -> memref<10240x128xf32, #tpu.memory_space<vmem_shared>>
      tpu.enqueue_indirect_dma source(%arg9 : memref<64x128xf32, #tpu.memory_space<vmem>>) target(%dma_start3A_342 : memref<10240x128xf32, #tpu.memory_space<vmem_shared>>) offsets(%dma_start3A_339 : memref<64xi32, #tpu.memory_space<vmem>>) semaphore(%run_scoped3A_336 : memref<!tpu.dma_semaphore, #tpu.memory_space<semaphore_mem>>) {add = true}
      %dma_wait3A_343 = arith.constant 0 : i32
      %dma_wait3A_344 = tpu.memref_slice %arg7[%run_scoped3A_169, %dma_wait3A_343] : memref<40x64xi32, #tpu.memory_space<vmem>> -> memref<1x64xi32, #tpu.memory_space<vmem>>
      %dma_wait3A_345 = tpu.memref_squeeze %dma_wait3A_344 : memref<1x64xi32, #tpu.memory_space<vmem>> -> memref<64xi32, #tpu.memory_space<vmem>>
      %dma_wait3A_346 = arith.constant 0 : i32
      %dma_wait3A_347 = arith.constant 0 : i32
      %dma_wait3A_348 = tpu.memref_slice %arg12[%dma_wait3A_346, %dma_wait3A_347] : memref<10240x128xf32, #tpu.memory_space<vmem_shared>> -> memref<10240x128xf32, #tpu.memory_space<vmem_shared>>
      tpu.wait_indirect_dma semaphore(%run_scoped3A_336 : memref<!tpu.dma_semaphore, #tpu.memory_space<semaphore_mem>>) src(%arg9 : memref<64x128xf32, #tpu.memory_space<vmem>>) dst(%dma_wait3A_348 : memref<10240x128xf32, #tpu.memory_space<vmem_shared>>)
      tpu.yield
    }) : () -> ()
    %dma_wait3A_170 = arith.constant 38 : i32
    %dma_wait3A_171 = arith.constant 0 : i32
    %dma_wait3A_172 = tpu.memref_slice %arg6[%dma_wait3A_170, %dma_wait3A_171] : memref<40x64xi32, #tpu.memory_space<vmem>> -> memref<1x64xi32, #tpu.memory_space<vmem>>
    %dma_wait3A_173 = tpu.memref_squeeze %dma_wait3A_172 : memref<1x64xi32, #tpu.memory_space<vmem>> -> memref<64xi32, #tpu.memory_space<vmem>>
    %dma_wait3A_174 = arith.constant 0 : i32
    %dma_wait3A_175 = arith.constant 0 : i32
    %dma_wait3A_176 = tpu.memref_slice %arg2[%dma_wait3A_174, %dma_wait3A_175] : memref<10240x128xf32, #tpu.memory_space<hbm>> -> memref<10240x128xf32, #tpu.memory_space<hbm>>
    tpu.wait_indirect_dma semaphore(%arg15 : memref<!tpu.dma_semaphore, #tpu.memory_space<semaphore_mem>>) src(%dma_wait3A_176 : memref<10240x128xf32, #tpu.memory_space<hbm>>) dst(%arg10 : memref<64x128xf32, #tpu.memory_space<vmem>>)
    %run_scoped3A_177 = arith.constant 38 : i32
    "tpu.region"() ({
      %run_scoped3A_336 = tpu.sem_alloc : memref<!tpu.dma_semaphore, #tpu.memory_space<semaphore_mem>>
      %dma_start3A_337 = arith.constant 0 : i32
      %dma_start3A_338 = tpu.memref_slice %arg7[%run_scoped3A_177, %dma_start3A_337] : memref<40x64xi32, #tpu.memory_space<vmem>> -> memref<1x64xi32, #tpu.memory_space<vmem>>
      %dma_start3A_339 = tpu.memref_squeeze %dma_start3A_338 : memref<1x64xi32, #tpu.memory_space<vmem>> -> memref<64xi32, #tpu.memory_space<vmem>>
      %dma_start3A_340 = arith.constant 0 : i32
      %dma_start3A_341 = arith.constant 0 : i32
      %dma_start3A_342 = tpu.memref_slice %arg12[%dma_start3A_340, %dma_start3A_341] : memref<10240x128xf32, #tpu.memory_space<vmem_shared>> -> memref<10240x128xf32, #tpu.memory_space<vmem_shared>>
      tpu.enqueue_indirect_dma source(%arg10 : memref<64x128xf32, #tpu.memory_space<vmem>>) target(%dma_start3A_342 : memref<10240x128xf32, #tpu.memory_space<vmem_shared>>) offsets(%dma_start3A_339 : memref<64xi32, #tpu.memory_space<vmem>>) semaphore(%run_scoped3A_336 : memref<!tpu.dma_semaphore, #tpu.memory_space<semaphore_mem>>) {add = true}
      %dma_wait3A_343 = arith.constant 0 : i32
      %dma_wait3A_344 = tpu.memref_slice %arg7[%run_scoped3A_177, %dma_wait3A_343] : memref<40x64xi32, #tpu.memory_space<vmem>> -> memref<1x64xi32, #tpu.memory_space<vmem>>
      %dma_wait3A_345 = tpu.memref_squeeze %dma_wait3A_344 : memref<1x64xi32, #tpu.memory_space<vmem>> -> memref<64xi32, #tpu.memory_space<vmem>>
      %dma_wait3A_346 = arith.constant 0 : i32
      %dma_wait3A_347 = arith.constant 0 : i32
      %dma_wait3A_348 = tpu.memref_slice %arg12[%dma_wait3A_346, %dma_wait3A_347] : memref<10240x128xf32, #tpu.memory_space<vmem_shared>> -> memref<10240x128xf32, #tpu.memory_space<vmem_shared>>
      tpu.wait_indirect_dma semaphore(%run_scoped3A_336 : memref<!tpu.dma_semaphore, #tpu.memory_space<semaphore_mem>>) src(%arg10 : memref<64x128xf32, #tpu.memory_space<vmem>>) dst(%dma_wait3A_348 : memref<10240x128xf32, #tpu.memory_space<vmem_shared>>)
      tpu.yield
    }) : () -> ()
    %dma_wait3A_178 = arith.constant 39 : i32
    %dma_wait3A_179 = arith.constant 0 : i32
    %dma_wait3A_180 = tpu.memref_slice %arg6[%dma_wait3A_178, %dma_wait3A_179] : memref<40x64xi32, #tpu.memory_space<vmem>> -> memref<1x64xi32, #tpu.memory_space<vmem>>
    %dma_wait3A_181 = tpu.memref_squeeze %dma_wait3A_180 : memref<1x64xi32, #tpu.memory_space<vmem>> -> memref<64xi32, #tpu.memory_space<vmem>>
    %dma_wait3A_182 = arith.constant 0 : i32
    %dma_wait3A_183 = arith.constant 0 : i32
    %dma_wait3A_184 = tpu.memref_slice %arg2[%dma_wait3A_182, %dma_wait3A_183] : memref<10240x128xf32, #tpu.memory_space<hbm>> -> memref<10240x128xf32, #tpu.memory_space<hbm>>
    tpu.wait_indirect_dma semaphore(%arg16 : memref<!tpu.dma_semaphore, #tpu.memory_space<semaphore_mem>>) src(%dma_wait3A_184 : memref<10240x128xf32, #tpu.memory_space<hbm>>) dst(%arg11 : memref<64x128xf32, #tpu.memory_space<vmem>>)
    %run_scoped3A_185 = arith.constant 39 : i32
    "tpu.region"() ({
      %run_scoped3A_336 = tpu.sem_alloc : memref<!tpu.dma_semaphore, #tpu.memory_space<semaphore_mem>>
      %dma_start3A_337 = arith.constant 0 : i32
      %dma_start3A_338 = tpu.memref_slice %arg7[%run_scoped3A_185, %dma_start3A_337] : memref<40x64xi32, #tpu.memory_space<vmem>> -> memref<1x64xi32, #tpu.memory_space<vmem>>
      %dma_start3A_339 = tpu.memref_squeeze %dma_start3A_338 : memref<1x64xi32, #tpu.memory_space<vmem>> -> memref<64xi32, #tpu.memory_space<vmem>>
      %dma_start3A_340 = arith.constant 0 : i32
      %dma_start3A_341 = arith.constant 0 : i32
      %dma_start3A_342 = tpu.memref_slice %arg12[%dma_start3A_340, %dma_start3A_341] : memref<10240x128xf32, #tpu.memory_space<vmem_shared>> -> memref<10240x128xf32, #tpu.memory_space<vmem_shared>>
      tpu.enqueue_indirect_dma source(%arg11 : memref<64x128xf32, #tpu.memory_space<vmem>>) target(%dma_start3A_342 : memref<10240x128xf32, #tpu.memory_space<vmem_shared>>) offsets(%dma_start3A_339 : memref<64xi32, #tpu.memory_space<vmem>>) semaphore(%run_scoped3A_336 : memref<!tpu.dma_semaphore, #tpu.memory_space<semaphore_mem>>) {add = true}
      %dma_wait3A_343 = arith.constant 0 : i32
      %dma_wait3A_344 = tpu.memref_slice %arg7[%run_scoped3A_185, %dma_wait3A_343] : memref<40x64xi32, #tpu.memory_space<vmem>> -> memref<1x64xi32, #tpu.memory_space<vmem>>
      %dma_wait3A_345 = tpu.memref_squeeze %dma_wait3A_344 : memref<1x64xi32, #tpu.memory_space<vmem>> -> memref<64xi32, #tpu.memory_space<vmem>>
      %dma_wait3A_346 = arith.constant 0 : i32
      %dma_wait3A_347 = arith.constant 0 : i32
      %dma_wait3A_348 = tpu.memref_slice %arg12[%dma_wait3A_346, %dma_wait3A_347] : memref<10240x128xf32, #tpu.memory_space<vmem_shared>> -> memref<10240x128xf32, #tpu.memory_space<vmem_shared>>
      tpu.wait_indirect_dma semaphore(%run_scoped3A_336 : memref<!tpu.dma_semaphore, #tpu.memory_space<semaphore_mem>>) src(%arg11 : memref<64x128xf32, #tpu.memory_space<vmem>>) dst(%dma_wait3A_348 : memref<10240x128xf32, #tpu.memory_space<vmem_shared>>)
      tpu.yield
    }) : () -> ()
    %mul3A_186 = arith.constant 160 : i32
    %mul3A_187 = arith.muli %add3A, %mul3A_186 : i32
    %add3A_188 = arith.constant 80 : i32
    %add3A_189 = arith.addi %mul3A_187, %add3A_188 : i32
    "tpu.region"() ({
      %run_scoped3A_336 = tpu.sem_alloc : memref<!tpu.dma_semaphore, #tpu.memory_space<semaphore_mem>>
      %dma_start3A_337 = arith.constant 0 : i32
      %dma_start3A_338 = tpu.memref_slice %arg3[%add3A_189, %dma_start3A_337] : memref<5120x64xi32, #tpu.memory_space<hbm>> -> memref<40x64xi32, #tpu.memory_space<hbm>>
      %dma_start3A_339 = arith.constant 0 : i32
      %dma_start3A_340 = tpu.memref_slice %arg3[%add3A_189, %dma_start3A_339] : memref<5120x64xi32, #tpu.memory_space<hbm>> -> memref<40x64xi32, #tpu.memory_space<hbm>>
      tpu.enqueue_dma source(%dma_start3A_340 : memref<40x64xi32, #tpu.memory_space<hbm>>) target(%arg6 : memref<40x64xi32, #tpu.memory_space<vmem>>) target_semaphore(%run_scoped3A_336 : memref<!tpu.dma_semaphore, #tpu.memory_space<semaphore_mem>>)
      %dma_wait3A_341 = arith.constant 0 : i32
      %dma_wait3A_342 = tpu.memref_slice %arg3[%add3A_189, %dma_wait3A_341] : memref<5120x64xi32, #tpu.memory_space<hbm>> -> memref<40x64xi32, #tpu.memory_space<hbm>>
      %dma_wait3A_343 = arith.constant 0 : i32
      %dma_wait3A_344 = tpu.memref_slice %arg3[%add3A_189, %dma_wait3A_343] : memref<5120x64xi32, #tpu.memory_space<hbm>> -> memref<40x64xi32, #tpu.memory_space<hbm>>
      tpu.wait_dma2 semaphore(%run_scoped3A_336 : memref<!tpu.dma_semaphore, #tpu.memory_space<semaphore_mem>>) src(%dma_wait3A_344 : memref<40x64xi32, #tpu.memory_space<hbm>>) dst(%arg6 : memref<40x64xi32, #tpu.memory_space<vmem>>)
      tpu.yield
    }) : () -> ()
    "tpu.region"() ({
      %run_scoped3A_336 = tpu.sem_alloc : memref<!tpu.dma_semaphore, #tpu.memory_space<semaphore_mem>>
      %dma_start3A_337 = arith.constant 0 : i32
      %dma_start3A_338 = tpu.memref_slice %arg4[%add3A_189, %dma_start3A_337] : memref<5120x64xi32, #tpu.memory_space<hbm>> -> memref<40x64xi32, #tpu.memory_space<hbm>>
      %dma_start3A_339 = arith.constant 0 : i32
      %dma_start3A_340 = tpu.memref_slice %arg4[%add3A_189, %dma_start3A_339] : memref<5120x64xi32, #tpu.memory_space<hbm>> -> memref<40x64xi32, #tpu.memory_space<hbm>>
      tpu.enqueue_dma source(%dma_start3A_340 : memref<40x64xi32, #tpu.memory_space<hbm>>) target(%arg7 : memref<40x64xi32, #tpu.memory_space<vmem>>) target_semaphore(%run_scoped3A_336 : memref<!tpu.dma_semaphore, #tpu.memory_space<semaphore_mem>>)
      %dma_wait3A_341 = arith.constant 0 : i32
      %dma_wait3A_342 = tpu.memref_slice %arg4[%add3A_189, %dma_wait3A_341] : memref<5120x64xi32, #tpu.memory_space<hbm>> -> memref<40x64xi32, #tpu.memory_space<hbm>>
      %dma_wait3A_343 = arith.constant 0 : i32
      %dma_wait3A_344 = tpu.memref_slice %arg4[%add3A_189, %dma_wait3A_343] : memref<5120x64xi32, #tpu.memory_space<hbm>> -> memref<40x64xi32, #tpu.memory_space<hbm>>
      tpu.wait_dma2 semaphore(%run_scoped3A_336 : memref<!tpu.dma_semaphore, #tpu.memory_space<semaphore_mem>>) src(%dma_wait3A_344 : memref<40x64xi32, #tpu.memory_space<hbm>>) dst(%arg7 : memref<40x64xi32, #tpu.memory_space<vmem>>)
      tpu.yield
    }) : () -> ()
    %dma_start3A_190 = arith.constant 0 : i32
    %dma_start3A_191 = arith.constant 0 : i32
    %dma_start3A_192 = tpu.memref_slice %arg6[%dma_start3A_190, %dma_start3A_191] : memref<40x64xi32, #tpu.memory_space<vmem>> -> memref<1x64xi32, #tpu.memory_space<vmem>>
    %dma_start3A_193 = tpu.memref_squeeze %dma_start3A_192 : memref<1x64xi32, #tpu.memory_space<vmem>> -> memref<64xi32, #tpu.memory_space<vmem>>
    %dma_start3A_194 = arith.constant 0 : i32
    %dma_start3A_195 = arith.constant 0 : i32
    %dma_start3A_196 = tpu.memref_slice %arg2[%dma_start3A_194, %dma_start3A_195] : memref<10240x128xf32, #tpu.memory_space<hbm>> -> memref<10240x128xf32, #tpu.memory_space<hbm>>
    tpu.enqueue_indirect_dma source(%dma_start3A_196 : memref<10240x128xf32, #tpu.memory_space<hbm>>) target(%arg8 : memref<64x128xf32, #tpu.memory_space<vmem>>) offsets(%dma_start3A_193 : memref<64xi32, #tpu.memory_space<vmem>>) semaphore(%arg13 : memref<!tpu.dma_semaphore, #tpu.memory_space<semaphore_mem>>)
    %dma_start3A_197 = arith.constant 1 : i32
    %dma_start3A_198 = arith.constant 0 : i32
    %dma_start3A_199 = tpu.memref_slice %arg6[%dma_start3A_197, %dma_start3A_198] : memref<40x64xi32, #tpu.memory_space<vmem>> -> memref<1x64xi32, #tpu.memory_space<vmem>>
    %dma_start3A_200 = tpu.memref_squeeze %dma_start3A_199 : memref<1x64xi32, #tpu.memory_space<vmem>> -> memref<64xi32, #tpu.memory_space<vmem>>
    %dma_start3A_201 = arith.constant 0 : i32
    %dma_start3A_202 = arith.constant 0 : i32
    %dma_start3A_203 = tpu.memref_slice %arg2[%dma_start3A_201, %dma_start3A_202] : memref<10240x128xf32, #tpu.memory_space<hbm>> -> memref<10240x128xf32, #tpu.memory_space<hbm>>
    tpu.enqueue_indirect_dma source(%dma_start3A_203 : memref<10240x128xf32, #tpu.memory_space<hbm>>) target(%arg9 : memref<64x128xf32, #tpu.memory_space<vmem>>) offsets(%dma_start3A_200 : memref<64xi32, #tpu.memory_space<vmem>>) semaphore(%arg14 : memref<!tpu.dma_semaphore, #tpu.memory_space<semaphore_mem>>)
    %dma_start3A_204 = arith.constant 2 : i32
    %dma_start3A_205 = arith.constant 0 : i32
    %dma_start3A_206 = tpu.memref_slice %arg6[%dma_start3A_204, %dma_start3A_205] : memref<40x64xi32, #tpu.memory_space<vmem>> -> memref<1x64xi32, #tpu.memory_space<vmem>>
    %dma_start3A_207 = tpu.memref_squeeze %dma_start3A_206 : memref<1x64xi32, #tpu.memory_space<vmem>> -> memref<64xi32, #tpu.memory_space<vmem>>
    %dma_start3A_208 = arith.constant 0 : i32
    %dma_start3A_209 = arith.constant 0 : i32
    %dma_start3A_210 = tpu.memref_slice %arg2[%dma_start3A_208, %dma_start3A_209] : memref<10240x128xf32, #tpu.memory_space<hbm>> -> memref<10240x128xf32, #tpu.memory_space<hbm>>
    tpu.enqueue_indirect_dma source(%dma_start3A_210 : memref<10240x128xf32, #tpu.memory_space<hbm>>) target(%arg10 : memref<64x128xf32, #tpu.memory_space<vmem>>) offsets(%dma_start3A_207 : memref<64xi32, #tpu.memory_space<vmem>>) semaphore(%arg15 : memref<!tpu.dma_semaphore, #tpu.memory_space<semaphore_mem>>)
    %dma_start3A_211 = arith.constant 3 : i32
    %dma_start3A_212 = arith.constant 0 : i32
    %dma_start3A_213 = tpu.memref_slice %arg6[%dma_start3A_211, %dma_start3A_212] : memref<40x64xi32, #tpu.memory_space<vmem>> -> memref<1x64xi32, #tpu.memory_space<vmem>>
    %dma_start3A_214 = tpu.memref_squeeze %dma_start3A_213 : memref<1x64xi32, #tpu.memory_space<vmem>> -> memref<64xi32, #tpu.memory_space<vmem>>
    %dma_start3A_215 = arith.constant 0 : i32
    %dma_start3A_216 = arith.constant 0 : i32
    %dma_start3A_217 = tpu.memref_slice %arg2[%dma_start3A_215, %dma_start3A_216] : memref<10240x128xf32, #tpu.memory_space<hbm>> -> memref<10240x128xf32, #tpu.memory_space<hbm>>
    tpu.enqueue_indirect_dma source(%dma_start3A_217 : memref<10240x128xf32, #tpu.memory_space<hbm>>) target(%arg11 : memref<64x128xf32, #tpu.memory_space<vmem>>) offsets(%dma_start3A_214 : memref<64xi32, #tpu.memory_space<vmem>>) semaphore(%arg16 : memref<!tpu.dma_semaphore, #tpu.memory_space<semaphore_mem>>)
    %scan3A_218 = arith.constant 0 : i32
    %scan3A_219 = arith.constant 0 : i32
    %scan3A_220 = arith.constant 9 : i32
    %scan3A_221 = arith.addi %scan3A_219, %scan3A_220 : i32
    %scan3A_222 = arith.constant 1 : i32
    %scan3A_223 = scf.for %scan3A_336 = %scan3A_219 to %scan3A_221 step %scan3A_222 iter_args(%scan3A_337 = %scan3A_218) -> (i32)  : i32 {
      %mul3A_338 = arith.constant 4 : i32
      %mul3A_339 = arith.muli %mul3A_338, %scan3A_336 : i32
      %dma_wait3A_340 = arith.constant 0 : i32
      %dma_wait3A_341 = tpu.memref_slice %arg6[%mul3A_339, %dma_wait3A_340] : memref<40x64xi32, #tpu.memory_space<vmem>> -> memref<1x64xi32, #tpu.memory_space<vmem>>
      %dma_wait3A_342 = tpu.memref_squeeze %dma_wait3A_341 : memref<1x64xi32, #tpu.memory_space<vmem>> -> memref<64xi32, #tpu.memory_space<vmem>>
      %dma_wait3A_343 = arith.constant 0 : i32
      %dma_wait3A_344 = arith.constant 0 : i32
      %dma_wait3A_345 = tpu.memref_slice %arg2[%dma_wait3A_343, %dma_wait3A_344] : memref<10240x128xf32, #tpu.memory_space<hbm>> -> memref<10240x128xf32, #tpu.memory_space<hbm>>
      tpu.wait_indirect_dma semaphore(%arg13 : memref<!tpu.dma_semaphore, #tpu.memory_space<semaphore_mem>>) src(%dma_wait3A_345 : memref<10240x128xf32, #tpu.memory_space<hbm>>) dst(%arg8 : memref<64x128xf32, #tpu.memory_space<vmem>>)
      "tpu.region"() ({
        %run_scoped3A_403 = tpu.sem_alloc : memref<!tpu.dma_semaphore, #tpu.memory_space<semaphore_mem>>
        %dma_start3A_404 = arith.constant 0 : i32
        %dma_start3A_405 = tpu.memref_slice %arg7[%mul3A_339, %dma_start3A_404] : memref<40x64xi32, #tpu.memory_space<vmem>> -> memref<1x64xi32, #tpu.memory_space<vmem>>
        %dma_start3A_406 = tpu.memref_squeeze %dma_start3A_405 : memref<1x64xi32, #tpu.memory_space<vmem>> -> memref<64xi32, #tpu.memory_space<vmem>>
        %dma_start3A_407 = arith.constant 0 : i32
        %dma_start3A_408 = arith.constant 0 : i32
        %dma_start3A_409 = tpu.memref_slice %arg12[%dma_start3A_407, %dma_start3A_408] : memref<10240x128xf32, #tpu.memory_space<vmem_shared>> -> memref<10240x128xf32, #tpu.memory_space<vmem_shared>>
        tpu.enqueue_indirect_dma source(%arg8 : memref<64x128xf32, #tpu.memory_space<vmem>>) target(%dma_start3A_409 : memref<10240x128xf32, #tpu.memory_space<vmem_shared>>) offsets(%dma_start3A_406 : memref<64xi32, #tpu.memory_space<vmem>>) semaphore(%run_scoped3A_403 : memref<!tpu.dma_semaphore, #tpu.memory_space<semaphore_mem>>) {add = true}
        %dma_wait3A_410 = arith.constant 0 : i32
        %dma_wait3A_411 = tpu.memref_slice %arg7[%mul3A_339, %dma_wait3A_410] : memref<40x64xi32, #tpu.memory_space<vmem>> -> memref<1x64xi32, #tpu.memory_space<vmem>>
        %dma_wait3A_412 = tpu.memref_squeeze %dma_wait3A_411 : memref<1x64xi32, #tpu.memory_space<vmem>> -> memref<64xi32, #tpu.memory_space<vmem>>
        %dma_wait3A_413 = arith.constant 0 : i32
        %dma_wait3A_414 = arith.constant 0 : i32
        %dma_wait3A_415 = tpu.memref_slice %arg12[%dma_wait3A_413, %dma_wait3A_414] : memref<10240x128xf32, #tpu.memory_space<vmem_shared>> -> memref<10240x128xf32, #tpu.memory_space<vmem_shared>>
        tpu.wait_indirect_dma semaphore(%run_scoped3A_403 : memref<!tpu.dma_semaphore, #tpu.memory_space<semaphore_mem>>) src(%arg8 : memref<64x128xf32, #tpu.memory_space<vmem>>) dst(%dma_wait3A_415 : memref<10240x128xf32, #tpu.memory_space<vmem_shared>>)
        tpu.yield
      }) : () -> ()
      %add3A_346 = arith.constant 4 : i32
      %add3A_347 = arith.addi %mul3A_339, %add3A_346 : i32
      %dma_start3A_348 = arith.constant 0 : i32
      %dma_start3A_349 = tpu.memref_slice %arg6[%add3A_347, %dma_start3A_348] : memref<40x64xi32, #tpu.memory_space<vmem>> -> memref<1x64xi32, #tpu.memory_space<vmem>>
      %dma_start3A_350 = tpu.memref_squeeze %dma_start3A_349 : memref<1x64xi32, #tpu.memory_space<vmem>> -> memref<64xi32, #tpu.memory_space<vmem>>
      %dma_start3A_351 = arith.constant 0 : i32
      %dma_start3A_352 = arith.constant 0 : i32
      %dma_start3A_353 = tpu.memref_slice %arg2[%dma_start3A_351, %dma_start3A_352] : memref<10240x128xf32, #tpu.memory_space<hbm>> -> memref<10240x128xf32, #tpu.memory_space<hbm>>
      tpu.enqueue_indirect_dma source(%dma_start3A_353 : memref<10240x128xf32, #tpu.memory_space<hbm>>) target(%arg8 : memref<64x128xf32, #tpu.memory_space<vmem>>) offsets(%dma_start3A_350 : memref<64xi32, #tpu.memory_space<vmem>>) semaphore(%arg13 : memref<!tpu.dma_semaphore, #tpu.memory_space<semaphore_mem>>)
      %add3A_354 = arith.constant 1 : i32
      %add3A_355 = arith.addi %mul3A_339, %add3A_354 : i32
      %dma_wait3A_356 = arith.constant 0 : i32
      %dma_wait3A_357 = tpu.memref_slice %arg6[%add3A_355, %dma_wait3A_356] : memref<40x64xi32, #tpu.memory_space<vmem>> -> memref<1x64xi32, #tpu.memory_space<vmem>>
      %dma_wait3A_358 = tpu.memref_squeeze %dma_wait3A_357 : memref<1x64xi32, #tpu.memory_space<vmem>> -> memref<64xi32, #tpu.memory_space<vmem>>
      %dma_wait3A_359 = arith.constant 0 : i32
      %dma_wait3A_360 = arith.constant 0 : i32
      %dma_wait3A_361 = tpu.memref_slice %arg2[%dma_wait3A_359, %dma_wait3A_360] : memref<10240x128xf32, #tpu.memory_space<hbm>> -> memref<10240x128xf32, #tpu.memory_space<hbm>>
      tpu.wait_indirect_dma semaphore(%arg14 : memref<!tpu.dma_semaphore, #tpu.memory_space<semaphore_mem>>) src(%dma_wait3A_361 : memref<10240x128xf32, #tpu.memory_space<hbm>>) dst(%arg9 : memref<64x128xf32, #tpu.memory_space<vmem>>)
      "tpu.region"() ({
        %run_scoped3A_403 = tpu.sem_alloc : memref<!tpu.dma_semaphore, #tpu.memory_space<semaphore_mem>>
        %dma_start3A_404 = arith.constant 0 : i32
        %dma_start3A_405 = tpu.memref_slice %arg7[%add3A_355, %dma_start3A_404] : memref<40x64xi32, #tpu.memory_space<vmem>> -> memref<1x64xi32, #tpu.memory_space<vmem>>
        %dma_start3A_406 = tpu.memref_squeeze %dma_start3A_405 : memref<1x64xi32, #tpu.memory_space<vmem>> -> memref<64xi32, #tpu.memory_space<vmem>>
        %dma_start3A_407 = arith.constant 0 : i32
        %dma_start3A_408 = arith.constant 0 : i32
        %dma_start3A_409 = tpu.memref_slice %arg12[%dma_start3A_407, %dma_start3A_408] : memref<10240x128xf32, #tpu.memory_space<vmem_shared>> -> memref<10240x128xf32, #tpu.memory_space<vmem_shared>>
        tpu.enqueue_indirect_dma source(%arg9 : memref<64x128xf32, #tpu.memory_space<vmem>>) target(%dma_start3A_409 : memref<10240x128xf32, #tpu.memory_space<vmem_shared>>) offsets(%dma_start3A_406 : memref<64xi32, #tpu.memory_space<vmem>>) semaphore(%run_scoped3A_403 : memref<!tpu.dma_semaphore, #tpu.memory_space<semaphore_mem>>) {add = true}
        %dma_wait3A_410 = arith.constant 0 : i32
        %dma_wait3A_411 = tpu.memref_slice %arg7[%add3A_355, %dma_wait3A_410] : memref<40x64xi32, #tpu.memory_space<vmem>> -> memref<1x64xi32, #tpu.memory_space<vmem>>
        %dma_wait3A_412 = tpu.memref_squeeze %dma_wait3A_411 : memref<1x64xi32, #tpu.memory_space<vmem>> -> memref<64xi32, #tpu.memory_space<vmem>>
        %dma_wait3A_413 = arith.constant 0 : i32
        %dma_wait3A_414 = arith.constant 0 : i32
        %dma_wait3A_415 = tpu.memref_slice %arg12[%dma_wait3A_413, %dma_wait3A_414] : memref<10240x128xf32, #tpu.memory_space<vmem_shared>> -> memref<10240x128xf32, #tpu.memory_space<vmem_shared>>
        tpu.wait_indirect_dma semaphore(%run_scoped3A_403 : memref<!tpu.dma_semaphore, #tpu.memory_space<semaphore_mem>>) src(%arg9 : memref<64x128xf32, #tpu.memory_space<vmem>>) dst(%dma_wait3A_415 : memref<10240x128xf32, #tpu.memory_space<vmem_shared>>)
        tpu.yield
      }) : () -> ()
      %add3A_362 = arith.constant 5 : i32
      %add3A_363 = arith.addi %mul3A_339, %add3A_362 : i32
      %dma_start3A_364 = arith.constant 0 : i32
      %dma_start3A_365 = tpu.memref_slice %arg6[%add3A_363, %dma_start3A_364] : memref<40x64xi32, #tpu.memory_space<vmem>> -> memref<1x64xi32, #tpu.memory_space<vmem>>
      %dma_start3A_366 = tpu.memref_squeeze %dma_start3A_365 : memref<1x64xi32, #tpu.memory_space<vmem>> -> memref<64xi32, #tpu.memory_space<vmem>>
      %dma_start3A_367 = arith.constant 0 : i32
      %dma_start3A_368 = arith.constant 0 : i32
      %dma_start3A_369 = tpu.memref_slice %arg2[%dma_start3A_367, %dma_start3A_368] : memref<10240x128xf32, #tpu.memory_space<hbm>> -> memref<10240x128xf32, #tpu.memory_space<hbm>>
      tpu.enqueue_indirect_dma source(%dma_start3A_369 : memref<10240x128xf32, #tpu.memory_space<hbm>>) target(%arg9 : memref<64x128xf32, #tpu.memory_space<vmem>>) offsets(%dma_start3A_366 : memref<64xi32, #tpu.memory_space<vmem>>) semaphore(%arg14 : memref<!tpu.dma_semaphore, #tpu.memory_space<semaphore_mem>>)
      %add3A_370 = arith.constant 2 : i32
      %add3A_371 = arith.addi %mul3A_339, %add3A_370 : i32
      %dma_wait3A_372 = arith.constant 0 : i32
      %dma_wait3A_373 = tpu.memref_slice %arg6[%add3A_371, %dma_wait3A_372] : memref<40x64xi32, #tpu.memory_space<vmem>> -> memref<1x64xi32, #tpu.memory_space<vmem>>
      %dma_wait3A_374 = tpu.memref_squeeze %dma_wait3A_373 : memref<1x64xi32, #tpu.memory_space<vmem>> -> memref<64xi32, #tpu.memory_space<vmem>>
      %dma_wait3A_375 = arith.constant 0 : i32
      %dma_wait3A_376 = arith.constant 0 : i32
      %dma_wait3A_377 = tpu.memref_slice %arg2[%dma_wait3A_375, %dma_wait3A_376] : memref<10240x128xf32, #tpu.memory_space<hbm>> -> memref<10240x128xf32, #tpu.memory_space<hbm>>
      tpu.wait_indirect_dma semaphore(%arg15 : memref<!tpu.dma_semaphore, #tpu.memory_space<semaphore_mem>>) src(%dma_wait3A_377 : memref<10240x128xf32, #tpu.memory_space<hbm>>) dst(%arg10 : memref<64x128xf32, #tpu.memory_space<vmem>>)
      "tpu.region"() ({
        %run_scoped3A_403 = tpu.sem_alloc : memref<!tpu.dma_semaphore, #tpu.memory_space<semaphore_mem>>
        %dma_start3A_404 = arith.constant 0 : i32
        %dma_start3A_405 = tpu.memref_slice %arg7[%add3A_371, %dma_start3A_404] : memref<40x64xi32, #tpu.memory_space<vmem>> -> memref<1x64xi32, #tpu.memory_space<vmem>>
        %dma_start3A_406 = tpu.memref_squeeze %dma_start3A_405 : memref<1x64xi32, #tpu.memory_space<vmem>> -> memref<64xi32, #tpu.memory_space<vmem>>
        %dma_start3A_407 = arith.constant 0 : i32
        %dma_start3A_408 = arith.constant 0 : i32
        %dma_start3A_409 = tpu.memref_slice %arg12[%dma_start3A_407, %dma_start3A_408] : memref<10240x128xf32, #tpu.memory_space<vmem_shared>> -> memref<10240x128xf32, #tpu.memory_space<vmem_shared>>
        tpu.enqueue_indirect_dma source(%arg10 : memref<64x128xf32, #tpu.memory_space<vmem>>) target(%dma_start3A_409 : memref<10240x128xf32, #tpu.memory_space<vmem_shared>>) offsets(%dma_start3A_406 : memref<64xi32, #tpu.memory_space<vmem>>) semaphore(%run_scoped3A_403 : memref<!tpu.dma_semaphore, #tpu.memory_space<semaphore_mem>>) {add = true}
        %dma_wait3A_410 = arith.constant 0 : i32
        %dma_wait3A_411 = tpu.memref_slice %arg7[%add3A_371, %dma_wait3A_410] : memref<40x64xi32, #tpu.memory_space<vmem>> -> memref<1x64xi32, #tpu.memory_space<vmem>>
        %dma_wait3A_412 = tpu.memref_squeeze %dma_wait3A_411 : memref<1x64xi32, #tpu.memory_space<vmem>> -> memref<64xi32, #tpu.memory_space<vmem>>
        %dma_wait3A_413 = arith.constant 0 : i32
        %dma_wait3A_414 = arith.constant 0 : i32
        %dma_wait3A_415 = tpu.memref_slice %arg12[%dma_wait3A_413, %dma_wait3A_414] : memref<10240x128xf32, #tpu.memory_space<vmem_shared>> -> memref<10240x128xf32, #tpu.memory_space<vmem_shared>>
        tpu.wait_indirect_dma semaphore(%run_scoped3A_403 : memref<!tpu.dma_semaphore, #tpu.memory_space<semaphore_mem>>) src(%arg10 : memref<64x128xf32, #tpu.memory_space<vmem>>) dst(%dma_wait3A_415 : memref<10240x128xf32, #tpu.memory_space<vmem_shared>>)
        tpu.yield
      }) : () -> ()
      %add3A_378 = arith.constant 6 : i32
      %add3A_379 = arith.addi %mul3A_339, %add3A_378 : i32
      %dma_start3A_380 = arith.constant 0 : i32
      %dma_start3A_381 = tpu.memref_slice %arg6[%add3A_379, %dma_start3A_380] : memref<40x64xi32, #tpu.memory_space<vmem>> -> memref<1x64xi32, #tpu.memory_space<vmem>>
      %dma_start3A_382 = tpu.memref_squeeze %dma_start3A_381 : memref<1x64xi32, #tpu.memory_space<vmem>> -> memref<64xi32, #tpu.memory_space<vmem>>
      %dma_start3A_383 = arith.constant 0 : i32
      %dma_start3A_384 = arith.constant 0 : i32
      %dma_start3A_385 = tpu.memref_slice %arg2[%dma_start3A_383, %dma_start3A_384] : memref<10240x128xf32, #tpu.memory_space<hbm>> -> memref<10240x128xf32, #tpu.memory_space<hbm>>
      tpu.enqueue_indirect_dma source(%dma_start3A_385 : memref<10240x128xf32, #tpu.memory_space<hbm>>) target(%arg10 : memref<64x128xf32, #tpu.memory_space<vmem>>) offsets(%dma_start3A_382 : memref<64xi32, #tpu.memory_space<vmem>>) semaphore(%arg15 : memref<!tpu.dma_semaphore, #tpu.memory_space<semaphore_mem>>)
      %add3A_386 = arith.constant 3 : i32
      %add3A_387 = arith.addi %mul3A_339, %add3A_386 : i32
      %dma_wait3A_388 = arith.constant 0 : i32
      %dma_wait3A_389 = tpu.memref_slice %arg6[%add3A_387, %dma_wait3A_388] : memref<40x64xi32, #tpu.memory_space<vmem>> -> memref<1x64xi32, #tpu.memory_space<vmem>>
      %dma_wait3A_390 = tpu.memref_squeeze %dma_wait3A_389 : memref<1x64xi32, #tpu.memory_space<vmem>> -> memref<64xi32, #tpu.memory_space<vmem>>
      %dma_wait3A_391 = arith.constant 0 : i32
      %dma_wait3A_392 = arith.constant 0 : i32
      %dma_wait3A_393 = tpu.memref_slice %arg2[%dma_wait3A_391, %dma_wait3A_392] : memref<10240x128xf32, #tpu.memory_space<hbm>> -> memref<10240x128xf32, #tpu.memory_space<hbm>>
      tpu.wait_indirect_dma semaphore(%arg16 : memref<!tpu.dma_semaphore, #tpu.memory_space<semaphore_mem>>) src(%dma_wait3A_393 : memref<10240x128xf32, #tpu.memory_space<hbm>>) dst(%arg11 : memref<64x128xf32, #tpu.memory_space<vmem>>)
      "tpu.region"() ({
        %run_scoped3A_403 = tpu.sem_alloc : memref<!tpu.dma_semaphore, #tpu.memory_space<semaphore_mem>>
        %dma_start3A_404 = arith.constant 0 : i32
        %dma_start3A_405 = tpu.memref_slice %arg7[%add3A_387, %dma_start3A_404] : memref<40x64xi32, #tpu.memory_space<vmem>> -> memref<1x64xi32, #tpu.memory_space<vmem>>
        %dma_start3A_406 = tpu.memref_squeeze %dma_start3A_405 : memref<1x64xi32, #tpu.memory_space<vmem>> -> memref<64xi32, #tpu.memory_space<vmem>>
        %dma_start3A_407 = arith.constant 0 : i32
        %dma_start3A_408 = arith.constant 0 : i32
        %dma_start3A_409 = tpu.memref_slice %arg12[%dma_start3A_407, %dma_start3A_408] : memref<10240x128xf32, #tpu.memory_space<vmem_shared>> -> memref<10240x128xf32, #tpu.memory_space<vmem_shared>>
        tpu.enqueue_indirect_dma source(%arg11 : memref<64x128xf32, #tpu.memory_space<vmem>>) target(%dma_start3A_409 : memref<10240x128xf32, #tpu.memory_space<vmem_shared>>) offsets(%dma_start3A_406 : memref<64xi32, #tpu.memory_space<vmem>>) semaphore(%run_scoped3A_403 : memref<!tpu.dma_semaphore, #tpu.memory_space<semaphore_mem>>) {add = true}
        %dma_wait3A_410 = arith.constant 0 : i32
        %dma_wait3A_411 = tpu.memref_slice %arg7[%add3A_387, %dma_wait3A_410] : memref<40x64xi32, #tpu.memory_space<vmem>> -> memref<1x64xi32, #tpu.memory_space<vmem>>
        %dma_wait3A_412 = tpu.memref_squeeze %dma_wait3A_411 : memref<1x64xi32, #tpu.memory_space<vmem>> -> memref<64xi32, #tpu.memory_space<vmem>>
        %dma_wait3A_413 = arith.constant 0 : i32
        %dma_wait3A_414 = arith.constant 0 : i32
        %dma_wait3A_415 = tpu.memref_slice %arg12[%dma_wait3A_413, %dma_wait3A_414] : memref<10240x128xf32, #tpu.memory_space<vmem_shared>> -> memref<10240x128xf32, #tpu.memory_space<vmem_shared>>
        tpu.wait_indirect_dma semaphore(%run_scoped3A_403 : memref<!tpu.dma_semaphore, #tpu.memory_space<semaphore_mem>>) src(%arg11 : memref<64x128xf32, #tpu.memory_space<vmem>>) dst(%dma_wait3A_415 : memref<10240x128xf32, #tpu.memory_space<vmem_shared>>)
        tpu.yield
      }) : () -> ()
      %add3A_394 = arith.constant 7 : i32
      %add3A_395 = arith.addi %mul3A_339, %add3A_394 : i32
      %dma_start3A_396 = arith.constant 0 : i32
      %dma_start3A_397 = tpu.memref_slice %arg6[%add3A_395, %dma_start3A_396] : memref<40x64xi32, #tpu.memory_space<vmem>> -> memref<1x64xi32, #tpu.memory_space<vmem>>
      %dma_start3A_398 = tpu.memref_squeeze %dma_start3A_397 : memref<1x64xi32, #tpu.memory_space<vmem>> -> memref<64xi32, #tpu.memory_space<vmem>>
      %dma_start3A_399 = arith.constant 0 : i32
      %dma_start3A_400 = arith.constant 0 : i32
      %dma_start3A_401 = tpu.memref_slice %arg2[%dma_start3A_399, %dma_start3A_400] : memref<10240x128xf32, #tpu.memory_space<hbm>> -> memref<10240x128xf32, #tpu.memory_space<hbm>>
      tpu.enqueue_indirect_dma source(%dma_start3A_401 : memref<10240x128xf32, #tpu.memory_space<hbm>>) target(%arg11 : memref<64x128xf32, #tpu.memory_space<vmem>>) offsets(%dma_start3A_398 : memref<64xi32, #tpu.memory_space<vmem>>) semaphore(%arg16 : memref<!tpu.dma_semaphore, #tpu.memory_space<semaphore_mem>>)
      %scan3A_402 = arith.constant 0 : i32
      scf.yield %scan3A_402 : i32
    }
    %scan3A_224 = arith.constant 9 : i32
    %dma_wait3A_225 = arith.constant 36 : i32
    %dma_wait3A_226 = arith.constant 0 : i32
    %dma_wait3A_227 = tpu.memref_slice %arg6[%dma_wait3A_225, %dma_wait3A_226] : memref<40x64xi32, #tpu.memory_space<vmem>> -> memref<1x64xi32, #tpu.memory_space<vmem>>
    %dma_wait3A_228 = tpu.memref_squeeze %dma_wait3A_227 : memref<1x64xi32, #tpu.memory_space<vmem>> -> memref<64xi32, #tpu.memory_space<vmem>>
    %dma_wait3A_229 = arith.constant 0 : i32
    %dma_wait3A_230 = arith.constant 0 : i32
    %dma_wait3A_231 = tpu.memref_slice %arg2[%dma_wait3A_229, %dma_wait3A_230] : memref<10240x128xf32, #tpu.memory_space<hbm>> -> memref<10240x128xf32, #tpu.memory_space<hbm>>
    tpu.wait_indirect_dma semaphore(%arg13 : memref<!tpu.dma_semaphore, #tpu.memory_space<semaphore_mem>>) src(%dma_wait3A_231 : memref<10240x128xf32, #tpu.memory_space<hbm>>) dst(%arg8 : memref<64x128xf32, #tpu.memory_space<vmem>>)
    %run_scoped3A_232 = arith.constant 36 : i32
    "tpu.region"() ({
      %run_scoped3A_336 = tpu.sem_alloc : memref<!tpu.dma_semaphore, #tpu.memory_space<semaphore_mem>>
      %dma_start3A_337 = arith.constant 0 : i32
      %dma_start3A_338 = tpu.memref_slice %arg7[%run_scoped3A_232, %dma_start3A_337] : memref<40x64xi32, #tpu.memory_space<vmem>> -> memref<1x64xi32, #tpu.memory_space<vmem>>
      %dma_start3A_339 = tpu.memref_squeeze %dma_start3A_338 : memref<1x64xi32, #tpu.memory_space<vmem>> -> memref<64xi32, #tpu.memory_space<vmem>>
      %dma_start3A_340 = arith.constant 0 : i32
      %dma_start3A_341 = arith.constant 0 : i32
      %dma_start3A_342 = tpu.memref_slice %arg12[%dma_start3A_340, %dma_start3A_341] : memref<10240x128xf32, #tpu.memory_space<vmem_shared>> -> memref<10240x128xf32, #tpu.memory_space<vmem_shared>>
      tpu.enqueue_indirect_dma source(%arg8 : memref<64x128xf32, #tpu.memory_space<vmem>>) target(%dma_start3A_342 : memref<10240x128xf32, #tpu.memory_space<vmem_shared>>) offsets(%dma_start3A_339 : memref<64xi32, #tpu.memory_space<vmem>>) semaphore(%run_scoped3A_336 : memref<!tpu.dma_semaphore, #tpu.memory_space<semaphore_mem>>) {add = true}
      %dma_wait3A_343 = arith.constant 0 : i32
      %dma_wait3A_344 = tpu.memref_slice %arg7[%run_scoped3A_232, %dma_wait3A_343] : memref<40x64xi32, #tpu.memory_space<vmem>> -> memref<1x64xi32, #tpu.memory_space<vmem>>
      %dma_wait3A_345 = tpu.memref_squeeze %dma_wait3A_344 : memref<1x64xi32, #tpu.memory_space<vmem>> -> memref<64xi32, #tpu.memory_space<vmem>>
      %dma_wait3A_346 = arith.constant 0 : i32
      %dma_wait3A_347 = arith.constant 0 : i32
      %dma_wait3A_348 = tpu.memref_slice %arg12[%dma_wait3A_346, %dma_wait3A_347] : memref<10240x128xf32, #tpu.memory_space<vmem_shared>> -> memref<10240x128xf32, #tpu.memory_space<vmem_shared>>
      tpu.wait_indirect_dma semaphore(%run_scoped3A_336 : memref<!tpu.dma_semaphore, #tpu.memory_space<semaphore_mem>>) src(%arg8 : memref<64x128xf32, #tpu.memory_space<vmem>>) dst(%dma_wait3A_348 : memref<10240x128xf32, #tpu.memory_space<vmem_shared>>)
      tpu.yield
    }) : () -> ()
    %dma_wait3A_233 = arith.constant 37 : i32
    %dma_wait3A_234 = arith.constant 0 : i32
    %dma_wait3A_235 = tpu.memref_slice %arg6[%dma_wait3A_233, %dma_wait3A_234] : memref<40x64xi32, #tpu.memory_space<vmem>> -> memref<1x64xi32, #tpu.memory_space<vmem>>
    %dma_wait3A_236 = tpu.memref_squeeze %dma_wait3A_235 : memref<1x64xi32, #tpu.memory_space<vmem>> -> memref<64xi32, #tpu.memory_space<vmem>>
    %dma_wait3A_237 = arith.constant 0 : i32
    %dma_wait3A_238 = arith.constant 0 : i32
    %dma_wait3A_239 = tpu.memref_slice %arg2[%dma_wait3A_237, %dma_wait3A_238] : memref<10240x128xf32, #tpu.memory_space<hbm>> -> memref<10240x128xf32, #tpu.memory_space<hbm>>
    tpu.wait_indirect_dma semaphore(%arg14 : memref<!tpu.dma_semaphore, #tpu.memory_space<semaphore_mem>>) src(%dma_wait3A_239 : memref<10240x128xf32, #tpu.memory_space<hbm>>) dst(%arg9 : memref<64x128xf32, #tpu.memory_space<vmem>>)
    %run_scoped3A_240 = arith.constant 37 : i32
    "tpu.region"() ({
      %run_scoped3A_336 = tpu.sem_alloc : memref<!tpu.dma_semaphore, #tpu.memory_space<semaphore_mem>>
      %dma_start3A_337 = arith.constant 0 : i32
      %dma_start3A_338 = tpu.memref_slice %arg7[%run_scoped3A_240, %dma_start3A_337] : memref<40x64xi32, #tpu.memory_space<vmem>> -> memref<1x64xi32, #tpu.memory_space<vmem>>
      %dma_start3A_339 = tpu.memref_squeeze %dma_start3A_338 : memref<1x64xi32, #tpu.memory_space<vmem>> -> memref<64xi32, #tpu.memory_space<vmem>>
      %dma_start3A_340 = arith.constant 0 : i32
      %dma_start3A_341 = arith.constant 0 : i32
      %dma_start3A_342 = tpu.memref_slice %arg12[%dma_start3A_340, %dma_start3A_341] : memref<10240x128xf32, #tpu.memory_space<vmem_shared>> -> memref<10240x128xf32, #tpu.memory_space<vmem_shared>>
      tpu.enqueue_indirect_dma source(%arg9 : memref<64x128xf32, #tpu.memory_space<vmem>>) target(%dma_start3A_342 : memref<10240x128xf32, #tpu.memory_space<vmem_shared>>) offsets(%dma_start3A_339 : memref<64xi32, #tpu.memory_space<vmem>>) semaphore(%run_scoped3A_336 : memref<!tpu.dma_semaphore, #tpu.memory_space<semaphore_mem>>) {add = true}
      %dma_wait3A_343 = arith.constant 0 : i32
      %dma_wait3A_344 = tpu.memref_slice %arg7[%run_scoped3A_240, %dma_wait3A_343] : memref<40x64xi32, #tpu.memory_space<vmem>> -> memref<1x64xi32, #tpu.memory_space<vmem>>
      %dma_wait3A_345 = tpu.memref_squeeze %dma_wait3A_344 : memref<1x64xi32, #tpu.memory_space<vmem>> -> memref<64xi32, #tpu.memory_space<vmem>>
      %dma_wait3A_346 = arith.constant 0 : i32
      %dma_wait3A_347 = arith.constant 0 : i32
      %dma_wait3A_348 = tpu.memref_slice %arg12[%dma_wait3A_346, %dma_wait3A_347] : memref<10240x128xf32, #tpu.memory_space<vmem_shared>> -> memref<10240x128xf32, #tpu.memory_space<vmem_shared>>
      tpu.wait_indirect_dma semaphore(%run_scoped3A_336 : memref<!tpu.dma_semaphore, #tpu.memory_space<semaphore_mem>>) src(%arg9 : memref<64x128xf32, #tpu.memory_space<vmem>>) dst(%dma_wait3A_348 : memref<10240x128xf32, #tpu.memory_space<vmem_shared>>)
      tpu.yield
    }) : () -> ()
    %dma_wait3A_241 = arith.constant 38 : i32
    %dma_wait3A_242 = arith.constant 0 : i32
    %dma_wait3A_243 = tpu.memref_slice %arg6[%dma_wait3A_241, %dma_wait3A_242] : memref<40x64xi32, #tpu.memory_space<vmem>> -> memref<1x64xi32, #tpu.memory_space<vmem>>
    %dma_wait3A_244 = tpu.memref_squeeze %dma_wait3A_243 : memref<1x64xi32, #tpu.memory_space<vmem>> -> memref<64xi32, #tpu.memory_space<vmem>>
    %dma_wait3A_245 = arith.constant 0 : i32
    %dma_wait3A_246 = arith.constant 0 : i32
    %dma_wait3A_247 = tpu.memref_slice %arg2[%dma_wait3A_245, %dma_wait3A_246] : memref<10240x128xf32, #tpu.memory_space<hbm>> -> memref<10240x128xf32, #tpu.memory_space<hbm>>
    tpu.wait_indirect_dma semaphore(%arg15 : memref<!tpu.dma_semaphore, #tpu.memory_space<semaphore_mem>>) src(%dma_wait3A_247 : memref<10240x128xf32, #tpu.memory_space<hbm>>) dst(%arg10 : memref<64x128xf32, #tpu.memory_space<vmem>>)
    %run_scoped3A_248 = arith.constant 38 : i32
    "tpu.region"() ({
      %run_scoped3A_336 = tpu.sem_alloc : memref<!tpu.dma_semaphore, #tpu.memory_space<semaphore_mem>>
      %dma_start3A_337 = arith.constant 0 : i32
      %dma_start3A_338 = tpu.memref_slice %arg7[%run_scoped3A_248, %dma_start3A_337] : memref<40x64xi32, #tpu.memory_space<vmem>> -> memref<1x64xi32, #tpu.memory_space<vmem>>
      %dma_start3A_339 = tpu.memref_squeeze %dma_start3A_338 : memref<1x64xi32, #tpu.memory_space<vmem>> -> memref<64xi32, #tpu.memory_space<vmem>>
      %dma_start3A_340 = arith.constant 0 : i32
      %dma_start3A_341 = arith.constant 0 : i32
      %dma_start3A_342 = tpu.memref_slice %arg12[%dma_start3A_340, %dma_start3A_341] : memref<10240x128xf32, #tpu.memory_space<vmem_shared>> -> memref<10240x128xf32, #tpu.memory_space<vmem_shared>>
      tpu.enqueue_indirect_dma source(%arg10 : memref<64x128xf32, #tpu.memory_space<vmem>>) target(%dma_start3A_342 : memref<10240x128xf32, #tpu.memory_space<vmem_shared>>) offsets(%dma_start3A_339 : memref<64xi32, #tpu.memory_space<vmem>>) semaphore(%run_scoped3A_336 : memref<!tpu.dma_semaphore, #tpu.memory_space<semaphore_mem>>) {add = true}
      %dma_wait3A_343 = arith.constant 0 : i32
      %dma_wait3A_344 = tpu.memref_slice %arg7[%run_scoped3A_248, %dma_wait3A_343] : memref<40x64xi32, #tpu.memory_space<vmem>> -> memref<1x64xi32, #tpu.memory_space<vmem>>
      %dma_wait3A_345 = tpu.memref_squeeze %dma_wait3A_344 : memref<1x64xi32, #tpu.memory_space<vmem>> -> memref<64xi32, #tpu.memory_space<vmem>>
      %dma_wait3A_346 = arith.constant 0 : i32
      %dma_wait3A_347 = arith.constant 0 : i32
      %dma_wait3A_348 = tpu.memref_slice %arg12[%dma_wait3A_346, %dma_wait3A_347] : memref<10240x128xf32, #tpu.memory_space<vmem_shared>> -> memref<10240x128xf32, #tpu.memory_space<vmem_shared>>
      tpu.wait_indirect_dma semaphore(%run_scoped3A_336 : memref<!tpu.dma_semaphore, #tpu.memory_space<semaphore_mem>>) src(%arg10 : memref<64x128xf32, #tpu.memory_space<vmem>>) dst(%dma_wait3A_348 : memref<10240x128xf32, #tpu.memory_space<vmem_shared>>)
      tpu.yield
    }) : () -> ()
    %dma_wait3A_249 = arith.constant 39 : i32
    %dma_wait3A_250 = arith.constant 0 : i32
    %dma_wait3A_251 = tpu.memref_slice %arg6[%dma_wait3A_249, %dma_wait3A_250] : memref<40x64xi32, #tpu.memory_space<vmem>> -> memref<1x64xi32, #tpu.memory_space<vmem>>
    %dma_wait3A_252 = tpu.memref_squeeze %dma_wait3A_251 : memref<1x64xi32, #tpu.memory_space<vmem>> -> memref<64xi32, #tpu.memory_space<vmem>>
    %dma_wait3A_253 = arith.constant 0 : i32
    %dma_wait3A_254 = arith.constant 0 : i32
    %dma_wait3A_255 = tpu.memref_slice %arg2[%dma_wait3A_253, %dma_wait3A_254] : memref<10240x128xf32, #tpu.memory_space<hbm>> -> memref<10240x128xf32, #tpu.memory_space<hbm>>
    tpu.wait_indirect_dma semaphore(%arg16 : memref<!tpu.dma_semaphore, #tpu.memory_space<semaphore_mem>>) src(%dma_wait3A_255 : memref<10240x128xf32, #tpu.memory_space<hbm>>) dst(%arg11 : memref<64x128xf32, #tpu.memory_space<vmem>>)
    %run_scoped3A_256 = arith.constant 39 : i32
    "tpu.region"() ({
      %run_scoped3A_336 = tpu.sem_alloc : memref<!tpu.dma_semaphore, #tpu.memory_space<semaphore_mem>>
      %dma_start3A_337 = arith.constant 0 : i32
      %dma_start3A_338 = tpu.memref_slice %arg7[%run_scoped3A_256, %dma_start3A_337] : memref<40x64xi32, #tpu.memory_space<vmem>> -> memref<1x64xi32, #tpu.memory_space<vmem>>
      %dma_start3A_339 = tpu.memref_squeeze %dma_start3A_338 : memref<1x64xi32, #tpu.memory_space<vmem>> -> memref<64xi32, #tpu.memory_space<vmem>>
      %dma_start3A_340 = arith.constant 0 : i32
      %dma_start3A_341 = arith.constant 0 : i32
      %dma_start3A_342 = tpu.memref_slice %arg12[%dma_start3A_340, %dma_start3A_341] : memref<10240x128xf32, #tpu.memory_space<vmem_shared>> -> memref<10240x128xf32, #tpu.memory_space<vmem_shared>>
      tpu.enqueue_indirect_dma source(%arg11 : memref<64x128xf32, #tpu.memory_space<vmem>>) target(%dma_start3A_342 : memref<10240x128xf32, #tpu.memory_space<vmem_shared>>) offsets(%dma_start3A_339 : memref<64xi32, #tpu.memory_space<vmem>>) semaphore(%run_scoped3A_336 : memref<!tpu.dma_semaphore, #tpu.memory_space<semaphore_mem>>) {add = true}
      %dma_wait3A_343 = arith.constant 0 : i32
      %dma_wait3A_344 = tpu.memref_slice %arg7[%run_scoped3A_256, %dma_wait3A_343] : memref<40x64xi32, #tpu.memory_space<vmem>> -> memref<1x64xi32, #tpu.memory_space<vmem>>
      %dma_wait3A_345 = tpu.memref_squeeze %dma_wait3A_344 : memref<1x64xi32, #tpu.memory_space<vmem>> -> memref<64xi32, #tpu.memory_space<vmem>>
      %dma_wait3A_346 = arith.constant 0 : i32
      %dma_wait3A_347 = arith.constant 0 : i32
      %dma_wait3A_348 = tpu.memref_slice %arg12[%dma_wait3A_346, %dma_wait3A_347] : memref<10240x128xf32, #tpu.memory_space<vmem_shared>> -> memref<10240x128xf32, #tpu.memory_space<vmem_shared>>
      tpu.wait_indirect_dma semaphore(%run_scoped3A_336 : memref<!tpu.dma_semaphore, #tpu.memory_space<semaphore_mem>>) src(%arg11 : memref<64x128xf32, #tpu.memory_space<vmem>>) dst(%dma_wait3A_348 : memref<10240x128xf32, #tpu.memory_space<vmem_shared>>)
      tpu.yield
    }) : () -> ()
    %mul3A_257 = arith.constant 160 : i32
    %mul3A_258 = arith.muli %add3A, %mul3A_257 : i32
    %add3A_259 = arith.constant 120 : i32
    %add3A_260 = arith.addi %mul3A_258, %add3A_259 : i32
    "tpu.region"() ({
      %run_scoped3A_336 = tpu.sem_alloc : memref<!tpu.dma_semaphore, #tpu.memory_space<semaphore_mem>>
      %dma_start3A_337 = arith.constant 0 : i32
      %dma_start3A_338 = tpu.memref_slice %arg3[%add3A_260, %dma_start3A_337] : memref<5120x64xi32, #tpu.memory_space<hbm>> -> memref<40x64xi32, #tpu.memory_space<hbm>>
      %dma_start3A_339 = arith.constant 0 : i32
      %dma_start3A_340 = tpu.memref_slice %arg3[%add3A_260, %dma_start3A_339] : memref<5120x64xi32, #tpu.memory_space<hbm>> -> memref<40x64xi32, #tpu.memory_space<hbm>>
      tpu.enqueue_dma source(%dma_start3A_340 : memref<40x64xi32, #tpu.memory_space<hbm>>) target(%arg6 : memref<40x64xi32, #tpu.memory_space<vmem>>) target_semaphore(%run_scoped3A_336 : memref<!tpu.dma_semaphore, #tpu.memory_space<semaphore_mem>>)
      %dma_wait3A_341 = arith.constant 0 : i32
      %dma_wait3A_342 = tpu.memref_slice %arg3[%add3A_260, %dma_wait3A_341] : memref<5120x64xi32, #tpu.memory_space<hbm>> -> memref<40x64xi32, #tpu.memory_space<hbm>>
      %dma_wait3A_343 = arith.constant 0 : i32
      %dma_wait3A_344 = tpu.memref_slice %arg3[%add3A_260, %dma_wait3A_343] : memref<5120x64xi32, #tpu.memory_space<hbm>> -> memref<40x64xi32, #tpu.memory_space<hbm>>
      tpu.wait_dma2 semaphore(%run_scoped3A_336 : memref<!tpu.dma_semaphore, #tpu.memory_space<semaphore_mem>>) src(%dma_wait3A_344 : memref<40x64xi32, #tpu.memory_space<hbm>>) dst(%arg6 : memref<40x64xi32, #tpu.memory_space<vmem>>)
      tpu.yield
    }) : () -> ()
    "tpu.region"() ({
      %run_scoped3A_336 = tpu.sem_alloc : memref<!tpu.dma_semaphore, #tpu.memory_space<semaphore_mem>>
      %dma_start3A_337 = arith.constant 0 : i32
      %dma_start3A_338 = tpu.memref_slice %arg4[%add3A_260, %dma_start3A_337] : memref<5120x64xi32, #tpu.memory_space<hbm>> -> memref<40x64xi32, #tpu.memory_space<hbm>>
      %dma_start3A_339 = arith.constant 0 : i32
      %dma_start3A_340 = tpu.memref_slice %arg4[%add3A_260, %dma_start3A_339] : memref<5120x64xi32, #tpu.memory_space<hbm>> -> memref<40x64xi32, #tpu.memory_space<hbm>>
      tpu.enqueue_dma source(%dma_start3A_340 : memref<40x64xi32, #tpu.memory_space<hbm>>) target(%arg7 : memref<40x64xi32, #tpu.memory_space<vmem>>) target_semaphore(%run_scoped3A_336 : memref<!tpu.dma_semaphore, #tpu.memory_space<semaphore_mem>>)
      %dma_wait3A_341 = arith.constant 0 : i32
      %dma_wait3A_342 = tpu.memref_slice %arg4[%add3A_260, %dma_wait3A_341] : memref<5120x64xi32, #tpu.memory_space<hbm>> -> memref<40x64xi32, #tpu.memory_space<hbm>>
      %dma_wait3A_343 = arith.constant 0 : i32
      %dma_wait3A_344 = tpu.memref_slice %arg4[%add3A_260, %dma_wait3A_343] : memref<5120x64xi32, #tpu.memory_space<hbm>> -> memref<40x64xi32, #tpu.memory_space<hbm>>
      tpu.wait_dma2 semaphore(%run_scoped3A_336 : memref<!tpu.dma_semaphore, #tpu.memory_space<semaphore_mem>>) src(%dma_wait3A_344 : memref<40x64xi32, #tpu.memory_space<hbm>>) dst(%arg7 : memref<40x64xi32, #tpu.memory_space<vmem>>)
      tpu.yield
    }) : () -> ()
    %dma_start3A_261 = arith.constant 0 : i32
    %dma_start3A_262 = arith.constant 0 : i32
    %dma_start3A_263 = tpu.memref_slice %arg6[%dma_start3A_261, %dma_start3A_262] : memref<40x64xi32, #tpu.memory_space<vmem>> -> memref<1x64xi32, #tpu.memory_space<vmem>>
    %dma_start3A_264 = tpu.memref_squeeze %dma_start3A_263 : memref<1x64xi32, #tpu.memory_space<vmem>> -> memref<64xi32, #tpu.memory_space<vmem>>
    %dma_start3A_265 = arith.constant 0 : i32
    %dma_start3A_266 = arith.constant 0 : i32
    %dma_start3A_267 = tpu.memref_slice %arg2[%dma_start3A_265, %dma_start3A_266] : memref<10240x128xf32, #tpu.memory_space<hbm>> -> memref<10240x128xf32, #tpu.memory_space<hbm>>
    tpu.enqueue_indirect_dma source(%dma_start3A_267 : memref<10240x128xf32, #tpu.memory_space<hbm>>) target(%arg8 : memref<64x128xf32, #tpu.memory_space<vmem>>) offsets(%dma_start3A_264 : memref<64xi32, #tpu.memory_space<vmem>>) semaphore(%arg13 : memref<!tpu.dma_semaphore, #tpu.memory_space<semaphore_mem>>)
    %dma_start3A_268 = arith.constant 1 : i32
    %dma_start3A_269 = arith.constant 0 : i32
    %dma_start3A_270 = tpu.memref_slice %arg6[%dma_start3A_268, %dma_start3A_269] : memref<40x64xi32, #tpu.memory_space<vmem>> -> memref<1x64xi32, #tpu.memory_space<vmem>>
    %dma_start3A_271 = tpu.memref_squeeze %dma_start3A_270 : memref<1x64xi32, #tpu.memory_space<vmem>> -> memref<64xi32, #tpu.memory_space<vmem>>
    %dma_start3A_272 = arith.constant 0 : i32
    %dma_start3A_273 = arith.constant 0 : i32
    %dma_start3A_274 = tpu.memref_slice %arg2[%dma_start3A_272, %dma_start3A_273] : memref<10240x128xf32, #tpu.memory_space<hbm>> -> memref<10240x128xf32, #tpu.memory_space<hbm>>
    tpu.enqueue_indirect_dma source(%dma_start3A_274 : memref<10240x128xf32, #tpu.memory_space<hbm>>) target(%arg9 : memref<64x128xf32, #tpu.memory_space<vmem>>) offsets(%dma_start3A_271 : memref<64xi32, #tpu.memory_space<vmem>>) semaphore(%arg14 : memref<!tpu.dma_semaphore, #tpu.memory_space<semaphore_mem>>)
    %dma_start3A_275 = arith.constant 2 : i32
    %dma_start3A_276 = arith.constant 0 : i32
    %dma_start3A_277 = tpu.memref_slice %arg6[%dma_start3A_275, %dma_start3A_276] : memref<40x64xi32, #tpu.memory_space<vmem>> -> memref<1x64xi32, #tpu.memory_space<vmem>>
    %dma_start3A_278 = tpu.memref_squeeze %dma_start3A_277 : memref<1x64xi32, #tpu.memory_space<vmem>> -> memref<64xi32, #tpu.memory_space<vmem>>
    %dma_start3A_279 = arith.constant 0 : i32
    %dma_start3A_280 = arith.constant 0 : i32
    %dma_start3A_281 = tpu.memref_slice %arg2[%dma_start3A_279, %dma_start3A_280] : memref<10240x128xf32, #tpu.memory_space<hbm>> -> memref<10240x128xf32, #tpu.memory_space<hbm>>
    tpu.enqueue_indirect_dma source(%dma_start3A_281 : memref<10240x128xf32, #tpu.memory_space<hbm>>) target(%arg10 : memref<64x128xf32, #tpu.memory_space<vmem>>) offsets(%dma_start3A_278 : memref<64xi32, #tpu.memory_space<vmem>>) semaphore(%arg15 : memref<!tpu.dma_semaphore, #tpu.memory_space<semaphore_mem>>)
    %dma_start3A_282 = arith.constant 3 : i32
    %dma_start3A_283 = arith.constant 0 : i32
    %dma_start3A_284 = tpu.memref_slice %arg6[%dma_start3A_282, %dma_start3A_283] : memref<40x64xi32, #tpu.memory_space<vmem>> -> memref<1x64xi32, #tpu.memory_space<vmem>>
    %dma_start3A_285 = tpu.memref_squeeze %dma_start3A_284 : memref<1x64xi32, #tpu.memory_space<vmem>> -> memref<64xi32, #tpu.memory_space<vmem>>
    %dma_start3A_286 = arith.constant 0 : i32
    %dma_start3A_287 = arith.constant 0 : i32
    %dma_start3A_288 = tpu.memref_slice %arg2[%dma_start3A_286, %dma_start3A_287] : memref<10240x128xf32, #tpu.memory_space<hbm>> -> memref<10240x128xf32, #tpu.memory_space<hbm>>
    tpu.enqueue_indirect_dma source(%dma_start3A_288 : memref<10240x128xf32, #tpu.memory_space<hbm>>) target(%arg11 : memref<64x128xf32, #tpu.memory_space<vmem>>) offsets(%dma_start3A_285 : memref<64xi32, #tpu.memory_space<vmem>>) semaphore(%arg16 : memref<!tpu.dma_semaphore, #tpu.memory_space<semaphore_mem>>)
    %scan3A_289 = arith.constant 0 : i32
    %scan3A_290 = arith.constant 0 : i32
    %scan3A_291 = arith.constant 9 : i32
    %scan3A_292 = arith.addi %scan3A_290, %scan3A_291 : i32
    %scan3A_293 = arith.constant 1 : i32
    %scan3A_294 = scf.for %scan3A_336 = %scan3A_290 to %scan3A_292 step %scan3A_293 iter_args(%scan3A_337 = %scan3A_289) -> (i32)  : i32 {
      %mul3A_338 = arith.constant 4 : i32
      %mul3A_339 = arith.muli %mul3A_338, %scan3A_336 : i32
      %dma_wait3A_340 = arith.constant 0 : i32
      %dma_wait3A_341 = tpu.memref_slice %arg6[%mul3A_339, %dma_wait3A_340] : memref<40x64xi32, #tpu.memory_space<vmem>> -> memref<1x64xi32, #tpu.memory_space<vmem>>
      %dma_wait3A_342 = tpu.memref_squeeze %dma_wait3A_341 : memref<1x64xi32, #tpu.memory_space<vmem>> -> memref<64xi32, #tpu.memory_space<vmem>>
      %dma_wait3A_343 = arith.constant 0 : i32
      %dma_wait3A_344 = arith.constant 0 : i32
      %dma_wait3A_345 = tpu.memref_slice %arg2[%dma_wait3A_343, %dma_wait3A_344] : memref<10240x128xf32, #tpu.memory_space<hbm>> -> memref<10240x128xf32, #tpu.memory_space<hbm>>
      tpu.wait_indirect_dma semaphore(%arg13 : memref<!tpu.dma_semaphore, #tpu.memory_space<semaphore_mem>>) src(%dma_wait3A_345 : memref<10240x128xf32, #tpu.memory_space<hbm>>) dst(%arg8 : memref<64x128xf32, #tpu.memory_space<vmem>>)
      "tpu.region"() ({
        %run_scoped3A_403 = tpu.sem_alloc : memref<!tpu.dma_semaphore, #tpu.memory_space<semaphore_mem>>
        %dma_start3A_404 = arith.constant 0 : i32
        %dma_start3A_405 = tpu.memref_slice %arg7[%mul3A_339, %dma_start3A_404] : memref<40x64xi32, #tpu.memory_space<vmem>> -> memref<1x64xi32, #tpu.memory_space<vmem>>
        %dma_start3A_406 = tpu.memref_squeeze %dma_start3A_405 : memref<1x64xi32, #tpu.memory_space<vmem>> -> memref<64xi32, #tpu.memory_space<vmem>>
        %dma_start3A_407 = arith.constant 0 : i32
        %dma_start3A_408 = arith.constant 0 : i32
        %dma_start3A_409 = tpu.memref_slice %arg12[%dma_start3A_407, %dma_start3A_408] : memref<10240x128xf32, #tpu.memory_space<vmem_shared>> -> memref<10240x128xf32, #tpu.memory_space<vmem_shared>>
        tpu.enqueue_indirect_dma source(%arg8 : memref<64x128xf32, #tpu.memory_space<vmem>>) target(%dma_start3A_409 : memref<10240x128xf32, #tpu.memory_space<vmem_shared>>) offsets(%dma_start3A_406 : memref<64xi32, #tpu.memory_space<vmem>>) semaphore(%run_scoped3A_403 : memref<!tpu.dma_semaphore, #tpu.memory_space<semaphore_mem>>) {add = true}
        %dma_wait3A_410 = arith.constant 0 : i32
        %dma_wait3A_411 = tpu.memref_slice %arg7[%mul3A_339, %dma_wait3A_410] : memref<40x64xi32, #tpu.memory_space<vmem>> -> memref<1x64xi32, #tpu.memory_space<vmem>>
        %dma_wait3A_412 = tpu.memref_squeeze %dma_wait3A_411 : memref<1x64xi32, #tpu.memory_space<vmem>> -> memref<64xi32, #tpu.memory_space<vmem>>
        %dma_wait3A_413 = arith.constant 0 : i32
        %dma_wait3A_414 = arith.constant 0 : i32
        %dma_wait3A_415 = tpu.memref_slice %arg12[%dma_wait3A_413, %dma_wait3A_414] : memref<10240x128xf32, #tpu.memory_space<vmem_shared>> -> memref<10240x128xf32, #tpu.memory_space<vmem_shared>>
        tpu.wait_indirect_dma semaphore(%run_scoped3A_403 : memref<!tpu.dma_semaphore, #tpu.memory_space<semaphore_mem>>) src(%arg8 : memref<64x128xf32, #tpu.memory_space<vmem>>) dst(%dma_wait3A_415 : memref<10240x128xf32, #tpu.memory_space<vmem_shared>>)
        tpu.yield
      }) : () -> ()
      %add3A_346 = arith.constant 4 : i32
      %add3A_347 = arith.addi %mul3A_339, %add3A_346 : i32
      %dma_start3A_348 = arith.constant 0 : i32
      %dma_start3A_349 = tpu.memref_slice %arg6[%add3A_347, %dma_start3A_348] : memref<40x64xi32, #tpu.memory_space<vmem>> -> memref<1x64xi32, #tpu.memory_space<vmem>>
      %dma_start3A_350 = tpu.memref_squeeze %dma_start3A_349 : memref<1x64xi32, #tpu.memory_space<vmem>> -> memref<64xi32, #tpu.memory_space<vmem>>
      %dma_start3A_351 = arith.constant 0 : i32
      %dma_start3A_352 = arith.constant 0 : i32
      %dma_start3A_353 = tpu.memref_slice %arg2[%dma_start3A_351, %dma_start3A_352] : memref<10240x128xf32, #tpu.memory_space<hbm>> -> memref<10240x128xf32, #tpu.memory_space<hbm>>
      tpu.enqueue_indirect_dma source(%dma_start3A_353 : memref<10240x128xf32, #tpu.memory_space<hbm>>) target(%arg8 : memref<64x128xf32, #tpu.memory_space<vmem>>) offsets(%dma_start3A_350 : memref<64xi32, #tpu.memory_space<vmem>>) semaphore(%arg13 : memref<!tpu.dma_semaphore, #tpu.memory_space<semaphore_mem>>)
      %add3A_354 = arith.constant 1 : i32
      %add3A_355 = arith.addi %mul3A_339, %add3A_354 : i32
      %dma_wait3A_356 = arith.constant 0 : i32
      %dma_wait3A_357 = tpu.memref_slice %arg6[%add3A_355, %dma_wait3A_356] : memref<40x64xi32, #tpu.memory_space<vmem>> -> memref<1x64xi32, #tpu.memory_space<vmem>>
      %dma_wait3A_358 = tpu.memref_squeeze %dma_wait3A_357 : memref<1x64xi32, #tpu.memory_space<vmem>> -> memref<64xi32, #tpu.memory_space<vmem>>
      %dma_wait3A_359 = arith.constant 0 : i32
      %dma_wait3A_360 = arith.constant 0 : i32
      %dma_wait3A_361 = tpu.memref_slice %arg2[%dma_wait3A_359, %dma_wait3A_360] : memref<10240x128xf32, #tpu.memory_space<hbm>> -> memref<10240x128xf32, #tpu.memory_space<hbm>>
      tpu.wait_indirect_dma semaphore(%arg14 : memref<!tpu.dma_semaphore, #tpu.memory_space<semaphore_mem>>) src(%dma_wait3A_361 : memref<10240x128xf32, #tpu.memory_space<hbm>>) dst(%arg9 : memref<64x128xf32, #tpu.memory_space<vmem>>)
      "tpu.region"() ({
        %run_scoped3A_403 = tpu.sem_alloc : memref<!tpu.dma_semaphore, #tpu.memory_space<semaphore_mem>>
        %dma_start3A_404 = arith.constant 0 : i32
        %dma_start3A_405 = tpu.memref_slice %arg7[%add3A_355, %dma_start3A_404] : memref<40x64xi32, #tpu.memory_space<vmem>> -> memref<1x64xi32, #tpu.memory_space<vmem>>
        %dma_start3A_406 = tpu.memref_squeeze %dma_start3A_405 : memref<1x64xi32, #tpu.memory_space<vmem>> -> memref<64xi32, #tpu.memory_space<vmem>>
        %dma_start3A_407 = arith.constant 0 : i32
        %dma_start3A_408 = arith.constant 0 : i32
        %dma_start3A_409 = tpu.memref_slice %arg12[%dma_start3A_407, %dma_start3A_408] : memref<10240x128xf32, #tpu.memory_space<vmem_shared>> -> memref<10240x128xf32, #tpu.memory_space<vmem_shared>>
        tpu.enqueue_indirect_dma source(%arg9 : memref<64x128xf32, #tpu.memory_space<vmem>>) target(%dma_start3A_409 : memref<10240x128xf32, #tpu.memory_space<vmem_shared>>) offsets(%dma_start3A_406 : memref<64xi32, #tpu.memory_space<vmem>>) semaphore(%run_scoped3A_403 : memref<!tpu.dma_semaphore, #tpu.memory_space<semaphore_mem>>) {add = true}
        %dma_wait3A_410 = arith.constant 0 : i32
        %dma_wait3A_411 = tpu.memref_slice %arg7[%add3A_355, %dma_wait3A_410] : memref<40x64xi32, #tpu.memory_space<vmem>> -> memref<1x64xi32, #tpu.memory_space<vmem>>
        %dma_wait3A_412 = tpu.memref_squeeze %dma_wait3A_411 : memref<1x64xi32, #tpu.memory_space<vmem>> -> memref<64xi32, #tpu.memory_space<vmem>>
        %dma_wait3A_413 = arith.constant 0 : i32
        %dma_wait3A_414 = arith.constant 0 : i32
        %dma_wait3A_415 = tpu.memref_slice %arg12[%dma_wait3A_413, %dma_wait3A_414] : memref<10240x128xf32, #tpu.memory_space<vmem_shared>> -> memref<10240x128xf32, #tpu.memory_space<vmem_shared>>
        tpu.wait_indirect_dma semaphore(%run_scoped3A_403 : memref<!tpu.dma_semaphore, #tpu.memory_space<semaphore_mem>>) src(%arg9 : memref<64x128xf32, #tpu.memory_space<vmem>>) dst(%dma_wait3A_415 : memref<10240x128xf32, #tpu.memory_space<vmem_shared>>)
        tpu.yield
      }) : () -> ()
      %add3A_362 = arith.constant 5 : i32
      %add3A_363 = arith.addi %mul3A_339, %add3A_362 : i32
      %dma_start3A_364 = arith.constant 0 : i32
      %dma_start3A_365 = tpu.memref_slice %arg6[%add3A_363, %dma_start3A_364] : memref<40x64xi32, #tpu.memory_space<vmem>> -> memref<1x64xi32, #tpu.memory_space<vmem>>
      %dma_start3A_366 = tpu.memref_squeeze %dma_start3A_365 : memref<1x64xi32, #tpu.memory_space<vmem>> -> memref<64xi32, #tpu.memory_space<vmem>>
      %dma_start3A_367 = arith.constant 0 : i32
      %dma_start3A_368 = arith.constant 0 : i32
      %dma_start3A_369 = tpu.memref_slice %arg2[%dma_start3A_367, %dma_start3A_368] : memref<10240x128xf32, #tpu.memory_space<hbm>> -> memref<10240x128xf32, #tpu.memory_space<hbm>>
      tpu.enqueue_indirect_dma source(%dma_start3A_369 : memref<10240x128xf32, #tpu.memory_space<hbm>>) target(%arg9 : memref<64x128xf32, #tpu.memory_space<vmem>>) offsets(%dma_start3A_366 : memref<64xi32, #tpu.memory_space<vmem>>) semaphore(%arg14 : memref<!tpu.dma_semaphore, #tpu.memory_space<semaphore_mem>>)
      %add3A_370 = arith.constant 2 : i32
      %add3A_371 = arith.addi %mul3A_339, %add3A_370 : i32
      %dma_wait3A_372 = arith.constant 0 : i32
      %dma_wait3A_373 = tpu.memref_slice %arg6[%add3A_371, %dma_wait3A_372] : memref<40x64xi32, #tpu.memory_space<vmem>> -> memref<1x64xi32, #tpu.memory_space<vmem>>
      %dma_wait3A_374 = tpu.memref_squeeze %dma_wait3A_373 : memref<1x64xi32, #tpu.memory_space<vmem>> -> memref<64xi32, #tpu.memory_space<vmem>>
      %dma_wait3A_375 = arith.constant 0 : i32
      %dma_wait3A_376 = arith.constant 0 : i32
      %dma_wait3A_377 = tpu.memref_slice %arg2[%dma_wait3A_375, %dma_wait3A_376] : memref<10240x128xf32, #tpu.memory_space<hbm>> -> memref<10240x128xf32, #tpu.memory_space<hbm>>
      tpu.wait_indirect_dma semaphore(%arg15 : memref<!tpu.dma_semaphore, #tpu.memory_space<semaphore_mem>>) src(%dma_wait3A_377 : memref<10240x128xf32, #tpu.memory_space<hbm>>) dst(%arg10 : memref<64x128xf32, #tpu.memory_space<vmem>>)
      "tpu.region"() ({
        %run_scoped3A_403 = tpu.sem_alloc : memref<!tpu.dma_semaphore, #tpu.memory_space<semaphore_mem>>
        %dma_start3A_404 = arith.constant 0 : i32
        %dma_start3A_405 = tpu.memref_slice %arg7[%add3A_371, %dma_start3A_404] : memref<40x64xi32, #tpu.memory_space<vmem>> -> memref<1x64xi32, #tpu.memory_space<vmem>>
        %dma_start3A_406 = tpu.memref_squeeze %dma_start3A_405 : memref<1x64xi32, #tpu.memory_space<vmem>> -> memref<64xi32, #tpu.memory_space<vmem>>
        %dma_start3A_407 = arith.constant 0 : i32
        %dma_start3A_408 = arith.constant 0 : i32
        %dma_start3A_409 = tpu.memref_slice %arg12[%dma_start3A_407, %dma_start3A_408] : memref<10240x128xf32, #tpu.memory_space<vmem_shared>> -> memref<10240x128xf32, #tpu.memory_space<vmem_shared>>
        tpu.enqueue_indirect_dma source(%arg10 : memref<64x128xf32, #tpu.memory_space<vmem>>) target(%dma_start3A_409 : memref<10240x128xf32, #tpu.memory_space<vmem_shared>>) offsets(%dma_start3A_406 : memref<64xi32, #tpu.memory_space<vmem>>) semaphore(%run_scoped3A_403 : memref<!tpu.dma_semaphore, #tpu.memory_space<semaphore_mem>>) {add = true}
        %dma_wait3A_410 = arith.constant 0 : i32
        %dma_wait3A_411 = tpu.memref_slice %arg7[%add3A_371, %dma_wait3A_410] : memref<40x64xi32, #tpu.memory_space<vmem>> -> memref<1x64xi32, #tpu.memory_space<vmem>>
        %dma_wait3A_412 = tpu.memref_squeeze %dma_wait3A_411 : memref<1x64xi32, #tpu.memory_space<vmem>> -> memref<64xi32, #tpu.memory_space<vmem>>
        %dma_wait3A_413 = arith.constant 0 : i32
        %dma_wait3A_414 = arith.constant 0 : i32
        %dma_wait3A_415 = tpu.memref_slice %arg12[%dma_wait3A_413, %dma_wait3A_414] : memref<10240x128xf32, #tpu.memory_space<vmem_shared>> -> memref<10240x128xf32, #tpu.memory_space<vmem_shared>>
        tpu.wait_indirect_dma semaphore(%run_scoped3A_403 : memref<!tpu.dma_semaphore, #tpu.memory_space<semaphore_mem>>) src(%arg10 : memref<64x128xf32, #tpu.memory_space<vmem>>) dst(%dma_wait3A_415 : memref<10240x128xf32, #tpu.memory_space<vmem_shared>>)
        tpu.yield
      }) : () -> ()
      %add3A_378 = arith.constant 6 : i32
      %add3A_379 = arith.addi %mul3A_339, %add3A_378 : i32
      %dma_start3A_380 = arith.constant 0 : i32
      %dma_start3A_381 = tpu.memref_slice %arg6[%add3A_379, %dma_start3A_380] : memref<40x64xi32, #tpu.memory_space<vmem>> -> memref<1x64xi32, #tpu.memory_space<vmem>>
      %dma_start3A_382 = tpu.memref_squeeze %dma_start3A_381 : memref<1x64xi32, #tpu.memory_space<vmem>> -> memref<64xi32, #tpu.memory_space<vmem>>
      %dma_start3A_383 = arith.constant 0 : i32
      %dma_start3A_384 = arith.constant 0 : i32
      %dma_start3A_385 = tpu.memref_slice %arg2[%dma_start3A_383, %dma_start3A_384] : memref<10240x128xf32, #tpu.memory_space<hbm>> -> memref<10240x128xf32, #tpu.memory_space<hbm>>
      tpu.enqueue_indirect_dma source(%dma_start3A_385 : memref<10240x128xf32, #tpu.memory_space<hbm>>) target(%arg10 : memref<64x128xf32, #tpu.memory_space<vmem>>) offsets(%dma_start3A_382 : memref<64xi32, #tpu.memory_space<vmem>>) semaphore(%arg15 : memref<!tpu.dma_semaphore, #tpu.memory_space<semaphore_mem>>)
      %add3A_386 = arith.constant 3 : i32
      %add3A_387 = arith.addi %mul3A_339, %add3A_386 : i32
      %dma_wait3A_388 = arith.constant 0 : i32
      %dma_wait3A_389 = tpu.memref_slice %arg6[%add3A_387, %dma_wait3A_388] : memref<40x64xi32, #tpu.memory_space<vmem>> -> memref<1x64xi32, #tpu.memory_space<vmem>>
      %dma_wait3A_390 = tpu.memref_squeeze %dma_wait3A_389 : memref<1x64xi32, #tpu.memory_space<vmem>> -> memref<64xi32, #tpu.memory_space<vmem>>
      %dma_wait3A_391 = arith.constant 0 : i32
      %dma_wait3A_392 = arith.constant 0 : i32
      %dma_wait3A_393 = tpu.memref_slice %arg2[%dma_wait3A_391, %dma_wait3A_392] : memref<10240x128xf32, #tpu.memory_space<hbm>> -> memref<10240x128xf32, #tpu.memory_space<hbm>>
      tpu.wait_indirect_dma semaphore(%arg16 : memref<!tpu.dma_semaphore, #tpu.memory_space<semaphore_mem>>) src(%dma_wait3A_393 : memref<10240x128xf32, #tpu.memory_space<hbm>>) dst(%arg11 : memref<64x128xf32, #tpu.memory_space<vmem>>)
      "tpu.region"() ({
        %run_scoped3A_403 = tpu.sem_alloc : memref<!tpu.dma_semaphore, #tpu.memory_space<semaphore_mem>>
        %dma_start3A_404 = arith.constant 0 : i32
        %dma_start3A_405 = tpu.memref_slice %arg7[%add3A_387, %dma_start3A_404] : memref<40x64xi32, #tpu.memory_space<vmem>> -> memref<1x64xi32, #tpu.memory_space<vmem>>
        %dma_start3A_406 = tpu.memref_squeeze %dma_start3A_405 : memref<1x64xi32, #tpu.memory_space<vmem>> -> memref<64xi32, #tpu.memory_space<vmem>>
        %dma_start3A_407 = arith.constant 0 : i32
        %dma_start3A_408 = arith.constant 0 : i32
        %dma_start3A_409 = tpu.memref_slice %arg12[%dma_start3A_407, %dma_start3A_408] : memref<10240x128xf32, #tpu.memory_space<vmem_shared>> -> memref<10240x128xf32, #tpu.memory_space<vmem_shared>>
        tpu.enqueue_indirect_dma source(%arg11 : memref<64x128xf32, #tpu.memory_space<vmem>>) target(%dma_start3A_409 : memref<10240x128xf32, #tpu.memory_space<vmem_shared>>) offsets(%dma_start3A_406 : memref<64xi32, #tpu.memory_space<vmem>>) semaphore(%run_scoped3A_403 : memref<!tpu.dma_semaphore, #tpu.memory_space<semaphore_mem>>) {add = true}
        %dma_wait3A_410 = arith.constant 0 : i32
        %dma_wait3A_411 = tpu.memref_slice %arg7[%add3A_387, %dma_wait3A_410] : memref<40x64xi32, #tpu.memory_space<vmem>> -> memref<1x64xi32, #tpu.memory_space<vmem>>
        %dma_wait3A_412 = tpu.memref_squeeze %dma_wait3A_411 : memref<1x64xi32, #tpu.memory_space<vmem>> -> memref<64xi32, #tpu.memory_space<vmem>>
        %dma_wait3A_413 = arith.constant 0 : i32
        %dma_wait3A_414 = arith.constant 0 : i32
        %dma_wait3A_415 = tpu.memref_slice %arg12[%dma_wait3A_413, %dma_wait3A_414] : memref<10240x128xf32, #tpu.memory_space<vmem_shared>> -> memref<10240x128xf32, #tpu.memory_space<vmem_shared>>
        tpu.wait_indirect_dma semaphore(%run_scoped3A_403 : memref<!tpu.dma_semaphore, #tpu.memory_space<semaphore_mem>>) src(%arg11 : memref<64x128xf32, #tpu.memory_space<vmem>>) dst(%dma_wait3A_415 : memref<10240x128xf32, #tpu.memory_space<vmem_shared>>)
        tpu.yield
      }) : () -> ()
      %add3A_394 = arith.constant 7 : i32
      %add3A_395 = arith.addi %mul3A_339, %add3A_394 : i32
      %dma_start3A_396 = arith.constant 0 : i32
      %dma_start3A_397 = tpu.memref_slice %arg6[%add3A_395, %dma_start3A_396] : memref<40x64xi32, #tpu.memory_space<vmem>> -> memref<1x64xi32, #tpu.memory_space<vmem>>
      %dma_start3A_398 = tpu.memref_squeeze %dma_start3A_397 : memref<1x64xi32, #tpu.memory_space<vmem>> -> memref<64xi32, #tpu.memory_space<vmem>>
      %dma_start3A_399 = arith.constant 0 : i32
      %dma_start3A_400 = arith.constant 0 : i32
      %dma_start3A_401 = tpu.memref_slice %arg2[%dma_start3A_399, %dma_start3A_400] : memref<10240x128xf32, #tpu.memory_space<hbm>> -> memref<10240x128xf32, #tpu.memory_space<hbm>>
      tpu.enqueue_indirect_dma source(%dma_start3A_401 : memref<10240x128xf32, #tpu.memory_space<hbm>>) target(%arg11 : memref<64x128xf32, #tpu.memory_space<vmem>>) offsets(%dma_start3A_398 : memref<64xi32, #tpu.memory_space<vmem>>) semaphore(%arg16 : memref<!tpu.dma_semaphore, #tpu.memory_space<semaphore_mem>>)
      %scan3A_402 = arith.constant 0 : i32
      scf.yield %scan3A_402 : i32
    }
    %scan3A_295 = arith.constant 9 : i32
    %dma_wait3A_296 = arith.constant 36 : i32
    %dma_wait3A_297 = arith.constant 0 : i32
    %dma_wait3A_298 = tpu.memref_slice %arg6[%dma_wait3A_296, %dma_wait3A_297] : memref<40x64xi32, #tpu.memory_space<vmem>> -> memref<1x64xi32, #tpu.memory_space<vmem>>
    %dma_wait3A_299 = tpu.memref_squeeze %dma_wait3A_298 : memref<1x64xi32, #tpu.memory_space<vmem>> -> memref<64xi32, #tpu.memory_space<vmem>>
    %dma_wait3A_300 = arith.constant 0 : i32
    %dma_wait3A_301 = arith.constant 0 : i32
    %dma_wait3A_302 = tpu.memref_slice %arg2[%dma_wait3A_300, %dma_wait3A_301] : memref<10240x128xf32, #tpu.memory_space<hbm>> -> memref<10240x128xf32, #tpu.memory_space<hbm>>
    tpu.wait_indirect_dma semaphore(%arg13 : memref<!tpu.dma_semaphore, #tpu.memory_space<semaphore_mem>>) src(%dma_wait3A_302 : memref<10240x128xf32, #tpu.memory_space<hbm>>) dst(%arg8 : memref<64x128xf32, #tpu.memory_space<vmem>>)
    %run_scoped3A_303 = arith.constant 36 : i32
    "tpu.region"() ({
      %run_scoped3A_336 = tpu.sem_alloc : memref<!tpu.dma_semaphore, #tpu.memory_space<semaphore_mem>>
      %dma_start3A_337 = arith.constant 0 : i32
      %dma_start3A_338 = tpu.memref_slice %arg7[%run_scoped3A_303, %dma_start3A_337] : memref<40x64xi32, #tpu.memory_space<vmem>> -> memref<1x64xi32, #tpu.memory_space<vmem>>
      %dma_start3A_339 = tpu.memref_squeeze %dma_start3A_338 : memref<1x64xi32, #tpu.memory_space<vmem>> -> memref<64xi32, #tpu.memory_space<vmem>>
      %dma_start3A_340 = arith.constant 0 : i32
      %dma_start3A_341 = arith.constant 0 : i32
      %dma_start3A_342 = tpu.memref_slice %arg12[%dma_start3A_340, %dma_start3A_341] : memref<10240x128xf32, #tpu.memory_space<vmem_shared>> -> memref<10240x128xf32, #tpu.memory_space<vmem_shared>>
      tpu.enqueue_indirect_dma source(%arg8 : memref<64x128xf32, #tpu.memory_space<vmem>>) target(%dma_start3A_342 : memref<10240x128xf32, #tpu.memory_space<vmem_shared>>) offsets(%dma_start3A_339 : memref<64xi32, #tpu.memory_space<vmem>>) semaphore(%run_scoped3A_336 : memref<!tpu.dma_semaphore, #tpu.memory_space<semaphore_mem>>) {add = true}
      %dma_wait3A_343 = arith.constant 0 : i32
      %dma_wait3A_344 = tpu.memref_slice %arg7[%run_scoped3A_303, %dma_wait3A_343] : memref<40x64xi32, #tpu.memory_space<vmem>> -> memref<1x64xi32, #tpu.memory_space<vmem>>
      %dma_wait3A_345 = tpu.memref_squeeze %dma_wait3A_344 : memref<1x64xi32, #tpu.memory_space<vmem>> -> memref<64xi32, #tpu.memory_space<vmem>>
      %dma_wait3A_346 = arith.constant 0 : i32
      %dma_wait3A_347 = arith.constant 0 : i32
      %dma_wait3A_348 = tpu.memref_slice %arg12[%dma_wait3A_346, %dma_wait3A_347] : memref<10240x128xf32, #tpu.memory_space<vmem_shared>> -> memref<10240x128xf32, #tpu.memory_space<vmem_shared>>
      tpu.wait_indirect_dma semaphore(%run_scoped3A_336 : memref<!tpu.dma_semaphore, #tpu.memory_space<semaphore_mem>>) src(%arg8 : memref<64x128xf32, #tpu.memory_space<vmem>>) dst(%dma_wait3A_348 : memref<10240x128xf32, #tpu.memory_space<vmem_shared>>)
      tpu.yield
    }) : () -> ()
    %dma_wait3A_304 = arith.constant 37 : i32
    %dma_wait3A_305 = arith.constant 0 : i32
    %dma_wait3A_306 = tpu.memref_slice %arg6[%dma_wait3A_304, %dma_wait3A_305] : memref<40x64xi32, #tpu.memory_space<vmem>> -> memref<1x64xi32, #tpu.memory_space<vmem>>
    %dma_wait3A_307 = tpu.memref_squeeze %dma_wait3A_306 : memref<1x64xi32, #tpu.memory_space<vmem>> -> memref<64xi32, #tpu.memory_space<vmem>>
    %dma_wait3A_308 = arith.constant 0 : i32
    %dma_wait3A_309 = arith.constant 0 : i32
    %dma_wait3A_310 = tpu.memref_slice %arg2[%dma_wait3A_308, %dma_wait3A_309] : memref<10240x128xf32, #tpu.memory_space<hbm>> -> memref<10240x128xf32, #tpu.memory_space<hbm>>
    tpu.wait_indirect_dma semaphore(%arg14 : memref<!tpu.dma_semaphore, #tpu.memory_space<semaphore_mem>>) src(%dma_wait3A_310 : memref<10240x128xf32, #tpu.memory_space<hbm>>) dst(%arg9 : memref<64x128xf32, #tpu.memory_space<vmem>>)
    %run_scoped3A_311 = arith.constant 37 : i32
    "tpu.region"() ({
      %run_scoped3A_336 = tpu.sem_alloc : memref<!tpu.dma_semaphore, #tpu.memory_space<semaphore_mem>>
      %dma_start3A_337 = arith.constant 0 : i32
      %dma_start3A_338 = tpu.memref_slice %arg7[%run_scoped3A_311, %dma_start3A_337] : memref<40x64xi32, #tpu.memory_space<vmem>> -> memref<1x64xi32, #tpu.memory_space<vmem>>
      %dma_start3A_339 = tpu.memref_squeeze %dma_start3A_338 : memref<1x64xi32, #tpu.memory_space<vmem>> -> memref<64xi32, #tpu.memory_space<vmem>>
      %dma_start3A_340 = arith.constant 0 : i32
      %dma_start3A_341 = arith.constant 0 : i32
      %dma_start3A_342 = tpu.memref_slice %arg12[%dma_start3A_340, %dma_start3A_341] : memref<10240x128xf32, #tpu.memory_space<vmem_shared>> -> memref<10240x128xf32, #tpu.memory_space<vmem_shared>>
      tpu.enqueue_indirect_dma source(%arg9 : memref<64x128xf32, #tpu.memory_space<vmem>>) target(%dma_start3A_342 : memref<10240x128xf32, #tpu.memory_space<vmem_shared>>) offsets(%dma_start3A_339 : memref<64xi32, #tpu.memory_space<vmem>>) semaphore(%run_scoped3A_336 : memref<!tpu.dma_semaphore, #tpu.memory_space<semaphore_mem>>) {add = true}
      %dma_wait3A_343 = arith.constant 0 : i32
      %dma_wait3A_344 = tpu.memref_slice %arg7[%run_scoped3A_311, %dma_wait3A_343] : memref<40x64xi32, #tpu.memory_space<vmem>> -> memref<1x64xi32, #tpu.memory_space<vmem>>
      %dma_wait3A_345 = tpu.memref_squeeze %dma_wait3A_344 : memref<1x64xi32, #tpu.memory_space<vmem>> -> memref<64xi32, #tpu.memory_space<vmem>>
      %dma_wait3A_346 = arith.constant 0 : i32
      %dma_wait3A_347 = arith.constant 0 : i32
      %dma_wait3A_348 = tpu.memref_slice %arg12[%dma_wait3A_346, %dma_wait3A_347] : memref<10240x128xf32, #tpu.memory_space<vmem_shared>> -> memref<10240x128xf32, #tpu.memory_space<vmem_shared>>
      tpu.wait_indirect_dma semaphore(%run_scoped3A_336 : memref<!tpu.dma_semaphore, #tpu.memory_space<semaphore_mem>>) src(%arg9 : memref<64x128xf32, #tpu.memory_space<vmem>>) dst(%dma_wait3A_348 : memref<10240x128xf32, #tpu.memory_space<vmem_shared>>)
      tpu.yield
    }) : () -> ()
    %dma_wait3A_312 = arith.constant 38 : i32
    %dma_wait3A_313 = arith.constant 0 : i32
    %dma_wait3A_314 = tpu.memref_slice %arg6[%dma_wait3A_312, %dma_wait3A_313] : memref<40x64xi32, #tpu.memory_space<vmem>> -> memref<1x64xi32, #tpu.memory_space<vmem>>
    %dma_wait3A_315 = tpu.memref_squeeze %dma_wait3A_314 : memref<1x64xi32, #tpu.memory_space<vmem>> -> memref<64xi32, #tpu.memory_space<vmem>>
    %dma_wait3A_316 = arith.constant 0 : i32
    %dma_wait3A_317 = arith.constant 0 : i32
    %dma_wait3A_318 = tpu.memref_slice %arg2[%dma_wait3A_316, %dma_wait3A_317] : memref<10240x128xf32, #tpu.memory_space<hbm>> -> memref<10240x128xf32, #tpu.memory_space<hbm>>
    tpu.wait_indirect_dma semaphore(%arg15 : memref<!tpu.dma_semaphore, #tpu.memory_space<semaphore_mem>>) src(%dma_wait3A_318 : memref<10240x128xf32, #tpu.memory_space<hbm>>) dst(%arg10 : memref<64x128xf32, #tpu.memory_space<vmem>>)
    %run_scoped3A_319 = arith.constant 38 : i32
    "tpu.region"() ({
      %run_scoped3A_336 = tpu.sem_alloc : memref<!tpu.dma_semaphore, #tpu.memory_space<semaphore_mem>>
      %dma_start3A_337 = arith.constant 0 : i32
      %dma_start3A_338 = tpu.memref_slice %arg7[%run_scoped3A_319, %dma_start3A_337] : memref<40x64xi32, #tpu.memory_space<vmem>> -> memref<1x64xi32, #tpu.memory_space<vmem>>
      %dma_start3A_339 = tpu.memref_squeeze %dma_start3A_338 : memref<1x64xi32, #tpu.memory_space<vmem>> -> memref<64xi32, #tpu.memory_space<vmem>>
      %dma_start3A_340 = arith.constant 0 : i32
      %dma_start3A_341 = arith.constant 0 : i32
      %dma_start3A_342 = tpu.memref_slice %arg12[%dma_start3A_340, %dma_start3A_341] : memref<10240x128xf32, #tpu.memory_space<vmem_shared>> -> memref<10240x128xf32, #tpu.memory_space<vmem_shared>>
      tpu.enqueue_indirect_dma source(%arg10 : memref<64x128xf32, #tpu.memory_space<vmem>>) target(%dma_start3A_342 : memref<10240x128xf32, #tpu.memory_space<vmem_shared>>) offsets(%dma_start3A_339 : memref<64xi32, #tpu.memory_space<vmem>>) semaphore(%run_scoped3A_336 : memref<!tpu.dma_semaphore, #tpu.memory_space<semaphore_mem>>) {add = true}
      %dma_wait3A_343 = arith.constant 0 : i32
      %dma_wait3A_344 = tpu.memref_slice %arg7[%run_scoped3A_319, %dma_wait3A_343] : memref<40x64xi32, #tpu.memory_space<vmem>> -> memref<1x64xi32, #tpu.memory_space<vmem>>
      %dma_wait3A_345 = tpu.memref_squeeze %dma_wait3A_344 : memref<1x64xi32, #tpu.memory_space<vmem>> -> memref<64xi32, #tpu.memory_space<vmem>>
      %dma_wait3A_346 = arith.constant 0 : i32
      %dma_wait3A_347 = arith.constant 0 : i32
      %dma_wait3A_348 = tpu.memref_slice %arg12[%dma_wait3A_346, %dma_wait3A_347] : memref<10240x128xf32, #tpu.memory_space<vmem_shared>> -> memref<10240x128xf32, #tpu.memory_space<vmem_shared>>
      tpu.wait_indirect_dma semaphore(%run_scoped3A_336 : memref<!tpu.dma_semaphore, #tpu.memory_space<semaphore_mem>>) src(%arg10 : memref<64x128xf32, #tpu.memory_space<vmem>>) dst(%dma_wait3A_348 : memref<10240x128xf32, #tpu.memory_space<vmem_shared>>)
      tpu.yield
    }) : () -> ()
    %dma_wait3A_320 = arith.constant 39 : i32
    %dma_wait3A_321 = arith.constant 0 : i32
    %dma_wait3A_322 = tpu.memref_slice %arg6[%dma_wait3A_320, %dma_wait3A_321] : memref<40x64xi32, #tpu.memory_space<vmem>> -> memref<1x64xi32, #tpu.memory_space<vmem>>
    %dma_wait3A_323 = tpu.memref_squeeze %dma_wait3A_322 : memref<1x64xi32, #tpu.memory_space<vmem>> -> memref<64xi32, #tpu.memory_space<vmem>>
    %dma_wait3A_324 = arith.constant 0 : i32
    %dma_wait3A_325 = arith.constant 0 : i32
    %dma_wait3A_326 = tpu.memref_slice %arg2[%dma_wait3A_324, %dma_wait3A_325] : memref<10240x128xf32, #tpu.memory_space<hbm>> -> memref<10240x128xf32, #tpu.memory_space<hbm>>
    tpu.wait_indirect_dma semaphore(%arg16 : memref<!tpu.dma_semaphore, #tpu.memory_space<semaphore_mem>>) src(%dma_wait3A_326 : memref<10240x128xf32, #tpu.memory_space<hbm>>) dst(%arg11 : memref<64x128xf32, #tpu.memory_space<vmem>>)
    %run_scoped3A_327 = arith.constant 39 : i32
    "tpu.region"() ({
      %run_scoped3A_336 = tpu.sem_alloc : memref<!tpu.dma_semaphore, #tpu.memory_space<semaphore_mem>>
      %dma_start3A_337 = arith.constant 0 : i32
      %dma_start3A_338 = tpu.memref_slice %arg7[%run_scoped3A_327, %dma_start3A_337] : memref<40x64xi32, #tpu.memory_space<vmem>> -> memref<1x64xi32, #tpu.memory_space<vmem>>
      %dma_start3A_339 = tpu.memref_squeeze %dma_start3A_338 : memref<1x64xi32, #tpu.memory_space<vmem>> -> memref<64xi32, #tpu.memory_space<vmem>>
      %dma_start3A_340 = arith.constant 0 : i32
      %dma_start3A_341 = arith.constant 0 : i32
      %dma_start3A_342 = tpu.memref_slice %arg12[%dma_start3A_340, %dma_start3A_341] : memref<10240x128xf32, #tpu.memory_space<vmem_shared>> -> memref<10240x128xf32, #tpu.memory_space<vmem_shared>>
      tpu.enqueue_indirect_dma source(%arg11 : memref<64x128xf32, #tpu.memory_space<vmem>>) target(%dma_start3A_342 : memref<10240x128xf32, #tpu.memory_space<vmem_shared>>) offsets(%dma_start3A_339 : memref<64xi32, #tpu.memory_space<vmem>>) semaphore(%run_scoped3A_336 : memref<!tpu.dma_semaphore, #tpu.memory_space<semaphore_mem>>) {add = true}
      %dma_wait3A_343 = arith.constant 0 : i32
      %dma_wait3A_344 = tpu.memref_slice %arg7[%run_scoped3A_327, %dma_wait3A_343] : memref<40x64xi32, #tpu.memory_space<vmem>> -> memref<1x64xi32, #tpu.memory_space<vmem>>
      %dma_wait3A_345 = tpu.memref_squeeze %dma_wait3A_344 : memref<1x64xi32, #tpu.memory_space<vmem>> -> memref<64xi32, #tpu.memory_space<vmem>>
      %dma_wait3A_346 = arith.constant 0 : i32
      %dma_wait3A_347 = arith.constant 0 : i32
      %dma_wait3A_348 = tpu.memref_slice %arg12[%dma_wait3A_346, %dma_wait3A_347] : memref<10240x128xf32, #tpu.memory_space<vmem_shared>> -> memref<10240x128xf32, #tpu.memory_space<vmem_shared>>
      tpu.wait_indirect_dma semaphore(%run_scoped3A_336 : memref<!tpu.dma_semaphore, #tpu.memory_space<semaphore_mem>>) src(%arg11 : memref<64x128xf32, #tpu.memory_space<vmem>>) dst(%dma_wait3A_348 : memref<10240x128xf32, #tpu.memory_space<vmem_shared>>)
      tpu.yield
    }) : () -> ()
    %barrier3A_328 = arith.constant 0 : index
    tpu.barrier barrier_id(%barrier3A_328)
    %mul3A_329 = arith.constant 640 : i32
    %mul3A_330 = arith.muli %arg1, %mul3A_329 : i32
    %mul3A_331 = arith.constant 10240 : i32
    %mul3A_332 = arith.muli %arg0, %mul3A_331 : i32
    %mul3A_333 = arith.constant 640 : i32
    %mul3A_334 = arith.muli %arg1, %mul3A_333 : i32
    %add3A_335 = arith.addi %mul3A_332, %mul3A_334 : i32
    "tpu.region"() ({
      %run_scoped3A_336 = tpu.sem_alloc : memref<!tpu.dma_semaphore, #tpu.memory_space<semaphore_mem>>
      %dma_start3A_337 = arith.constant 0 : i32
      %dma_start3A_338 = tpu.memref_slice %arg5[%add3A_335, %dma_start3A_337] : memref<20480x128xf32, #tpu.memory_space<hbm>> -> memref<640x128xf32, #tpu.memory_space<hbm>>
      %dma_start3A_339 = arith.constant 0 : i32
      %dma_start3A_340 = tpu.memref_slice %arg12[%mul3A_330, %dma_start3A_339] : memref<10240x128xf32, #tpu.memory_space<vmem_shared>> -> memref<640x128xf32, #tpu.memory_space<vmem_shared>>
      tpu.enqueue_dma source(%dma_start3A_340 : memref<640x128xf32, #tpu.memory_space<vmem_shared>>) target(%dma_start3A_338 : memref<640x128xf32, #tpu.memory_space<hbm>>) target_semaphore(%run_scoped3A_336 : memref<!tpu.dma_semaphore, #tpu.memory_space<semaphore_mem>>)
      %dma_wait3A_341 = arith.constant 0 : i32
      %dma_wait3A_342 = tpu.memref_slice %arg5[%add3A_335, %dma_wait3A_341] : memref<20480x128xf32, #tpu.memory_space<hbm>> -> memref<640x128xf32, #tpu.memory_space<hbm>>
      %dma_wait3A_343 = arith.constant 0 : i32
      %dma_wait3A_344 = tpu.memref_slice %arg12[%mul3A_330, %dma_wait3A_343] : memref<10240x128xf32, #tpu.memory_space<vmem_shared>> -> memref<640x128xf32, #tpu.memory_space<vmem_shared>>
      tpu.wait_dma2 semaphore(%run_scoped3A_336 : memref<!tpu.dma_semaphore, #tpu.memory_space<semaphore_mem>>) src(%dma_wait3A_344 : memref<640x128xf32, #tpu.memory_space<vmem_shared>>) dst(%dma_wait3A_342 : memref<640x128xf32, #tpu.memory_space<hbm>>)
      tpu.yield
    }) : () -> ()
    return
  }
}

#map = affine_map<(d0, d1) -> (0)>
#map1 = affine_map<(d0, d1) -> (0, 0, 0)>
module attributes {stable_mosaic.version = 14 : i64} {
  func.func @_sc_counts_body(%arg0: i32, %arg1: i32, %arg2: memref<327680xi32, #tpu.memory_space<hbm>>, %arg3: memref<32x80x128xf32, #tpu.memory_space<hbm>>, %arg4: memref<10240xi32, #tpu.memory_space<vmem>>, %arg5: memref<80x128xf32, #tpu.memory_space<vmem>>) attributes {dimension_semantics = [#tpu.dimension_semantics<core_parallel>, #tpu.dimension_semantics<subcore_parallel>], iteration_bounds = array<i64: 2, 16>, scalar_prefetch = 0 : i64, scratch_operands = 2 : i64, tpu.core_type = #tpu.core_type<sc_vector_subcore>, window_params = [{transform_indices = #map}, {transform_indices = #map1}]} {
    %mul3A = arith.constant 16 : i32
    %mul3A_0 = arith.muli %arg0, %mul3A : i32
    %add3A = arith.addi %mul3A_0, %arg1 : i32
    %scan3A = arith.constant 0 : i32
    %scan3A_1 = arith.constant 0 : i32
    %scan3A_2 = arith.constant 80 : i32
    %scan3A_3 = arith.addi %scan3A_1, %scan3A_2 : i32
    %scan3A_4 = arith.constant 1 : i32
    %scan3A_5 = scf.for %scan3A_17 = %scan3A_1 to %scan3A_3 step %scan3A_4 iter_args(%scan3A_18 = %scan3A) -> (i32)  : i32 {
      %broadcast_in_dim3A_19 = arith.constant 0.000000e+00 : f32
      %broadcast_in_dim3A_20 = vector.broadcast %broadcast_in_dim3A_19 : f32 to vector<16xf32>
      %swap3A = arith.index_cast %scan3A_17 : i32 to index
      %swap3A_21 = arith.constant 0 : index
      %swap3A_22 = tpu.vector_load %arg5[%swap3A, %swap3A_21] {strides = array<i32>} : memref<80x128xf32, #tpu.memory_space<vmem>>, vector<16xf32>,
      tpu.vector_store %arg5[%swap3A, %swap3A_21], %broadcast_in_dim3A_20 {strides = array<i32>} : memref<80x128xf32, #tpu.memory_space<vmem>>, vector<16xf32>,
      %broadcast_in_dim3A_23 = arith.constant 0.000000e+00 : f32
      %broadcast_in_dim3A_24 = vector.broadcast %broadcast_in_dim3A_23 : f32 to vector<16xf32>
      %swap3A_25 = arith.index_cast %scan3A_17 : i32 to index
      %swap3A_26 = arith.constant 16 : index
      %swap3A_27 = tpu.vector_load %arg5[%swap3A_25, %swap3A_26] {strides = array<i32>} : memref<80x128xf32, #tpu.memory_space<vmem>>, vector<16xf32>,
      tpu.vector_store %arg5[%swap3A_25, %swap3A_26], %broadcast_in_dim3A_24 {strides = array<i32>} : memref<80x128xf32, #tpu.memory_space<vmem>>, vector<16xf32>,
      %broadcast_in_dim3A_28 = arith.constant 0.000000e+00 : f32
      %broadcast_in_dim3A_29 = vector.broadcast %broadcast_in_dim3A_28 : f32 to vector<16xf32>
      %swap3A_30 = arith.index_cast %scan3A_17 : i32 to index
      %swap3A_31 = arith.constant 32 : index
      %swap3A_32 = tpu.vector_load %arg5[%swap3A_30, %swap3A_31] {strides = array<i32>} : memref<80x128xf32, #tpu.memory_space<vmem>>, vector<16xf32>,
      tpu.vector_store %arg5[%swap3A_30, %swap3A_31], %broadcast_in_dim3A_29 {strides = array<i32>} : memref<80x128xf32, #tpu.memory_space<vmem>>, vector<16xf32>,
      %broadcast_in_dim3A_33 = arith.constant 0.000000e+00 : f32
      %broadcast_in_dim3A_34 = vector.broadcast %broadcast_in_dim3A_33 : f32 to vector<16xf32>
      %swap3A_35 = arith.index_cast %scan3A_17 : i32 to index
      %swap3A_36 = arith.constant 48 : index
      %swap3A_37 = tpu.vector_load %arg5[%swap3A_35, %swap3A_36] {strides = array<i32>} : memref<80x128xf32, #tpu.memory_space<vmem>>, vector<16xf32>,
      tpu.vector_store %arg5[%swap3A_35, %swap3A_36], %broadcast_in_dim3A_34 {strides = array<i32>} : memref<80x128xf32, #tpu.memory_space<vmem>>, vector<16xf32>,
      %broadcast_in_dim3A_38 = arith.constant 0.000000e+00 : f32
      %broadcast_in_dim3A_39 = vector.broadcast %broadcast_in_dim3A_38 : f32 to vector<16xf32>
      %swap3A_40 = arith.index_cast %scan3A_17 : i32 to index
      %swap3A_41 = arith.constant 64 : index
      %swap3A_42 = tpu.vector_load %arg5[%swap3A_40, %swap3A_41] {strides = array<i32>} : memref<80x128xf32, #tpu.memory_space<vmem>>, vector<16xf32>,
      tpu.vector_store %arg5[%swap3A_40, %swap3A_41], %broadcast_in_dim3A_39 {strides = array<i32>} : memref<80x128xf32, #tpu.memory_space<vmem>>, vector<16xf32>,
      %broadcast_in_dim3A_43 = arith.constant 0.000000e+00 : f32
      %broadcast_in_dim3A_44 = vector.broadcast %broadcast_in_dim3A_43 : f32 to vector<16xf32>
      %swap3A_45 = arith.index_cast %scan3A_17 : i32 to index
      %swap3A_46 = arith.constant 80 : index
      %swap3A_47 = tpu.vector_load %arg5[%swap3A_45, %swap3A_46] {strides = array<i32>} : memref<80x128xf32, #tpu.memory_space<vmem>>, vector<16xf32>,
      tpu.vector_store %arg5[%swap3A_45, %swap3A_46], %broadcast_in_dim3A_44 {strides = array<i32>} : memref<80x128xf32, #tpu.memory_space<vmem>>, vector<16xf32>,
      %broadcast_in_dim3A_48 = arith.constant 0.000000e+00 : f32
      %broadcast_in_dim3A_49 = vector.broadcast %broadcast_in_dim3A_48 : f32 to vector<16xf32>
      %swap3A_50 = arith.index_cast %scan3A_17 : i32 to index
      %swap3A_51 = arith.constant 96 : index
      %swap3A_52 = tpu.vector_load %arg5[%swap3A_50, %swap3A_51] {strides = array<i32>} : memref<80x128xf32, #tpu.memory_space<vmem>>, vector<16xf32>,
      tpu.vector_store %arg5[%swap3A_50, %swap3A_51], %broadcast_in_dim3A_49 {strides = array<i32>} : memref<80x128xf32, #tpu.memory_space<vmem>>, vector<16xf32>,
      %broadcast_in_dim3A_53 = arith.constant 0.000000e+00 : f32
      %broadcast_in_dim3A_54 = vector.broadcast %broadcast_in_dim3A_53 : f32 to vector<16xf32>
      %swap3A_55 = arith.index_cast %scan3A_17 : i32 to index
      %swap3A_56 = arith.constant 112 : index
      %swap3A_57 = tpu.vector_load %arg5[%swap3A_55, %swap3A_56] {strides = array<i32>} : memref<80x128xf32, #tpu.memory_space<vmem>>, vector<16xf32>,
      tpu.vector_store %arg5[%swap3A_55, %swap3A_56], %broadcast_in_dim3A_54 {strides = array<i32>} : memref<80x128xf32, #tpu.memory_space<vmem>>, vector<16xf32>,
      %scan3A_58 = arith.constant 0 : i32
      scf.yield %scan3A_58 : i32
    }
    %scan3A_6 = arith.constant 80 : i32
    %mul3A_7 = arith.constant 10240 : i32
    %mul3A_8 = arith.muli %add3A, %mul3A_7 : i32
    "tpu.region"() ({
      %run_scoped3A = tpu.sem_alloc : memref<!tpu.dma_semaphore, #tpu.memory_space<semaphore_mem>>
      %dma_start3A = tpu.memref_slice %arg2[%mul3A_8] : memref<327680xi32, #tpu.memory_space<hbm>> -> memref<10240xi32, #tpu.memory_space<hbm>>
      %dma_start3A_17 = tpu.memref_slice %arg2[%mul3A_8] : memref<327680xi32, #tpu.memory_space<hbm>> -> memref<10240xi32, #tpu.memory_space<hbm>>
      tpu.enqueue_dma source(%dma_start3A_17 : memref<10240xi32, #tpu.memory_space<hbm>>) target(%arg4 : memref<10240xi32, #tpu.memory_space<vmem>>) target_semaphore(%run_scoped3A : memref<!tpu.dma_semaphore, #tpu.memory_space<semaphore_mem>>)
      %dma_wait3A = tpu.memref_slice %arg2[%mul3A_8] : memref<327680xi32, #tpu.memory_space<hbm>> -> memref<10240xi32, #tpu.memory_space<hbm>>
      %dma_wait3A_18 = tpu.memref_slice %arg2[%mul3A_8] : memref<327680xi32, #tpu.memory_space<hbm>> -> memref<10240xi32, #tpu.memory_space<hbm>>
      tpu.wait_dma2 semaphore(%run_scoped3A : memref<!tpu.dma_semaphore, #tpu.memory_space<semaphore_mem>>) src(%dma_wait3A_18 : memref<10240xi32, #tpu.memory_space<hbm>>) dst(%arg4 : memref<10240xi32, #tpu.memory_space<vmem>>)
      tpu.yield
    }) : () -> ()
    %broadcast_in_dim3A = arith.constant 1.000000e+00 : f32
    %broadcast_in_dim3A_9 = vector.broadcast %broadcast_in_dim3A : f32 to vector<16xf32>
    %scan3A_10 = arith.constant 0 : i32
    %scan3A_11 = arith.constant 0 : i32
    %scan3A_12 = arith.constant 640 : i32
    %scan3A_13 = arith.addi %scan3A_11, %scan3A_12 : i32
    %scan3A_14 = arith.constant 1 : i32
    %scan3A_15 = scf.for %scan3A_17 = %scan3A_11 to %scan3A_13 step %scan3A_14 iter_args(%scan3A_18 = %scan3A_10) -> (i32)  : i32 {
      %mul3A_19 = arith.constant 16 : i32
      %mul3A_20 = arith.muli %scan3A_17, %mul3A_19 : i32
      %get3A = arith.index_cast %mul3A_20 : i32 to index
      %get3A_21 = tpu.vector_load %arg4[%get3A] {strides = array<i32>} : memref<10240xi32, #tpu.memory_space<vmem>>, vector<16xi32>,
      %shift_right_logical3A = arith.constant 7 : i32
      %shift_right_logical3A_22 = vector.broadcast %shift_right_logical3A : i32 to vector<16xi32>
      %shift_right_logical3A_23 = arith.shrui %get3A_21, %shift_right_logical3A_22 : vector<16xi32>
      %and3A = arith.constant 127 : i32
      %and3A_24 = vector.broadcast %and3A : i32 to vector<16xi32>
      %and3A_25 = arith.andi %get3A_21, %and3A_24 : vector<16xi32>
      tpu.vector_store_idx %arg5[%shift_right_logical3A_23, %and3A_25], %broadcast_in_dim3A_9 {add = true} : memref<80x128xf32, #tpu.memory_space<vmem>>[vector<16xi32>, vector<16xi32>], vector<16xf32>,
      %scan3A_26 = arith.constant 0 : i32
      scf.yield %scan3A_26 : i32
    }
    %scan3A_16 = arith.constant 640 : i32
    "tpu.region"() ({
      %run_scoped3A = tpu.sem_alloc : memref<!tpu.dma_semaphore, #tpu.memory_space<semaphore_mem>>
      %dma_start3A = arith.constant 0 : i32
      %dma_start3A_17 = arith.constant 0 : i32
      %dma_start3A_18 = tpu.memref_slice %arg3[%add3A, %dma_start3A, %dma_start3A_17] : memref<32x80x128xf32, #tpu.memory_space<hbm>> -> memref<1x80x128xf32, #tpu.memory_space<hbm>>
      %dma_start3A_19 = tpu.memref_squeeze %dma_start3A_18 : memref<1x80x128xf32, #tpu.memory_space<hbm>> -> memref<80x128xf32, #tpu.memory_space<hbm>>
      %dma_start3A_20 = arith.constant 0 : i32
      %dma_start3A_21 = arith.constant 0 : i32
      %dma_start3A_22 = tpu.memref_slice %arg3[%add3A, %dma_start3A_20, %dma_start3A_21] : memref<32x80x128xf32, #tpu.memory_space<hbm>> -> memref<1x80x128xf32, #tpu.memory_space<hbm>>
      %dma_start3A_23 = tpu.memref_squeeze %dma_start3A_22 : memref<1x80x128xf32, #tpu.memory_space<hbm>> -> memref<80x128xf32, #tpu.memory_space<hbm>>
      tpu.enqueue_dma source(%arg5 : memref<80x128xf32, #tpu.memory_space<vmem>>) target(%dma_start3A_23 : memref<80x128xf32, #tpu.memory_space<hbm>>) target_semaphore(%run_scoped3A : memref<!tpu.dma_semaphore, #tpu.memory_space<semaphore_mem>>)
      %dma_wait3A = arith.constant 0 : i32
      %dma_wait3A_24 = arith.constant 0 : i32
      %dma_wait3A_25 = tpu.memref_slice %arg3[%add3A, %dma_wait3A, %dma_wait3A_24] : memref<32x80x128xf32, #tpu.memory_space<hbm>> -> memref<1x80x128xf32, #tpu.memory_space<hbm>>
      %dma_wait3A_26 = tpu.memref_squeeze %dma_wait3A_25 : memref<1x80x128xf32, #tpu.memory_space<hbm>> -> memref<80x128xf32, #tpu.memory_space<hbm>>
      %dma_wait3A_27 = arith.constant 0 : i32
      %dma_wait3A_28 = arith.constant 0 : i32
      %dma_wait3A_29 = tpu.memref_slice %arg3[%add3A, %dma_wait3A_27, %dma_wait3A_28] : memref<32x80x128xf32, #tpu.memory_space<hbm>> -> memref<1x80x128xf32, #tpu.memory_space<hbm>>
      %dma_wait3A_30 = tpu.memref_squeeze %dma_wait3A_29 : memref<1x80x128xf32, #tpu.memory_space<hbm>> -> memref<80x128xf32, #tpu.memory_space<hbm>>
      tpu.wait_dma2 semaphore(%run_scoped3A : memref<!tpu.dma_semaphore, #tpu.memory_space<semaphore_mem>>) src(%arg5 : memref<80x128xf32, #tpu.memory_space<vmem>>) dst(%dma_wait3A_30 : memref<80x128xf32, #tpu.memory_space<hbm>>)
      tpu.yield
    }) : () -> ()
    return
  }
}

#map = affine_map<(d0, d1) -> (0, 0)>
module attributes {stable_mosaic.version = 14 : i64} {
  func.func @_sc_scatter_body(%arg0: i32, %arg1: i32, %arg2: memref<10240x128xf32, #tpu.memory_space<hbm>>, %arg3: memref<5120x64xi32, #tpu.memory_space<hbm>>, %arg4: memref<5120x64xi32, #tpu.memory_space<hbm>>, %arg5: memref<20480x128xf32, #tpu.memory_space<hbm>>, %arg6: memref<40x64xi32, #tpu.memory_space<vmem>>, %arg7: memref<40x64xi32, #tpu.memory_space<vmem>>, %arg8: memref<64x128xf32, #tpu.memory_space<vmem>>, %arg9: memref<64x128xf32, #tpu.memory_space<vmem>>, %arg10: memref<64x128xf32, #tpu.memory_space<vmem>>, %arg11: memref<64x128xf32, #tpu.memory_space<vmem>>, %arg12: memref<10240x128xf32, #tpu.memory_space<vmem_shared>>, %arg13: memref<!tpu.dma_semaphore, #tpu.memory_space<semaphore_mem>>, %arg14: memref<!tpu.dma_semaphore, #tpu.memory_space<semaphore_mem>>, %arg15: memref<!tpu.dma_semaphore, #tpu.memory_space<semaphore_mem>>, %arg16: memref<!tpu.dma_semaphore, #tpu.memory_space<semaphore_mem>>) attributes {dimension_semantics = [#tpu.dimension_semantics<core_parallel>, #tpu.dimension_semantics<subcore_parallel>], iteration_bounds = array<i64: 2, 16>, scalar_prefetch = 0 : i64, scratch_operands = 11 : i64, tpu.core_type = #tpu.core_type<sc_vector_subcore>, window_params = [{transform_indices = #map}, {transform_indices = #map}, {transform_indices = #map}, {transform_indices = #map}]} {
    %mul3A = arith.constant 16 : i32
    %mul3A_0 = arith.muli %arg0, %mul3A : i32
    %add3A = arith.addi %mul3A_0, %arg1 : i32
    %scan3A = arith.constant 0 : i32
    %scan3A_1 = arith.constant 0 : i32
    %scan3A_2 = arith.constant 64 : i32
    %scan3A_3 = arith.addi %scan3A_1, %scan3A_2 : i32
    %scan3A_4 = arith.constant 1 : i32
    %scan3A_5 = scf.for %scan3A_336 = %scan3A_1 to %scan3A_3 step %scan3A_4 iter_args(%scan3A_337 = %scan3A) -> (i32)  : i32 {
      %broadcast_in_dim3A = arith.constant 0.000000e+00 : f32
      %broadcast_in_dim3A_338 = vector.broadcast %broadcast_in_dim3A : f32 to vector<16xf32>
      %swap3A = arith.index_cast %scan3A_336 : i32 to index
      %swap3A_339 = arith.constant 0 : index
      %swap3A_340 = tpu.vector_load %arg8[%swap3A, %swap3A_339] {strides = array<i32>} : memref<64x128xf32, #tpu.memory_space<vmem>>, vector<16xf32>,
      tpu.vector_store %arg8[%swap3A, %swap3A_339], %broadcast_in_dim3A_338 {strides = array<i32>} : memref<64x128xf32, #tpu.memory_space<vmem>>, vector<16xf32>,
      %broadcast_in_dim3A_341 = arith.constant 0.000000e+00 : f32
      %broadcast_in_dim3A_342 = vector.broadcast %broadcast_in_dim3A_341 : f32 to vector<16xf32>
      %swap3A_343 = arith.index_cast %scan3A_336 : i32 to index
      %swap3A_344 = arith.constant 16 : index
      %swap3A_345 = tpu.vector_load %arg8[%swap3A_343, %swap3A_344] {strides = array<i32>} : memref<64x128xf32, #tpu.memory_space<vmem>>, vector<16xf32>,
      tpu.vector_store %arg8[%swap3A_343, %swap3A_344], %broadcast_in_dim3A_342 {strides = array<i32>} : memref<64x128xf32, #tpu.memory_space<vmem>>, vector<16xf32>,
      %broadcast_in_dim3A_346 = arith.constant 0.000000e+00 : f32
      %broadcast_in_dim3A_347 = vector.broadcast %broadcast_in_dim3A_346 : f32 to vector<16xf32>
      %swap3A_348 = arith.index_cast %scan3A_336 : i32 to index
      %swap3A_349 = arith.constant 32 : index
      %swap3A_350 = tpu.vector_load %arg8[%swap3A_348, %swap3A_349] {strides = array<i32>} : memref<64x128xf32, #tpu.memory_space<vmem>>, vector<16xf32>,
      tpu.vector_store %arg8[%swap3A_348, %swap3A_349], %broadcast_in_dim3A_347 {strides = array<i32>} : memref<64x128xf32, #tpu.memory_space<vmem>>, vector<16xf32>,
      %broadcast_in_dim3A_351 = arith.constant 0.000000e+00 : f32
      %broadcast_in_dim3A_352 = vector.broadcast %broadcast_in_dim3A_351 : f32 to vector<16xf32>
      %swap3A_353 = arith.index_cast %scan3A_336 : i32 to index
      %swap3A_354 = arith.constant 48 : index
      %swap3A_355 = tpu.vector_load %arg8[%swap3A_353, %swap3A_354] {strides = array<i32>} : memref<64x128xf32, #tpu.memory_space<vmem>>, vector<16xf32>,
      tpu.vector_store %arg8[%swap3A_353, %swap3A_354], %broadcast_in_dim3A_352 {strides = array<i32>} : memref<64x128xf32, #tpu.memory_space<vmem>>, vector<16xf32>,
      %broadcast_in_dim3A_356 = arith.constant 0.000000e+00 : f32
      %broadcast_in_dim3A_357 = vector.broadcast %broadcast_in_dim3A_356 : f32 to vector<16xf32>
      %swap3A_358 = arith.index_cast %scan3A_336 : i32 to index
      %swap3A_359 = arith.constant 64 : index
      %swap3A_360 = tpu.vector_load %arg8[%swap3A_358, %swap3A_359] {strides = array<i32>} : memref<64x128xf32, #tpu.memory_space<vmem>>, vector<16xf32>,
      tpu.vector_store %arg8[%swap3A_358, %swap3A_359], %broadcast_in_dim3A_357 {strides = array<i32>} : memref<64x128xf32, #tpu.memory_space<vmem>>, vector<16xf32>,
      %broadcast_in_dim3A_361 = arith.constant 0.000000e+00 : f32
      %broadcast_in_dim3A_362 = vector.broadcast %broadcast_in_dim3A_361 : f32 to vector<16xf32>
      %swap3A_363 = arith.index_cast %scan3A_336 : i32 to index
      %swap3A_364 = arith.constant 80 : index
      %swap3A_365 = tpu.vector_load %arg8[%swap3A_363, %swap3A_364] {strides = array<i32>} : memref<64x128xf32, #tpu.memory_space<vmem>>, vector<16xf32>,
      tpu.vector_store %arg8[%swap3A_363, %swap3A_364], %broadcast_in_dim3A_362 {strides = array<i32>} : memref<64x128xf32, #tpu.memory_space<vmem>>, vector<16xf32>,
      %broadcast_in_dim3A_366 = arith.constant 0.000000e+00 : f32
      %broadcast_in_dim3A_367 = vector.broadcast %broadcast_in_dim3A_366 : f32 to vector<16xf32>
      %swap3A_368 = arith.index_cast %scan3A_336 : i32 to index
      %swap3A_369 = arith.constant 96 : index
      %swap3A_370 = tpu.vector_load %arg8[%swap3A_368, %swap3A_369] {strides = array<i32>} : memref<64x128xf32, #tpu.memory_space<vmem>>, vector<16xf32>,
      tpu.vector_store %arg8[%swap3A_368, %swap3A_369], %broadcast_in_dim3A_367 {strides = array<i32>} : memref<64x128xf32, #tpu.memory_space<vmem>>, vector<16xf32>,
      %broadcast_in_dim3A_371 = arith.constant 0.000000e+00 : f32
      %broadcast_in_dim3A_372 = vector.broadcast %broadcast_in_dim3A_371 : f32 to vector<16xf32>
      %swap3A_373 = arith.index_cast %scan3A_336 : i32 to index
      %swap3A_374 = arith.constant 112 : index
      %swap3A_375 = tpu.vector_load %arg8[%swap3A_373, %swap3A_374] {strides = array<i32>} : memref<64x128xf32, #tpu.memory_space<vmem>>, vector<16xf32>,
      tpu.vector_store %arg8[%swap3A_373, %swap3A_374], %broadcast_in_dim3A_372 {strides = array<i32>} : memref<64x128xf32, #tpu.memory_space<vmem>>, vector<16xf32>,
      %scan3A_376 = arith.constant 0 : i32
      scf.yield %scan3A_376 : i32
    }
    %scan3A_6 = arith.constant 64 : i32
    %mul3A_7 = arith.constant 640 : i32
    %mul3A_8 = arith.muli %arg1, %mul3A_7 : i32
    %add3A_9 = arith.constant 0 : i32
    %add3A_10 = arith.addi %mul3A_8, %add3A_9 : i32
    "tpu.region"() ({
      %run_scoped3A_336 = tpu.sem_alloc : memref<!tpu.dma_semaphore, #tpu.memory_space<semaphore_mem>>
      %dma_start3A_337 = arith.constant 0 : i32
      %dma_start3A_338 = tpu.memref_slice %arg12[%add3A_10, %dma_start3A_337] : memref<10240x128xf32, #tpu.memory_space<vmem_shared>> -> memref<64x128xf32, #tpu.memory_space<vmem_shared>>
      %dma_start3A_339 = arith.constant 0 : i32
      %dma_start3A_340 = tpu.memref_slice %arg12[%add3A_10, %dma_start3A_339] : memref<10240x128xf32, #tpu.memory_space<vmem_shared>> -> memref<64x128xf32, #tpu.memory_space<vmem_shared>>
      tpu.enqueue_dma source(%arg8 : memref<64x128xf32, #tpu.memory_space<vmem>>) target(%dma_start3A_340 : memref<64x128xf32, #tpu.memory_space<vmem_shared>>) target_semaphore(%run_scoped3A_336 : memref<!tpu.dma_semaphore, #tpu.memory_space<semaphore_mem>>)
      %dma_wait3A_341 = arith.constant 0 : i32
      %dma_wait3A_342 = tpu.memref_slice %arg12[%add3A_10, %dma_wait3A_341] : memref<10240x128xf32, #tpu.memory_space<vmem_shared>> -> memref<64x128xf32, #tpu.memory_space<vmem_shared>>
      %dma_wait3A_343 = arith.constant 0 : i32
      %dma_wait3A_344 = tpu.memref_slice %arg12[%add3A_10, %dma_wait3A_343] : memref<10240x128xf32, #tpu.memory_space<vmem_shared>> -> memref<64x128xf32, #tpu.memory_space<vmem_shared>>
      tpu.wait_dma2 semaphore(%run_scoped3A_336 : memref<!tpu.dma_semaphore, #tpu.memory_space<semaphore_mem>>) src(%arg8 : memref<64x128xf32, #tpu.memory_space<vmem>>) dst(%dma_wait3A_344 : memref<64x128xf32, #tpu.memory_space<vmem_shared>>)
      tpu.yield
    }) : () -> ()
    %mul3A_11 = arith.constant 640 : i32
    %mul3A_12 = arith.muli %arg1, %mul3A_11 : i32
    %add3A_13 = arith.constant 64 : i32
    %add3A_14 = arith.addi %mul3A_12, %add3A_13 : i32
    "tpu.region"() ({
      %run_scoped3A_336 = tpu.sem_alloc : memref<!tpu.dma_semaphore, #tpu.memory_space<semaphore_mem>>
      %dma_start3A_337 = arith.constant 0 : i32
      %dma_start3A_338 = tpu.memref_slice %arg12[%add3A_14, %dma_start3A_337] : memref<10240x128xf32, #tpu.memory_space<vmem_shared>> -> memref<64x128xf32, #tpu.memory_space<vmem_shared>>
      %dma_start3A_339 = arith.constant 0 : i32
      %dma_start3A_340 = tpu.memref_slice %arg12[%add3A_14, %dma_start3A_339] : memref<10240x128xf32, #tpu.memory_space<vmem_shared>> -> memref<64x128xf32, #tpu.memory_space<vmem_shared>>
      tpu.enqueue_dma source(%arg8 : memref<64x128xf32, #tpu.memory_space<vmem>>) target(%dma_start3A_340 : memref<64x128xf32, #tpu.memory_space<vmem_shared>>) target_semaphore(%run_scoped3A_336 : memref<!tpu.dma_semaphore, #tpu.memory_space<semaphore_mem>>)
      %dma_wait3A_341 = arith.constant 0 : i32
      %dma_wait3A_342 = tpu.memref_slice %arg12[%add3A_14, %dma_wait3A_341] : memref<10240x128xf32, #tpu.memory_space<vmem_shared>> -> memref<64x128xf32, #tpu.memory_space<vmem_shared>>
      %dma_wait3A_343 = arith.constant 0 : i32
      %dma_wait3A_344 = tpu.memref_slice %arg12[%add3A_14, %dma_wait3A_343] : memref<10240x128xf32, #tpu.memory_space<vmem_shared>> -> memref<64x128xf32, #tpu.memory_space<vmem_shared>>
      tpu.wait_dma2 semaphore(%run_scoped3A_336 : memref<!tpu.dma_semaphore, #tpu.memory_space<semaphore_mem>>) src(%arg8 : memref<64x128xf32, #tpu.memory_space<vmem>>) dst(%dma_wait3A_344 : memref<64x128xf32, #tpu.memory_space<vmem_shared>>)
      tpu.yield
    }) : () -> ()
    %mul3A_15 = arith.constant 640 : i32
    %mul3A_16 = arith.muli %arg1, %mul3A_15 : i32
    %add3A_17 = arith.constant 128 : i32
    %add3A_18 = arith.addi %mul3A_16, %add3A_17 : i32
    "tpu.region"() ({
      %run_scoped3A_336 = tpu.sem_alloc : memref<!tpu.dma_semaphore, #tpu.memory_space<semaphore_mem>>
      %dma_start3A_337 = arith.constant 0 : i32
      %dma_start3A_338 = tpu.memref_slice %arg12[%add3A_18, %dma_start3A_337] : memref<10240x128xf32, #tpu.memory_space<vmem_shared>> -> memref<64x128xf32, #tpu.memory_space<vmem_shared>>
      %dma_start3A_339 = arith.constant 0 : i32
      %dma_start3A_340 = tpu.memref_slice %arg12[%add3A_18, %dma_start3A_339] : memref<10240x128xf32, #tpu.memory_space<vmem_shared>> -> memref<64x128xf32, #tpu.memory_space<vmem_shared>>
      tpu.enqueue_dma source(%arg8 : memref<64x128xf32, #tpu.memory_space<vmem>>) target(%dma_start3A_340 : memref<64x128xf32, #tpu.memory_space<vmem_shared>>) target_semaphore(%run_scoped3A_336 : memref<!tpu.dma_semaphore, #tpu.memory_space<semaphore_mem>>)
      %dma_wait3A_341 = arith.constant 0 : i32
      %dma_wait3A_342 = tpu.memref_slice %arg12[%add3A_18, %dma_wait3A_341] : memref<10240x128xf32, #tpu.memory_space<vmem_shared>> -> memref<64x128xf32, #tpu.memory_space<vmem_shared>>
      %dma_wait3A_343 = arith.constant 0 : i32
      %dma_wait3A_344 = tpu.memref_slice %arg12[%add3A_18, %dma_wait3A_343] : memref<10240x128xf32, #tpu.memory_space<vmem_shared>> -> memref<64x128xf32, #tpu.memory_space<vmem_shared>>
      tpu.wait_dma2 semaphore(%run_scoped3A_336 : memref<!tpu.dma_semaphore, #tpu.memory_space<semaphore_mem>>) src(%arg8 : memref<64x128xf32, #tpu.memory_space<vmem>>) dst(%dma_wait3A_344 : memref<64x128xf32, #tpu.memory_space<vmem_shared>>)
      tpu.yield
    }) : () -> ()
    %mul3A_19 = arith.constant 640 : i32
    %mul3A_20 = arith.muli %arg1, %mul3A_19 : i32
    %add3A_21 = arith.constant 192 : i32
    %add3A_22 = arith.addi %mul3A_20, %add3A_21 : i32
    "tpu.region"() ({
      %run_scoped3A_336 = tpu.sem_alloc : memref<!tpu.dma_semaphore, #tpu.memory_space<semaphore_mem>>
      %dma_start3A_337 = arith.constant 0 : i32
      %dma_start3A_338 = tpu.memref_slice %arg12[%add3A_22, %dma_start3A_337] : memref<10240x128xf32, #tpu.memory_space<vmem_shared>> -> memref<64x128xf32, #tpu.memory_space<vmem_shared>>
      %dma_start3A_339 = arith.constant 0 : i32
      %dma_start3A_340 = tpu.memref_slice %arg12[%add3A_22, %dma_start3A_339] : memref<10240x128xf32, #tpu.memory_space<vmem_shared>> -> memref<64x128xf32, #tpu.memory_space<vmem_shared>>
      tpu.enqueue_dma source(%arg8 : memref<64x128xf32, #tpu.memory_space<vmem>>) target(%dma_start3A_340 : memref<64x128xf32, #tpu.memory_space<vmem_shared>>) target_semaphore(%run_scoped3A_336 : memref<!tpu.dma_semaphore, #tpu.memory_space<semaphore_mem>>)
      %dma_wait3A_341 = arith.constant 0 : i32
      %dma_wait3A_342 = tpu.memref_slice %arg12[%add3A_22, %dma_wait3A_341] : memref<10240x128xf32, #tpu.memory_space<vmem_shared>> -> memref<64x128xf32, #tpu.memory_space<vmem_shared>>
      %dma_wait3A_343 = arith.constant 0 : i32
      %dma_wait3A_344 = tpu.memref_slice %arg12[%add3A_22, %dma_wait3A_343] : memref<10240x128xf32, #tpu.memory_space<vmem_shared>> -> memref<64x128xf32, #tpu.memory_space<vmem_shared>>
      tpu.wait_dma2 semaphore(%run_scoped3A_336 : memref<!tpu.dma_semaphore, #tpu.memory_space<semaphore_mem>>) src(%arg8 : memref<64x128xf32, #tpu.memory_space<vmem>>) dst(%dma_wait3A_344 : memref<64x128xf32, #tpu.memory_space<vmem_shared>>)
      tpu.yield
    }) : () -> ()
    %mul3A_23 = arith.constant 640 : i32
    %mul3A_24 = arith.muli %arg1, %mul3A_23 : i32
    %add3A_25 = arith.constant 256 : i32
    %add3A_26 = arith.addi %mul3A_24, %add3A_25 : i32
    "tpu.region"() ({
      %run_scoped3A_336 = tpu.sem_alloc : memref<!tpu.dma_semaphore, #tpu.memory_space<semaphore_mem>>
      %dma_start3A_337 = arith.constant 0 : i32
      %dma_start3A_338 = tpu.memref_slice %arg12[%add3A_26, %dma_start3A_337] : memref<10240x128xf32, #tpu.memory_space<vmem_shared>> -> memref<64x128xf32, #tpu.memory_space<vmem_shared>>
      %dma_start3A_339 = arith.constant 0 : i32
      %dma_start3A_340 = tpu.memref_slice %arg12[%add3A_26, %dma_start3A_339] : memref<10240x128xf32, #tpu.memory_space<vmem_shared>> -> memref<64x128xf32, #tpu.memory_space<vmem_shared>>
      tpu.enqueue_dma source(%arg8 : memref<64x128xf32, #tpu.memory_space<vmem>>) target(%dma_start3A_340 : memref<64x128xf32, #tpu.memory_space<vmem_shared>>) target_semaphore(%run_scoped3A_336 : memref<!tpu.dma_semaphore, #tpu.memory_space<semaphore_mem>>)
      %dma_wait3A_341 = arith.constant 0 : i32
      %dma_wait3A_342 = tpu.memref_slice %arg12[%add3A_26, %dma_wait3A_341] : memref<10240x128xf32, #tpu.memory_space<vmem_shared>> -> memref<64x128xf32, #tpu.memory_space<vmem_shared>>
      %dma_wait3A_343 = arith.constant 0 : i32
      %dma_wait3A_344 = tpu.memref_slice %arg12[%add3A_26, %dma_wait3A_343] : memref<10240x128xf32, #tpu.memory_space<vmem_shared>> -> memref<64x128xf32, #tpu.memory_space<vmem_shared>>
      tpu.wait_dma2 semaphore(%run_scoped3A_336 : memref<!tpu.dma_semaphore, #tpu.memory_space<semaphore_mem>>) src(%arg8 : memref<64x128xf32, #tpu.memory_space<vmem>>) dst(%dma_wait3A_344 : memref<64x128xf32, #tpu.memory_space<vmem_shared>>)
      tpu.yield
    }) : () -> ()
    %mul3A_27 = arith.constant 640 : i32
    %mul3A_28 = arith.muli %arg1, %mul3A_27 : i32
    %add3A_29 = arith.constant 320 : i32
    %add3A_30 = arith.addi %mul3A_28, %add3A_29 : i32
    "tpu.region"() ({
      %run_scoped3A_336 = tpu.sem_alloc : memref<!tpu.dma_semaphore, #tpu.memory_space<semaphore_mem>>
      %dma_start3A_337 = arith.constant 0 : i32
      %dma_start3A_338 = tpu.memref_slice %arg12[%add3A_30, %dma_start3A_337] : memref<10240x128xf32, #tpu.memory_space<vmem_shared>> -> memref<64x128xf32, #tpu.memory_space<vmem_shared>>
      %dma_start3A_339 = arith.constant 0 : i32
      %dma_start3A_340 = tpu.memref_slice %arg12[%add3A_30, %dma_start3A_339] : memref<10240x128xf32, #tpu.memory_space<vmem_shared>> -> memref<64x128xf32, #tpu.memory_space<vmem_shared>>
      tpu.enqueue_dma source(%arg8 : memref<64x128xf32, #tpu.memory_space<vmem>>) target(%dma_start3A_340 : memref<64x128xf32, #tpu.memory_space<vmem_shared>>) target_semaphore(%run_scoped3A_336 : memref<!tpu.dma_semaphore, #tpu.memory_space<semaphore_mem>>)
      %dma_wait3A_341 = arith.constant 0 : i32
      %dma_wait3A_342 = tpu.memref_slice %arg12[%add3A_30, %dma_wait3A_341] : memref<10240x128xf32, #tpu.memory_space<vmem_shared>> -> memref<64x128xf32, #tpu.memory_space<vmem_shared>>
      %dma_wait3A_343 = arith.constant 0 : i32
      %dma_wait3A_344 = tpu.memref_slice %arg12[%add3A_30, %dma_wait3A_343] : memref<10240x128xf32, #tpu.memory_space<vmem_shared>> -> memref<64x128xf32, #tpu.memory_space<vmem_shared>>
      tpu.wait_dma2 semaphore(%run_scoped3A_336 : memref<!tpu.dma_semaphore, #tpu.memory_space<semaphore_mem>>) src(%arg8 : memref<64x128xf32, #tpu.memory_space<vmem>>) dst(%dma_wait3A_344 : memref<64x128xf32, #tpu.memory_space<vmem_shared>>)
      tpu.yield
    }) : () -> ()
    %mul3A_31 = arith.constant 640 : i32
    %mul3A_32 = arith.muli %arg1, %mul3A_31 : i32
    %add3A_33 = arith.constant 384 : i32
    %add3A_34 = arith.addi %mul3A_32, %add3A_33 : i32
    "tpu.region"() ({
      %run_scoped3A_336 = tpu.sem_alloc : memref<!tpu.dma_semaphore, #tpu.memory_space<semaphore_mem>>
      %dma_start3A_337 = arith.constant 0 : i32
      %dma_start3A_338 = tpu.memref_slice %arg12[%add3A_34, %dma_start3A_337] : memref<10240x128xf32, #tpu.memory_space<vmem_shared>> -> memref<64x128xf32, #tpu.memory_space<vmem_shared>>
      %dma_start3A_339 = arith.constant 0 : i32
      %dma_start3A_340 = tpu.memref_slice %arg12[%add3A_34, %dma_start3A_339] : memref<10240x128xf32, #tpu.memory_space<vmem_shared>> -> memref<64x128xf32, #tpu.memory_space<vmem_shared>>
      tpu.enqueue_dma source(%arg8 : memref<64x128xf32, #tpu.memory_space<vmem>>) target(%dma_start3A_340 : memref<64x128xf32, #tpu.memory_space<vmem_shared>>) target_semaphore(%run_scoped3A_336 : memref<!tpu.dma_semaphore, #tpu.memory_space<semaphore_mem>>)
      %dma_wait3A_341 = arith.constant 0 : i32
      %dma_wait3A_342 = tpu.memref_slice %arg12[%add3A_34, %dma_wait3A_341] : memref<10240x128xf32, #tpu.memory_space<vmem_shared>> -> memref<64x128xf32, #tpu.memory_space<vmem_shared>>
      %dma_wait3A_343 = arith.constant 0 : i32
      %dma_wait3A_344 = tpu.memref_slice %arg12[%add3A_34, %dma_wait3A_343] : memref<10240x128xf32, #tpu.memory_space<vmem_shared>> -> memref<64x128xf32, #tpu.memory_space<vmem_shared>>
      tpu.wait_dma2 semaphore(%run_scoped3A_336 : memref<!tpu.dma_semaphore, #tpu.memory_space<semaphore_mem>>) src(%arg8 : memref<64x128xf32, #tpu.memory_space<vmem>>) dst(%dma_wait3A_344 : memref<64x128xf32, #tpu.memory_space<vmem_shared>>)
      tpu.yield
    }) : () -> ()
    %mul3A_35 = arith.constant 640 : i32
    %mul3A_36 = arith.muli %arg1, %mul3A_35 : i32
    %add3A_37 = arith.constant 448 : i32
    %add3A_38 = arith.addi %mul3A_36, %add3A_37 : i32
    "tpu.region"() ({
      %run_scoped3A_336 = tpu.sem_alloc : memref<!tpu.dma_semaphore, #tpu.memory_space<semaphore_mem>>
      %dma_start3A_337 = arith.constant 0 : i32
      %dma_start3A_338 = tpu.memref_slice %arg12[%add3A_38, %dma_start3A_337] : memref<10240x128xf32, #tpu.memory_space<vmem_shared>> -> memref<64x128xf32, #tpu.memory_space<vmem_shared>>
      %dma_start3A_339 = arith.constant 0 : i32
      %dma_start3A_340 = tpu.memref_slice %arg12[%add3A_38, %dma_start3A_339] : memref<10240x128xf32, #tpu.memory_space<vmem_shared>> -> memref<64x128xf32, #tpu.memory_space<vmem_shared>>
      tpu.enqueue_dma source(%arg8 : memref<64x128xf32, #tpu.memory_space<vmem>>) target(%dma_start3A_340 : memref<64x128xf32, #tpu.memory_space<vmem_shared>>) target_semaphore(%run_scoped3A_336 : memref<!tpu.dma_semaphore, #tpu.memory_space<semaphore_mem>>)
      %dma_wait3A_341 = arith.constant 0 : i32
      %dma_wait3A_342 = tpu.memref_slice %arg12[%add3A_38, %dma_wait3A_341] : memref<10240x128xf32, #tpu.memory_space<vmem_shared>> -> memref<64x128xf32, #tpu.memory_space<vmem_shared>>
      %dma_wait3A_343 = arith.constant 0 : i32
      %dma_wait3A_344 = tpu.memref_slice %arg12[%add3A_38, %dma_wait3A_343] : memref<10240x128xf32, #tpu.memory_space<vmem_shared>> -> memref<64x128xf32, #tpu.memory_space<vmem_shared>>
      tpu.wait_dma2 semaphore(%run_scoped3A_336 : memref<!tpu.dma_semaphore, #tpu.memory_space<semaphore_mem>>) src(%arg8 : memref<64x128xf32, #tpu.memory_space<vmem>>) dst(%dma_wait3A_344 : memref<64x128xf32, #tpu.memory_space<vmem_shared>>)
      tpu.yield
    }) : () -> ()
    %mul3A_39 = arith.constant 640 : i32
    %mul3A_40 = arith.muli %arg1, %mul3A_39 : i32
    %add3A_41 = arith.constant 512 : i32
    %add3A_42 = arith.addi %mul3A_40, %add3A_41 : i32
    "tpu.region"() ({
      %run_scoped3A_336 = tpu.sem_alloc : memref<!tpu.dma_semaphore, #tpu.memory_space<semaphore_mem>>
      %dma_start3A_337 = arith.constant 0 : i32
      %dma_start3A_338 = tpu.memref_slice %arg12[%add3A_42, %dma_start3A_337] : memref<10240x128xf32, #tpu.memory_space<vmem_shared>> -> memref<64x128xf32, #tpu.memory_space<vmem_shared>>
      %dma_start3A_339 = arith.constant 0 : i32
      %dma_start3A_340 = tpu.memref_slice %arg12[%add3A_42, %dma_start3A_339] : memref<10240x128xf32, #tpu.memory_space<vmem_shared>> -> memref<64x128xf32, #tpu.memory_space<vmem_shared>>
      tpu.enqueue_dma source(%arg8 : memref<64x128xf32, #tpu.memory_space<vmem>>) target(%dma_start3A_340 : memref<64x128xf32, #tpu.memory_space<vmem_shared>>) target_semaphore(%run_scoped3A_336 : memref<!tpu.dma_semaphore, #tpu.memory_space<semaphore_mem>>)
      %dma_wait3A_341 = arith.constant 0 : i32
      %dma_wait3A_342 = tpu.memref_slice %arg12[%add3A_42, %dma_wait3A_341] : memref<10240x128xf32, #tpu.memory_space<vmem_shared>> -> memref<64x128xf32, #tpu.memory_space<vmem_shared>>
      %dma_wait3A_343 = arith.constant 0 : i32
      %dma_wait3A_344 = tpu.memref_slice %arg12[%add3A_42, %dma_wait3A_343] : memref<10240x128xf32, #tpu.memory_space<vmem_shared>> -> memref<64x128xf32, #tpu.memory_space<vmem_shared>>
      tpu.wait_dma2 semaphore(%run_scoped3A_336 : memref<!tpu.dma_semaphore, #tpu.memory_space<semaphore_mem>>) src(%arg8 : memref<64x128xf32, #tpu.memory_space<vmem>>) dst(%dma_wait3A_344 : memref<64x128xf32, #tpu.memory_space<vmem_shared>>)
      tpu.yield
    }) : () -> ()
    %mul3A_43 = arith.constant 640 : i32
    %mul3A_44 = arith.muli %arg1, %mul3A_43 : i32
    %add3A_45 = arith.constant 576 : i32
    %add3A_46 = arith.addi %mul3A_44, %add3A_45 : i32
    "tpu.region"() ({
      %run_scoped3A_336 = tpu.sem_alloc : memref<!tpu.dma_semaphore, #tpu.memory_space<semaphore_mem>>
      %dma_start3A_337 = arith.constant 0 : i32
      %dma_start3A_338 = tpu.memref_slice %arg12[%add3A_46, %dma_start3A_337] : memref<10240x128xf32, #tpu.memory_space<vmem_shared>> -> memref<64x128xf32, #tpu.memory_space<vmem_shared>>
      %dma_start3A_339 = arith.constant 0 : i32
      %dma_start3A_340 = tpu.memref_slice %arg12[%add3A_46, %dma_start3A_339] : memref<10240x128xf32, #tpu.memory_space<vmem_shared>> -> memref<64x128xf32, #tpu.memory_space<vmem_shared>>
      tpu.enqueue_dma source(%arg8 : memref<64x128xf32, #tpu.memory_space<vmem>>) target(%dma_start3A_340 : memref<64x128xf32, #tpu.memory_space<vmem_shared>>) target_semaphore(%run_scoped3A_336 : memref<!tpu.dma_semaphore, #tpu.memory_space<semaphore_mem>>)
      %dma_wait3A_341 = arith.constant 0 : i32
      %dma_wait3A_342 = tpu.memref_slice %arg12[%add3A_46, %dma_wait3A_341] : memref<10240x128xf32, #tpu.memory_space<vmem_shared>> -> memref<64x128xf32, #tpu.memory_space<vmem_shared>>
      %dma_wait3A_343 = arith.constant 0 : i32
      %dma_wait3A_344 = tpu.memref_slice %arg12[%add3A_46, %dma_wait3A_343] : memref<10240x128xf32, #tpu.memory_space<vmem_shared>> -> memref<64x128xf32, #tpu.memory_space<vmem_shared>>
      tpu.wait_dma2 semaphore(%run_scoped3A_336 : memref<!tpu.dma_semaphore, #tpu.memory_space<semaphore_mem>>) src(%arg8 : memref<64x128xf32, #tpu.memory_space<vmem>>) dst(%dma_wait3A_344 : memref<64x128xf32, #tpu.memory_space<vmem_shared>>)
      tpu.yield
    }) : () -> ()
    %barrier3A = arith.constant 0 : index
    tpu.barrier barrier_id(%barrier3A)
    %mul3A_47 = arith.constant 160 : i32
    %mul3A_48 = arith.muli %add3A, %mul3A_47 : i32
    %add3A_49 = arith.constant 0 : i32
    %add3A_50 = arith.addi %mul3A_48, %add3A_49 : i32
    "tpu.region"() ({
      %run_scoped3A_336 = tpu.sem_alloc : memref<!tpu.dma_semaphore, #tpu.memory_space<semaphore_mem>>
      %dma_start3A_337 = arith.constant 0 : i32
      %dma_start3A_338 = tpu.memref_slice %arg3[%add3A_50, %dma_start3A_337] : memref<5120x64xi32, #tpu.memory_space<hbm>> -> memref<40x64xi32, #tpu.memory_space<hbm>>
      %dma_start3A_339 = arith.constant 0 : i32
      %dma_start3A_340 = tpu.memref_slice %arg3[%add3A_50, %dma_start3A_339] : memref<5120x64xi32, #tpu.memory_space<hbm>> -> memref<40x64xi32, #tpu.memory_space<hbm>>
      tpu.enqueue_dma source(%dma_start3A_340 : memref<40x64xi32, #tpu.memory_space<hbm>>) target(%arg6 : memref<40x64xi32, #tpu.memory_space<vmem>>) target_semaphore(%run_scoped3A_336 : memref<!tpu.dma_semaphore, #tpu.memory_space<semaphore_mem>>)
      %dma_wait3A_341 = arith.constant 0 : i32
      %dma_wait3A_342 = tpu.memref_slice %arg3[%add3A_50, %dma_wait3A_341] : memref<5120x64xi32, #tpu.memory_space<hbm>> -> memref<40x64xi32, #tpu.memory_space<hbm>>
      %dma_wait3A_343 = arith.constant 0 : i32
      %dma_wait3A_344 = tpu.memref_slice %arg3[%add3A_50, %dma_wait3A_343] : memref<5120x64xi32, #tpu.memory_space<hbm>> -> memref<40x64xi32, #tpu.memory_space<hbm>>
      tpu.wait_dma2 semaphore(%run_scoped3A_336 : memref<!tpu.dma_semaphore, #tpu.memory_space<semaphore_mem>>) src(%dma_wait3A_344 : memref<40x64xi32, #tpu.memory_space<hbm>>) dst(%arg6 : memref<40x64xi32, #tpu.memory_space<vmem>>)
      tpu.yield
    }) : () -> ()
    "tpu.region"() ({
      %run_scoped3A_336 = tpu.sem_alloc : memref<!tpu.dma_semaphore, #tpu.memory_space<semaphore_mem>>
      %dma_start3A_337 = arith.constant 0 : i32
      %dma_start3A_338 = tpu.memref_slice %arg4[%add3A_50, %dma_start3A_337] : memref<5120x64xi32, #tpu.memory_space<hbm>> -> memref<40x64xi32, #tpu.memory_space<hbm>>
      %dma_start3A_339 = arith.constant 0 : i32
      %dma_start3A_340 = tpu.memref_slice %arg4[%add3A_50, %dma_start3A_339] : memref<5120x64xi32, #tpu.memory_space<hbm>> -> memref<40x64xi32, #tpu.memory_space<hbm>>
      tpu.enqueue_dma source(%dma_start3A_340 : memref<40x64xi32, #tpu.memory_space<hbm>>) target(%arg7 : memref<40x64xi32, #tpu.memory_space<vmem>>) target_semaphore(%run_scoped3A_336 : memref<!tpu.dma_semaphore, #tpu.memory_space<semaphore_mem>>)
      %dma_wait3A_341 = arith.constant 0 : i32
      %dma_wait3A_342 = tpu.memref_slice %arg4[%add3A_50, %dma_wait3A_341] : memref<5120x64xi32, #tpu.memory_space<hbm>> -> memref<40x64xi32, #tpu.memory_space<hbm>>
      %dma_wait3A_343 = arith.constant 0 : i32
      %dma_wait3A_344 = tpu.memref_slice %arg4[%add3A_50, %dma_wait3A_343] : memref<5120x64xi32, #tpu.memory_space<hbm>> -> memref<40x64xi32, #tpu.memory_space<hbm>>
      tpu.wait_dma2 semaphore(%run_scoped3A_336 : memref<!tpu.dma_semaphore, #tpu.memory_space<semaphore_mem>>) src(%dma_wait3A_344 : memref<40x64xi32, #tpu.memory_space<hbm>>) dst(%arg7 : memref<40x64xi32, #tpu.memory_space<vmem>>)
      tpu.yield
    }) : () -> ()
    %dma_start3A = arith.constant 0 : i32
    %dma_start3A_51 = arith.constant 0 : i32
    %dma_start3A_52 = tpu.memref_slice %arg6[%dma_start3A, %dma_start3A_51] : memref<40x64xi32, #tpu.memory_space<vmem>> -> memref<1x64xi32, #tpu.memory_space<vmem>>
    %dma_start3A_53 = tpu.memref_squeeze %dma_start3A_52 : memref<1x64xi32, #tpu.memory_space<vmem>> -> memref<64xi32, #tpu.memory_space<vmem>>
    %dma_start3A_54 = arith.constant 0 : i32
    %dma_start3A_55 = arith.constant 0 : i32
    %dma_start3A_56 = tpu.memref_slice %arg2[%dma_start3A_54, %dma_start3A_55] : memref<10240x128xf32, #tpu.memory_space<hbm>> -> memref<10240x128xf32, #tpu.memory_space<hbm>>
    tpu.enqueue_indirect_dma source(%dma_start3A_56 : memref<10240x128xf32, #tpu.memory_space<hbm>>) target(%arg8 : memref<64x128xf32, #tpu.memory_space<vmem>>) offsets(%dma_start3A_53 : memref<64xi32, #tpu.memory_space<vmem>>) semaphore(%arg13 : memref<!tpu.dma_semaphore, #tpu.memory_space<semaphore_mem>>)
    %dma_start3A_57 = arith.constant 1 : i32
    %dma_start3A_58 = arith.constant 0 : i32
    %dma_start3A_59 = tpu.memref_slice %arg6[%dma_start3A_57, %dma_start3A_58] : memref<40x64xi32, #tpu.memory_space<vmem>> -> memref<1x64xi32, #tpu.memory_space<vmem>>
    %dma_start3A_60 = tpu.memref_squeeze %dma_start3A_59 : memref<1x64xi32, #tpu.memory_space<vmem>> -> memref<64xi32, #tpu.memory_space<vmem>>
    %dma_start3A_61 = arith.constant 0 : i32
    %dma_start3A_62 = arith.constant 0 : i32
    %dma_start3A_63 = tpu.memref_slice %arg2[%dma_start3A_61, %dma_start3A_62] : memref<10240x128xf32, #tpu.memory_space<hbm>> -> memref<10240x128xf32, #tpu.memory_space<hbm>>
    tpu.enqueue_indirect_dma source(%dma_start3A_63 : memref<10240x128xf32, #tpu.memory_space<hbm>>) target(%arg9 : memref<64x128xf32, #tpu.memory_space<vmem>>) offsets(%dma_start3A_60 : memref<64xi32, #tpu.memory_space<vmem>>) semaphore(%arg14 : memref<!tpu.dma_semaphore, #tpu.memory_space<semaphore_mem>>)
    %dma_start3A_64 = arith.constant 2 : i32
    %dma_start3A_65 = arith.constant 0 : i32
    %dma_start3A_66 = tpu.memref_slice %arg6[%dma_start3A_64, %dma_start3A_65] : memref<40x64xi32, #tpu.memory_space<vmem>> -> memref<1x64xi32, #tpu.memory_space<vmem>>
    %dma_start3A_67 = tpu.memref_squeeze %dma_start3A_66 : memref<1x64xi32, #tpu.memory_space<vmem>> -> memref<64xi32, #tpu.memory_space<vmem>>
    %dma_start3A_68 = arith.constant 0 : i32
    %dma_start3A_69 = arith.constant 0 : i32
    %dma_start3A_70 = tpu.memref_slice %arg2[%dma_start3A_68, %dma_start3A_69] : memref<10240x128xf32, #tpu.memory_space<hbm>> -> memref<10240x128xf32, #tpu.memory_space<hbm>>
    tpu.enqueue_indirect_dma source(%dma_start3A_70 : memref<10240x128xf32, #tpu.memory_space<hbm>>) target(%arg10 : memref<64x128xf32, #tpu.memory_space<vmem>>) offsets(%dma_start3A_67 : memref<64xi32, #tpu.memory_space<vmem>>) semaphore(%arg15 : memref<!tpu.dma_semaphore, #tpu.memory_space<semaphore_mem>>)
    %dma_start3A_71 = arith.constant 3 : i32
    %dma_start3A_72 = arith.constant 0 : i32
    %dma_start3A_73 = tpu.memref_slice %arg6[%dma_start3A_71, %dma_start3A_72] : memref<40x64xi32, #tpu.memory_space<vmem>> -> memref<1x64xi32, #tpu.memory_space<vmem>>
    %dma_start3A_74 = tpu.memref_squeeze %dma_start3A_73 : memref<1x64xi32, #tpu.memory_space<vmem>> -> memref<64xi32, #tpu.memory_space<vmem>>
    %dma_start3A_75 = arith.constant 0 : i32
    %dma_start3A_76 = arith.constant 0 : i32
    %dma_start3A_77 = tpu.memref_slice %arg2[%dma_start3A_75, %dma_start3A_76] : memref<10240x128xf32, #tpu.memory_space<hbm>> -> memref<10240x128xf32, #tpu.memory_space<hbm>>
    tpu.enqueue_indirect_dma source(%dma_start3A_77 : memref<10240x128xf32, #tpu.memory_space<hbm>>) target(%arg11 : memref<64x128xf32, #tpu.memory_space<vmem>>) offsets(%dma_start3A_74 : memref<64xi32, #tpu.memory_space<vmem>>) semaphore(%arg16 : memref<!tpu.dma_semaphore, #tpu.memory_space<semaphore_mem>>)
    %scan3A_78 = arith.constant 0 : i32
    %scan3A_79 = arith.constant 0 : i32
    %scan3A_80 = arith.constant 9 : i32
    %scan3A_81 = arith.addi %scan3A_79, %scan3A_80 : i32
    %scan3A_82 = arith.constant 1 : i32
    %scan3A_83 = scf.for %scan3A_336 = %scan3A_79 to %scan3A_81 step %scan3A_82 iter_args(%scan3A_337 = %scan3A_78) -> (i32)  : i32 {
      %mul3A_338 = arith.constant 4 : i32
      %mul3A_339 = arith.muli %mul3A_338, %scan3A_336 : i32
      %dma_wait3A_340 = arith.constant 0 : i32
      %dma_wait3A_341 = tpu.memref_slice %arg6[%mul3A_339, %dma_wait3A_340] : memref<40x64xi32, #tpu.memory_space<vmem>> -> memref<1x64xi32, #tpu.memory_space<vmem>>
      %dma_wait3A_342 = tpu.memref_squeeze %dma_wait3A_341 : memref<1x64xi32, #tpu.memory_space<vmem>> -> memref<64xi32, #tpu.memory_space<vmem>>
      %dma_wait3A_343 = arith.constant 0 : i32
      %dma_wait3A_344 = arith.constant 0 : i32
      %dma_wait3A_345 = tpu.memref_slice %arg2[%dma_wait3A_343, %dma_wait3A_344] : memref<10240x128xf32, #tpu.memory_space<hbm>> -> memref<10240x128xf32, #tpu.memory_space<hbm>>
      tpu.wait_indirect_dma semaphore(%arg13 : memref<!tpu.dma_semaphore, #tpu.memory_space<semaphore_mem>>) src(%dma_wait3A_345 : memref<10240x128xf32, #tpu.memory_space<hbm>>) dst(%arg8 : memref<64x128xf32, #tpu.memory_space<vmem>>)
      "tpu.region"() ({
        %run_scoped3A_403 = tpu.sem_alloc : memref<!tpu.dma_semaphore, #tpu.memory_space<semaphore_mem>>
        %dma_start3A_404 = arith.constant 0 : i32
        %dma_start3A_405 = tpu.memref_slice %arg7[%mul3A_339, %dma_start3A_404] : memref<40x64xi32, #tpu.memory_space<vmem>> -> memref<1x64xi32, #tpu.memory_space<vmem>>
        %dma_start3A_406 = tpu.memref_squeeze %dma_start3A_405 : memref<1x64xi32, #tpu.memory_space<vmem>> -> memref<64xi32, #tpu.memory_space<vmem>>
        %dma_start3A_407 = arith.constant 0 : i32
        %dma_start3A_408 = arith.constant 0 : i32
        %dma_start3A_409 = tpu.memref_slice %arg12[%dma_start3A_407, %dma_start3A_408] : memref<10240x128xf32, #tpu.memory_space<vmem_shared>> -> memref<10240x128xf32, #tpu.memory_space<vmem_shared>>
        tpu.enqueue_indirect_dma source(%arg8 : memref<64x128xf32, #tpu.memory_space<vmem>>) target(%dma_start3A_409 : memref<10240x128xf32, #tpu.memory_space<vmem_shared>>) offsets(%dma_start3A_406 : memref<64xi32, #tpu.memory_space<vmem>>) semaphore(%run_scoped3A_403 : memref<!tpu.dma_semaphore, #tpu.memory_space<semaphore_mem>>) {add = true}
        %dma_wait3A_410 = arith.constant 0 : i32
        %dma_wait3A_411 = tpu.memref_slice %arg7[%mul3A_339, %dma_wait3A_410] : memref<40x64xi32, #tpu.memory_space<vmem>> -> memref<1x64xi32, #tpu.memory_space<vmem>>
        %dma_wait3A_412 = tpu.memref_squeeze %dma_wait3A_411 : memref<1x64xi32, #tpu.memory_space<vmem>> -> memref<64xi32, #tpu.memory_space<vmem>>
        %dma_wait3A_413 = arith.constant 0 : i32
        %dma_wait3A_414 = arith.constant 0 : i32
        %dma_wait3A_415 = tpu.memref_slice %arg12[%dma_wait3A_413, %dma_wait3A_414] : memref<10240x128xf32, #tpu.memory_space<vmem_shared>> -> memref<10240x128xf32, #tpu.memory_space<vmem_shared>>
        tpu.wait_indirect_dma semaphore(%run_scoped3A_403 : memref<!tpu.dma_semaphore, #tpu.memory_space<semaphore_mem>>) src(%arg8 : memref<64x128xf32, #tpu.memory_space<vmem>>) dst(%dma_wait3A_415 : memref<10240x128xf32, #tpu.memory_space<vmem_shared>>)
        tpu.yield
      }) : () -> ()
      %add3A_346 = arith.constant 4 : i32
      %add3A_347 = arith.addi %mul3A_339, %add3A_346 : i32
      %dma_start3A_348 = arith.constant 0 : i32
      %dma_start3A_349 = tpu.memref_slice %arg6[%add3A_347, %dma_start3A_348] : memref<40x64xi32, #tpu.memory_space<vmem>> -> memref<1x64xi32, #tpu.memory_space<vmem>>
      %dma_start3A_350 = tpu.memref_squeeze %dma_start3A_349 : memref<1x64xi32, #tpu.memory_space<vmem>> -> memref<64xi32, #tpu.memory_space<vmem>>
      %dma_start3A_351 = arith.constant 0 : i32
      %dma_start3A_352 = arith.constant 0 : i32
      %dma_start3A_353 = tpu.memref_slice %arg2[%dma_start3A_351, %dma_start3A_352] : memref<10240x128xf32, #tpu.memory_space<hbm>> -> memref<10240x128xf32, #tpu.memory_space<hbm>>
      tpu.enqueue_indirect_dma source(%dma_start3A_353 : memref<10240x128xf32, #tpu.memory_space<hbm>>) target(%arg8 : memref<64x128xf32, #tpu.memory_space<vmem>>) offsets(%dma_start3A_350 : memref<64xi32, #tpu.memory_space<vmem>>) semaphore(%arg13 : memref<!tpu.dma_semaphore, #tpu.memory_space<semaphore_mem>>)
      %add3A_354 = arith.constant 1 : i32
      %add3A_355 = arith.addi %mul3A_339, %add3A_354 : i32
      %dma_wait3A_356 = arith.constant 0 : i32
      %dma_wait3A_357 = tpu.memref_slice %arg6[%add3A_355, %dma_wait3A_356] : memref<40x64xi32, #tpu.memory_space<vmem>> -> memref<1x64xi32, #tpu.memory_space<vmem>>
      %dma_wait3A_358 = tpu.memref_squeeze %dma_wait3A_357 : memref<1x64xi32, #tpu.memory_space<vmem>> -> memref<64xi32, #tpu.memory_space<vmem>>
      %dma_wait3A_359 = arith.constant 0 : i32
      %dma_wait3A_360 = arith.constant 0 : i32
      %dma_wait3A_361 = tpu.memref_slice %arg2[%dma_wait3A_359, %dma_wait3A_360] : memref<10240x128xf32, #tpu.memory_space<hbm>> -> memref<10240x128xf32, #tpu.memory_space<hbm>>
      tpu.wait_indirect_dma semaphore(%arg14 : memref<!tpu.dma_semaphore, #tpu.memory_space<semaphore_mem>>) src(%dma_wait3A_361 : memref<10240x128xf32, #tpu.memory_space<hbm>>) dst(%arg9 : memref<64x128xf32, #tpu.memory_space<vmem>>)
      "tpu.region"() ({
        %run_scoped3A_403 = tpu.sem_alloc : memref<!tpu.dma_semaphore, #tpu.memory_space<semaphore_mem>>
        %dma_start3A_404 = arith.constant 0 : i32
        %dma_start3A_405 = tpu.memref_slice %arg7[%add3A_355, %dma_start3A_404] : memref<40x64xi32, #tpu.memory_space<vmem>> -> memref<1x64xi32, #tpu.memory_space<vmem>>
        %dma_start3A_406 = tpu.memref_squeeze %dma_start3A_405 : memref<1x64xi32, #tpu.memory_space<vmem>> -> memref<64xi32, #tpu.memory_space<vmem>>
        %dma_start3A_407 = arith.constant 0 : i32
        %dma_start3A_408 = arith.constant 0 : i32
        %dma_start3A_409 = tpu.memref_slice %arg12[%dma_start3A_407, %dma_start3A_408] : memref<10240x128xf32, #tpu.memory_space<vmem_shared>> -> memref<10240x128xf32, #tpu.memory_space<vmem_shared>>
        tpu.enqueue_indirect_dma source(%arg9 : memref<64x128xf32, #tpu.memory_space<vmem>>) target(%dma_start3A_409 : memref<10240x128xf32, #tpu.memory_space<vmem_shared>>) offsets(%dma_start3A_406 : memref<64xi32, #tpu.memory_space<vmem>>) semaphore(%run_scoped3A_403 : memref<!tpu.dma_semaphore, #tpu.memory_space<semaphore_mem>>) {add = true}
        %dma_wait3A_410 = arith.constant 0 : i32
        %dma_wait3A_411 = tpu.memref_slice %arg7[%add3A_355, %dma_wait3A_410] : memref<40x64xi32, #tpu.memory_space<vmem>> -> memref<1x64xi32, #tpu.memory_space<vmem>>
        %dma_wait3A_412 = tpu.memref_squeeze %dma_wait3A_411 : memref<1x64xi32, #tpu.memory_space<vmem>> -> memref<64xi32, #tpu.memory_space<vmem>>
        %dma_wait3A_413 = arith.constant 0 : i32
        %dma_wait3A_414 = arith.constant 0 : i32
        %dma_wait3A_415 = tpu.memref_slice %arg12[%dma_wait3A_413, %dma_wait3A_414] : memref<10240x128xf32, #tpu.memory_space<vmem_shared>> -> memref<10240x128xf32, #tpu.memory_space<vmem_shared>>
        tpu.wait_indirect_dma semaphore(%run_scoped3A_403 : memref<!tpu.dma_semaphore, #tpu.memory_space<semaphore_mem>>) src(%arg9 : memref<64x128xf32, #tpu.memory_space<vmem>>) dst(%dma_wait3A_415 : memref<10240x128xf32, #tpu.memory_space<vmem_shared>>)
        tpu.yield
      }) : () -> ()
      %add3A_362 = arith.constant 5 : i32
      %add3A_363 = arith.addi %mul3A_339, %add3A_362 : i32
      %dma_start3A_364 = arith.constant 0 : i32
      %dma_start3A_365 = tpu.memref_slice %arg6[%add3A_363, %dma_start3A_364] : memref<40x64xi32, #tpu.memory_space<vmem>> -> memref<1x64xi32, #tpu.memory_space<vmem>>
      %dma_start3A_366 = tpu.memref_squeeze %dma_start3A_365 : memref<1x64xi32, #tpu.memory_space<vmem>> -> memref<64xi32, #tpu.memory_space<vmem>>
      %dma_start3A_367 = arith.constant 0 : i32
      %dma_start3A_368 = arith.constant 0 : i32
      %dma_start3A_369 = tpu.memref_slice %arg2[%dma_start3A_367, %dma_start3A_368] : memref<10240x128xf32, #tpu.memory_space<hbm>> -> memref<10240x128xf32, #tpu.memory_space<hbm>>
      tpu.enqueue_indirect_dma source(%dma_start3A_369 : memref<10240x128xf32, #tpu.memory_space<hbm>>) target(%arg9 : memref<64x128xf32, #tpu.memory_space<vmem>>) offsets(%dma_start3A_366 : memref<64xi32, #tpu.memory_space<vmem>>) semaphore(%arg14 : memref<!tpu.dma_semaphore, #tpu.memory_space<semaphore_mem>>)
      %add3A_370 = arith.constant 2 : i32
      %add3A_371 = arith.addi %mul3A_339, %add3A_370 : i32
      %dma_wait3A_372 = arith.constant 0 : i32
      %dma_wait3A_373 = tpu.memref_slice %arg6[%add3A_371, %dma_wait3A_372] : memref<40x64xi32, #tpu.memory_space<vmem>> -> memref<1x64xi32, #tpu.memory_space<vmem>>
      %dma_wait3A_374 = tpu.memref_squeeze %dma_wait3A_373 : memref<1x64xi32, #tpu.memory_space<vmem>> -> memref<64xi32, #tpu.memory_space<vmem>>
      %dma_wait3A_375 = arith.constant 0 : i32
      %dma_wait3A_376 = arith.constant 0 : i32
      %dma_wait3A_377 = tpu.memref_slice %arg2[%dma_wait3A_375, %dma_wait3A_376] : memref<10240x128xf32, #tpu.memory_space<hbm>> -> memref<10240x128xf32, #tpu.memory_space<hbm>>
      tpu.wait_indirect_dma semaphore(%arg15 : memref<!tpu.dma_semaphore, #tpu.memory_space<semaphore_mem>>) src(%dma_wait3A_377 : memref<10240x128xf32, #tpu.memory_space<hbm>>) dst(%arg10 : memref<64x128xf32, #tpu.memory_space<vmem>>)
      "tpu.region"() ({
        %run_scoped3A_403 = tpu.sem_alloc : memref<!tpu.dma_semaphore, #tpu.memory_space<semaphore_mem>>
        %dma_start3A_404 = arith.constant 0 : i32
        %dma_start3A_405 = tpu.memref_slice %arg7[%add3A_371, %dma_start3A_404] : memref<40x64xi32, #tpu.memory_space<vmem>> -> memref<1x64xi32, #tpu.memory_space<vmem>>
        %dma_start3A_406 = tpu.memref_squeeze %dma_start3A_405 : memref<1x64xi32, #tpu.memory_space<vmem>> -> memref<64xi32, #tpu.memory_space<vmem>>
        %dma_start3A_407 = arith.constant 0 : i32
        %dma_start3A_408 = arith.constant 0 : i32
        %dma_start3A_409 = tpu.memref_slice %arg12[%dma_start3A_407, %dma_start3A_408] : memref<10240x128xf32, #tpu.memory_space<vmem_shared>> -> memref<10240x128xf32, #tpu.memory_space<vmem_shared>>
        tpu.enqueue_indirect_dma source(%arg10 : memref<64x128xf32, #tpu.memory_space<vmem>>) target(%dma_start3A_409 : memref<10240x128xf32, #tpu.memory_space<vmem_shared>>) offsets(%dma_start3A_406 : memref<64xi32, #tpu.memory_space<vmem>>) semaphore(%run_scoped3A_403 : memref<!tpu.dma_semaphore, #tpu.memory_space<semaphore_mem>>) {add = true}
        %dma_wait3A_410 = arith.constant 0 : i32
        %dma_wait3A_411 = tpu.memref_slice %arg7[%add3A_371, %dma_wait3A_410] : memref<40x64xi32, #tpu.memory_space<vmem>> -> memref<1x64xi32, #tpu.memory_space<vmem>>
        %dma_wait3A_412 = tpu.memref_squeeze %dma_wait3A_411 : memref<1x64xi32, #tpu.memory_space<vmem>> -> memref<64xi32, #tpu.memory_space<vmem>>
        %dma_wait3A_413 = arith.constant 0 : i32
        %dma_wait3A_414 = arith.constant 0 : i32
        %dma_wait3A_415 = tpu.memref_slice %arg12[%dma_wait3A_413, %dma_wait3A_414] : memref<10240x128xf32, #tpu.memory_space<vmem_shared>> -> memref<10240x128xf32, #tpu.memory_space<vmem_shared>>
        tpu.wait_indirect_dma semaphore(%run_scoped3A_403 : memref<!tpu.dma_semaphore, #tpu.memory_space<semaphore_mem>>) src(%arg10 : memref<64x128xf32, #tpu.memory_space<vmem>>) dst(%dma_wait3A_415 : memref<10240x128xf32, #tpu.memory_space<vmem_shared>>)
        tpu.yield
      }) : () -> ()
      %add3A_378 = arith.constant 6 : i32
      %add3A_379 = arith.addi %mul3A_339, %add3A_378 : i32
      %dma_start3A_380 = arith.constant 0 : i32
      %dma_start3A_381 = tpu.memref_slice %arg6[%add3A_379, %dma_start3A_380] : memref<40x64xi32, #tpu.memory_space<vmem>> -> memref<1x64xi32, #tpu.memory_space<vmem>>
      %dma_start3A_382 = tpu.memref_squeeze %dma_start3A_381 : memref<1x64xi32, #tpu.memory_space<vmem>> -> memref<64xi32, #tpu.memory_space<vmem>>
      %dma_start3A_383 = arith.constant 0 : i32
      %dma_start3A_384 = arith.constant 0 : i32
      %dma_start3A_385 = tpu.memref_slice %arg2[%dma_start3A_383, %dma_start3A_384] : memref<10240x128xf32, #tpu.memory_space<hbm>> -> memref<10240x128xf32, #tpu.memory_space<hbm>>
      tpu.enqueue_indirect_dma source(%dma_start3A_385 : memref<10240x128xf32, #tpu.memory_space<hbm>>) target(%arg10 : memref<64x128xf32, #tpu.memory_space<vmem>>) offsets(%dma_start3A_382 : memref<64xi32, #tpu.memory_space<vmem>>) semaphore(%arg15 : memref<!tpu.dma_semaphore, #tpu.memory_space<semaphore_mem>>)
      %add3A_386 = arith.constant 3 : i32
      %add3A_387 = arith.addi %mul3A_339, %add3A_386 : i32
      %dma_wait3A_388 = arith.constant 0 : i32
      %dma_wait3A_389 = tpu.memref_slice %arg6[%add3A_387, %dma_wait3A_388] : memref<40x64xi32, #tpu.memory_space<vmem>> -> memref<1x64xi32, #tpu.memory_space<vmem>>
      %dma_wait3A_390 = tpu.memref_squeeze %dma_wait3A_389 : memref<1x64xi32, #tpu.memory_space<vmem>> -> memref<64xi32, #tpu.memory_space<vmem>>
      %dma_wait3A_391 = arith.constant 0 : i32
      %dma_wait3A_392 = arith.constant 0 : i32
      %dma_wait3A_393 = tpu.memref_slice %arg2[%dma_wait3A_391, %dma_wait3A_392] : memref<10240x128xf32, #tpu.memory_space<hbm>> -> memref<10240x128xf32, #tpu.memory_space<hbm>>
      tpu.wait_indirect_dma semaphore(%arg16 : memref<!tpu.dma_semaphore, #tpu.memory_space<semaphore_mem>>) src(%dma_wait3A_393 : memref<10240x128xf32, #tpu.memory_space<hbm>>) dst(%arg11 : memref<64x128xf32, #tpu.memory_space<vmem>>)
      "tpu.region"() ({
        %run_scoped3A_403 = tpu.sem_alloc : memref<!tpu.dma_semaphore, #tpu.memory_space<semaphore_mem>>
        %dma_start3A_404 = arith.constant 0 : i32
        %dma_start3A_405 = tpu.memref_slice %arg7[%add3A_387, %dma_start3A_404] : memref<40x64xi32, #tpu.memory_space<vmem>> -> memref<1x64xi32, #tpu.memory_space<vmem>>
        %dma_start3A_406 = tpu.memref_squeeze %dma_start3A_405 : memref<1x64xi32, #tpu.memory_space<vmem>> -> memref<64xi32, #tpu.memory_space<vmem>>
        %dma_start3A_407 = arith.constant 0 : i32
        %dma_start3A_408 = arith.constant 0 : i32
        %dma_start3A_409 = tpu.memref_slice %arg12[%dma_start3A_407, %dma_start3A_408] : memref<10240x128xf32, #tpu.memory_space<vmem_shared>> -> memref<10240x128xf32, #tpu.memory_space<vmem_shared>>
        tpu.enqueue_indirect_dma source(%arg11 : memref<64x128xf32, #tpu.memory_space<vmem>>) target(%dma_start3A_409 : memref<10240x128xf32, #tpu.memory_space<vmem_shared>>) offsets(%dma_start3A_406 : memref<64xi32, #tpu.memory_space<vmem>>) semaphore(%run_scoped3A_403 : memref<!tpu.dma_semaphore, #tpu.memory_space<semaphore_mem>>) {add = true}
        %dma_wait3A_410 = arith.constant 0 : i32
        %dma_wait3A_411 = tpu.memref_slice %arg7[%add3A_387, %dma_wait3A_410] : memref<40x64xi32, #tpu.memory_space<vmem>> -> memref<1x64xi32, #tpu.memory_space<vmem>>
        %dma_wait3A_412 = tpu.memref_squeeze %dma_wait3A_411 : memref<1x64xi32, #tpu.memory_space<vmem>> -> memref<64xi32, #tpu.memory_space<vmem>>
        %dma_wait3A_413 = arith.constant 0 : i32
        %dma_wait3A_414 = arith.constant 0 : i32
        %dma_wait3A_415 = tpu.memref_slice %arg12[%dma_wait3A_413, %dma_wait3A_414] : memref<10240x128xf32, #tpu.memory_space<vmem_shared>> -> memref<10240x128xf32, #tpu.memory_space<vmem_shared>>
        tpu.wait_indirect_dma semaphore(%run_scoped3A_403 : memref<!tpu.dma_semaphore, #tpu.memory_space<semaphore_mem>>) src(%arg11 : memref<64x128xf32, #tpu.memory_space<vmem>>) dst(%dma_wait3A_415 : memref<10240x128xf32, #tpu.memory_space<vmem_shared>>)
        tpu.yield
      }) : () -> ()
      %add3A_394 = arith.constant 7 : i32
      %add3A_395 = arith.addi %mul3A_339, %add3A_394 : i32
      %dma_start3A_396 = arith.constant 0 : i32
      %dma_start3A_397 = tpu.memref_slice %arg6[%add3A_395, %dma_start3A_396] : memref<40x64xi32, #tpu.memory_space<vmem>> -> memref<1x64xi32, #tpu.memory_space<vmem>>
      %dma_start3A_398 = tpu.memref_squeeze %dma_start3A_397 : memref<1x64xi32, #tpu.memory_space<vmem>> -> memref<64xi32, #tpu.memory_space<vmem>>
      %dma_start3A_399 = arith.constant 0 : i32
      %dma_start3A_400 = arith.constant 0 : i32
      %dma_start3A_401 = tpu.memref_slice %arg2[%dma_start3A_399, %dma_start3A_400] : memref<10240x128xf32, #tpu.memory_space<hbm>> -> memref<10240x128xf32, #tpu.memory_space<hbm>>
      tpu.enqueue_indirect_dma source(%dma_start3A_401 : memref<10240x128xf32, #tpu.memory_space<hbm>>) target(%arg11 : memref<64x128xf32, #tpu.memory_space<vmem>>) offsets(%dma_start3A_398 : memref<64xi32, #tpu.memory_space<vmem>>) semaphore(%arg16 : memref<!tpu.dma_semaphore, #tpu.memory_space<semaphore_mem>>)
      %scan3A_402 = arith.constant 0 : i32
      scf.yield %scan3A_402 : i32
    }
    %scan3A_84 = arith.constant 9 : i32
    %dma_wait3A = arith.constant 36 : i32
    %dma_wait3A_85 = arith.constant 0 : i32
    %dma_wait3A_86 = tpu.memref_slice %arg6[%dma_wait3A, %dma_wait3A_85] : memref<40x64xi32, #tpu.memory_space<vmem>> -> memref<1x64xi32, #tpu.memory_space<vmem>>
    %dma_wait3A_87 = tpu.memref_squeeze %dma_wait3A_86 : memref<1x64xi32, #tpu.memory_space<vmem>> -> memref<64xi32, #tpu.memory_space<vmem>>
    %dma_wait3A_88 = arith.constant 0 : i32
    %dma_wait3A_89 = arith.constant 0 : i32
    %dma_wait3A_90 = tpu.memref_slice %arg2[%dma_wait3A_88, %dma_wait3A_89] : memref<10240x128xf32, #tpu.memory_space<hbm>> -> memref<10240x128xf32, #tpu.memory_space<hbm>>
    tpu.wait_indirect_dma semaphore(%arg13 : memref<!tpu.dma_semaphore, #tpu.memory_space<semaphore_mem>>) src(%dma_wait3A_90 : memref<10240x128xf32, #tpu.memory_space<hbm>>) dst(%arg8 : memref<64x128xf32, #tpu.memory_space<vmem>>)
    %run_scoped3A = arith.constant 36 : i32
    "tpu.region"() ({
      %run_scoped3A_336 = tpu.sem_alloc : memref<!tpu.dma_semaphore, #tpu.memory_space<semaphore_mem>>
      %dma_start3A_337 = arith.constant 0 : i32
      %dma_start3A_338 = tpu.memref_slice %arg7[%run_scoped3A, %dma_start3A_337] : memref<40x64xi32, #tpu.memory_space<vmem>> -> memref<1x64xi32, #tpu.memory_space<vmem>>
      %dma_start3A_339 = tpu.memref_squeeze %dma_start3A_338 : memref<1x64xi32, #tpu.memory_space<vmem>> -> memref<64xi32, #tpu.memory_space<vmem>>
      %dma_start3A_340 = arith.constant 0 : i32
      %dma_start3A_341 = arith.constant 0 : i32
      %dma_start3A_342 = tpu.memref_slice %arg12[%dma_start3A_340, %dma_start3A_341] : memref<10240x128xf32, #tpu.memory_space<vmem_shared>> -> memref<10240x128xf32, #tpu.memory_space<vmem_shared>>
      tpu.enqueue_indirect_dma source(%arg8 : memref<64x128xf32, #tpu.memory_space<vmem>>) target(%dma_start3A_342 : memref<10240x128xf32, #tpu.memory_space<vmem_shared>>) offsets(%dma_start3A_339 : memref<64xi32, #tpu.memory_space<vmem>>) semaphore(%run_scoped3A_336 : memref<!tpu.dma_semaphore, #tpu.memory_space<semaphore_mem>>) {add = true}
      %dma_wait3A_343 = arith.constant 0 : i32
      %dma_wait3A_344 = tpu.memref_slice %arg7[%run_scoped3A, %dma_wait3A_343] : memref<40x64xi32, #tpu.memory_space<vmem>> -> memref<1x64xi32, #tpu.memory_space<vmem>>
      %dma_wait3A_345 = tpu.memref_squeeze %dma_wait3A_344 : memref<1x64xi32, #tpu.memory_space<vmem>> -> memref<64xi32, #tpu.memory_space<vmem>>
      %dma_wait3A_346 = arith.constant 0 : i32
      %dma_wait3A_347 = arith.constant 0 : i32
      %dma_wait3A_348 = tpu.memref_slice %arg12[%dma_wait3A_346, %dma_wait3A_347] : memref<10240x128xf32, #tpu.memory_space<vmem_shared>> -> memref<10240x128xf32, #tpu.memory_space<vmem_shared>>
      tpu.wait_indirect_dma semaphore(%run_scoped3A_336 : memref<!tpu.dma_semaphore, #tpu.memory_space<semaphore_mem>>) src(%arg8 : memref<64x128xf32, #tpu.memory_space<vmem>>) dst(%dma_wait3A_348 : memref<10240x128xf32, #tpu.memory_space<vmem_shared>>)
      tpu.yield
    }) : () -> ()
    %dma_wait3A_91 = arith.constant 37 : i32
    %dma_wait3A_92 = arith.constant 0 : i32
    %dma_wait3A_93 = tpu.memref_slice %arg6[%dma_wait3A_91, %dma_wait3A_92] : memref<40x64xi32, #tpu.memory_space<vmem>> -> memref<1x64xi32, #tpu.memory_space<vmem>>
    %dma_wait3A_94 = tpu.memref_squeeze %dma_wait3A_93 : memref<1x64xi32, #tpu.memory_space<vmem>> -> memref<64xi32, #tpu.memory_space<vmem>>
    %dma_wait3A_95 = arith.constant 0 : i32
    %dma_wait3A_96 = arith.constant 0 : i32
    %dma_wait3A_97 = tpu.memref_slice %arg2[%dma_wait3A_95, %dma_wait3A_96] : memref<10240x128xf32, #tpu.memory_space<hbm>> -> memref<10240x128xf32, #tpu.memory_space<hbm>>
    tpu.wait_indirect_dma semaphore(%arg14 : memref<!tpu.dma_semaphore, #tpu.memory_space<semaphore_mem>>) src(%dma_wait3A_97 : memref<10240x128xf32, #tpu.memory_space<hbm>>) dst(%arg9 : memref<64x128xf32, #tpu.memory_space<vmem>>)
    %run_scoped3A_98 = arith.constant 37 : i32
    "tpu.region"() ({
      %run_scoped3A_336 = tpu.sem_alloc : memref<!tpu.dma_semaphore, #tpu.memory_space<semaphore_mem>>
      %dma_start3A_337 = arith.constant 0 : i32
      %dma_start3A_338 = tpu.memref_slice %arg7[%run_scoped3A_98, %dma_start3A_337] : memref<40x64xi32, #tpu.memory_space<vmem>> -> memref<1x64xi32, #tpu.memory_space<vmem>>
      %dma_start3A_339 = tpu.memref_squeeze %dma_start3A_338 : memref<1x64xi32, #tpu.memory_space<vmem>> -> memref<64xi32, #tpu.memory_space<vmem>>
      %dma_start3A_340 = arith.constant 0 : i32
      %dma_start3A_341 = arith.constant 0 : i32
      %dma_start3A_342 = tpu.memref_slice %arg12[%dma_start3A_340, %dma_start3A_341] : memref<10240x128xf32, #tpu.memory_space<vmem_shared>> -> memref<10240x128xf32, #tpu.memory_space<vmem_shared>>
      tpu.enqueue_indirect_dma source(%arg9 : memref<64x128xf32, #tpu.memory_space<vmem>>) target(%dma_start3A_342 : memref<10240x128xf32, #tpu.memory_space<vmem_shared>>) offsets(%dma_start3A_339 : memref<64xi32, #tpu.memory_space<vmem>>) semaphore(%run_scoped3A_336 : memref<!tpu.dma_semaphore, #tpu.memory_space<semaphore_mem>>) {add = true}
      %dma_wait3A_343 = arith.constant 0 : i32
      %dma_wait3A_344 = tpu.memref_slice %arg7[%run_scoped3A_98, %dma_wait3A_343] : memref<40x64xi32, #tpu.memory_space<vmem>> -> memref<1x64xi32, #tpu.memory_space<vmem>>
      %dma_wait3A_345 = tpu.memref_squeeze %dma_wait3A_344 : memref<1x64xi32, #tpu.memory_space<vmem>> -> memref<64xi32, #tpu.memory_space<vmem>>
      %dma_wait3A_346 = arith.constant 0 : i32
      %dma_wait3A_347 = arith.constant 0 : i32
      %dma_wait3A_348 = tpu.memref_slice %arg12[%dma_wait3A_346, %dma_wait3A_347] : memref<10240x128xf32, #tpu.memory_space<vmem_shared>> -> memref<10240x128xf32, #tpu.memory_space<vmem_shared>>
      tpu.wait_indirect_dma semaphore(%run_scoped3A_336 : memref<!tpu.dma_semaphore, #tpu.memory_space<semaphore_mem>>) src(%arg9 : memref<64x128xf32, #tpu.memory_space<vmem>>) dst(%dma_wait3A_348 : memref<10240x128xf32, #tpu.memory_space<vmem_shared>>)
      tpu.yield
    }) : () -> ()
    %dma_wait3A_99 = arith.constant 38 : i32
    %dma_wait3A_100 = arith.constant 0 : i32
    %dma_wait3A_101 = tpu.memref_slice %arg6[%dma_wait3A_99, %dma_wait3A_100] : memref<40x64xi32, #tpu.memory_space<vmem>> -> memref<1x64xi32, #tpu.memory_space<vmem>>
    %dma_wait3A_102 = tpu.memref_squeeze %dma_wait3A_101 : memref<1x64xi32, #tpu.memory_space<vmem>> -> memref<64xi32, #tpu.memory_space<vmem>>
    %dma_wait3A_103 = arith.constant 0 : i32
    %dma_wait3A_104 = arith.constant 0 : i32
    %dma_wait3A_105 = tpu.memref_slice %arg2[%dma_wait3A_103, %dma_wait3A_104] : memref<10240x128xf32, #tpu.memory_space<hbm>> -> memref<10240x128xf32, #tpu.memory_space<hbm>>
    tpu.wait_indirect_dma semaphore(%arg15 : memref<!tpu.dma_semaphore, #tpu.memory_space<semaphore_mem>>) src(%dma_wait3A_105 : memref<10240x128xf32, #tpu.memory_space<hbm>>) dst(%arg10 : memref<64x128xf32, #tpu.memory_space<vmem>>)
    %run_scoped3A_106 = arith.constant 38 : i32
    "tpu.region"() ({
      %run_scoped3A_336 = tpu.sem_alloc : memref<!tpu.dma_semaphore, #tpu.memory_space<semaphore_mem>>
      %dma_start3A_337 = arith.constant 0 : i32
      %dma_start3A_338 = tpu.memref_slice %arg7[%run_scoped3A_106, %dma_start3A_337] : memref<40x64xi32, #tpu.memory_space<vmem>> -> memref<1x64xi32, #tpu.memory_space<vmem>>
      %dma_start3A_339 = tpu.memref_squeeze %dma_start3A_338 : memref<1x64xi32, #tpu.memory_space<vmem>> -> memref<64xi32, #tpu.memory_space<vmem>>
      %dma_start3A_340 = arith.constant 0 : i32
      %dma_start3A_341 = arith.constant 0 : i32
      %dma_start3A_342 = tpu.memref_slice %arg12[%dma_start3A_340, %dma_start3A_341] : memref<10240x128xf32, #tpu.memory_space<vmem_shared>> -> memref<10240x128xf32, #tpu.memory_space<vmem_shared>>
      tpu.enqueue_indirect_dma source(%arg10 : memref<64x128xf32, #tpu.memory_space<vmem>>) target(%dma_start3A_342 : memref<10240x128xf32, #tpu.memory_space<vmem_shared>>) offsets(%dma_start3A_339 : memref<64xi32, #tpu.memory_space<vmem>>) semaphore(%run_scoped3A_336 : memref<!tpu.dma_semaphore, #tpu.memory_space<semaphore_mem>>) {add = true}
      %dma_wait3A_343 = arith.constant 0 : i32
      %dma_wait3A_344 = tpu.memref_slice %arg7[%run_scoped3A_106, %dma_wait3A_343] : memref<40x64xi32, #tpu.memory_space<vmem>> -> memref<1x64xi32, #tpu.memory_space<vmem>>
      %dma_wait3A_345 = tpu.memref_squeeze %dma_wait3A_344 : memref<1x64xi32, #tpu.memory_space<vmem>> -> memref<64xi32, #tpu.memory_space<vmem>>
      %dma_wait3A_346 = arith.constant 0 : i32
      %dma_wait3A_347 = arith.constant 0 : i32
      %dma_wait3A_348 = tpu.memref_slice %arg12[%dma_wait3A_346, %dma_wait3A_347] : memref<10240x128xf32, #tpu.memory_space<vmem_shared>> -> memref<10240x128xf32, #tpu.memory_space<vmem_shared>>
      tpu.wait_indirect_dma semaphore(%run_scoped3A_336 : memref<!tpu.dma_semaphore, #tpu.memory_space<semaphore_mem>>) src(%arg10 : memref<64x128xf32, #tpu.memory_space<vmem>>) dst(%dma_wait3A_348 : memref<10240x128xf32, #tpu.memory_space<vmem_shared>>)
      tpu.yield
    }) : () -> ()
    %dma_wait3A_107 = arith.constant 39 : i32
    %dma_wait3A_108 = arith.constant 0 : i32
    %dma_wait3A_109 = tpu.memref_slice %arg6[%dma_wait3A_107, %dma_wait3A_108] : memref<40x64xi32, #tpu.memory_space<vmem>> -> memref<1x64xi32, #tpu.memory_space<vmem>>
    %dma_wait3A_110 = tpu.memref_squeeze %dma_wait3A_109 : memref<1x64xi32, #tpu.memory_space<vmem>> -> memref<64xi32, #tpu.memory_space<vmem>>
    %dma_wait3A_111 = arith.constant 0 : i32
    %dma_wait3A_112 = arith.constant 0 : i32
    %dma_wait3A_113 = tpu.memref_slice %arg2[%dma_wait3A_111, %dma_wait3A_112] : memref<10240x128xf32, #tpu.memory_space<hbm>> -> memref<10240x128xf32, #tpu.memory_space<hbm>>
    tpu.wait_indirect_dma semaphore(%arg16 : memref<!tpu.dma_semaphore, #tpu.memory_space<semaphore_mem>>) src(%dma_wait3A_113 : memref<10240x128xf32, #tpu.memory_space<hbm>>) dst(%arg11 : memref<64x128xf32, #tpu.memory_space<vmem>>)
    %run_scoped3A_114 = arith.constant 39 : i32
    "tpu.region"() ({
      %run_scoped3A_336 = tpu.sem_alloc : memref<!tpu.dma_semaphore, #tpu.memory_space<semaphore_mem>>
      %dma_start3A_337 = arith.constant 0 : i32
      %dma_start3A_338 = tpu.memref_slice %arg7[%run_scoped3A_114, %dma_start3A_337] : memref<40x64xi32, #tpu.memory_space<vmem>> -> memref<1x64xi32, #tpu.memory_space<vmem>>
      %dma_start3A_339 = tpu.memref_squeeze %dma_start3A_338 : memref<1x64xi32, #tpu.memory_space<vmem>> -> memref<64xi32, #tpu.memory_space<vmem>>
      %dma_start3A_340 = arith.constant 0 : i32
      %dma_start3A_341 = arith.constant 0 : i32
      %dma_start3A_342 = tpu.memref_slice %arg12[%dma_start3A_340, %dma_start3A_341] : memref<10240x128xf32, #tpu.memory_space<vmem_shared>> -> memref<10240x128xf32, #tpu.memory_space<vmem_shared>>
      tpu.enqueue_indirect_dma source(%arg11 : memref<64x128xf32, #tpu.memory_space<vmem>>) target(%dma_start3A_342 : memref<10240x128xf32, #tpu.memory_space<vmem_shared>>) offsets(%dma_start3A_339 : memref<64xi32, #tpu.memory_space<vmem>>) semaphore(%run_scoped3A_336 : memref<!tpu.dma_semaphore, #tpu.memory_space<semaphore_mem>>) {add = true}
      %dma_wait3A_343 = arith.constant 0 : i32
      %dma_wait3A_344 = tpu.memref_slice %arg7[%run_scoped3A_114, %dma_wait3A_343] : memref<40x64xi32, #tpu.memory_space<vmem>> -> memref<1x64xi32, #tpu.memory_space<vmem>>
      %dma_wait3A_345 = tpu.memref_squeeze %dma_wait3A_344 : memref<1x64xi32, #tpu.memory_space<vmem>> -> memref<64xi32, #tpu.memory_space<vmem>>
      %dma_wait3A_346 = arith.constant 0 : i32
      %dma_wait3A_347 = arith.constant 0 : i32
      %dma_wait3A_348 = tpu.memref_slice %arg12[%dma_wait3A_346, %dma_wait3A_347] : memref<10240x128xf32, #tpu.memory_space<vmem_shared>> -> memref<10240x128xf32, #tpu.memory_space<vmem_shared>>
      tpu.wait_indirect_dma semaphore(%run_scoped3A_336 : memref<!tpu.dma_semaphore, #tpu.memory_space<semaphore_mem>>) src(%arg11 : memref<64x128xf32, #tpu.memory_space<vmem>>) dst(%dma_wait3A_348 : memref<10240x128xf32, #tpu.memory_space<vmem_shared>>)
      tpu.yield
    }) : () -> ()
    %mul3A_115 = arith.constant 160 : i32
    %mul3A_116 = arith.muli %add3A, %mul3A_115 : i32
    %add3A_117 = arith.constant 40 : i32
    %add3A_118 = arith.addi %mul3A_116, %add3A_117 : i32
    "tpu.region"() ({
      %run_scoped3A_336 = tpu.sem_alloc : memref<!tpu.dma_semaphore, #tpu.memory_space<semaphore_mem>>
      %dma_start3A_337 = arith.constant 0 : i32
      %dma_start3A_338 = tpu.memref_slice %arg3[%add3A_118, %dma_start3A_337] : memref<5120x64xi32, #tpu.memory_space<hbm>> -> memref<40x64xi32, #tpu.memory_space<hbm>>
      %dma_start3A_339 = arith.constant 0 : i32
      %dma_start3A_340 = tpu.memref_slice %arg3[%add3A_118, %dma_start3A_339] : memref<5120x64xi32, #tpu.memory_space<hbm>> -> memref<40x64xi32, #tpu.memory_space<hbm>>
      tpu.enqueue_dma source(%dma_start3A_340 : memref<40x64xi32, #tpu.memory_space<hbm>>) target(%arg6 : memref<40x64xi32, #tpu.memory_space<vmem>>) target_semaphore(%run_scoped3A_336 : memref<!tpu.dma_semaphore, #tpu.memory_space<semaphore_mem>>)
      %dma_wait3A_341 = arith.constant 0 : i32
      %dma_wait3A_342 = tpu.memref_slice %arg3[%add3A_118, %dma_wait3A_341] : memref<5120x64xi32, #tpu.memory_space<hbm>> -> memref<40x64xi32, #tpu.memory_space<hbm>>
      %dma_wait3A_343 = arith.constant 0 : i32
      %dma_wait3A_344 = tpu.memref_slice %arg3[%add3A_118, %dma_wait3A_343] : memref<5120x64xi32, #tpu.memory_space<hbm>> -> memref<40x64xi32, #tpu.memory_space<hbm>>
      tpu.wait_dma2 semaphore(%run_scoped3A_336 : memref<!tpu.dma_semaphore, #tpu.memory_space<semaphore_mem>>) src(%dma_wait3A_344 : memref<40x64xi32, #tpu.memory_space<hbm>>) dst(%arg6 : memref<40x64xi32, #tpu.memory_space<vmem>>)
      tpu.yield
    }) : () -> ()
    "tpu.region"() ({
      %run_scoped3A_336 = tpu.sem_alloc : memref<!tpu.dma_semaphore, #tpu.memory_space<semaphore_mem>>
      %dma_start3A_337 = arith.constant 0 : i32
      %dma_start3A_338 = tpu.memref_slice %arg4[%add3A_118, %dma_start3A_337] : memref<5120x64xi32, #tpu.memory_space<hbm>> -> memref<40x64xi32, #tpu.memory_space<hbm>>
      %dma_start3A_339 = arith.constant 0 : i32
      %dma_start3A_340 = tpu.memref_slice %arg4[%add3A_118, %dma_start3A_339] : memref<5120x64xi32, #tpu.memory_space<hbm>> -> memref<40x64xi32, #tpu.memory_space<hbm>>
      tpu.enqueue_dma source(%dma_start3A_340 : memref<40x64xi32, #tpu.memory_space<hbm>>) target(%arg7 : memref<40x64xi32, #tpu.memory_space<vmem>>) target_semaphore(%run_scoped3A_336 : memref<!tpu.dma_semaphore, #tpu.memory_space<semaphore_mem>>)
      %dma_wait3A_341 = arith.constant 0 : i32
      %dma_wait3A_342 = tpu.memref_slice %arg4[%add3A_118, %dma_wait3A_341] : memref<5120x64xi32, #tpu.memory_space<hbm>> -> memref<40x64xi32, #tpu.memory_space<hbm>>
      %dma_wait3A_343 = arith.constant 0 : i32
      %dma_wait3A_344 = tpu.memref_slice %arg4[%add3A_118, %dma_wait3A_343] : memref<5120x64xi32, #tpu.memory_space<hbm>> -> memref<40x64xi32, #tpu.memory_space<hbm>>
      tpu.wait_dma2 semaphore(%run_scoped3A_336 : memref<!tpu.dma_semaphore, #tpu.memory_space<semaphore_mem>>) src(%dma_wait3A_344 : memref<40x64xi32, #tpu.memory_space<hbm>>) dst(%arg7 : memref<40x64xi32, #tpu.memory_space<vmem>>)
      tpu.yield
    }) : () -> ()
    %dma_start3A_119 = arith.constant 0 : i32
    %dma_start3A_120 = arith.constant 0 : i32
    %dma_start3A_121 = tpu.memref_slice %arg6[%dma_start3A_119, %dma_start3A_120] : memref<40x64xi32, #tpu.memory_space<vmem>> -> memref<1x64xi32, #tpu.memory_space<vmem>>
    %dma_start3A_122 = tpu.memref_squeeze %dma_start3A_121 : memref<1x64xi32, #tpu.memory_space<vmem>> -> memref<64xi32, #tpu.memory_space<vmem>>
    %dma_start3A_123 = arith.constant 0 : i32
    %dma_start3A_124 = arith.constant 0 : i32
    %dma_start3A_125 = tpu.memref_slice %arg2[%dma_start3A_123, %dma_start3A_124] : memref<10240x128xf32, #tpu.memory_space<hbm>> -> memref<10240x128xf32, #tpu.memory_space<hbm>>
    tpu.enqueue_indirect_dma source(%dma_start3A_125 : memref<10240x128xf32, #tpu.memory_space<hbm>>) target(%arg8 : memref<64x128xf32, #tpu.memory_space<vmem>>) offsets(%dma_start3A_122 : memref<64xi32, #tpu.memory_space<vmem>>) semaphore(%arg13 : memref<!tpu.dma_semaphore, #tpu.memory_space<semaphore_mem>>)
    %dma_start3A_126 = arith.constant 1 : i32
    %dma_start3A_127 = arith.constant 0 : i32
    %dma_start3A_128 = tpu.memref_slice %arg6[%dma_start3A_126, %dma_start3A_127] : memref<40x64xi32, #tpu.memory_space<vmem>> -> memref<1x64xi32, #tpu.memory_space<vmem>>
    %dma_start3A_129 = tpu.memref_squeeze %dma_start3A_128 : memref<1x64xi32, #tpu.memory_space<vmem>> -> memref<64xi32, #tpu.memory_space<vmem>>
    %dma_start3A_130 = arith.constant 0 : i32
    %dma_start3A_131 = arith.constant 0 : i32
    %dma_start3A_132 = tpu.memref_slice %arg2[%dma_start3A_130, %dma_start3A_131] : memref<10240x128xf32, #tpu.memory_space<hbm>> -> memref<10240x128xf32, #tpu.memory_space<hbm>>
    tpu.enqueue_indirect_dma source(%dma_start3A_132 : memref<10240x128xf32, #tpu.memory_space<hbm>>) target(%arg9 : memref<64x128xf32, #tpu.memory_space<vmem>>) offsets(%dma_start3A_129 : memref<64xi32, #tpu.memory_space<vmem>>) semaphore(%arg14 : memref<!tpu.dma_semaphore, #tpu.memory_space<semaphore_mem>>)
    %dma_start3A_133 = arith.constant 2 : i32
    %dma_start3A_134 = arith.constant 0 : i32
    %dma_start3A_135 = tpu.memref_slice %arg6[%dma_start3A_133, %dma_start3A_134] : memref<40x64xi32, #tpu.memory_space<vmem>> -> memref<1x64xi32, #tpu.memory_space<vmem>>
    %dma_start3A_136 = tpu.memref_squeeze %dma_start3A_135 : memref<1x64xi32, #tpu.memory_space<vmem>> -> memref<64xi32, #tpu.memory_space<vmem>>
    %dma_start3A_137 = arith.constant 0 : i32
    %dma_start3A_138 = arith.constant 0 : i32
    %dma_start3A_139 = tpu.memref_slice %arg2[%dma_start3A_137, %dma_start3A_138] : memref<10240x128xf32, #tpu.memory_space<hbm>> -> memref<10240x128xf32, #tpu.memory_space<hbm>>
    tpu.enqueue_indirect_dma source(%dma_start3A_139 : memref<10240x128xf32, #tpu.memory_space<hbm>>) target(%arg10 : memref<64x128xf32, #tpu.memory_space<vmem>>) offsets(%dma_start3A_136 : memref<64xi32, #tpu.memory_space<vmem>>) semaphore(%arg15 : memref<!tpu.dma_semaphore, #tpu.memory_space<semaphore_mem>>)
    %dma_start3A_140 = arith.constant 3 : i32
    %dma_start3A_141 = arith.constant 0 : i32
    %dma_start3A_142 = tpu.memref_slice %arg6[%dma_start3A_140, %dma_start3A_141] : memref<40x64xi32, #tpu.memory_space<vmem>> -> memref<1x64xi32, #tpu.memory_space<vmem>>
    %dma_start3A_143 = tpu.memref_squeeze %dma_start3A_142 : memref<1x64xi32, #tpu.memory_space<vmem>> -> memref<64xi32, #tpu.memory_space<vmem>>
    %dma_start3A_144 = arith.constant 0 : i32
    %dma_start3A_145 = arith.constant 0 : i32
    %dma_start3A_146 = tpu.memref_slice %arg2[%dma_start3A_144, %dma_start3A_145] : memref<10240x128xf32, #tpu.memory_space<hbm>> -> memref<10240x128xf32, #tpu.memory_space<hbm>>
    tpu.enqueue_indirect_dma source(%dma_start3A_146 : memref<10240x128xf32, #tpu.memory_space<hbm>>) target(%arg11 : memref<64x128xf32, #tpu.memory_space<vmem>>) offsets(%dma_start3A_143 : memref<64xi32, #tpu.memory_space<vmem>>) semaphore(%arg16 : memref<!tpu.dma_semaphore, #tpu.memory_space<semaphore_mem>>)
    %scan3A_147 = arith.constant 0 : i32
    %scan3A_148 = arith.constant 0 : i32
    %scan3A_149 = arith.constant 9 : i32
    %scan3A_150 = arith.addi %scan3A_148, %scan3A_149 : i32
    %scan3A_151 = arith.constant 1 : i32
    %scan3A_152 = scf.for %scan3A_336 = %scan3A_148 to %scan3A_150 step %scan3A_151 iter_args(%scan3A_337 = %scan3A_147) -> (i32)  : i32 {
      %mul3A_338 = arith.constant 4 : i32
      %mul3A_339 = arith.muli %mul3A_338, %scan3A_336 : i32
      %dma_wait3A_340 = arith.constant 0 : i32
      %dma_wait3A_341 = tpu.memref_slice %arg6[%mul3A_339, %dma_wait3A_340] : memref<40x64xi32, #tpu.memory_space<vmem>> -> memref<1x64xi32, #tpu.memory_space<vmem>>
      %dma_wait3A_342 = tpu.memref_squeeze %dma_wait3A_341 : memref<1x64xi32, #tpu.memory_space<vmem>> -> memref<64xi32, #tpu.memory_space<vmem>>
      %dma_wait3A_343 = arith.constant 0 : i32
      %dma_wait3A_344 = arith.constant 0 : i32
      %dma_wait3A_345 = tpu.memref_slice %arg2[%dma_wait3A_343, %dma_wait3A_344] : memref<10240x128xf32, #tpu.memory_space<hbm>> -> memref<10240x128xf32, #tpu.memory_space<hbm>>
      tpu.wait_indirect_dma semaphore(%arg13 : memref<!tpu.dma_semaphore, #tpu.memory_space<semaphore_mem>>) src(%dma_wait3A_345 : memref<10240x128xf32, #tpu.memory_space<hbm>>) dst(%arg8 : memref<64x128xf32, #tpu.memory_space<vmem>>)
      "tpu.region"() ({
        %run_scoped3A_403 = tpu.sem_alloc : memref<!tpu.dma_semaphore, #tpu.memory_space<semaphore_mem>>
        %dma_start3A_404 = arith.constant 0 : i32
        %dma_start3A_405 = tpu.memref_slice %arg7[%mul3A_339, %dma_start3A_404] : memref<40x64xi32, #tpu.memory_space<vmem>> -> memref<1x64xi32, #tpu.memory_space<vmem>>
        %dma_start3A_406 = tpu.memref_squeeze %dma_start3A_405 : memref<1x64xi32, #tpu.memory_space<vmem>> -> memref<64xi32, #tpu.memory_space<vmem>>
        %dma_start3A_407 = arith.constant 0 : i32
        %dma_start3A_408 = arith.constant 0 : i32
        %dma_start3A_409 = tpu.memref_slice %arg12[%dma_start3A_407, %dma_start3A_408] : memref<10240x128xf32, #tpu.memory_space<vmem_shared>> -> memref<10240x128xf32, #tpu.memory_space<vmem_shared>>
        tpu.enqueue_indirect_dma source(%arg8 : memref<64x128xf32, #tpu.memory_space<vmem>>) target(%dma_start3A_409 : memref<10240x128xf32, #tpu.memory_space<vmem_shared>>) offsets(%dma_start3A_406 : memref<64xi32, #tpu.memory_space<vmem>>) semaphore(%run_scoped3A_403 : memref<!tpu.dma_semaphore, #tpu.memory_space<semaphore_mem>>) {add = true}
        %dma_wait3A_410 = arith.constant 0 : i32
        %dma_wait3A_411 = tpu.memref_slice %arg7[%mul3A_339, %dma_wait3A_410] : memref<40x64xi32, #tpu.memory_space<vmem>> -> memref<1x64xi32, #tpu.memory_space<vmem>>
        %dma_wait3A_412 = tpu.memref_squeeze %dma_wait3A_411 : memref<1x64xi32, #tpu.memory_space<vmem>> -> memref<64xi32, #tpu.memory_space<vmem>>
        %dma_wait3A_413 = arith.constant 0 : i32
        %dma_wait3A_414 = arith.constant 0 : i32
        %dma_wait3A_415 = tpu.memref_slice %arg12[%dma_wait3A_413, %dma_wait3A_414] : memref<10240x128xf32, #tpu.memory_space<vmem_shared>> -> memref<10240x128xf32, #tpu.memory_space<vmem_shared>>
        tpu.wait_indirect_dma semaphore(%run_scoped3A_403 : memref<!tpu.dma_semaphore, #tpu.memory_space<semaphore_mem>>) src(%arg8 : memref<64x128xf32, #tpu.memory_space<vmem>>) dst(%dma_wait3A_415 : memref<10240x128xf32, #tpu.memory_space<vmem_shared>>)
        tpu.yield
      }) : () -> ()
      %add3A_346 = arith.constant 4 : i32
      %add3A_347 = arith.addi %mul3A_339, %add3A_346 : i32
      %dma_start3A_348 = arith.constant 0 : i32
      %dma_start3A_349 = tpu.memref_slice %arg6[%add3A_347, %dma_start3A_348] : memref<40x64xi32, #tpu.memory_space<vmem>> -> memref<1x64xi32, #tpu.memory_space<vmem>>
      %dma_start3A_350 = tpu.memref_squeeze %dma_start3A_349 : memref<1x64xi32, #tpu.memory_space<vmem>> -> memref<64xi32, #tpu.memory_space<vmem>>
      %dma_start3A_351 = arith.constant 0 : i32
      %dma_start3A_352 = arith.constant 0 : i32
      %dma_start3A_353 = tpu.memref_slice %arg2[%dma_start3A_351, %dma_start3A_352] : memref<10240x128xf32, #tpu.memory_space<hbm>> -> memref<10240x128xf32, #tpu.memory_space<hbm>>
      tpu.enqueue_indirect_dma source(%dma_start3A_353 : memref<10240x128xf32, #tpu.memory_space<hbm>>) target(%arg8 : memref<64x128xf32, #tpu.memory_space<vmem>>) offsets(%dma_start3A_350 : memref<64xi32, #tpu.memory_space<vmem>>) semaphore(%arg13 : memref<!tpu.dma_semaphore, #tpu.memory_space<semaphore_mem>>)
      %add3A_354 = arith.constant 1 : i32
      %add3A_355 = arith.addi %mul3A_339, %add3A_354 : i32
      %dma_wait3A_356 = arith.constant 0 : i32
      %dma_wait3A_357 = tpu.memref_slice %arg6[%add3A_355, %dma_wait3A_356] : memref<40x64xi32, #tpu.memory_space<vmem>> -> memref<1x64xi32, #tpu.memory_space<vmem>>
      %dma_wait3A_358 = tpu.memref_squeeze %dma_wait3A_357 : memref<1x64xi32, #tpu.memory_space<vmem>> -> memref<64xi32, #tpu.memory_space<vmem>>
      %dma_wait3A_359 = arith.constant 0 : i32
      %dma_wait3A_360 = arith.constant 0 : i32
      %dma_wait3A_361 = tpu.memref_slice %arg2[%dma_wait3A_359, %dma_wait3A_360] : memref<10240x128xf32, #tpu.memory_space<hbm>> -> memref<10240x128xf32, #tpu.memory_space<hbm>>
      tpu.wait_indirect_dma semaphore(%arg14 : memref<!tpu.dma_semaphore, #tpu.memory_space<semaphore_mem>>) src(%dma_wait3A_361 : memref<10240x128xf32, #tpu.memory_space<hbm>>) dst(%arg9 : memref<64x128xf32, #tpu.memory_space<vmem>>)
      "tpu.region"() ({
        %run_scoped3A_403 = tpu.sem_alloc : memref<!tpu.dma_semaphore, #tpu.memory_space<semaphore_mem>>
        %dma_start3A_404 = arith.constant 0 : i32
        %dma_start3A_405 = tpu.memref_slice %arg7[%add3A_355, %dma_start3A_404] : memref<40x64xi32, #tpu.memory_space<vmem>> -> memref<1x64xi32, #tpu.memory_space<vmem>>
        %dma_start3A_406 = tpu.memref_squeeze %dma_start3A_405 : memref<1x64xi32, #tpu.memory_space<vmem>> -> memref<64xi32, #tpu.memory_space<vmem>>
        %dma_start3A_407 = arith.constant 0 : i32
        %dma_start3A_408 = arith.constant 0 : i32
        %dma_start3A_409 = tpu.memref_slice %arg12[%dma_start3A_407, %dma_start3A_408] : memref<10240x128xf32, #tpu.memory_space<vmem_shared>> -> memref<10240x128xf32, #tpu.memory_space<vmem_shared>>
        tpu.enqueue_indirect_dma source(%arg9 : memref<64x128xf32, #tpu.memory_space<vmem>>) target(%dma_start3A_409 : memref<10240x128xf32, #tpu.memory_space<vmem_shared>>) offsets(%dma_start3A_406 : memref<64xi32, #tpu.memory_space<vmem>>) semaphore(%run_scoped3A_403 : memref<!tpu.dma_semaphore, #tpu.memory_space<semaphore_mem>>) {add = true}
        %dma_wait3A_410 = arith.constant 0 : i32
        %dma_wait3A_411 = tpu.memref_slice %arg7[%add3A_355, %dma_wait3A_410] : memref<40x64xi32, #tpu.memory_space<vmem>> -> memref<1x64xi32, #tpu.memory_space<vmem>>
        %dma_wait3A_412 = tpu.memref_squeeze %dma_wait3A_411 : memref<1x64xi32, #tpu.memory_space<vmem>> -> memref<64xi32, #tpu.memory_space<vmem>>
        %dma_wait3A_413 = arith.constant 0 : i32
        %dma_wait3A_414 = arith.constant 0 : i32
        %dma_wait3A_415 = tpu.memref_slice %arg12[%dma_wait3A_413, %dma_wait3A_414] : memref<10240x128xf32, #tpu.memory_space<vmem_shared>> -> memref<10240x128xf32, #tpu.memory_space<vmem_shared>>
        tpu.wait_indirect_dma semaphore(%run_scoped3A_403 : memref<!tpu.dma_semaphore, #tpu.memory_space<semaphore_mem>>) src(%arg9 : memref<64x128xf32, #tpu.memory_space<vmem>>) dst(%dma_wait3A_415 : memref<10240x128xf32, #tpu.memory_space<vmem_shared>>)
        tpu.yield
      }) : () -> ()
      %add3A_362 = arith.constant 5 : i32
      %add3A_363 = arith.addi %mul3A_339, %add3A_362 : i32
      %dma_start3A_364 = arith.constant 0 : i32
      %dma_start3A_365 = tpu.memref_slice %arg6[%add3A_363, %dma_start3A_364] : memref<40x64xi32, #tpu.memory_space<vmem>> -> memref<1x64xi32, #tpu.memory_space<vmem>>
      %dma_start3A_366 = tpu.memref_squeeze %dma_start3A_365 : memref<1x64xi32, #tpu.memory_space<vmem>> -> memref<64xi32, #tpu.memory_space<vmem>>
      %dma_start3A_367 = arith.constant 0 : i32
      %dma_start3A_368 = arith.constant 0 : i32
      %dma_start3A_369 = tpu.memref_slice %arg2[%dma_start3A_367, %dma_start3A_368] : memref<10240x128xf32, #tpu.memory_space<hbm>> -> memref<10240x128xf32, #tpu.memory_space<hbm>>
      tpu.enqueue_indirect_dma source(%dma_start3A_369 : memref<10240x128xf32, #tpu.memory_space<hbm>>) target(%arg9 : memref<64x128xf32, #tpu.memory_space<vmem>>) offsets(%dma_start3A_366 : memref<64xi32, #tpu.memory_space<vmem>>) semaphore(%arg14 : memref<!tpu.dma_semaphore, #tpu.memory_space<semaphore_mem>>)
      %add3A_370 = arith.constant 2 : i32
      %add3A_371 = arith.addi %mul3A_339, %add3A_370 : i32
      %dma_wait3A_372 = arith.constant 0 : i32
      %dma_wait3A_373 = tpu.memref_slice %arg6[%add3A_371, %dma_wait3A_372] : memref<40x64xi32, #tpu.memory_space<vmem>> -> memref<1x64xi32, #tpu.memory_space<vmem>>
      %dma_wait3A_374 = tpu.memref_squeeze %dma_wait3A_373 : memref<1x64xi32, #tpu.memory_space<vmem>> -> memref<64xi32, #tpu.memory_space<vmem>>
      %dma_wait3A_375 = arith.constant 0 : i32
      %dma_wait3A_376 = arith.constant 0 : i32
      %dma_wait3A_377 = tpu.memref_slice %arg2[%dma_wait3A_375, %dma_wait3A_376] : memref<10240x128xf32, #tpu.memory_space<hbm>> -> memref<10240x128xf32, #tpu.memory_space<hbm>>
      tpu.wait_indirect_dma semaphore(%arg15 : memref<!tpu.dma_semaphore, #tpu.memory_space<semaphore_mem>>) src(%dma_wait3A_377 : memref<10240x128xf32, #tpu.memory_space<hbm>>) dst(%arg10 : memref<64x128xf32, #tpu.memory_space<vmem>>)
      "tpu.region"() ({
        %run_scoped3A_403 = tpu.sem_alloc : memref<!tpu.dma_semaphore, #tpu.memory_space<semaphore_mem>>
        %dma_start3A_404 = arith.constant 0 : i32
        %dma_start3A_405 = tpu.memref_slice %arg7[%add3A_371, %dma_start3A_404] : memref<40x64xi32, #tpu.memory_space<vmem>> -> memref<1x64xi32, #tpu.memory_space<vmem>>
        %dma_start3A_406 = tpu.memref_squeeze %dma_start3A_405 : memref<1x64xi32, #tpu.memory_space<vmem>> -> memref<64xi32, #tpu.memory_space<vmem>>
        %dma_start3A_407 = arith.constant 0 : i32
        %dma_start3A_408 = arith.constant 0 : i32
        %dma_start3A_409 = tpu.memref_slice %arg12[%dma_start3A_407, %dma_start3A_408] : memref<10240x128xf32, #tpu.memory_space<vmem_shared>> -> memref<10240x128xf32, #tpu.memory_space<vmem_shared>>
        tpu.enqueue_indirect_dma source(%arg10 : memref<64x128xf32, #tpu.memory_space<vmem>>) target(%dma_start3A_409 : memref<10240x128xf32, #tpu.memory_space<vmem_shared>>) offsets(%dma_start3A_406 : memref<64xi32, #tpu.memory_space<vmem>>) semaphore(%run_scoped3A_403 : memref<!tpu.dma_semaphore, #tpu.memory_space<semaphore_mem>>) {add = true}
        %dma_wait3A_410 = arith.constant 0 : i32
        %dma_wait3A_411 = tpu.memref_slice %arg7[%add3A_371, %dma_wait3A_410] : memref<40x64xi32, #tpu.memory_space<vmem>> -> memref<1x64xi32, #tpu.memory_space<vmem>>
        %dma_wait3A_412 = tpu.memref_squeeze %dma_wait3A_411 : memref<1x64xi32, #tpu.memory_space<vmem>> -> memref<64xi32, #tpu.memory_space<vmem>>
        %dma_wait3A_413 = arith.constant 0 : i32
        %dma_wait3A_414 = arith.constant 0 : i32
        %dma_wait3A_415 = tpu.memref_slice %arg12[%dma_wait3A_413, %dma_wait3A_414] : memref<10240x128xf32, #tpu.memory_space<vmem_shared>> -> memref<10240x128xf32, #tpu.memory_space<vmem_shared>>
        tpu.wait_indirect_dma semaphore(%run_scoped3A_403 : memref<!tpu.dma_semaphore, #tpu.memory_space<semaphore_mem>>) src(%arg10 : memref<64x128xf32, #tpu.memory_space<vmem>>) dst(%dma_wait3A_415 : memref<10240x128xf32, #tpu.memory_space<vmem_shared>>)
        tpu.yield
      }) : () -> ()
      %add3A_378 = arith.constant 6 : i32
      %add3A_379 = arith.addi %mul3A_339, %add3A_378 : i32
      %dma_start3A_380 = arith.constant 0 : i32
      %dma_start3A_381 = tpu.memref_slice %arg6[%add3A_379, %dma_start3A_380] : memref<40x64xi32, #tpu.memory_space<vmem>> -> memref<1x64xi32, #tpu.memory_space<vmem>>
      %dma_start3A_382 = tpu.memref_squeeze %dma_start3A_381 : memref<1x64xi32, #tpu.memory_space<vmem>> -> memref<64xi32, #tpu.memory_space<vmem>>
      %dma_start3A_383 = arith.constant 0 : i32
      %dma_start3A_384 = arith.constant 0 : i32
      %dma_start3A_385 = tpu.memref_slice %arg2[%dma_start3A_383, %dma_start3A_384] : memref<10240x128xf32, #tpu.memory_space<hbm>> -> memref<10240x128xf32, #tpu.memory_space<hbm>>
      tpu.enqueue_indirect_dma source(%dma_start3A_385 : memref<10240x128xf32, #tpu.memory_space<hbm>>) target(%arg10 : memref<64x128xf32, #tpu.memory_space<vmem>>) offsets(%dma_start3A_382 : memref<64xi32, #tpu.memory_space<vmem>>) semaphore(%arg15 : memref<!tpu.dma_semaphore, #tpu.memory_space<semaphore_mem>>)
      %add3A_386 = arith.constant 3 : i32
      %add3A_387 = arith.addi %mul3A_339, %add3A_386 : i32
      %dma_wait3A_388 = arith.constant 0 : i32
      %dma_wait3A_389 = tpu.memref_slice %arg6[%add3A_387, %dma_wait3A_388] : memref<40x64xi32, #tpu.memory_space<vmem>> -> memref<1x64xi32, #tpu.memory_space<vmem>>
      %dma_wait3A_390 = tpu.memref_squeeze %dma_wait3A_389 : memref<1x64xi32, #tpu.memory_space<vmem>> -> memref<64xi32, #tpu.memory_space<vmem>>
      %dma_wait3A_391 = arith.constant 0 : i32
      %dma_wait3A_392 = arith.constant 0 : i32
      %dma_wait3A_393 = tpu.memref_slice %arg2[%dma_wait3A_391, %dma_wait3A_392] : memref<10240x128xf32, #tpu.memory_space<hbm>> -> memref<10240x128xf32, #tpu.memory_space<hbm>>
      tpu.wait_indirect_dma semaphore(%arg16 : memref<!tpu.dma_semaphore, #tpu.memory_space<semaphore_mem>>) src(%dma_wait3A_393 : memref<10240x128xf32, #tpu.memory_space<hbm>>) dst(%arg11 : memref<64x128xf32, #tpu.memory_space<vmem>>)
      "tpu.region"() ({
        %run_scoped3A_403 = tpu.sem_alloc : memref<!tpu.dma_semaphore, #tpu.memory_space<semaphore_mem>>
        %dma_start3A_404 = arith.constant 0 : i32
        %dma_start3A_405 = tpu.memref_slice %arg7[%add3A_387, %dma_start3A_404] : memref<40x64xi32, #tpu.memory_space<vmem>> -> memref<1x64xi32, #tpu.memory_space<vmem>>
        %dma_start3A_406 = tpu.memref_squeeze %dma_start3A_405 : memref<1x64xi32, #tpu.memory_space<vmem>> -> memref<64xi32, #tpu.memory_space<vmem>>
        %dma_start3A_407 = arith.constant 0 : i32
        %dma_start3A_408 = arith.constant 0 : i32
        %dma_start3A_409 = tpu.memref_slice %arg12[%dma_start3A_407, %dma_start3A_408] : memref<10240x128xf32, #tpu.memory_space<vmem_shared>> -> memref<10240x128xf32, #tpu.memory_space<vmem_shared>>
        tpu.enqueue_indirect_dma source(%arg11 : memref<64x128xf32, #tpu.memory_space<vmem>>) target(%dma_start3A_409 : memref<10240x128xf32, #tpu.memory_space<vmem_shared>>) offsets(%dma_start3A_406 : memref<64xi32, #tpu.memory_space<vmem>>) semaphore(%run_scoped3A_403 : memref<!tpu.dma_semaphore, #tpu.memory_space<semaphore_mem>>) {add = true}
        %dma_wait3A_410 = arith.constant 0 : i32
        %dma_wait3A_411 = tpu.memref_slice %arg7[%add3A_387, %dma_wait3A_410] : memref<40x64xi32, #tpu.memory_space<vmem>> -> memref<1x64xi32, #tpu.memory_space<vmem>>
        %dma_wait3A_412 = tpu.memref_squeeze %dma_wait3A_411 : memref<1x64xi32, #tpu.memory_space<vmem>> -> memref<64xi32, #tpu.memory_space<vmem>>
        %dma_wait3A_413 = arith.constant 0 : i32
        %dma_wait3A_414 = arith.constant 0 : i32
        %dma_wait3A_415 = tpu.memref_slice %arg12[%dma_wait3A_413, %dma_wait3A_414] : memref<10240x128xf32, #tpu.memory_space<vmem_shared>> -> memref<10240x128xf32, #tpu.memory_space<vmem_shared>>
        tpu.wait_indirect_dma semaphore(%run_scoped3A_403 : memref<!tpu.dma_semaphore, #tpu.memory_space<semaphore_mem>>) src(%arg11 : memref<64x128xf32, #tpu.memory_space<vmem>>) dst(%dma_wait3A_415 : memref<10240x128xf32, #tpu.memory_space<vmem_shared>>)
        tpu.yield
      }) : () -> ()
      %add3A_394 = arith.constant 7 : i32
      %add3A_395 = arith.addi %mul3A_339, %add3A_394 : i32
      %dma_start3A_396 = arith.constant 0 : i32
      %dma_start3A_397 = tpu.memref_slice %arg6[%add3A_395, %dma_start3A_396] : memref<40x64xi32, #tpu.memory_space<vmem>> -> memref<1x64xi32, #tpu.memory_space<vmem>>
      %dma_start3A_398 = tpu.memref_squeeze %dma_start3A_397 : memref<1x64xi32, #tpu.memory_space<vmem>> -> memref<64xi32, #tpu.memory_space<vmem>>
      %dma_start3A_399 = arith.constant 0 : i32
      %dma_start3A_400 = arith.constant 0 : i32
      %dma_start3A_401 = tpu.memref_slice %arg2[%dma_start3A_399, %dma_start3A_400] : memref<10240x128xf32, #tpu.memory_space<hbm>> -> memref<10240x128xf32, #tpu.memory_space<hbm>>
      tpu.enqueue_indirect_dma source(%dma_start3A_401 : memref<10240x128xf32, #tpu.memory_space<hbm>>) target(%arg11 : memref<64x128xf32, #tpu.memory_space<vmem>>) offsets(%dma_start3A_398 : memref<64xi32, #tpu.memory_space<vmem>>) semaphore(%arg16 : memref<!tpu.dma_semaphore, #tpu.memory_space<semaphore_mem>>)
      %scan3A_402 = arith.constant 0 : i32
      scf.yield %scan3A_402 : i32
    }
    %scan3A_153 = arith.constant 9 : i32
    %dma_wait3A_154 = arith.constant 36 : i32
    %dma_wait3A_155 = arith.constant 0 : i32
    %dma_wait3A_156 = tpu.memref_slice %arg6[%dma_wait3A_154, %dma_wait3A_155] : memref<40x64xi32, #tpu.memory_space<vmem>> -> memref<1x64xi32, #tpu.memory_space<vmem>>
    %dma_wait3A_157 = tpu.memref_squeeze %dma_wait3A_156 : memref<1x64xi32, #tpu.memory_space<vmem>> -> memref<64xi32, #tpu.memory_space<vmem>>
    %dma_wait3A_158 = arith.constant 0 : i32
    %dma_wait3A_159 = arith.constant 0 : i32
    %dma_wait3A_160 = tpu.memref_slice %arg2[%dma_wait3A_158, %dma_wait3A_159] : memref<10240x128xf32, #tpu.memory_space<hbm>> -> memref<10240x128xf32, #tpu.memory_space<hbm>>
    tpu.wait_indirect_dma semaphore(%arg13 : memref<!tpu.dma_semaphore, #tpu.memory_space<semaphore_mem>>) src(%dma_wait3A_160 : memref<10240x128xf32, #tpu.memory_space<hbm>>) dst(%arg8 : memref<64x128xf32, #tpu.memory_space<vmem>>)
    %run_scoped3A_161 = arith.constant 36 : i32
    "tpu.region"() ({
      %run_scoped3A_336 = tpu.sem_alloc : memref<!tpu.dma_semaphore, #tpu.memory_space<semaphore_mem>>
      %dma_start3A_337 = arith.constant 0 : i32
      %dma_start3A_338 = tpu.memref_slice %arg7[%run_scoped3A_161, %dma_start3A_337] : memref<40x64xi32, #tpu.memory_space<vmem>> -> memref<1x64xi32, #tpu.memory_space<vmem>>
      %dma_start3A_339 = tpu.memref_squeeze %dma_start3A_338 : memref<1x64xi32, #tpu.memory_space<vmem>> -> memref<64xi32, #tpu.memory_space<vmem>>
      %dma_start3A_340 = arith.constant 0 : i32
      %dma_start3A_341 = arith.constant 0 : i32
      %dma_start3A_342 = tpu.memref_slice %arg12[%dma_start3A_340, %dma_start3A_341] : memref<10240x128xf32, #tpu.memory_space<vmem_shared>> -> memref<10240x128xf32, #tpu.memory_space<vmem_shared>>
      tpu.enqueue_indirect_dma source(%arg8 : memref<64x128xf32, #tpu.memory_space<vmem>>) target(%dma_start3A_342 : memref<10240x128xf32, #tpu.memory_space<vmem_shared>>) offsets(%dma_start3A_339 : memref<64xi32, #tpu.memory_space<vmem>>) semaphore(%run_scoped3A_336 : memref<!tpu.dma_semaphore, #tpu.memory_space<semaphore_mem>>) {add = true}
      %dma_wait3A_343 = arith.constant 0 : i32
      %dma_wait3A_344 = tpu.memref_slice %arg7[%run_scoped3A_161, %dma_wait3A_343] : memref<40x64xi32, #tpu.memory_space<vmem>> -> memref<1x64xi32, #tpu.memory_space<vmem>>
      %dma_wait3A_345 = tpu.memref_squeeze %dma_wait3A_344 : memref<1x64xi32, #tpu.memory_space<vmem>> -> memref<64xi32, #tpu.memory_space<vmem>>
      %dma_wait3A_346 = arith.constant 0 : i32
      %dma_wait3A_347 = arith.constant 0 : i32
      %dma_wait3A_348 = tpu.memref_slice %arg12[%dma_wait3A_346, %dma_wait3A_347] : memref<10240x128xf32, #tpu.memory_space<vmem_shared>> -> memref<10240x128xf32, #tpu.memory_space<vmem_shared>>
      tpu.wait_indirect_dma semaphore(%run_scoped3A_336 : memref<!tpu.dma_semaphore, #tpu.memory_space<semaphore_mem>>) src(%arg8 : memref<64x128xf32, #tpu.memory_space<vmem>>) dst(%dma_wait3A_348 : memref<10240x128xf32, #tpu.memory_space<vmem_shared>>)
      tpu.yield
    }) : () -> ()
    %dma_wait3A_162 = arith.constant 37 : i32
    %dma_wait3A_163 = arith.constant 0 : i32
    %dma_wait3A_164 = tpu.memref_slice %arg6[%dma_wait3A_162, %dma_wait3A_163] : memref<40x64xi32, #tpu.memory_space<vmem>> -> memref<1x64xi32, #tpu.memory_space<vmem>>
    %dma_wait3A_165 = tpu.memref_squeeze %dma_wait3A_164 : memref<1x64xi32, #tpu.memory_space<vmem>> -> memref<64xi32, #tpu.memory_space<vmem>>
    %dma_wait3A_166 = arith.constant 0 : i32
    %dma_wait3A_167 = arith.constant 0 : i32
    %dma_wait3A_168 = tpu.memref_slice %arg2[%dma_wait3A_166, %dma_wait3A_167] : memref<10240x128xf32, #tpu.memory_space<hbm>> -> memref<10240x128xf32, #tpu.memory_space<hbm>>
    tpu.wait_indirect_dma semaphore(%arg14 : memref<!tpu.dma_semaphore, #tpu.memory_space<semaphore_mem>>) src(%dma_wait3A_168 : memref<10240x128xf32, #tpu.memory_space<hbm>>) dst(%arg9 : memref<64x128xf32, #tpu.memory_space<vmem>>)
    %run_scoped3A_169 = arith.constant 37 : i32
    "tpu.region"() ({
      %run_scoped3A_336 = tpu.sem_alloc : memref<!tpu.dma_semaphore, #tpu.memory_space<semaphore_mem>>
      %dma_start3A_337 = arith.constant 0 : i32
      %dma_start3A_338 = tpu.memref_slice %arg7[%run_scoped3A_169, %dma_start3A_337] : memref<40x64xi32, #tpu.memory_space<vmem>> -> memref<1x64xi32, #tpu.memory_space<vmem>>
      %dma_start3A_339 = tpu.memref_squeeze %dma_start3A_338 : memref<1x64xi32, #tpu.memory_space<vmem>> -> memref<64xi32, #tpu.memory_space<vmem>>
      %dma_start3A_340 = arith.constant 0 : i32
      %dma_start3A_341 = arith.constant 0 : i32
      %dma_start3A_342 = tpu.memref_slice %arg12[%dma_start3A_340, %dma_start3A_341] : memref<10240x128xf32, #tpu.memory_space<vmem_shared>> -> memref<10240x128xf32, #tpu.memory_space<vmem_shared>>
      tpu.enqueue_indirect_dma source(%arg9 : memref<64x128xf32, #tpu.memory_space<vmem>>) target(%dma_start3A_342 : memref<10240x128xf32, #tpu.memory_space<vmem_shared>>) offsets(%dma_start3A_339 : memref<64xi32, #tpu.memory_space<vmem>>) semaphore(%run_scoped3A_336 : memref<!tpu.dma_semaphore, #tpu.memory_space<semaphore_mem>>) {add = true}
      %dma_wait3A_343 = arith.constant 0 : i32
      %dma_wait3A_344 = tpu.memref_slice %arg7[%run_scoped3A_169, %dma_wait3A_343] : memref<40x64xi32, #tpu.memory_space<vmem>> -> memref<1x64xi32, #tpu.memory_space<vmem>>
      %dma_wait3A_345 = tpu.memref_squeeze %dma_wait3A_344 : memref<1x64xi32, #tpu.memory_space<vmem>> -> memref<64xi32, #tpu.memory_space<vmem>>
      %dma_wait3A_346 = arith.constant 0 : i32
      %dma_wait3A_347 = arith.constant 0 : i32
      %dma_wait3A_348 = tpu.memref_slice %arg12[%dma_wait3A_346, %dma_wait3A_347] : memref<10240x128xf32, #tpu.memory_space<vmem_shared>> -> memref<10240x128xf32, #tpu.memory_space<vmem_shared>>
      tpu.wait_indirect_dma semaphore(%run_scoped3A_336 : memref<!tpu.dma_semaphore, #tpu.memory_space<semaphore_mem>>) src(%arg9 : memref<64x128xf32, #tpu.memory_space<vmem>>) dst(%dma_wait3A_348 : memref<10240x128xf32, #tpu.memory_space<vmem_shared>>)
      tpu.yield
    }) : () -> ()
    %dma_wait3A_170 = arith.constant 38 : i32
    %dma_wait3A_171 = arith.constant 0 : i32
    %dma_wait3A_172 = tpu.memref_slice %arg6[%dma_wait3A_170, %dma_wait3A_171] : memref<40x64xi32, #tpu.memory_space<vmem>> -> memref<1x64xi32, #tpu.memory_space<vmem>>
    %dma_wait3A_173 = tpu.memref_squeeze %dma_wait3A_172 : memref<1x64xi32, #tpu.memory_space<vmem>> -> memref<64xi32, #tpu.memory_space<vmem>>
    %dma_wait3A_174 = arith.constant 0 : i32
    %dma_wait3A_175 = arith.constant 0 : i32
    %dma_wait3A_176 = tpu.memref_slice %arg2[%dma_wait3A_174, %dma_wait3A_175] : memref<10240x128xf32, #tpu.memory_space<hbm>> -> memref<10240x128xf32, #tpu.memory_space<hbm>>
    tpu.wait_indirect_dma semaphore(%arg15 : memref<!tpu.dma_semaphore, #tpu.memory_space<semaphore_mem>>) src(%dma_wait3A_176 : memref<10240x128xf32, #tpu.memory_space<hbm>>) dst(%arg10 : memref<64x128xf32, #tpu.memory_space<vmem>>)
    %run_scoped3A_177 = arith.constant 38 : i32
    "tpu.region"() ({
      %run_scoped3A_336 = tpu.sem_alloc : memref<!tpu.dma_semaphore, #tpu.memory_space<semaphore_mem>>
      %dma_start3A_337 = arith.constant 0 : i32
      %dma_start3A_338 = tpu.memref_slice %arg7[%run_scoped3A_177, %dma_start3A_337] : memref<40x64xi32, #tpu.memory_space<vmem>> -> memref<1x64xi32, #tpu.memory_space<vmem>>
      %dma_start3A_339 = tpu.memref_squeeze %dma_start3A_338 : memref<1x64xi32, #tpu.memory_space<vmem>> -> memref<64xi32, #tpu.memory_space<vmem>>
      %dma_start3A_340 = arith.constant 0 : i32
      %dma_start3A_341 = arith.constant 0 : i32
      %dma_start3A_342 = tpu.memref_slice %arg12[%dma_start3A_340, %dma_start3A_341] : memref<10240x128xf32, #tpu.memory_space<vmem_shared>> -> memref<10240x128xf32, #tpu.memory_space<vmem_shared>>
      tpu.enqueue_indirect_dma source(%arg10 : memref<64x128xf32, #tpu.memory_space<vmem>>) target(%dma_start3A_342 : memref<10240x128xf32, #tpu.memory_space<vmem_shared>>) offsets(%dma_start3A_339 : memref<64xi32, #tpu.memory_space<vmem>>) semaphore(%run_scoped3A_336 : memref<!tpu.dma_semaphore, #tpu.memory_space<semaphore_mem>>) {add = true}
      %dma_wait3A_343 = arith.constant 0 : i32
      %dma_wait3A_344 = tpu.memref_slice %arg7[%run_scoped3A_177, %dma_wait3A_343] : memref<40x64xi32, #tpu.memory_space<vmem>> -> memref<1x64xi32, #tpu.memory_space<vmem>>
      %dma_wait3A_345 = tpu.memref_squeeze %dma_wait3A_344 : memref<1x64xi32, #tpu.memory_space<vmem>> -> memref<64xi32, #tpu.memory_space<vmem>>
      %dma_wait3A_346 = arith.constant 0 : i32
      %dma_wait3A_347 = arith.constant 0 : i32
      %dma_wait3A_348 = tpu.memref_slice %arg12[%dma_wait3A_346, %dma_wait3A_347] : memref<10240x128xf32, #tpu.memory_space<vmem_shared>> -> memref<10240x128xf32, #tpu.memory_space<vmem_shared>>
      tpu.wait_indirect_dma semaphore(%run_scoped3A_336 : memref<!tpu.dma_semaphore, #tpu.memory_space<semaphore_mem>>) src(%arg10 : memref<64x128xf32, #tpu.memory_space<vmem>>) dst(%dma_wait3A_348 : memref<10240x128xf32, #tpu.memory_space<vmem_shared>>)
      tpu.yield
    }) : () -> ()
    %dma_wait3A_178 = arith.constant 39 : i32
    %dma_wait3A_179 = arith.constant 0 : i32
    %dma_wait3A_180 = tpu.memref_slice %arg6[%dma_wait3A_178, %dma_wait3A_179] : memref<40x64xi32, #tpu.memory_space<vmem>> -> memref<1x64xi32, #tpu.memory_space<vmem>>
    %dma_wait3A_181 = tpu.memref_squeeze %dma_wait3A_180 : memref<1x64xi32, #tpu.memory_space<vmem>> -> memref<64xi32, #tpu.memory_space<vmem>>
    %dma_wait3A_182 = arith.constant 0 : i32
    %dma_wait3A_183 = arith.constant 0 : i32
    %dma_wait3A_184 = tpu.memref_slice %arg2[%dma_wait3A_182, %dma_wait3A_183] : memref<10240x128xf32, #tpu.memory_space<hbm>> -> memref<10240x128xf32, #tpu.memory_space<hbm>>
    tpu.wait_indirect_dma semaphore(%arg16 : memref<!tpu.dma_semaphore, #tpu.memory_space<semaphore_mem>>) src(%dma_wait3A_184 : memref<10240x128xf32, #tpu.memory_space<hbm>>) dst(%arg11 : memref<64x128xf32, #tpu.memory_space<vmem>>)
    %run_scoped3A_185 = arith.constant 39 : i32
    "tpu.region"() ({
      %run_scoped3A_336 = tpu.sem_alloc : memref<!tpu.dma_semaphore, #tpu.memory_space<semaphore_mem>>
      %dma_start3A_337 = arith.constant 0 : i32
      %dma_start3A_338 = tpu.memref_slice %arg7[%run_scoped3A_185, %dma_start3A_337] : memref<40x64xi32, #tpu.memory_space<vmem>> -> memref<1x64xi32, #tpu.memory_space<vmem>>
      %dma_start3A_339 = tpu.memref_squeeze %dma_start3A_338 : memref<1x64xi32, #tpu.memory_space<vmem>> -> memref<64xi32, #tpu.memory_space<vmem>>
      %dma_start3A_340 = arith.constant 0 : i32
      %dma_start3A_341 = arith.constant 0 : i32
      %dma_start3A_342 = tpu.memref_slice %arg12[%dma_start3A_340, %dma_start3A_341] : memref<10240x128xf32, #tpu.memory_space<vmem_shared>> -> memref<10240x128xf32, #tpu.memory_space<vmem_shared>>
      tpu.enqueue_indirect_dma source(%arg11 : memref<64x128xf32, #tpu.memory_space<vmem>>) target(%dma_start3A_342 : memref<10240x128xf32, #tpu.memory_space<vmem_shared>>) offsets(%dma_start3A_339 : memref<64xi32, #tpu.memory_space<vmem>>) semaphore(%run_scoped3A_336 : memref<!tpu.dma_semaphore, #tpu.memory_space<semaphore_mem>>) {add = true}
      %dma_wait3A_343 = arith.constant 0 : i32
      %dma_wait3A_344 = tpu.memref_slice %arg7[%run_scoped3A_185, %dma_wait3A_343] : memref<40x64xi32, #tpu.memory_space<vmem>> -> memref<1x64xi32, #tpu.memory_space<vmem>>
      %dma_wait3A_345 = tpu.memref_squeeze %dma_wait3A_344 : memref<1x64xi32, #tpu.memory_space<vmem>> -> memref<64xi32, #tpu.memory_space<vmem>>
      %dma_wait3A_346 = arith.constant 0 : i32
      %dma_wait3A_347 = arith.constant 0 : i32
      %dma_wait3A_348 = tpu.memref_slice %arg12[%dma_wait3A_346, %dma_wait3A_347] : memref<10240x128xf32, #tpu.memory_space<vmem_shared>> -> memref<10240x128xf32, #tpu.memory_space<vmem_shared>>
      tpu.wait_indirect_dma semaphore(%run_scoped3A_336 : memref<!tpu.dma_semaphore, #tpu.memory_space<semaphore_mem>>) src(%arg11 : memref<64x128xf32, #tpu.memory_space<vmem>>) dst(%dma_wait3A_348 : memref<10240x128xf32, #tpu.memory_space<vmem_shared>>)
      tpu.yield
    }) : () -> ()
    %mul3A_186 = arith.constant 160 : i32
    %mul3A_187 = arith.muli %add3A, %mul3A_186 : i32
    %add3A_188 = arith.constant 80 : i32
    %add3A_189 = arith.addi %mul3A_187, %add3A_188 : i32
    "tpu.region"() ({
      %run_scoped3A_336 = tpu.sem_alloc : memref<!tpu.dma_semaphore, #tpu.memory_space<semaphore_mem>>
      %dma_start3A_337 = arith.constant 0 : i32
      %dma_start3A_338 = tpu.memref_slice %arg3[%add3A_189, %dma_start3A_337] : memref<5120x64xi32, #tpu.memory_space<hbm>> -> memref<40x64xi32, #tpu.memory_space<hbm>>
      %dma_start3A_339 = arith.constant 0 : i32
      %dma_start3A_340 = tpu.memref_slice %arg3[%add3A_189, %dma_start3A_339] : memref<5120x64xi32, #tpu.memory_space<hbm>> -> memref<40x64xi32, #tpu.memory_space<hbm>>
      tpu.enqueue_dma source(%dma_start3A_340 : memref<40x64xi32, #tpu.memory_space<hbm>>) target(%arg6 : memref<40x64xi32, #tpu.memory_space<vmem>>) target_semaphore(%run_scoped3A_336 : memref<!tpu.dma_semaphore, #tpu.memory_space<semaphore_mem>>)
      %dma_wait3A_341 = arith.constant 0 : i32
      %dma_wait3A_342 = tpu.memref_slice %arg3[%add3A_189, %dma_wait3A_341] : memref<5120x64xi32, #tpu.memory_space<hbm>> -> memref<40x64xi32, #tpu.memory_space<hbm>>
      %dma_wait3A_343 = arith.constant 0 : i32
      %dma_wait3A_344 = tpu.memref_slice %arg3[%add3A_189, %dma_wait3A_343] : memref<5120x64xi32, #tpu.memory_space<hbm>> -> memref<40x64xi32, #tpu.memory_space<hbm>>
      tpu.wait_dma2 semaphore(%run_scoped3A_336 : memref<!tpu.dma_semaphore, #tpu.memory_space<semaphore_mem>>) src(%dma_wait3A_344 : memref<40x64xi32, #tpu.memory_space<hbm>>) dst(%arg6 : memref<40x64xi32, #tpu.memory_space<vmem>>)
      tpu.yield
    }) : () -> ()
    "tpu.region"() ({
      %run_scoped3A_336 = tpu.sem_alloc : memref<!tpu.dma_semaphore, #tpu.memory_space<semaphore_mem>>
      %dma_start3A_337 = arith.constant 0 : i32
      %dma_start3A_338 = tpu.memref_slice %arg4[%add3A_189, %dma_start3A_337] : memref<5120x64xi32, #tpu.memory_space<hbm>> -> memref<40x64xi32, #tpu.memory_space<hbm>>
      %dma_start3A_339 = arith.constant 0 : i32
      %dma_start3A_340 = tpu.memref_slice %arg4[%add3A_189, %dma_start3A_339] : memref<5120x64xi32, #tpu.memory_space<hbm>> -> memref<40x64xi32, #tpu.memory_space<hbm>>
      tpu.enqueue_dma source(%dma_start3A_340 : memref<40x64xi32, #tpu.memory_space<hbm>>) target(%arg7 : memref<40x64xi32, #tpu.memory_space<vmem>>) target_semaphore(%run_scoped3A_336 : memref<!tpu.dma_semaphore, #tpu.memory_space<semaphore_mem>>)
      %dma_wait3A_341 = arith.constant 0 : i32
      %dma_wait3A_342 = tpu.memref_slice %arg4[%add3A_189, %dma_wait3A_341] : memref<5120x64xi32, #tpu.memory_space<hbm>> -> memref<40x64xi32, #tpu.memory_space<hbm>>
      %dma_wait3A_343 = arith.constant 0 : i32
      %dma_wait3A_344 = tpu.memref_slice %arg4[%add3A_189, %dma_wait3A_343] : memref<5120x64xi32, #tpu.memory_space<hbm>> -> memref<40x64xi32, #tpu.memory_space<hbm>>
      tpu.wait_dma2 semaphore(%run_scoped3A_336 : memref<!tpu.dma_semaphore, #tpu.memory_space<semaphore_mem>>) src(%dma_wait3A_344 : memref<40x64xi32, #tpu.memory_space<hbm>>) dst(%arg7 : memref<40x64xi32, #tpu.memory_space<vmem>>)
      tpu.yield
    }) : () -> ()
    %dma_start3A_190 = arith.constant 0 : i32
    %dma_start3A_191 = arith.constant 0 : i32
    %dma_start3A_192 = tpu.memref_slice %arg6[%dma_start3A_190, %dma_start3A_191] : memref<40x64xi32, #tpu.memory_space<vmem>> -> memref<1x64xi32, #tpu.memory_space<vmem>>
    %dma_start3A_193 = tpu.memref_squeeze %dma_start3A_192 : memref<1x64xi32, #tpu.memory_space<vmem>> -> memref<64xi32, #tpu.memory_space<vmem>>
    %dma_start3A_194 = arith.constant 0 : i32
    %dma_start3A_195 = arith.constant 0 : i32
    %dma_start3A_196 = tpu.memref_slice %arg2[%dma_start3A_194, %dma_start3A_195] : memref<10240x128xf32, #tpu.memory_space<hbm>> -> memref<10240x128xf32, #tpu.memory_space<hbm>>
    tpu.enqueue_indirect_dma source(%dma_start3A_196 : memref<10240x128xf32, #tpu.memory_space<hbm>>) target(%arg8 : memref<64x128xf32, #tpu.memory_space<vmem>>) offsets(%dma_start3A_193 : memref<64xi32, #tpu.memory_space<vmem>>) semaphore(%arg13 : memref<!tpu.dma_semaphore, #tpu.memory_space<semaphore_mem>>)
    %dma_start3A_197 = arith.constant 1 : i32
    %dma_start3A_198 = arith.constant 0 : i32
    %dma_start3A_199 = tpu.memref_slice %arg6[%dma_start3A_197, %dma_start3A_198] : memref<40x64xi32, #tpu.memory_space<vmem>> -> memref<1x64xi32, #tpu.memory_space<vmem>>
    %dma_start3A_200 = tpu.memref_squeeze %dma_start3A_199 : memref<1x64xi32, #tpu.memory_space<vmem>> -> memref<64xi32, #tpu.memory_space<vmem>>
    %dma_start3A_201 = arith.constant 0 : i32
    %dma_start3A_202 = arith.constant 0 : i32
    %dma_start3A_203 = tpu.memref_slice %arg2[%dma_start3A_201, %dma_start3A_202] : memref<10240x128xf32, #tpu.memory_space<hbm>> -> memref<10240x128xf32, #tpu.memory_space<hbm>>
    tpu.enqueue_indirect_dma source(%dma_start3A_203 : memref<10240x128xf32, #tpu.memory_space<hbm>>) target(%arg9 : memref<64x128xf32, #tpu.memory_space<vmem>>) offsets(%dma_start3A_200 : memref<64xi32, #tpu.memory_space<vmem>>) semaphore(%arg14 : memref<!tpu.dma_semaphore, #tpu.memory_space<semaphore_mem>>)
    %dma_start3A_204 = arith.constant 2 : i32
    %dma_start3A_205 = arith.constant 0 : i32
    %dma_start3A_206 = tpu.memref_slice %arg6[%dma_start3A_204, %dma_start3A_205] : memref<40x64xi32, #tpu.memory_space<vmem>> -> memref<1x64xi32, #tpu.memory_space<vmem>>
    %dma_start3A_207 = tpu.memref_squeeze %dma_start3A_206 : memref<1x64xi32, #tpu.memory_space<vmem>> -> memref<64xi32, #tpu.memory_space<vmem>>
    %dma_start3A_208 = arith.constant 0 : i32
    %dma_start3A_209 = arith.constant 0 : i32
    %dma_start3A_210 = tpu.memref_slice %arg2[%dma_start3A_208, %dma_start3A_209] : memref<10240x128xf32, #tpu.memory_space<hbm>> -> memref<10240x128xf32, #tpu.memory_space<hbm>>
    tpu.enqueue_indirect_dma source(%dma_start3A_210 : memref<10240x128xf32, #tpu.memory_space<hbm>>) target(%arg10 : memref<64x128xf32, #tpu.memory_space<vmem>>) offsets(%dma_start3A_207 : memref<64xi32, #tpu.memory_space<vmem>>) semaphore(%arg15 : memref<!tpu.dma_semaphore, #tpu.memory_space<semaphore_mem>>)
    %dma_start3A_211 = arith.constant 3 : i32
    %dma_start3A_212 = arith.constant 0 : i32
    %dma_start3A_213 = tpu.memref_slice %arg6[%dma_start3A_211, %dma_start3A_212] : memref<40x64xi32, #tpu.memory_space<vmem>> -> memref<1x64xi32, #tpu.memory_space<vmem>>
    %dma_start3A_214 = tpu.memref_squeeze %dma_start3A_213 : memref<1x64xi32, #tpu.memory_space<vmem>> -> memref<64xi32, #tpu.memory_space<vmem>>
    %dma_start3A_215 = arith.constant 0 : i32
    %dma_start3A_216 = arith.constant 0 : i32
    %dma_start3A_217 = tpu.memref_slice %arg2[%dma_start3A_215, %dma_start3A_216] : memref<10240x128xf32, #tpu.memory_space<hbm>> -> memref<10240x128xf32, #tpu.memory_space<hbm>>
    tpu.enqueue_indirect_dma source(%dma_start3A_217 : memref<10240x128xf32, #tpu.memory_space<hbm>>) target(%arg11 : memref<64x128xf32, #tpu.memory_space<vmem>>) offsets(%dma_start3A_214 : memref<64xi32, #tpu.memory_space<vmem>>) semaphore(%arg16 : memref<!tpu.dma_semaphore, #tpu.memory_space<semaphore_mem>>)
    %scan3A_218 = arith.constant 0 : i32
    %scan3A_219 = arith.constant 0 : i32
    %scan3A_220 = arith.constant 9 : i32
    %scan3A_221 = arith.addi %scan3A_219, %scan3A_220 : i32
    %scan3A_222 = arith.constant 1 : i32
    %scan3A_223 = scf.for %scan3A_336 = %scan3A_219 to %scan3A_221 step %scan3A_222 iter_args(%scan3A_337 = %scan3A_218) -> (i32)  : i32 {
      %mul3A_338 = arith.constant 4 : i32
      %mul3A_339 = arith.muli %mul3A_338, %scan3A_336 : i32
      %dma_wait3A_340 = arith.constant 0 : i32
      %dma_wait3A_341 = tpu.memref_slice %arg6[%mul3A_339, %dma_wait3A_340] : memref<40x64xi32, #tpu.memory_space<vmem>> -> memref<1x64xi32, #tpu.memory_space<vmem>>
      %dma_wait3A_342 = tpu.memref_squeeze %dma_wait3A_341 : memref<1x64xi32, #tpu.memory_space<vmem>> -> memref<64xi32, #tpu.memory_space<vmem>>
      %dma_wait3A_343 = arith.constant 0 : i32
      %dma_wait3A_344 = arith.constant 0 : i32
      %dma_wait3A_345 = tpu.memref_slice %arg2[%dma_wait3A_343, %dma_wait3A_344] : memref<10240x128xf32, #tpu.memory_space<hbm>> -> memref<10240x128xf32, #tpu.memory_space<hbm>>
      tpu.wait_indirect_dma semaphore(%arg13 : memref<!tpu.dma_semaphore, #tpu.memory_space<semaphore_mem>>) src(%dma_wait3A_345 : memref<10240x128xf32, #tpu.memory_space<hbm>>) dst(%arg8 : memref<64x128xf32, #tpu.memory_space<vmem>>)
      "tpu.region"() ({
        %run_scoped3A_403 = tpu.sem_alloc : memref<!tpu.dma_semaphore, #tpu.memory_space<semaphore_mem>>
        %dma_start3A_404 = arith.constant 0 : i32
        %dma_start3A_405 = tpu.memref_slice %arg7[%mul3A_339, %dma_start3A_404] : memref<40x64xi32, #tpu.memory_space<vmem>> -> memref<1x64xi32, #tpu.memory_space<vmem>>
        %dma_start3A_406 = tpu.memref_squeeze %dma_start3A_405 : memref<1x64xi32, #tpu.memory_space<vmem>> -> memref<64xi32, #tpu.memory_space<vmem>>
        %dma_start3A_407 = arith.constant 0 : i32
        %dma_start3A_408 = arith.constant 0 : i32
        %dma_start3A_409 = tpu.memref_slice %arg12[%dma_start3A_407, %dma_start3A_408] : memref<10240x128xf32, #tpu.memory_space<vmem_shared>> -> memref<10240x128xf32, #tpu.memory_space<vmem_shared>>
        tpu.enqueue_indirect_dma source(%arg8 : memref<64x128xf32, #tpu.memory_space<vmem>>) target(%dma_start3A_409 : memref<10240x128xf32, #tpu.memory_space<vmem_shared>>) offsets(%dma_start3A_406 : memref<64xi32, #tpu.memory_space<vmem>>) semaphore(%run_scoped3A_403 : memref<!tpu.dma_semaphore, #tpu.memory_space<semaphore_mem>>) {add = true}
        %dma_wait3A_410 = arith.constant 0 : i32
        %dma_wait3A_411 = tpu.memref_slice %arg7[%mul3A_339, %dma_wait3A_410] : memref<40x64xi32, #tpu.memory_space<vmem>> -> memref<1x64xi32, #tpu.memory_space<vmem>>
        %dma_wait3A_412 = tpu.memref_squeeze %dma_wait3A_411 : memref<1x64xi32, #tpu.memory_space<vmem>> -> memref<64xi32, #tpu.memory_space<vmem>>
        %dma_wait3A_413 = arith.constant 0 : i32
        %dma_wait3A_414 = arith.constant 0 : i32
        %dma_wait3A_415 = tpu.memref_slice %arg12[%dma_wait3A_413, %dma_wait3A_414] : memref<10240x128xf32, #tpu.memory_space<vmem_shared>> -> memref<10240x128xf32, #tpu.memory_space<vmem_shared>>
        tpu.wait_indirect_dma semaphore(%run_scoped3A_403 : memref<!tpu.dma_semaphore, #tpu.memory_space<semaphore_mem>>) src(%arg8 : memref<64x128xf32, #tpu.memory_space<vmem>>) dst(%dma_wait3A_415 : memref<10240x128xf32, #tpu.memory_space<vmem_shared>>)
        tpu.yield
      }) : () -> ()
      %add3A_346 = arith.constant 4 : i32
      %add3A_347 = arith.addi %mul3A_339, %add3A_346 : i32
      %dma_start3A_348 = arith.constant 0 : i32
      %dma_start3A_349 = tpu.memref_slice %arg6[%add3A_347, %dma_start3A_348] : memref<40x64xi32, #tpu.memory_space<vmem>> -> memref<1x64xi32, #tpu.memory_space<vmem>>
      %dma_start3A_350 = tpu.memref_squeeze %dma_start3A_349 : memref<1x64xi32, #tpu.memory_space<vmem>> -> memref<64xi32, #tpu.memory_space<vmem>>
      %dma_start3A_351 = arith.constant 0 : i32
      %dma_start3A_352 = arith.constant 0 : i32
      %dma_start3A_353 = tpu.memref_slice %arg2[%dma_start3A_351, %dma_start3A_352] : memref<10240x128xf32, #tpu.memory_space<hbm>> -> memref<10240x128xf32, #tpu.memory_space<hbm>>
      tpu.enqueue_indirect_dma source(%dma_start3A_353 : memref<10240x128xf32, #tpu.memory_space<hbm>>) target(%arg8 : memref<64x128xf32, #tpu.memory_space<vmem>>) offsets(%dma_start3A_350 : memref<64xi32, #tpu.memory_space<vmem>>) semaphore(%arg13 : memref<!tpu.dma_semaphore, #tpu.memory_space<semaphore_mem>>)
      %add3A_354 = arith.constant 1 : i32
      %add3A_355 = arith.addi %mul3A_339, %add3A_354 : i32
      %dma_wait3A_356 = arith.constant 0 : i32
      %dma_wait3A_357 = tpu.memref_slice %arg6[%add3A_355, %dma_wait3A_356] : memref<40x64xi32, #tpu.memory_space<vmem>> -> memref<1x64xi32, #tpu.memory_space<vmem>>
      %dma_wait3A_358 = tpu.memref_squeeze %dma_wait3A_357 : memref<1x64xi32, #tpu.memory_space<vmem>> -> memref<64xi32, #tpu.memory_space<vmem>>
      %dma_wait3A_359 = arith.constant 0 : i32
      %dma_wait3A_360 = arith.constant 0 : i32
      %dma_wait3A_361 = tpu.memref_slice %arg2[%dma_wait3A_359, %dma_wait3A_360] : memref<10240x128xf32, #tpu.memory_space<hbm>> -> memref<10240x128xf32, #tpu.memory_space<hbm>>
      tpu.wait_indirect_dma semaphore(%arg14 : memref<!tpu.dma_semaphore, #tpu.memory_space<semaphore_mem>>) src(%dma_wait3A_361 : memref<10240x128xf32, #tpu.memory_space<hbm>>) dst(%arg9 : memref<64x128xf32, #tpu.memory_space<vmem>>)
      "tpu.region"() ({
        %run_scoped3A_403 = tpu.sem_alloc : memref<!tpu.dma_semaphore, #tpu.memory_space<semaphore_mem>>
        %dma_start3A_404 = arith.constant 0 : i32
        %dma_start3A_405 = tpu.memref_slice %arg7[%add3A_355, %dma_start3A_404] : memref<40x64xi32, #tpu.memory_space<vmem>> -> memref<1x64xi32, #tpu.memory_space<vmem>>
        %dma_start3A_406 = tpu.memref_squeeze %dma_start3A_405 : memref<1x64xi32, #tpu.memory_space<vmem>> -> memref<64xi32, #tpu.memory_space<vmem>>
        %dma_start3A_407 = arith.constant 0 : i32
        %dma_start3A_408 = arith.constant 0 : i32
        %dma_start3A_409 = tpu.memref_slice %arg12[%dma_start3A_407, %dma_start3A_408] : memref<10240x128xf32, #tpu.memory_space<vmem_shared>> -> memref<10240x128xf32, #tpu.memory_space<vmem_shared>>
        tpu.enqueue_indirect_dma source(%arg9 : memref<64x128xf32, #tpu.memory_space<vmem>>) target(%dma_start3A_409 : memref<10240x128xf32, #tpu.memory_space<vmem_shared>>) offsets(%dma_start3A_406 : memref<64xi32, #tpu.memory_space<vmem>>) semaphore(%run_scoped3A_403 : memref<!tpu.dma_semaphore, #tpu.memory_space<semaphore_mem>>) {add = true}
        %dma_wait3A_410 = arith.constant 0 : i32
        %dma_wait3A_411 = tpu.memref_slice %arg7[%add3A_355, %dma_wait3A_410] : memref<40x64xi32, #tpu.memory_space<vmem>> -> memref<1x64xi32, #tpu.memory_space<vmem>>
        %dma_wait3A_412 = tpu.memref_squeeze %dma_wait3A_411 : memref<1x64xi32, #tpu.memory_space<vmem>> -> memref<64xi32, #tpu.memory_space<vmem>>
        %dma_wait3A_413 = arith.constant 0 : i32
        %dma_wait3A_414 = arith.constant 0 : i32
        %dma_wait3A_415 = tpu.memref_slice %arg12[%dma_wait3A_413, %dma_wait3A_414] : memref<10240x128xf32, #tpu.memory_space<vmem_shared>> -> memref<10240x128xf32, #tpu.memory_space<vmem_shared>>
        tpu.wait_indirect_dma semaphore(%run_scoped3A_403 : memref<!tpu.dma_semaphore, #tpu.memory_space<semaphore_mem>>) src(%arg9 : memref<64x128xf32, #tpu.memory_space<vmem>>) dst(%dma_wait3A_415 : memref<10240x128xf32, #tpu.memory_space<vmem_shared>>)
        tpu.yield
      }) : () -> ()
      %add3A_362 = arith.constant 5 : i32
      %add3A_363 = arith.addi %mul3A_339, %add3A_362 : i32
      %dma_start3A_364 = arith.constant 0 : i32
      %dma_start3A_365 = tpu.memref_slice %arg6[%add3A_363, %dma_start3A_364] : memref<40x64xi32, #tpu.memory_space<vmem>> -> memref<1x64xi32, #tpu.memory_space<vmem>>
      %dma_start3A_366 = tpu.memref_squeeze %dma_start3A_365 : memref<1x64xi32, #tpu.memory_space<vmem>> -> memref<64xi32, #tpu.memory_space<vmem>>
      %dma_start3A_367 = arith.constant 0 : i32
      %dma_start3A_368 = arith.constant 0 : i32
      %dma_start3A_369 = tpu.memref_slice %arg2[%dma_start3A_367, %dma_start3A_368] : memref<10240x128xf32, #tpu.memory_space<hbm>> -> memref<10240x128xf32, #tpu.memory_space<hbm>>
      tpu.enqueue_indirect_dma source(%dma_start3A_369 : memref<10240x128xf32, #tpu.memory_space<hbm>>) target(%arg9 : memref<64x128xf32, #tpu.memory_space<vmem>>) offsets(%dma_start3A_366 : memref<64xi32, #tpu.memory_space<vmem>>) semaphore(%arg14 : memref<!tpu.dma_semaphore, #tpu.memory_space<semaphore_mem>>)
      %add3A_370 = arith.constant 2 : i32
      %add3A_371 = arith.addi %mul3A_339, %add3A_370 : i32
      %dma_wait3A_372 = arith.constant 0 : i32
      %dma_wait3A_373 = tpu.memref_slice %arg6[%add3A_371, %dma_wait3A_372] : memref<40x64xi32, #tpu.memory_space<vmem>> -> memref<1x64xi32, #tpu.memory_space<vmem>>
      %dma_wait3A_374 = tpu.memref_squeeze %dma_wait3A_373 : memref<1x64xi32, #tpu.memory_space<vmem>> -> memref<64xi32, #tpu.memory_space<vmem>>
      %dma_wait3A_375 = arith.constant 0 : i32
      %dma_wait3A_376 = arith.constant 0 : i32
      %dma_wait3A_377 = tpu.memref_slice %arg2[%dma_wait3A_375, %dma_wait3A_376] : memref<10240x128xf32, #tpu.memory_space<hbm>> -> memref<10240x128xf32, #tpu.memory_space<hbm>>
      tpu.wait_indirect_dma semaphore(%arg15 : memref<!tpu.dma_semaphore, #tpu.memory_space<semaphore_mem>>) src(%dma_wait3A_377 : memref<10240x128xf32, #tpu.memory_space<hbm>>) dst(%arg10 : memref<64x128xf32, #tpu.memory_space<vmem>>)
      "tpu.region"() ({
        %run_scoped3A_403 = tpu.sem_alloc : memref<!tpu.dma_semaphore, #tpu.memory_space<semaphore_mem>>
        %dma_start3A_404 = arith.constant 0 : i32
        %dma_start3A_405 = tpu.memref_slice %arg7[%add3A_371, %dma_start3A_404] : memref<40x64xi32, #tpu.memory_space<vmem>> -> memref<1x64xi32, #tpu.memory_space<vmem>>
        %dma_start3A_406 = tpu.memref_squeeze %dma_start3A_405 : memref<1x64xi32, #tpu.memory_space<vmem>> -> memref<64xi32, #tpu.memory_space<vmem>>
        %dma_start3A_407 = arith.constant 0 : i32
        %dma_start3A_408 = arith.constant 0 : i32
        %dma_start3A_409 = tpu.memref_slice %arg12[%dma_start3A_407, %dma_start3A_408] : memref<10240x128xf32, #tpu.memory_space<vmem_shared>> -> memref<10240x128xf32, #tpu.memory_space<vmem_shared>>
        tpu.enqueue_indirect_dma source(%arg10 : memref<64x128xf32, #tpu.memory_space<vmem>>) target(%dma_start3A_409 : memref<10240x128xf32, #tpu.memory_space<vmem_shared>>) offsets(%dma_start3A_406 : memref<64xi32, #tpu.memory_space<vmem>>) semaphore(%run_scoped3A_403 : memref<!tpu.dma_semaphore, #tpu.memory_space<semaphore_mem>>) {add = true}
        %dma_wait3A_410 = arith.constant 0 : i32
        %dma_wait3A_411 = tpu.memref_slice %arg7[%add3A_371, %dma_wait3A_410] : memref<40x64xi32, #tpu.memory_space<vmem>> -> memref<1x64xi32, #tpu.memory_space<vmem>>
        %dma_wait3A_412 = tpu.memref_squeeze %dma_wait3A_411 : memref<1x64xi32, #tpu.memory_space<vmem>> -> memref<64xi32, #tpu.memory_space<vmem>>
        %dma_wait3A_413 = arith.constant 0 : i32
        %dma_wait3A_414 = arith.constant 0 : i32
        %dma_wait3A_415 = tpu.memref_slice %arg12[%dma_wait3A_413, %dma_wait3A_414] : memref<10240x128xf32, #tpu.memory_space<vmem_shared>> -> memref<10240x128xf32, #tpu.memory_space<vmem_shared>>
        tpu.wait_indirect_dma semaphore(%run_scoped3A_403 : memref<!tpu.dma_semaphore, #tpu.memory_space<semaphore_mem>>) src(%arg10 : memref<64x128xf32, #tpu.memory_space<vmem>>) dst(%dma_wait3A_415 : memref<10240x128xf32, #tpu.memory_space<vmem_shared>>)
        tpu.yield
      }) : () -> ()
      %add3A_378 = arith.constant 6 : i32
      %add3A_379 = arith.addi %mul3A_339, %add3A_378 : i32
      %dma_start3A_380 = arith.constant 0 : i32
      %dma_start3A_381 = tpu.memref_slice %arg6[%add3A_379, %dma_start3A_380] : memref<40x64xi32, #tpu.memory_space<vmem>> -> memref<1x64xi32, #tpu.memory_space<vmem>>
      %dma_start3A_382 = tpu.memref_squeeze %dma_start3A_381 : memref<1x64xi32, #tpu.memory_space<vmem>> -> memref<64xi32, #tpu.memory_space<vmem>>
      %dma_start3A_383 = arith.constant 0 : i32
      %dma_start3A_384 = arith.constant 0 : i32
      %dma_start3A_385 = tpu.memref_slice %arg2[%dma_start3A_383, %dma_start3A_384] : memref<10240x128xf32, #tpu.memory_space<hbm>> -> memref<10240x128xf32, #tpu.memory_space<hbm>>
      tpu.enqueue_indirect_dma source(%dma_start3A_385 : memref<10240x128xf32, #tpu.memory_space<hbm>>) target(%arg10 : memref<64x128xf32, #tpu.memory_space<vmem>>) offsets(%dma_start3A_382 : memref<64xi32, #tpu.memory_space<vmem>>) semaphore(%arg15 : memref<!tpu.dma_semaphore, #tpu.memory_space<semaphore_mem>>)
      %add3A_386 = arith.constant 3 : i32
      %add3A_387 = arith.addi %mul3A_339, %add3A_386 : i32
      %dma_wait3A_388 = arith.constant 0 : i32
      %dma_wait3A_389 = tpu.memref_slice %arg6[%add3A_387, %dma_wait3A_388] : memref<40x64xi32, #tpu.memory_space<vmem>> -> memref<1x64xi32, #tpu.memory_space<vmem>>
      %dma_wait3A_390 = tpu.memref_squeeze %dma_wait3A_389 : memref<1x64xi32, #tpu.memory_space<vmem>> -> memref<64xi32, #tpu.memory_space<vmem>>
      %dma_wait3A_391 = arith.constant 0 : i32
      %dma_wait3A_392 = arith.constant 0 : i32
      %dma_wait3A_393 = tpu.memref_slice %arg2[%dma_wait3A_391, %dma_wait3A_392] : memref<10240x128xf32, #tpu.memory_space<hbm>> -> memref<10240x128xf32, #tpu.memory_space<hbm>>
      tpu.wait_indirect_dma semaphore(%arg16 : memref<!tpu.dma_semaphore, #tpu.memory_space<semaphore_mem>>) src(%dma_wait3A_393 : memref<10240x128xf32, #tpu.memory_space<hbm>>) dst(%arg11 : memref<64x128xf32, #tpu.memory_space<vmem>>)
      "tpu.region"() ({
        %run_scoped3A_403 = tpu.sem_alloc : memref<!tpu.dma_semaphore, #tpu.memory_space<semaphore_mem>>
        %dma_start3A_404 = arith.constant 0 : i32
        %dma_start3A_405 = tpu.memref_slice %arg7[%add3A_387, %dma_start3A_404] : memref<40x64xi32, #tpu.memory_space<vmem>> -> memref<1x64xi32, #tpu.memory_space<vmem>>
        %dma_start3A_406 = tpu.memref_squeeze %dma_start3A_405 : memref<1x64xi32, #tpu.memory_space<vmem>> -> memref<64xi32, #tpu.memory_space<vmem>>
        %dma_start3A_407 = arith.constant 0 : i32
        %dma_start3A_408 = arith.constant 0 : i32
        %dma_start3A_409 = tpu.memref_slice %arg12[%dma_start3A_407, %dma_start3A_408] : memref<10240x128xf32, #tpu.memory_space<vmem_shared>> -> memref<10240x128xf32, #tpu.memory_space<vmem_shared>>
        tpu.enqueue_indirect_dma source(%arg11 : memref<64x128xf32, #tpu.memory_space<vmem>>) target(%dma_start3A_409 : memref<10240x128xf32, #tpu.memory_space<vmem_shared>>) offsets(%dma_start3A_406 : memref<64xi32, #tpu.memory_space<vmem>>) semaphore(%run_scoped3A_403 : memref<!tpu.dma_semaphore, #tpu.memory_space<semaphore_mem>>) {add = true}
        %dma_wait3A_410 = arith.constant 0 : i32
        %dma_wait3A_411 = tpu.memref_slice %arg7[%add3A_387, %dma_wait3A_410] : memref<40x64xi32, #tpu.memory_space<vmem>> -> memref<1x64xi32, #tpu.memory_space<vmem>>
        %dma_wait3A_412 = tpu.memref_squeeze %dma_wait3A_411 : memref<1x64xi32, #tpu.memory_space<vmem>> -> memref<64xi32, #tpu.memory_space<vmem>>
        %dma_wait3A_413 = arith.constant 0 : i32
        %dma_wait3A_414 = arith.constant 0 : i32
        %dma_wait3A_415 = tpu.memref_slice %arg12[%dma_wait3A_413, %dma_wait3A_414] : memref<10240x128xf32, #tpu.memory_space<vmem_shared>> -> memref<10240x128xf32, #tpu.memory_space<vmem_shared>>
        tpu.wait_indirect_dma semaphore(%run_scoped3A_403 : memref<!tpu.dma_semaphore, #tpu.memory_space<semaphore_mem>>) src(%arg11 : memref<64x128xf32, #tpu.memory_space<vmem>>) dst(%dma_wait3A_415 : memref<10240x128xf32, #tpu.memory_space<vmem_shared>>)
        tpu.yield
      }) : () -> ()
      %add3A_394 = arith.constant 7 : i32
      %add3A_395 = arith.addi %mul3A_339, %add3A_394 : i32
      %dma_start3A_396 = arith.constant 0 : i32
      %dma_start3A_397 = tpu.memref_slice %arg6[%add3A_395, %dma_start3A_396] : memref<40x64xi32, #tpu.memory_space<vmem>> -> memref<1x64xi32, #tpu.memory_space<vmem>>
      %dma_start3A_398 = tpu.memref_squeeze %dma_start3A_397 : memref<1x64xi32, #tpu.memory_space<vmem>> -> memref<64xi32, #tpu.memory_space<vmem>>
      %dma_start3A_399 = arith.constant 0 : i32
      %dma_start3A_400 = arith.constant 0 : i32
      %dma_start3A_401 = tpu.memref_slice %arg2[%dma_start3A_399, %dma_start3A_400] : memref<10240x128xf32, #tpu.memory_space<hbm>> -> memref<10240x128xf32, #tpu.memory_space<hbm>>
      tpu.enqueue_indirect_dma source(%dma_start3A_401 : memref<10240x128xf32, #tpu.memory_space<hbm>>) target(%arg11 : memref<64x128xf32, #tpu.memory_space<vmem>>) offsets(%dma_start3A_398 : memref<64xi32, #tpu.memory_space<vmem>>) semaphore(%arg16 : memref<!tpu.dma_semaphore, #tpu.memory_space<semaphore_mem>>)
      %scan3A_402 = arith.constant 0 : i32
      scf.yield %scan3A_402 : i32
    }
    %scan3A_224 = arith.constant 9 : i32
    %dma_wait3A_225 = arith.constant 36 : i32
    %dma_wait3A_226 = arith.constant 0 : i32
    %dma_wait3A_227 = tpu.memref_slice %arg6[%dma_wait3A_225, %dma_wait3A_226] : memref<40x64xi32, #tpu.memory_space<vmem>> -> memref<1x64xi32, #tpu.memory_space<vmem>>
    %dma_wait3A_228 = tpu.memref_squeeze %dma_wait3A_227 : memref<1x64xi32, #tpu.memory_space<vmem>> -> memref<64xi32, #tpu.memory_space<vmem>>
    %dma_wait3A_229 = arith.constant 0 : i32
    %dma_wait3A_230 = arith.constant 0 : i32
    %dma_wait3A_231 = tpu.memref_slice %arg2[%dma_wait3A_229, %dma_wait3A_230] : memref<10240x128xf32, #tpu.memory_space<hbm>> -> memref<10240x128xf32, #tpu.memory_space<hbm>>
    tpu.wait_indirect_dma semaphore(%arg13 : memref<!tpu.dma_semaphore, #tpu.memory_space<semaphore_mem>>) src(%dma_wait3A_231 : memref<10240x128xf32, #tpu.memory_space<hbm>>) dst(%arg8 : memref<64x128xf32, #tpu.memory_space<vmem>>)
    %run_scoped3A_232 = arith.constant 36 : i32
    "tpu.region"() ({
      %run_scoped3A_336 = tpu.sem_alloc : memref<!tpu.dma_semaphore, #tpu.memory_space<semaphore_mem>>
      %dma_start3A_337 = arith.constant 0 : i32
      %dma_start3A_338 = tpu.memref_slice %arg7[%run_scoped3A_232, %dma_start3A_337] : memref<40x64xi32, #tpu.memory_space<vmem>> -> memref<1x64xi32, #tpu.memory_space<vmem>>
      %dma_start3A_339 = tpu.memref_squeeze %dma_start3A_338 : memref<1x64xi32, #tpu.memory_space<vmem>> -> memref<64xi32, #tpu.memory_space<vmem>>
      %dma_start3A_340 = arith.constant 0 : i32
      %dma_start3A_341 = arith.constant 0 : i32
      %dma_start3A_342 = tpu.memref_slice %arg12[%dma_start3A_340, %dma_start3A_341] : memref<10240x128xf32, #tpu.memory_space<vmem_shared>> -> memref<10240x128xf32, #tpu.memory_space<vmem_shared>>
      tpu.enqueue_indirect_dma source(%arg8 : memref<64x128xf32, #tpu.memory_space<vmem>>) target(%dma_start3A_342 : memref<10240x128xf32, #tpu.memory_space<vmem_shared>>) offsets(%dma_start3A_339 : memref<64xi32, #tpu.memory_space<vmem>>) semaphore(%run_scoped3A_336 : memref<!tpu.dma_semaphore, #tpu.memory_space<semaphore_mem>>) {add = true}
      %dma_wait3A_343 = arith.constant 0 : i32
      %dma_wait3A_344 = tpu.memref_slice %arg7[%run_scoped3A_232, %dma_wait3A_343] : memref<40x64xi32, #tpu.memory_space<vmem>> -> memref<1x64xi32, #tpu.memory_space<vmem>>
      %dma_wait3A_345 = tpu.memref_squeeze %dma_wait3A_344 : memref<1x64xi32, #tpu.memory_space<vmem>> -> memref<64xi32, #tpu.memory_space<vmem>>
      %dma_wait3A_346 = arith.constant 0 : i32
      %dma_wait3A_347 = arith.constant 0 : i32
      %dma_wait3A_348 = tpu.memref_slice %arg12[%dma_wait3A_346, %dma_wait3A_347] : memref<10240x128xf32, #tpu.memory_space<vmem_shared>> -> memref<10240x128xf32, #tpu.memory_space<vmem_shared>>
      tpu.wait_indirect_dma semaphore(%run_scoped3A_336 : memref<!tpu.dma_semaphore, #tpu.memory_space<semaphore_mem>>) src(%arg8 : memref<64x128xf32, #tpu.memory_space<vmem>>) dst(%dma_wait3A_348 : memref<10240x128xf32, #tpu.memory_space<vmem_shared>>)
      tpu.yield
    }) : () -> ()
    %dma_wait3A_233 = arith.constant 37 : i32
    %dma_wait3A_234 = arith.constant 0 : i32
    %dma_wait3A_235 = tpu.memref_slice %arg6[%dma_wait3A_233, %dma_wait3A_234] : memref<40x64xi32, #tpu.memory_space<vmem>> -> memref<1x64xi32, #tpu.memory_space<vmem>>
    %dma_wait3A_236 = tpu.memref_squeeze %dma_wait3A_235 : memref<1x64xi32, #tpu.memory_space<vmem>> -> memref<64xi32, #tpu.memory_space<vmem>>
    %dma_wait3A_237 = arith.constant 0 : i32
    %dma_wait3A_238 = arith.constant 0 : i32
    %dma_wait3A_239 = tpu.memref_slice %arg2[%dma_wait3A_237, %dma_wait3A_238] : memref<10240x128xf32, #tpu.memory_space<hbm>> -> memref<10240x128xf32, #tpu.memory_space<hbm>>
    tpu.wait_indirect_dma semaphore(%arg14 : memref<!tpu.dma_semaphore, #tpu.memory_space<semaphore_mem>>) src(%dma_wait3A_239 : memref<10240x128xf32, #tpu.memory_space<hbm>>) dst(%arg9 : memref<64x128xf32, #tpu.memory_space<vmem>>)
    %run_scoped3A_240 = arith.constant 37 : i32
    "tpu.region"() ({
      %run_scoped3A_336 = tpu.sem_alloc : memref<!tpu.dma_semaphore, #tpu.memory_space<semaphore_mem>>
      %dma_start3A_337 = arith.constant 0 : i32
      %dma_start3A_338 = tpu.memref_slice %arg7[%run_scoped3A_240, %dma_start3A_337] : memref<40x64xi32, #tpu.memory_space<vmem>> -> memref<1x64xi32, #tpu.memory_space<vmem>>
      %dma_start3A_339 = tpu.memref_squeeze %dma_start3A_338 : memref<1x64xi32, #tpu.memory_space<vmem>> -> memref<64xi32, #tpu.memory_space<vmem>>
      %dma_start3A_340 = arith.constant 0 : i32
      %dma_start3A_341 = arith.constant 0 : i32
      %dma_start3A_342 = tpu.memref_slice %arg12[%dma_start3A_340, %dma_start3A_341] : memref<10240x128xf32, #tpu.memory_space<vmem_shared>> -> memref<10240x128xf32, #tpu.memory_space<vmem_shared>>
      tpu.enqueue_indirect_dma source(%arg9 : memref<64x128xf32, #tpu.memory_space<vmem>>) target(%dma_start3A_342 : memref<10240x128xf32, #tpu.memory_space<vmem_shared>>) offsets(%dma_start3A_339 : memref<64xi32, #tpu.memory_space<vmem>>) semaphore(%run_scoped3A_336 : memref<!tpu.dma_semaphore, #tpu.memory_space<semaphore_mem>>) {add = true}
      %dma_wait3A_343 = arith.constant 0 : i32
      %dma_wait3A_344 = tpu.memref_slice %arg7[%run_scoped3A_240, %dma_wait3A_343] : memref<40x64xi32, #tpu.memory_space<vmem>> -> memref<1x64xi32, #tpu.memory_space<vmem>>
      %dma_wait3A_345 = tpu.memref_squeeze %dma_wait3A_344 : memref<1x64xi32, #tpu.memory_space<vmem>> -> memref<64xi32, #tpu.memory_space<vmem>>
      %dma_wait3A_346 = arith.constant 0 : i32
      %dma_wait3A_347 = arith.constant 0 : i32
      %dma_wait3A_348 = tpu.memref_slice %arg12[%dma_wait3A_346, %dma_wait3A_347] : memref<10240x128xf32, #tpu.memory_space<vmem_shared>> -> memref<10240x128xf32, #tpu.memory_space<vmem_shared>>
      tpu.wait_indirect_dma semaphore(%run_scoped3A_336 : memref<!tpu.dma_semaphore, #tpu.memory_space<semaphore_mem>>) src(%arg9 : memref<64x128xf32, #tpu.memory_space<vmem>>) dst(%dma_wait3A_348 : memref<10240x128xf32, #tpu.memory_space<vmem_shared>>)
      tpu.yield
    }) : () -> ()
    %dma_wait3A_241 = arith.constant 38 : i32
    %dma_wait3A_242 = arith.constant 0 : i32
    %dma_wait3A_243 = tpu.memref_slice %arg6[%dma_wait3A_241, %dma_wait3A_242] : memref<40x64xi32, #tpu.memory_space<vmem>> -> memref<1x64xi32, #tpu.memory_space<vmem>>
    %dma_wait3A_244 = tpu.memref_squeeze %dma_wait3A_243 : memref<1x64xi32, #tpu.memory_space<vmem>> -> memref<64xi32, #tpu.memory_space<vmem>>
    %dma_wait3A_245 = arith.constant 0 : i32
    %dma_wait3A_246 = arith.constant 0 : i32
    %dma_wait3A_247 = tpu.memref_slice %arg2[%dma_wait3A_245, %dma_wait3A_246] : memref<10240x128xf32, #tpu.memory_space<hbm>> -> memref<10240x128xf32, #tpu.memory_space<hbm>>
    tpu.wait_indirect_dma semaphore(%arg15 : memref<!tpu.dma_semaphore, #tpu.memory_space<semaphore_mem>>) src(%dma_wait3A_247 : memref<10240x128xf32, #tpu.memory_space<hbm>>) dst(%arg10 : memref<64x128xf32, #tpu.memory_space<vmem>>)
    %run_scoped3A_248 = arith.constant 38 : i32
    "tpu.region"() ({
      %run_scoped3A_336 = tpu.sem_alloc : memref<!tpu.dma_semaphore, #tpu.memory_space<semaphore_mem>>
      %dma_start3A_337 = arith.constant 0 : i32
      %dma_start3A_338 = tpu.memref_slice %arg7[%run_scoped3A_248, %dma_start3A_337] : memref<40x64xi32, #tpu.memory_space<vmem>> -> memref<1x64xi32, #tpu.memory_space<vmem>>
      %dma_start3A_339 = tpu.memref_squeeze %dma_start3A_338 : memref<1x64xi32, #tpu.memory_space<vmem>> -> memref<64xi32, #tpu.memory_space<vmem>>
      %dma_start3A_340 = arith.constant 0 : i32
      %dma_start3A_341 = arith.constant 0 : i32
      %dma_start3A_342 = tpu.memref_slice %arg12[%dma_start3A_340, %dma_start3A_341] : memref<10240x128xf32, #tpu.memory_space<vmem_shared>> -> memref<10240x128xf32, #tpu.memory_space<vmem_shared>>
      tpu.enqueue_indirect_dma source(%arg10 : memref<64x128xf32, #tpu.memory_space<vmem>>) target(%dma_start3A_342 : memref<10240x128xf32, #tpu.memory_space<vmem_shared>>) offsets(%dma_start3A_339 : memref<64xi32, #tpu.memory_space<vmem>>) semaphore(%run_scoped3A_336 : memref<!tpu.dma_semaphore, #tpu.memory_space<semaphore_mem>>) {add = true}
      %dma_wait3A_343 = arith.constant 0 : i32
      %dma_wait3A_344 = tpu.memref_slice %arg7[%run_scoped3A_248, %dma_wait3A_343] : memref<40x64xi32, #tpu.memory_space<vmem>> -> memref<1x64xi32, #tpu.memory_space<vmem>>
      %dma_wait3A_345 = tpu.memref_squeeze %dma_wait3A_344 : memref<1x64xi32, #tpu.memory_space<vmem>> -> memref<64xi32, #tpu.memory_space<vmem>>
      %dma_wait3A_346 = arith.constant 0 : i32
      %dma_wait3A_347 = arith.constant 0 : i32
      %dma_wait3A_348 = tpu.memref_slice %arg12[%dma_wait3A_346, %dma_wait3A_347] : memref<10240x128xf32, #tpu.memory_space<vmem_shared>> -> memref<10240x128xf32, #tpu.memory_space<vmem_shared>>
      tpu.wait_indirect_dma semaphore(%run_scoped3A_336 : memref<!tpu.dma_semaphore, #tpu.memory_space<semaphore_mem>>) src(%arg10 : memref<64x128xf32, #tpu.memory_space<vmem>>) dst(%dma_wait3A_348 : memref<10240x128xf32, #tpu.memory_space<vmem_shared>>)
      tpu.yield
    }) : () -> ()
    %dma_wait3A_249 = arith.constant 39 : i32
    %dma_wait3A_250 = arith.constant 0 : i32
    %dma_wait3A_251 = tpu.memref_slice %arg6[%dma_wait3A_249, %dma_wait3A_250] : memref<40x64xi32, #tpu.memory_space<vmem>> -> memref<1x64xi32, #tpu.memory_space<vmem>>
    %dma_wait3A_252 = tpu.memref_squeeze %dma_wait3A_251 : memref<1x64xi32, #tpu.memory_space<vmem>> -> memref<64xi32, #tpu.memory_space<vmem>>
    %dma_wait3A_253 = arith.constant 0 : i32
    %dma_wait3A_254 = arith.constant 0 : i32
    %dma_wait3A_255 = tpu.memref_slice %arg2[%dma_wait3A_253, %dma_wait3A_254] : memref<10240x128xf32, #tpu.memory_space<hbm>> -> memref<10240x128xf32, #tpu.memory_space<hbm>>
    tpu.wait_indirect_dma semaphore(%arg16 : memref<!tpu.dma_semaphore, #tpu.memory_space<semaphore_mem>>) src(%dma_wait3A_255 : memref<10240x128xf32, #tpu.memory_space<hbm>>) dst(%arg11 : memref<64x128xf32, #tpu.memory_space<vmem>>)
    %run_scoped3A_256 = arith.constant 39 : i32
    "tpu.region"() ({
      %run_scoped3A_336 = tpu.sem_alloc : memref<!tpu.dma_semaphore, #tpu.memory_space<semaphore_mem>>
      %dma_start3A_337 = arith.constant 0 : i32
      %dma_start3A_338 = tpu.memref_slice %arg7[%run_scoped3A_256, %dma_start3A_337] : memref<40x64xi32, #tpu.memory_space<vmem>> -> memref<1x64xi32, #tpu.memory_space<vmem>>
      %dma_start3A_339 = tpu.memref_squeeze %dma_start3A_338 : memref<1x64xi32, #tpu.memory_space<vmem>> -> memref<64xi32, #tpu.memory_space<vmem>>
      %dma_start3A_340 = arith.constant 0 : i32
      %dma_start3A_341 = arith.constant 0 : i32
      %dma_start3A_342 = tpu.memref_slice %arg12[%dma_start3A_340, %dma_start3A_341] : memref<10240x128xf32, #tpu.memory_space<vmem_shared>> -> memref<10240x128xf32, #tpu.memory_space<vmem_shared>>
      tpu.enqueue_indirect_dma source(%arg11 : memref<64x128xf32, #tpu.memory_space<vmem>>) target(%dma_start3A_342 : memref<10240x128xf32, #tpu.memory_space<vmem_shared>>) offsets(%dma_start3A_339 : memref<64xi32, #tpu.memory_space<vmem>>) semaphore(%run_scoped3A_336 : memref<!tpu.dma_semaphore, #tpu.memory_space<semaphore_mem>>) {add = true}
      %dma_wait3A_343 = arith.constant 0 : i32
      %dma_wait3A_344 = tpu.memref_slice %arg7[%run_scoped3A_256, %dma_wait3A_343] : memref<40x64xi32, #tpu.memory_space<vmem>> -> memref<1x64xi32, #tpu.memory_space<vmem>>
      %dma_wait3A_345 = tpu.memref_squeeze %dma_wait3A_344 : memref<1x64xi32, #tpu.memory_space<vmem>> -> memref<64xi32, #tpu.memory_space<vmem>>
      %dma_wait3A_346 = arith.constant 0 : i32
      %dma_wait3A_347 = arith.constant 0 : i32
      %dma_wait3A_348 = tpu.memref_slice %arg12[%dma_wait3A_346, %dma_wait3A_347] : memref<10240x128xf32, #tpu.memory_space<vmem_shared>> -> memref<10240x128xf32, #tpu.memory_space<vmem_shared>>
      tpu.wait_indirect_dma semaphore(%run_scoped3A_336 : memref<!tpu.dma_semaphore, #tpu.memory_space<semaphore_mem>>) src(%arg11 : memref<64x128xf32, #tpu.memory_space<vmem>>) dst(%dma_wait3A_348 : memref<10240x128xf32, #tpu.memory_space<vmem_shared>>)
      tpu.yield
    }) : () -> ()
    %mul3A_257 = arith.constant 160 : i32
    %mul3A_258 = arith.muli %add3A, %mul3A_257 : i32
    %add3A_259 = arith.constant 120 : i32
    %add3A_260 = arith.addi %mul3A_258, %add3A_259 : i32
    "tpu.region"() ({
      %run_scoped3A_336 = tpu.sem_alloc : memref<!tpu.dma_semaphore, #tpu.memory_space<semaphore_mem>>
      %dma_start3A_337 = arith.constant 0 : i32
      %dma_start3A_338 = tpu.memref_slice %arg3[%add3A_260, %dma_start3A_337] : memref<5120x64xi32, #tpu.memory_space<hbm>> -> memref<40x64xi32, #tpu.memory_space<hbm>>
      %dma_start3A_339 = arith.constant 0 : i32
      %dma_start3A_340 = tpu.memref_slice %arg3[%add3A_260, %dma_start3A_339] : memref<5120x64xi32, #tpu.memory_space<hbm>> -> memref<40x64xi32, #tpu.memory_space<hbm>>
      tpu.enqueue_dma source(%dma_start3A_340 : memref<40x64xi32, #tpu.memory_space<hbm>>) target(%arg6 : memref<40x64xi32, #tpu.memory_space<vmem>>) target_semaphore(%run_scoped3A_336 : memref<!tpu.dma_semaphore, #tpu.memory_space<semaphore_mem>>)
      %dma_wait3A_341 = arith.constant 0 : i32
      %dma_wait3A_342 = tpu.memref_slice %arg3[%add3A_260, %dma_wait3A_341] : memref<5120x64xi32, #tpu.memory_space<hbm>> -> memref<40x64xi32, #tpu.memory_space<hbm>>
      %dma_wait3A_343 = arith.constant 0 : i32
      %dma_wait3A_344 = tpu.memref_slice %arg3[%add3A_260, %dma_wait3A_343] : memref<5120x64xi32, #tpu.memory_space<hbm>> -> memref<40x64xi32, #tpu.memory_space<hbm>>
      tpu.wait_dma2 semaphore(%run_scoped3A_336 : memref<!tpu.dma_semaphore, #tpu.memory_space<semaphore_mem>>) src(%dma_wait3A_344 : memref<40x64xi32, #tpu.memory_space<hbm>>) dst(%arg6 : memref<40x64xi32, #tpu.memory_space<vmem>>)
      tpu.yield
    }) : () -> ()
    "tpu.region"() ({
      %run_scoped3A_336 = tpu.sem_alloc : memref<!tpu.dma_semaphore, #tpu.memory_space<semaphore_mem>>
      %dma_start3A_337 = arith.constant 0 : i32
      %dma_start3A_338 = tpu.memref_slice %arg4[%add3A_260, %dma_start3A_337] : memref<5120x64xi32, #tpu.memory_space<hbm>> -> memref<40x64xi32, #tpu.memory_space<hbm>>
      %dma_start3A_339 = arith.constant 0 : i32
      %dma_start3A_340 = tpu.memref_slice %arg4[%add3A_260, %dma_start3A_339] : memref<5120x64xi32, #tpu.memory_space<hbm>> -> memref<40x64xi32, #tpu.memory_space<hbm>>
      tpu.enqueue_dma source(%dma_start3A_340 : memref<40x64xi32, #tpu.memory_space<hbm>>) target(%arg7 : memref<40x64xi32, #tpu.memory_space<vmem>>) target_semaphore(%run_scoped3A_336 : memref<!tpu.dma_semaphore, #tpu.memory_space<semaphore_mem>>)
      %dma_wait3A_341 = arith.constant 0 : i32
      %dma_wait3A_342 = tpu.memref_slice %arg4[%add3A_260, %dma_wait3A_341] : memref<5120x64xi32, #tpu.memory_space<hbm>> -> memref<40x64xi32, #tpu.memory_space<hbm>>
      %dma_wait3A_343 = arith.constant 0 : i32
      %dma_wait3A_344 = tpu.memref_slice %arg4[%add3A_260, %dma_wait3A_343] : memref<5120x64xi32, #tpu.memory_space<hbm>> -> memref<40x64xi32, #tpu.memory_space<hbm>>
      tpu.wait_dma2 semaphore(%run_scoped3A_336 : memref<!tpu.dma_semaphore, #tpu.memory_space<semaphore_mem>>) src(%dma_wait3A_344 : memref<40x64xi32, #tpu.memory_space<hbm>>) dst(%arg7 : memref<40x64xi32, #tpu.memory_space<vmem>>)
      tpu.yield
    }) : () -> ()
    %dma_start3A_261 = arith.constant 0 : i32
    %dma_start3A_262 = arith.constant 0 : i32
    %dma_start3A_263 = tpu.memref_slice %arg6[%dma_start3A_261, %dma_start3A_262] : memref<40x64xi32, #tpu.memory_space<vmem>> -> memref<1x64xi32, #tpu.memory_space<vmem>>
    %dma_start3A_264 = tpu.memref_squeeze %dma_start3A_263 : memref<1x64xi32, #tpu.memory_space<vmem>> -> memref<64xi32, #tpu.memory_space<vmem>>
    %dma_start3A_265 = arith.constant 0 : i32
    %dma_start3A_266 = arith.constant 0 : i32
    %dma_start3A_267 = tpu.memref_slice %arg2[%dma_start3A_265, %dma_start3A_266] : memref<10240x128xf32, #tpu.memory_space<hbm>> -> memref<10240x128xf32, #tpu.memory_space<hbm>>
    tpu.enqueue_indirect_dma source(%dma_start3A_267 : memref<10240x128xf32, #tpu.memory_space<hbm>>) target(%arg8 : memref<64x128xf32, #tpu.memory_space<vmem>>) offsets(%dma_start3A_264 : memref<64xi32, #tpu.memory_space<vmem>>) semaphore(%arg13 : memref<!tpu.dma_semaphore, #tpu.memory_space<semaphore_mem>>)
    %dma_start3A_268 = arith.constant 1 : i32
    %dma_start3A_269 = arith.constant 0 : i32
    %dma_start3A_270 = tpu.memref_slice %arg6[%dma_start3A_268, %dma_start3A_269] : memref<40x64xi32, #tpu.memory_space<vmem>> -> memref<1x64xi32, #tpu.memory_space<vmem>>
    %dma_start3A_271 = tpu.memref_squeeze %dma_start3A_270 : memref<1x64xi32, #tpu.memory_space<vmem>> -> memref<64xi32, #tpu.memory_space<vmem>>
    %dma_start3A_272 = arith.constant 0 : i32
    %dma_start3A_273 = arith.constant 0 : i32
    %dma_start3A_274 = tpu.memref_slice %arg2[%dma_start3A_272, %dma_start3A_273] : memref<10240x128xf32, #tpu.memory_space<hbm>> -> memref<10240x128xf32, #tpu.memory_space<hbm>>
    tpu.enqueue_indirect_dma source(%dma_start3A_274 : memref<10240x128xf32, #tpu.memory_space<hbm>>) target(%arg9 : memref<64x128xf32, #tpu.memory_space<vmem>>) offsets(%dma_start3A_271 : memref<64xi32, #tpu.memory_space<vmem>>) semaphore(%arg14 : memref<!tpu.dma_semaphore, #tpu.memory_space<semaphore_mem>>)
    %dma_start3A_275 = arith.constant 2 : i32
    %dma_start3A_276 = arith.constant 0 : i32
    %dma_start3A_277 = tpu.memref_slice %arg6[%dma_start3A_275, %dma_start3A_276] : memref<40x64xi32, #tpu.memory_space<vmem>> -> memref<1x64xi32, #tpu.memory_space<vmem>>
    %dma_start3A_278 = tpu.memref_squeeze %dma_start3A_277 : memref<1x64xi32, #tpu.memory_space<vmem>> -> memref<64xi32, #tpu.memory_space<vmem>>
    %dma_start3A_279 = arith.constant 0 : i32
    %dma_start3A_280 = arith.constant 0 : i32
    %dma_start3A_281 = tpu.memref_slice %arg2[%dma_start3A_279, %dma_start3A_280] : memref<10240x128xf32, #tpu.memory_space<hbm>> -> memref<10240x128xf32, #tpu.memory_space<hbm>>
    tpu.enqueue_indirect_dma source(%dma_start3A_281 : memref<10240x128xf32, #tpu.memory_space<hbm>>) target(%arg10 : memref<64x128xf32, #tpu.memory_space<vmem>>) offsets(%dma_start3A_278 : memref<64xi32, #tpu.memory_space<vmem>>) semaphore(%arg15 : memref<!tpu.dma_semaphore, #tpu.memory_space<semaphore_mem>>)
    %dma_start3A_282 = arith.constant 3 : i32
    %dma_start3A_283 = arith.constant 0 : i32
    %dma_start3A_284 = tpu.memref_slice %arg6[%dma_start3A_282, %dma_start3A_283] : memref<40x64xi32, #tpu.memory_space<vmem>> -> memref<1x64xi32, #tpu.memory_space<vmem>>
    %dma_start3A_285 = tpu.memref_squeeze %dma_start3A_284 : memref<1x64xi32, #tpu.memory_space<vmem>> -> memref<64xi32, #tpu.memory_space<vmem>>
    %dma_start3A_286 = arith.constant 0 : i32
    %dma_start3A_287 = arith.constant 0 : i32
    %dma_start3A_288 = tpu.memref_slice %arg2[%dma_start3A_286, %dma_start3A_287] : memref<10240x128xf32, #tpu.memory_space<hbm>> -> memref<10240x128xf32, #tpu.memory_space<hbm>>
    tpu.enqueue_indirect_dma source(%dma_start3A_288 : memref<10240x128xf32, #tpu.memory_space<hbm>>) target(%arg11 : memref<64x128xf32, #tpu.memory_space<vmem>>) offsets(%dma_start3A_285 : memref<64xi32, #tpu.memory_space<vmem>>) semaphore(%arg16 : memref<!tpu.dma_semaphore, #tpu.memory_space<semaphore_mem>>)
    %scan3A_289 = arith.constant 0 : i32
    %scan3A_290 = arith.constant 0 : i32
    %scan3A_291 = arith.constant 9 : i32
    %scan3A_292 = arith.addi %scan3A_290, %scan3A_291 : i32
    %scan3A_293 = arith.constant 1 : i32
    %scan3A_294 = scf.for %scan3A_336 = %scan3A_290 to %scan3A_292 step %scan3A_293 iter_args(%scan3A_337 = %scan3A_289) -> (i32)  : i32 {
      %mul3A_338 = arith.constant 4 : i32
      %mul3A_339 = arith.muli %mul3A_338, %scan3A_336 : i32
      %dma_wait3A_340 = arith.constant 0 : i32
      %dma_wait3A_341 = tpu.memref_slice %arg6[%mul3A_339, %dma_wait3A_340] : memref<40x64xi32, #tpu.memory_space<vmem>> -> memref<1x64xi32, #tpu.memory_space<vmem>>
      %dma_wait3A_342 = tpu.memref_squeeze %dma_wait3A_341 : memref<1x64xi32, #tpu.memory_space<vmem>> -> memref<64xi32, #tpu.memory_space<vmem>>
      %dma_wait3A_343 = arith.constant 0 : i32
      %dma_wait3A_344 = arith.constant 0 : i32
      %dma_wait3A_345 = tpu.memref_slice %arg2[%dma_wait3A_343, %dma_wait3A_344] : memref<10240x128xf32, #tpu.memory_space<hbm>> -> memref<10240x128xf32, #tpu.memory_space<hbm>>
      tpu.wait_indirect_dma semaphore(%arg13 : memref<!tpu.dma_semaphore, #tpu.memory_space<semaphore_mem>>) src(%dma_wait3A_345 : memref<10240x128xf32, #tpu.memory_space<hbm>>) dst(%arg8 : memref<64x128xf32, #tpu.memory_space<vmem>>)
      "tpu.region"() ({
        %run_scoped3A_403 = tpu.sem_alloc : memref<!tpu.dma_semaphore, #tpu.memory_space<semaphore_mem>>
        %dma_start3A_404 = arith.constant 0 : i32
        %dma_start3A_405 = tpu.memref_slice %arg7[%mul3A_339, %dma_start3A_404] : memref<40x64xi32, #tpu.memory_space<vmem>> -> memref<1x64xi32, #tpu.memory_space<vmem>>
        %dma_start3A_406 = tpu.memref_squeeze %dma_start3A_405 : memref<1x64xi32, #tpu.memory_space<vmem>> -> memref<64xi32, #tpu.memory_space<vmem>>
        %dma_start3A_407 = arith.constant 0 : i32
        %dma_start3A_408 = arith.constant 0 : i32
        %dma_start3A_409 = tpu.memref_slice %arg12[%dma_start3A_407, %dma_start3A_408] : memref<10240x128xf32, #tpu.memory_space<vmem_shared>> -> memref<10240x128xf32, #tpu.memory_space<vmem_shared>>
        tpu.enqueue_indirect_dma source(%arg8 : memref<64x128xf32, #tpu.memory_space<vmem>>) target(%dma_start3A_409 : memref<10240x128xf32, #tpu.memory_space<vmem_shared>>) offsets(%dma_start3A_406 : memref<64xi32, #tpu.memory_space<vmem>>) semaphore(%run_scoped3A_403 : memref<!tpu.dma_semaphore, #tpu.memory_space<semaphore_mem>>) {add = true}
        %dma_wait3A_410 = arith.constant 0 : i32
        %dma_wait3A_411 = tpu.memref_slice %arg7[%mul3A_339, %dma_wait3A_410] : memref<40x64xi32, #tpu.memory_space<vmem>> -> memref<1x64xi32, #tpu.memory_space<vmem>>
        %dma_wait3A_412 = tpu.memref_squeeze %dma_wait3A_411 : memref<1x64xi32, #tpu.memory_space<vmem>> -> memref<64xi32, #tpu.memory_space<vmem>>
        %dma_wait3A_413 = arith.constant 0 : i32
        %dma_wait3A_414 = arith.constant 0 : i32
        %dma_wait3A_415 = tpu.memref_slice %arg12[%dma_wait3A_413, %dma_wait3A_414] : memref<10240x128xf32, #tpu.memory_space<vmem_shared>> -> memref<10240x128xf32, #tpu.memory_space<vmem_shared>>
        tpu.wait_indirect_dma semaphore(%run_scoped3A_403 : memref<!tpu.dma_semaphore, #tpu.memory_space<semaphore_mem>>) src(%arg8 : memref<64x128xf32, #tpu.memory_space<vmem>>) dst(%dma_wait3A_415 : memref<10240x128xf32, #tpu.memory_space<vmem_shared>>)
        tpu.yield
      }) : () -> ()
      %add3A_346 = arith.constant 4 : i32
      %add3A_347 = arith.addi %mul3A_339, %add3A_346 : i32
      %dma_start3A_348 = arith.constant 0 : i32
      %dma_start3A_349 = tpu.memref_slice %arg6[%add3A_347, %dma_start3A_348] : memref<40x64xi32, #tpu.memory_space<vmem>> -> memref<1x64xi32, #tpu.memory_space<vmem>>
      %dma_start3A_350 = tpu.memref_squeeze %dma_start3A_349 : memref<1x64xi32, #tpu.memory_space<vmem>> -> memref<64xi32, #tpu.memory_space<vmem>>
      %dma_start3A_351 = arith.constant 0 : i32
      %dma_start3A_352 = arith.constant 0 : i32
      %dma_start3A_353 = tpu.memref_slice %arg2[%dma_start3A_351, %dma_start3A_352] : memref<10240x128xf32, #tpu.memory_space<hbm>> -> memref<10240x128xf32, #tpu.memory_space<hbm>>
      tpu.enqueue_indirect_dma source(%dma_start3A_353 : memref<10240x128xf32, #tpu.memory_space<hbm>>) target(%arg8 : memref<64x128xf32, #tpu.memory_space<vmem>>) offsets(%dma_start3A_350 : memref<64xi32, #tpu.memory_space<vmem>>) semaphore(%arg13 : memref<!tpu.dma_semaphore, #tpu.memory_space<semaphore_mem>>)
      %add3A_354 = arith.constant 1 : i32
      %add3A_355 = arith.addi %mul3A_339, %add3A_354 : i32
      %dma_wait3A_356 = arith.constant 0 : i32
      %dma_wait3A_357 = tpu.memref_slice %arg6[%add3A_355, %dma_wait3A_356] : memref<40x64xi32, #tpu.memory_space<vmem>> -> memref<1x64xi32, #tpu.memory_space<vmem>>
      %dma_wait3A_358 = tpu.memref_squeeze %dma_wait3A_357 : memref<1x64xi32, #tpu.memory_space<vmem>> -> memref<64xi32, #tpu.memory_space<vmem>>
      %dma_wait3A_359 = arith.constant 0 : i32
      %dma_wait3A_360 = arith.constant 0 : i32
      %dma_wait3A_361 = tpu.memref_slice %arg2[%dma_wait3A_359, %dma_wait3A_360] : memref<10240x128xf32, #tpu.memory_space<hbm>> -> memref<10240x128xf32, #tpu.memory_space<hbm>>
      tpu.wait_indirect_dma semaphore(%arg14 : memref<!tpu.dma_semaphore, #tpu.memory_space<semaphore_mem>>) src(%dma_wait3A_361 : memref<10240x128xf32, #tpu.memory_space<hbm>>) dst(%arg9 : memref<64x128xf32, #tpu.memory_space<vmem>>)
      "tpu.region"() ({
        %run_scoped3A_403 = tpu.sem_alloc : memref<!tpu.dma_semaphore, #tpu.memory_space<semaphore_mem>>
        %dma_start3A_404 = arith.constant 0 : i32
        %dma_start3A_405 = tpu.memref_slice %arg7[%add3A_355, %dma_start3A_404] : memref<40x64xi32, #tpu.memory_space<vmem>> -> memref<1x64xi32, #tpu.memory_space<vmem>>
        %dma_start3A_406 = tpu.memref_squeeze %dma_start3A_405 : memref<1x64xi32, #tpu.memory_space<vmem>> -> memref<64xi32, #tpu.memory_space<vmem>>
        %dma_start3A_407 = arith.constant 0 : i32
        %dma_start3A_408 = arith.constant 0 : i32
        %dma_start3A_409 = tpu.memref_slice %arg12[%dma_start3A_407, %dma_start3A_408] : memref<10240x128xf32, #tpu.memory_space<vmem_shared>> -> memref<10240x128xf32, #tpu.memory_space<vmem_shared>>
        tpu.enqueue_indirect_dma source(%arg9 : memref<64x128xf32, #tpu.memory_space<vmem>>) target(%dma_start3A_409 : memref<10240x128xf32, #tpu.memory_space<vmem_shared>>) offsets(%dma_start3A_406 : memref<64xi32, #tpu.memory_space<vmem>>) semaphore(%run_scoped3A_403 : memref<!tpu.dma_semaphore, #tpu.memory_space<semaphore_mem>>) {add = true}
        %dma_wait3A_410 = arith.constant 0 : i32
        %dma_wait3A_411 = tpu.memref_slice %arg7[%add3A_355, %dma_wait3A_410] : memref<40x64xi32, #tpu.memory_space<vmem>> -> memref<1x64xi32, #tpu.memory_space<vmem>>
        %dma_wait3A_412 = tpu.memref_squeeze %dma_wait3A_411 : memref<1x64xi32, #tpu.memory_space<vmem>> -> memref<64xi32, #tpu.memory_space<vmem>>
        %dma_wait3A_413 = arith.constant 0 : i32
        %dma_wait3A_414 = arith.constant 0 : i32
        %dma_wait3A_415 = tpu.memref_slice %arg12[%dma_wait3A_413, %dma_wait3A_414] : memref<10240x128xf32, #tpu.memory_space<vmem_shared>> -> memref<10240x128xf32, #tpu.memory_space<vmem_shared>>
        tpu.wait_indirect_dma semaphore(%run_scoped3A_403 : memref<!tpu.dma_semaphore, #tpu.memory_space<semaphore_mem>>) src(%arg9 : memref<64x128xf32, #tpu.memory_space<vmem>>) dst(%dma_wait3A_415 : memref<10240x128xf32, #tpu.memory_space<vmem_shared>>)
        tpu.yield
      }) : () -> ()
      %add3A_362 = arith.constant 5 : i32
      %add3A_363 = arith.addi %mul3A_339, %add3A_362 : i32
      %dma_start3A_364 = arith.constant 0 : i32
      %dma_start3A_365 = tpu.memref_slice %arg6[%add3A_363, %dma_start3A_364] : memref<40x64xi32, #tpu.memory_space<vmem>> -> memref<1x64xi32, #tpu.memory_space<vmem>>
      %dma_start3A_366 = tpu.memref_squeeze %dma_start3A_365 : memref<1x64xi32, #tpu.memory_space<vmem>> -> memref<64xi32, #tpu.memory_space<vmem>>
      %dma_start3A_367 = arith.constant 0 : i32
      %dma_start3A_368 = arith.constant 0 : i32
      %dma_start3A_369 = tpu.memref_slice %arg2[%dma_start3A_367, %dma_start3A_368] : memref<10240x128xf32, #tpu.memory_space<hbm>> -> memref<10240x128xf32, #tpu.memory_space<hbm>>
      tpu.enqueue_indirect_dma source(%dma_start3A_369 : memref<10240x128xf32, #tpu.memory_space<hbm>>) target(%arg9 : memref<64x128xf32, #tpu.memory_space<vmem>>) offsets(%dma_start3A_366 : memref<64xi32, #tpu.memory_space<vmem>>) semaphore(%arg14 : memref<!tpu.dma_semaphore, #tpu.memory_space<semaphore_mem>>)
      %add3A_370 = arith.constant 2 : i32
      %add3A_371 = arith.addi %mul3A_339, %add3A_370 : i32
      %dma_wait3A_372 = arith.constant 0 : i32
      %dma_wait3A_373 = tpu.memref_slice %arg6[%add3A_371, %dma_wait3A_372] : memref<40x64xi32, #tpu.memory_space<vmem>> -> memref<1x64xi32, #tpu.memory_space<vmem>>
      %dma_wait3A_374 = tpu.memref_squeeze %dma_wait3A_373 : memref<1x64xi32, #tpu.memory_space<vmem>> -> memref<64xi32, #tpu.memory_space<vmem>>
      %dma_wait3A_375 = arith.constant 0 : i32
      %dma_wait3A_376 = arith.constant 0 : i32
      %dma_wait3A_377 = tpu.memref_slice %arg2[%dma_wait3A_375, %dma_wait3A_376] : memref<10240x128xf32, #tpu.memory_space<hbm>> -> memref<10240x128xf32, #tpu.memory_space<hbm>>
      tpu.wait_indirect_dma semaphore(%arg15 : memref<!tpu.dma_semaphore, #tpu.memory_space<semaphore_mem>>) src(%dma_wait3A_377 : memref<10240x128xf32, #tpu.memory_space<hbm>>) dst(%arg10 : memref<64x128xf32, #tpu.memory_space<vmem>>)
      "tpu.region"() ({
        %run_scoped3A_403 = tpu.sem_alloc : memref<!tpu.dma_semaphore, #tpu.memory_space<semaphore_mem>>
        %dma_start3A_404 = arith.constant 0 : i32
        %dma_start3A_405 = tpu.memref_slice %arg7[%add3A_371, %dma_start3A_404] : memref<40x64xi32, #tpu.memory_space<vmem>> -> memref<1x64xi32, #tpu.memory_space<vmem>>
        %dma_start3A_406 = tpu.memref_squeeze %dma_start3A_405 : memref<1x64xi32, #tpu.memory_space<vmem>> -> memref<64xi32, #tpu.memory_space<vmem>>
        %dma_start3A_407 = arith.constant 0 : i32
        %dma_start3A_408 = arith.constant 0 : i32
        %dma_start3A_409 = tpu.memref_slice %arg12[%dma_start3A_407, %dma_start3A_408] : memref<10240x128xf32, #tpu.memory_space<vmem_shared>> -> memref<10240x128xf32, #tpu.memory_space<vmem_shared>>
        tpu.enqueue_indirect_dma source(%arg10 : memref<64x128xf32, #tpu.memory_space<vmem>>) target(%dma_start3A_409 : memref<10240x128xf32, #tpu.memory_space<vmem_shared>>) offsets(%dma_start3A_406 : memref<64xi32, #tpu.memory_space<vmem>>) semaphore(%run_scoped3A_403 : memref<!tpu.dma_semaphore, #tpu.memory_space<semaphore_mem>>) {add = true}
        %dma_wait3A_410 = arith.constant 0 : i32
        %dma_wait3A_411 = tpu.memref_slice %arg7[%add3A_371, %dma_wait3A_410] : memref<40x64xi32, #tpu.memory_space<vmem>> -> memref<1x64xi32, #tpu.memory_space<vmem>>
        %dma_wait3A_412 = tpu.memref_squeeze %dma_wait3A_411 : memref<1x64xi32, #tpu.memory_space<vmem>> -> memref<64xi32, #tpu.memory_space<vmem>>
        %dma_wait3A_413 = arith.constant 0 : i32
        %dma_wait3A_414 = arith.constant 0 : i32
        %dma_wait3A_415 = tpu.memref_slice %arg12[%dma_wait3A_413, %dma_wait3A_414] : memref<10240x128xf32, #tpu.memory_space<vmem_shared>> -> memref<10240x128xf32, #tpu.memory_space<vmem_shared>>
        tpu.wait_indirect_dma semaphore(%run_scoped3A_403 : memref<!tpu.dma_semaphore, #tpu.memory_space<semaphore_mem>>) src(%arg10 : memref<64x128xf32, #tpu.memory_space<vmem>>) dst(%dma_wait3A_415 : memref<10240x128xf32, #tpu.memory_space<vmem_shared>>)
        tpu.yield
      }) : () -> ()
      %add3A_378 = arith.constant 6 : i32
      %add3A_379 = arith.addi %mul3A_339, %add3A_378 : i32
      %dma_start3A_380 = arith.constant 0 : i32
      %dma_start3A_381 = tpu.memref_slice %arg6[%add3A_379, %dma_start3A_380] : memref<40x64xi32, #tpu.memory_space<vmem>> -> memref<1x64xi32, #tpu.memory_space<vmem>>
      %dma_start3A_382 = tpu.memref_squeeze %dma_start3A_381 : memref<1x64xi32, #tpu.memory_space<vmem>> -> memref<64xi32, #tpu.memory_space<vmem>>
      %dma_start3A_383 = arith.constant 0 : i32
      %dma_start3A_384 = arith.constant 0 : i32
      %dma_start3A_385 = tpu.memref_slice %arg2[%dma_start3A_383, %dma_start3A_384] : memref<10240x128xf32, #tpu.memory_space<hbm>> -> memref<10240x128xf32, #tpu.memory_space<hbm>>
      tpu.enqueue_indirect_dma source(%dma_start3A_385 : memref<10240x128xf32, #tpu.memory_space<hbm>>) target(%arg10 : memref<64x128xf32, #tpu.memory_space<vmem>>) offsets(%dma_start3A_382 : memref<64xi32, #tpu.memory_space<vmem>>) semaphore(%arg15 : memref<!tpu.dma_semaphore, #tpu.memory_space<semaphore_mem>>)
      %add3A_386 = arith.constant 3 : i32
      %add3A_387 = arith.addi %mul3A_339, %add3A_386 : i32
      %dma_wait3A_388 = arith.constant 0 : i32
      %dma_wait3A_389 = tpu.memref_slice %arg6[%add3A_387, %dma_wait3A_388] : memref<40x64xi32, #tpu.memory_space<vmem>> -> memref<1x64xi32, #tpu.memory_space<vmem>>
      %dma_wait3A_390 = tpu.memref_squeeze %dma_wait3A_389 : memref<1x64xi32, #tpu.memory_space<vmem>> -> memref<64xi32, #tpu.memory_space<vmem>>
      %dma_wait3A_391 = arith.constant 0 : i32
      %dma_wait3A_392 = arith.constant 0 : i32
      %dma_wait3A_393 = tpu.memref_slice %arg2[%dma_wait3A_391, %dma_wait3A_392] : memref<10240x128xf32, #tpu.memory_space<hbm>> -> memref<10240x128xf32, #tpu.memory_space<hbm>>
      tpu.wait_indirect_dma semaphore(%arg16 : memref<!tpu.dma_semaphore, #tpu.memory_space<semaphore_mem>>) src(%dma_wait3A_393 : memref<10240x128xf32, #tpu.memory_space<hbm>>) dst(%arg11 : memref<64x128xf32, #tpu.memory_space<vmem>>)
      "tpu.region"() ({
        %run_scoped3A_403 = tpu.sem_alloc : memref<!tpu.dma_semaphore, #tpu.memory_space<semaphore_mem>>
        %dma_start3A_404 = arith.constant 0 : i32
        %dma_start3A_405 = tpu.memref_slice %arg7[%add3A_387, %dma_start3A_404] : memref<40x64xi32, #tpu.memory_space<vmem>> -> memref<1x64xi32, #tpu.memory_space<vmem>>
        %dma_start3A_406 = tpu.memref_squeeze %dma_start3A_405 : memref<1x64xi32, #tpu.memory_space<vmem>> -> memref<64xi32, #tpu.memory_space<vmem>>
        %dma_start3A_407 = arith.constant 0 : i32
        %dma_start3A_408 = arith.constant 0 : i32
        %dma_start3A_409 = tpu.memref_slice %arg12[%dma_start3A_407, %dma_start3A_408] : memref<10240x128xf32, #tpu.memory_space<vmem_shared>> -> memref<10240x128xf32, #tpu.memory_space<vmem_shared>>
        tpu.enqueue_indirect_dma source(%arg11 : memref<64x128xf32, #tpu.memory_space<vmem>>) target(%dma_start3A_409 : memref<10240x128xf32, #tpu.memory_space<vmem_shared>>) offsets(%dma_start3A_406 : memref<64xi32, #tpu.memory_space<vmem>>) semaphore(%run_scoped3A_403 : memref<!tpu.dma_semaphore, #tpu.memory_space<semaphore_mem>>) {add = true}
        %dma_wait3A_410 = arith.constant 0 : i32
        %dma_wait3A_411 = tpu.memref_slice %arg7[%add3A_387, %dma_wait3A_410] : memref<40x64xi32, #tpu.memory_space<vmem>> -> memref<1x64xi32, #tpu.memory_space<vmem>>
        %dma_wait3A_412 = tpu.memref_squeeze %dma_wait3A_411 : memref<1x64xi32, #tpu.memory_space<vmem>> -> memref<64xi32, #tpu.memory_space<vmem>>
        %dma_wait3A_413 = arith.constant 0 : i32
        %dma_wait3A_414 = arith.constant 0 : i32
        %dma_wait3A_415 = tpu.memref_slice %arg12[%dma_wait3A_413, %dma_wait3A_414] : memref<10240x128xf32, #tpu.memory_space<vmem_shared>> -> memref<10240x128xf32, #tpu.memory_space<vmem_shared>>
        tpu.wait_indirect_dma semaphore(%run_scoped3A_403 : memref<!tpu.dma_semaphore, #tpu.memory_space<semaphore_mem>>) src(%arg11 : memref<64x128xf32, #tpu.memory_space<vmem>>) dst(%dma_wait3A_415 : memref<10240x128xf32, #tpu.memory_space<vmem_shared>>)
        tpu.yield
      }) : () -> ()
      %add3A_394 = arith.constant 7 : i32
      %add3A_395 = arith.addi %mul3A_339, %add3A_394 : i32
      %dma_start3A_396 = arith.constant 0 : i32
      %dma_start3A_397 = tpu.memref_slice %arg6[%add3A_395, %dma_start3A_396] : memref<40x64xi32, #tpu.memory_space<vmem>> -> memref<1x64xi32, #tpu.memory_space<vmem>>
      %dma_start3A_398 = tpu.memref_squeeze %dma_start3A_397 : memref<1x64xi32, #tpu.memory_space<vmem>> -> memref<64xi32, #tpu.memory_space<vmem>>
      %dma_start3A_399 = arith.constant 0 : i32
      %dma_start3A_400 = arith.constant 0 : i32
      %dma_start3A_401 = tpu.memref_slice %arg2[%dma_start3A_399, %dma_start3A_400] : memref<10240x128xf32, #tpu.memory_space<hbm>> -> memref<10240x128xf32, #tpu.memory_space<hbm>>
      tpu.enqueue_indirect_dma source(%dma_start3A_401 : memref<10240x128xf32, #tpu.memory_space<hbm>>) target(%arg11 : memref<64x128xf32, #tpu.memory_space<vmem>>) offsets(%dma_start3A_398 : memref<64xi32, #tpu.memory_space<vmem>>) semaphore(%arg16 : memref<!tpu.dma_semaphore, #tpu.memory_space<semaphore_mem>>)
      %scan3A_402 = arith.constant 0 : i32
      scf.yield %scan3A_402 : i32
    }
    %scan3A_295 = arith.constant 9 : i32
    %dma_wait3A_296 = arith.constant 36 : i32
    %dma_wait3A_297 = arith.constant 0 : i32
    %dma_wait3A_298 = tpu.memref_slice %arg6[%dma_wait3A_296, %dma_wait3A_297] : memref<40x64xi32, #tpu.memory_space<vmem>> -> memref<1x64xi32, #tpu.memory_space<vmem>>
    %dma_wait3A_299 = tpu.memref_squeeze %dma_wait3A_298 : memref<1x64xi32, #tpu.memory_space<vmem>> -> memref<64xi32, #tpu.memory_space<vmem>>
    %dma_wait3A_300 = arith.constant 0 : i32
    %dma_wait3A_301 = arith.constant 0 : i32
    %dma_wait3A_302 = tpu.memref_slice %arg2[%dma_wait3A_300, %dma_wait3A_301] : memref<10240x128xf32, #tpu.memory_space<hbm>> -> memref<10240x128xf32, #tpu.memory_space<hbm>>
    tpu.wait_indirect_dma semaphore(%arg13 : memref<!tpu.dma_semaphore, #tpu.memory_space<semaphore_mem>>) src(%dma_wait3A_302 : memref<10240x128xf32, #tpu.memory_space<hbm>>) dst(%arg8 : memref<64x128xf32, #tpu.memory_space<vmem>>)
    %run_scoped3A_303 = arith.constant 36 : i32
    "tpu.region"() ({
      %run_scoped3A_336 = tpu.sem_alloc : memref<!tpu.dma_semaphore, #tpu.memory_space<semaphore_mem>>
      %dma_start3A_337 = arith.constant 0 : i32
      %dma_start3A_338 = tpu.memref_slice %arg7[%run_scoped3A_303, %dma_start3A_337] : memref<40x64xi32, #tpu.memory_space<vmem>> -> memref<1x64xi32, #tpu.memory_space<vmem>>
      %dma_start3A_339 = tpu.memref_squeeze %dma_start3A_338 : memref<1x64xi32, #tpu.memory_space<vmem>> -> memref<64xi32, #tpu.memory_space<vmem>>
      %dma_start3A_340 = arith.constant 0 : i32
      %dma_start3A_341 = arith.constant 0 : i32
      %dma_start3A_342 = tpu.memref_slice %arg12[%dma_start3A_340, %dma_start3A_341] : memref<10240x128xf32, #tpu.memory_space<vmem_shared>> -> memref<10240x128xf32, #tpu.memory_space<vmem_shared>>
      tpu.enqueue_indirect_dma source(%arg8 : memref<64x128xf32, #tpu.memory_space<vmem>>) target(%dma_start3A_342 : memref<10240x128xf32, #tpu.memory_space<vmem_shared>>) offsets(%dma_start3A_339 : memref<64xi32, #tpu.memory_space<vmem>>) semaphore(%run_scoped3A_336 : memref<!tpu.dma_semaphore, #tpu.memory_space<semaphore_mem>>) {add = true}
      %dma_wait3A_343 = arith.constant 0 : i32
      %dma_wait3A_344 = tpu.memref_slice %arg7[%run_scoped3A_303, %dma_wait3A_343] : memref<40x64xi32, #tpu.memory_space<vmem>> -> memref<1x64xi32, #tpu.memory_space<vmem>>
      %dma_wait3A_345 = tpu.memref_squeeze %dma_wait3A_344 : memref<1x64xi32, #tpu.memory_space<vmem>> -> memref<64xi32, #tpu.memory_space<vmem>>
      %dma_wait3A_346 = arith.constant 0 : i32
      %dma_wait3A_347 = arith.constant 0 : i32
      %dma_wait3A_348 = tpu.memref_slice %arg12[%dma_wait3A_346, %dma_wait3A_347] : memref<10240x128xf32, #tpu.memory_space<vmem_shared>> -> memref<10240x128xf32, #tpu.memory_space<vmem_shared>>
      tpu.wait_indirect_dma semaphore(%run_scoped3A_336 : memref<!tpu.dma_semaphore, #tpu.memory_space<semaphore_mem>>) src(%arg8 : memref<64x128xf32, #tpu.memory_space<vmem>>) dst(%dma_wait3A_348 : memref<10240x128xf32, #tpu.memory_space<vmem_shared>>)
      tpu.yield
    }) : () -> ()
    %dma_wait3A_304 = arith.constant 37 : i32
    %dma_wait3A_305 = arith.constant 0 : i32
    %dma_wait3A_306 = tpu.memref_slice %arg6[%dma_wait3A_304, %dma_wait3A_305] : memref<40x64xi32, #tpu.memory_space<vmem>> -> memref<1x64xi32, #tpu.memory_space<vmem>>
    %dma_wait3A_307 = tpu.memref_squeeze %dma_wait3A_306 : memref<1x64xi32, #tpu.memory_space<vmem>> -> memref<64xi32, #tpu.memory_space<vmem>>
    %dma_wait3A_308 = arith.constant 0 : i32
    %dma_wait3A_309 = arith.constant 0 : i32
    %dma_wait3A_310 = tpu.memref_slice %arg2[%dma_wait3A_308, %dma_wait3A_309] : memref<10240x128xf32, #tpu.memory_space<hbm>> -> memref<10240x128xf32, #tpu.memory_space<hbm>>
    tpu.wait_indirect_dma semaphore(%arg14 : memref<!tpu.dma_semaphore, #tpu.memory_space<semaphore_mem>>) src(%dma_wait3A_310 : memref<10240x128xf32, #tpu.memory_space<hbm>>) dst(%arg9 : memref<64x128xf32, #tpu.memory_space<vmem>>)
    %run_scoped3A_311 = arith.constant 37 : i32
    "tpu.region"() ({
      %run_scoped3A_336 = tpu.sem_alloc : memref<!tpu.dma_semaphore, #tpu.memory_space<semaphore_mem>>
      %dma_start3A_337 = arith.constant 0 : i32
      %dma_start3A_338 = tpu.memref_slice %arg7[%run_scoped3A_311, %dma_start3A_337] : memref<40x64xi32, #tpu.memory_space<vmem>> -> memref<1x64xi32, #tpu.memory_space<vmem>>
      %dma_start3A_339 = tpu.memref_squeeze %dma_start3A_338 : memref<1x64xi32, #tpu.memory_space<vmem>> -> memref<64xi32, #tpu.memory_space<vmem>>
      %dma_start3A_340 = arith.constant 0 : i32
      %dma_start3A_341 = arith.constant 0 : i32
      %dma_start3A_342 = tpu.memref_slice %arg12[%dma_start3A_340, %dma_start3A_341] : memref<10240x128xf32, #tpu.memory_space<vmem_shared>> -> memref<10240x128xf32, #tpu.memory_space<vmem_shared>>
      tpu.enqueue_indirect_dma source(%arg9 : memref<64x128xf32, #tpu.memory_space<vmem>>) target(%dma_start3A_342 : memref<10240x128xf32, #tpu.memory_space<vmem_shared>>) offsets(%dma_start3A_339 : memref<64xi32, #tpu.memory_space<vmem>>) semaphore(%run_scoped3A_336 : memref<!tpu.dma_semaphore, #tpu.memory_space<semaphore_mem>>) {add = true}
      %dma_wait3A_343 = arith.constant 0 : i32
      %dma_wait3A_344 = tpu.memref_slice %arg7[%run_scoped3A_311, %dma_wait3A_343] : memref<40x64xi32, #tpu.memory_space<vmem>> -> memref<1x64xi32, #tpu.memory_space<vmem>>
      %dma_wait3A_345 = tpu.memref_squeeze %dma_wait3A_344 : memref<1x64xi32, #tpu.memory_space<vmem>> -> memref<64xi32, #tpu.memory_space<vmem>>
      %dma_wait3A_346 = arith.constant 0 : i32
      %dma_wait3A_347 = arith.constant 0 : i32
      %dma_wait3A_348 = tpu.memref_slice %arg12[%dma_wait3A_346, %dma_wait3A_347] : memref<10240x128xf32, #tpu.memory_space<vmem_shared>> -> memref<10240x128xf32, #tpu.memory_space<vmem_shared>>
      tpu.wait_indirect_dma semaphore(%run_scoped3A_336 : memref<!tpu.dma_semaphore, #tpu.memory_space<semaphore_mem>>) src(%arg9 : memref<64x128xf32, #tpu.memory_space<vmem>>) dst(%dma_wait3A_348 : memref<10240x128xf32, #tpu.memory_space<vmem_shared>>)
      tpu.yield
    }) : () -> ()
    %dma_wait3A_312 = arith.constant 38 : i32
    %dma_wait3A_313 = arith.constant 0 : i32
    %dma_wait3A_314 = tpu.memref_slice %arg6[%dma_wait3A_312, %dma_wait3A_313] : memref<40x64xi32, #tpu.memory_space<vmem>> -> memref<1x64xi32, #tpu.memory_space<vmem>>
    %dma_wait3A_315 = tpu.memref_squeeze %dma_wait3A_314 : memref<1x64xi32, #tpu.memory_space<vmem>> -> memref<64xi32, #tpu.memory_space<vmem>>
    %dma_wait3A_316 = arith.constant 0 : i32
    %dma_wait3A_317 = arith.constant 0 : i32
    %dma_wait3A_318 = tpu.memref_slice %arg2[%dma_wait3A_316, %dma_wait3A_317] : memref<10240x128xf32, #tpu.memory_space<hbm>> -> memref<10240x128xf32, #tpu.memory_space<hbm>>
    tpu.wait_indirect_dma semaphore(%arg15 : memref<!tpu.dma_semaphore, #tpu.memory_space<semaphore_mem>>) src(%dma_wait3A_318 : memref<10240x128xf32, #tpu.memory_space<hbm>>) dst(%arg10 : memref<64x128xf32, #tpu.memory_space<vmem>>)
    %run_scoped3A_319 = arith.constant 38 : i32
    "tpu.region"() ({
      %run_scoped3A_336 = tpu.sem_alloc : memref<!tpu.dma_semaphore, #tpu.memory_space<semaphore_mem>>
      %dma_start3A_337 = arith.constant 0 : i32
      %dma_start3A_338 = tpu.memref_slice %arg7[%run_scoped3A_319, %dma_start3A_337] : memref<40x64xi32, #tpu.memory_space<vmem>> -> memref<1x64xi32, #tpu.memory_space<vmem>>
      %dma_start3A_339 = tpu.memref_squeeze %dma_start3A_338 : memref<1x64xi32, #tpu.memory_space<vmem>> -> memref<64xi32, #tpu.memory_space<vmem>>
      %dma_start3A_340 = arith.constant 0 : i32
      %dma_start3A_341 = arith.constant 0 : i32
      %dma_start3A_342 = tpu.memref_slice %arg12[%dma_start3A_340, %dma_start3A_341] : memref<10240x128xf32, #tpu.memory_space<vmem_shared>> -> memref<10240x128xf32, #tpu.memory_space<vmem_shared>>
      tpu.enqueue_indirect_dma source(%arg10 : memref<64x128xf32, #tpu.memory_space<vmem>>) target(%dma_start3A_342 : memref<10240x128xf32, #tpu.memory_space<vmem_shared>>) offsets(%dma_start3A_339 : memref<64xi32, #tpu.memory_space<vmem>>) semaphore(%run_scoped3A_336 : memref<!tpu.dma_semaphore, #tpu.memory_space<semaphore_mem>>) {add = true}
      %dma_wait3A_343 = arith.constant 0 : i32
      %dma_wait3A_344 = tpu.memref_slice %arg7[%run_scoped3A_319, %dma_wait3A_343] : memref<40x64xi32, #tpu.memory_space<vmem>> -> memref<1x64xi32, #tpu.memory_space<vmem>>
      %dma_wait3A_345 = tpu.memref_squeeze %dma_wait3A_344 : memref<1x64xi32, #tpu.memory_space<vmem>> -> memref<64xi32, #tpu.memory_space<vmem>>
      %dma_wait3A_346 = arith.constant 0 : i32
      %dma_wait3A_347 = arith.constant 0 : i32
      %dma_wait3A_348 = tpu.memref_slice %arg12[%dma_wait3A_346, %dma_wait3A_347] : memref<10240x128xf32, #tpu.memory_space<vmem_shared>> -> memref<10240x128xf32, #tpu.memory_space<vmem_shared>>
      tpu.wait_indirect_dma semaphore(%run_scoped3A_336 : memref<!tpu.dma_semaphore, #tpu.memory_space<semaphore_mem>>) src(%arg10 : memref<64x128xf32, #tpu.memory_space<vmem>>) dst(%dma_wait3A_348 : memref<10240x128xf32, #tpu.memory_space<vmem_shared>>)
      tpu.yield
    }) : () -> ()
    %dma_wait3A_320 = arith.constant 39 : i32
    %dma_wait3A_321 = arith.constant 0 : i32
    %dma_wait3A_322 = tpu.memref_slice %arg6[%dma_wait3A_320, %dma_wait3A_321] : memref<40x64xi32, #tpu.memory_space<vmem>> -> memref<1x64xi32, #tpu.memory_space<vmem>>
    %dma_wait3A_323 = tpu.memref_squeeze %dma_wait3A_322 : memref<1x64xi32, #tpu.memory_space<vmem>> -> memref<64xi32, #tpu.memory_space<vmem>>
    %dma_wait3A_324 = arith.constant 0 : i32
    %dma_wait3A_325 = arith.constant 0 : i32
    %dma_wait3A_326 = tpu.memref_slice %arg2[%dma_wait3A_324, %dma_wait3A_325] : memref<10240x128xf32, #tpu.memory_space<hbm>> -> memref<10240x128xf32, #tpu.memory_space<hbm>>
    tpu.wait_indirect_dma semaphore(%arg16 : memref<!tpu.dma_semaphore, #tpu.memory_space<semaphore_mem>>) src(%dma_wait3A_326 : memref<10240x128xf32, #tpu.memory_space<hbm>>) dst(%arg11 : memref<64x128xf32, #tpu.memory_space<vmem>>)
    %run_scoped3A_327 = arith.constant 39 : i32
    "tpu.region"() ({
      %run_scoped3A_336 = tpu.sem_alloc : memref<!tpu.dma_semaphore, #tpu.memory_space<semaphore_mem>>
      %dma_start3A_337 = arith.constant 0 : i32
      %dma_start3A_338 = tpu.memref_slice %arg7[%run_scoped3A_327, %dma_start3A_337] : memref<40x64xi32, #tpu.memory_space<vmem>> -> memref<1x64xi32, #tpu.memory_space<vmem>>
      %dma_start3A_339 = tpu.memref_squeeze %dma_start3A_338 : memref<1x64xi32, #tpu.memory_space<vmem>> -> memref<64xi32, #tpu.memory_space<vmem>>
      %dma_start3A_340 = arith.constant 0 : i32
      %dma_start3A_341 = arith.constant 0 : i32
      %dma_start3A_342 = tpu.memref_slice %arg12[%dma_start3A_340, %dma_start3A_341] : memref<10240x128xf32, #tpu.memory_space<vmem_shared>> -> memref<10240x128xf32, #tpu.memory_space<vmem_shared>>
      tpu.enqueue_indirect_dma source(%arg11 : memref<64x128xf32, #tpu.memory_space<vmem>>) target(%dma_start3A_342 : memref<10240x128xf32, #tpu.memory_space<vmem_shared>>) offsets(%dma_start3A_339 : memref<64xi32, #tpu.memory_space<vmem>>) semaphore(%run_scoped3A_336 : memref<!tpu.dma_semaphore, #tpu.memory_space<semaphore_mem>>) {add = true}
      %dma_wait3A_343 = arith.constant 0 : i32
      %dma_wait3A_344 = tpu.memref_slice %arg7[%run_scoped3A_327, %dma_wait3A_343] : memref<40x64xi32, #tpu.memory_space<vmem>> -> memref<1x64xi32, #tpu.memory_space<vmem>>
      %dma_wait3A_345 = tpu.memref_squeeze %dma_wait3A_344 : memref<1x64xi32, #tpu.memory_space<vmem>> -> memref<64xi32, #tpu.memory_space<vmem>>
      %dma_wait3A_346 = arith.constant 0 : i32
      %dma_wait3A_347 = arith.constant 0 : i32
      %dma_wait3A_348 = tpu.memref_slice %arg12[%dma_wait3A_346, %dma_wait3A_347] : memref<10240x128xf32, #tpu.memory_space<vmem_shared>> -> memref<10240x128xf32, #tpu.memory_space<vmem_shared>>
      tpu.wait_indirect_dma semaphore(%run_scoped3A_336 : memref<!tpu.dma_semaphore, #tpu.memory_space<semaphore_mem>>) src(%arg11 : memref<64x128xf32, #tpu.memory_space<vmem>>) dst(%dma_wait3A_348 : memref<10240x128xf32, #tpu.memory_space<vmem_shared>>)
      tpu.yield
    }) : () -> ()
    %barrier3A_328 = arith.constant 0 : index
    tpu.barrier barrier_id(%barrier3A_328)
    %mul3A_329 = arith.constant 640 : i32
    %mul3A_330 = arith.muli %arg1, %mul3A_329 : i32
    %mul3A_331 = arith.constant 10240 : i32
    %mul3A_332 = arith.muli %arg0, %mul3A_331 : i32
    %mul3A_333 = arith.constant 640 : i32
    %mul3A_334 = arith.muli %arg1, %mul3A_333 : i32
    %add3A_335 = arith.addi %mul3A_332, %mul3A_334 : i32
    "tpu.region"() ({
      %run_scoped3A_336 = tpu.sem_alloc : memref<!tpu.dma_semaphore, #tpu.memory_space<semaphore_mem>>
      %dma_start3A_337 = arith.constant 0 : i32
      %dma_start3A_338 = tpu.memref_slice %arg5[%add3A_335, %dma_start3A_337] : memref<20480x128xf32, #tpu.memory_space<hbm>> -> memref<640x128xf32, #tpu.memory_space<hbm>>
      %dma_start3A_339 = arith.constant 0 : i32
      %dma_start3A_340 = tpu.memref_slice %arg12[%mul3A_330, %dma_start3A_339] : memref<10240x128xf32, #tpu.memory_space<vmem_shared>> -> memref<640x128xf32, #tpu.memory_space<vmem_shared>>
      tpu.enqueue_dma source(%dma_start3A_340 : memref<640x128xf32, #tpu.memory_space<vmem_shared>>) target(%dma_start3A_338 : memref<640x128xf32, #tpu.memory_space<hbm>>) target_semaphore(%run_scoped3A_336 : memref<!tpu.dma_semaphore, #tpu.memory_space<semaphore_mem>>)
      %dma_wait3A_341 = arith.constant 0 : i32
      %dma_wait3A_342 = tpu.memref_slice %arg5[%add3A_335, %dma_wait3A_341] : memref<20480x128xf32, #tpu.memory_space<hbm>> -> memref<640x128xf32, #tpu.memory_space<hbm>>
      %dma_wait3A_343 = arith.constant 0 : i32
      %dma_wait3A_344 = tpu.memref_slice %arg12[%mul3A_330, %dma_wait3A_343] : memref<10240x128xf32, #tpu.memory_space<vmem_shared>> -> memref<640x128xf32, #tpu.memory_space<vmem_shared>>
      tpu.wait_dma2 semaphore(%run_scoped3A_336 : memref<!tpu.dma_semaphore, #tpu.memory_space<semaphore_mem>>) src(%dma_wait3A_344 : memref<640x128xf32, #tpu.memory_space<vmem_shared>>) dst(%dma_wait3A_342 : memref<640x128xf32, #tpu.memory_space<hbm>>)
      tpu.yield
    }) : () -> ()
    return
  }
}

module attributes {stable_mosaic.version = 14 : i64} {
  func.func @_tc_prep_body(%arg0: i32, %arg1: memref<32x8x128xf32, #tpu.memory_space<vmem>>, %arg2: memref<1024x128xf32, #tpu.memory_space<vmem>>, %arg3: memref<1024x1xf32, #tpu.memory_space<vmem>>, %arg4: memref<1024x128xf32, #tpu.memory_space<vmem>>) attributes {dimension_semantics = [#tpu.dimension_semantics<arbitrary>], iteration_bounds = array<i64: 10>, scalar_prefetch = 0 : i64, scratch_operands = 0 : i64, tpu.core_type = #tpu.core_type<tc>, window_params = [{transform_indices = @transform_0, window_bounds = array<i64: 32, 8, 128>}, {transform_indices = @transform_1, window_bounds = array<i64: 1024, 128>}, {transform_indices = @transform_2, window_bounds = array<i64: 1024, 1>}, {transform_indices = @transform_3, window_bounds = array<i64: 1024, 128>}]} {
    %get3A = arith.constant 0 : index
    %get3A_0 = arith.constant 0 : index
    %get3A_1 = arith.constant 0 : index
    %get3A_2 = vector.load %arg1[%get3A, %get3A_0, %get3A_1] : memref<32x8x128xf32, #tpu.memory_space<vmem>>, vector<32x8x128xf32>
    %reduce_sum3A = arith.constant dense<0.000000e+00> : vector<8x128xf32>
    %reduce_sum3A_3 = vector.multi_reduction <add>, %get3A_2, %reduce_sum3A [0] : vector<32x8x128xf32> to vector<8x128xf32>
    %add3A = arith.constant 1.000000e+00 : f32
    %add3A_4 = vector.broadcast %add3A : f32 to vector<8x128xf32>
    %add3A_5 = arith.addf %reduce_sum3A_3, %add3A_4 : vector<8x128xf32>
    %rsqrt3A = math.rsqrt %add3A_5 : vector<8x128xf32>
    %iota3A = tpu.iota {dimensions = array<i32: 0>} : vector<128x128xi32>
    %iota3A_6 = tpu.iota {dimensions = array<i32: 1>} : vector<128x128xi32>
    %add3A_7 = arith.constant 0 : i32
    %add3A_8 = vector.broadcast %add3A_7 : i32 to vector<128x128xi32>
    %add3A_9 = arith.addi %iota3A, %add3A_8 : vector<128x128xi32>
    %eq3A = arith.cmpi eq, %add3A_9, %iota3A_6 : vector<128x128xi32>
    %convert_element_type3A = arith.extui %eq3A : vector<128x128xi1> to vector<128x128xi32>
    %convert_element_type3A_10 = arith.sitofp %convert_element_type3A : vector<128x128xi32> to vector<128x128xf32>
    %slice3A = vector.extract_strided_slice %rsqrt3A {offsets = [0, 0], sizes = [1, 128], strides = [1, 1]} : vector<8x128xf32> to vector<1x128xf32>
    %dot_general3A = arith.constant dense<0.000000e+00> : vector<128x1xf32>
    %dot_general3A_11 = tpu.matmul %convert_element_type3A_10, %slice3A, %dot_general3A {dimension_numbers = #tpu.dot_dimension_numbers<[1], [1], [0], [0], [0, 0, 1, 0], [], []>, transpose_lhs_hint = false} : vector<128x128xf32>, vector<1x128xf32>, vector<128x1xf32> -> vector<128x1xf32>
    %slice3A_12 = vector.extract_strided_slice %rsqrt3A {offsets = [1, 0], sizes = [1, 128], strides = [1, 1]} : vector<8x128xf32> to vector<1x128xf32>
    %dot_general3A_13 = arith.constant dense<0.000000e+00> : vector<128x1xf32>
    %dot_general3A_14 = tpu.matmul %convert_element_type3A_10, %slice3A_12, %dot_general3A_13 {dimension_numbers = #tpu.dot_dimension_numbers<[1], [1], [0], [0], [0, 0, 1, 0], [], []>, transpose_lhs_hint = false} : vector<128x128xf32>, vector<1x128xf32>, vector<128x1xf32> -> vector<128x1xf32>
    %slice3A_15 = vector.extract_strided_slice %rsqrt3A {offsets = [2, 0], sizes = [1, 128], strides = [1, 1]} : vector<8x128xf32> to vector<1x128xf32>
    %dot_general3A_16 = arith.constant dense<0.000000e+00> : vector<128x1xf32>
    %dot_general3A_17 = tpu.matmul %convert_element_type3A_10, %slice3A_15, %dot_general3A_16 {dimension_numbers = #tpu.dot_dimension_numbers<[1], [1], [0], [0], [0, 0, 1, 0], [], []>, transpose_lhs_hint = false} : vector<128x128xf32>, vector<1x128xf32>, vector<128x1xf32> -> vector<128x1xf32>
    %slice3A_18 = vector.extract_strided_slice %rsqrt3A {offsets = [3, 0], sizes = [1, 128], strides = [1, 1]} : vector<8x128xf32> to vector<1x128xf32>
    %dot_general3A_19 = arith.constant dense<0.000000e+00> : vector<128x1xf32>
    %dot_general3A_20 = tpu.matmul %convert_element_type3A_10, %slice3A_18, %dot_general3A_19 {dimension_numbers = #tpu.dot_dimension_numbers<[1], [1], [0], [0], [0, 0, 1, 0], [], []>, transpose_lhs_hint = false} : vector<128x128xf32>, vector<1x128xf32>, vector<128x1xf32> -> vector<128x1xf32>
    %slice3A_21 = vector.extract_strided_slice %rsqrt3A {offsets = [4, 0], sizes = [1, 128], strides = [1, 1]} : vector<8x128xf32> to vector<1x128xf32>
    %dot_general3A_22 = arith.constant dense<0.000000e+00> : vector<128x1xf32>
    %dot_general3A_23 = tpu.matmul %convert_element_type3A_10, %slice3A_21, %dot_general3A_22 {dimension_numbers = #tpu.dot_dimension_numbers<[1], [1], [0], [0], [0, 0, 1, 0], [], []>, transpose_lhs_hint = false} : vector<128x128xf32>, vector<1x128xf32>, vector<128x1xf32> -> vector<128x1xf32>
    %slice3A_24 = vector.extract_strided_slice %rsqrt3A {offsets = [5, 0], sizes = [1, 128], strides = [1, 1]} : vector<8x128xf32> to vector<1x128xf32>
    %dot_general3A_25 = arith.constant dense<0.000000e+00> : vector<128x1xf32>
    %dot_general3A_26 = tpu.matmul %convert_element_type3A_10, %slice3A_24, %dot_general3A_25 {dimension_numbers = #tpu.dot_dimension_numbers<[1], [1], [0], [0], [0, 0, 1, 0], [], []>, transpose_lhs_hint = false} : vector<128x128xf32>, vector<1x128xf32>, vector<128x1xf32> -> vector<128x1xf32>
    %slice3A_27 = vector.extract_strided_slice %rsqrt3A {offsets = [6, 0], sizes = [1, 128], strides = [1, 1]} : vector<8x128xf32> to vector<1x128xf32>
    %dot_general3A_28 = arith.constant dense<0.000000e+00> : vector<128x1xf32>
    %dot_general3A_29 = tpu.matmul %convert_element_type3A_10, %slice3A_27, %dot_general3A_28 {dimension_numbers = #tpu.dot_dimension_numbers<[1], [1], [0], [0], [0, 0, 1, 0], [], []>, transpose_lhs_hint = false} : vector<128x128xf32>, vector<1x128xf32>, vector<128x1xf32> -> vector<128x1xf32>
    %slice3A_30 = vector.extract_strided_slice %rsqrt3A {offsets = [7, 0], sizes = [1, 128], strides = [1, 1]} : vector<8x128xf32> to vector<1x128xf32>
    %dot_general3A_31 = arith.constant dense<0.000000e+00> : vector<128x1xf32>
    %dot_general3A_32 = tpu.matmul %convert_element_type3A_10, %slice3A_30, %dot_general3A_31 {dimension_numbers = #tpu.dot_dimension_numbers<[1], [1], [0], [0], [0, 0, 1, 0], [], []>, transpose_lhs_hint = false} : vector<128x128xf32>, vector<1x128xf32>, vector<128x1xf32> -> vector<128x1xf32>
    %concatenate3A = tpu.concatenate %dot_general3A_11, %dot_general3A_14, %dot_general3A_17, %dot_general3A_20, %dot_general3A_23, %dot_general3A_26, %dot_general3A_29, %dot_general3A_32 in 0 : vector<128x1xf32>, vector<128x1xf32>, vector<128x1xf32>, vector<128x1xf32>, vector<128x1xf32>, vector<128x1xf32>, vector<128x1xf32>, vector<128x1xf32> -> vector<1024x1xf32>
    %swap3A = arith.constant 0 : index
    %swap3A_33 = arith.constant 0 : index
    %swap3A_34 = vector.load %arg3[%swap3A, %swap3A_33] : memref<1024x1xf32, #tpu.memory_space<vmem>>, vector<1024x1xf32>
    tpu.vector_store %arg3[%swap3A, %swap3A_33], %concatenate3A {strides = array<i32>} : memref<1024x1xf32, #tpu.memory_space<vmem>>, vector<1024x1xf32>,
    %get3A_35 = arith.constant 0 : index
    %get3A_36 = arith.constant 0 : index
    %get3A_37 = vector.load %arg2[%get3A_35, %get3A_36] : memref<1024x128xf32, #tpu.memory_space<vmem>>, vector<1024x128xf32>
    %mul3A = vector.broadcast %concatenate3A : vector<1024x1xf32> to vector<1024x128xf32>
    %mul3A_38 = arith.mulf %get3A_37, %mul3A : vector<1024x128xf32>
    %swap3A_39 = arith.constant 0 : index
    %swap3A_40 = arith.constant 0 : index
    %swap3A_41 = vector.load %arg4[%swap3A_39, %swap3A_40] : memref<1024x128xf32, #tpu.memory_space<vmem>>, vector<1024x128xf32>
    tpu.vector_store %arg4[%swap3A_39, %swap3A_40], %mul3A_38 {strides = array<i32>} : memref<1024x128xf32, #tpu.memory_space<vmem>>, vector<1024x128xf32>,
    return
  }
  func.func @transform_0(%arg0: i32) -> (i32, i32, i32) {
    %c0_i32 = arith.constant 0 : i32
    %c0_i32_0 = arith.constant 0 : i32
    %c0_i32_1 = arith.constant 0 : i32
    return %c0_i32, %arg0, %c0_i32_0 : i32, i32, i32
  }
  func.func @transform_1(%arg0: i32) -> (i32, i32) {
    %c0_i32 = arith.constant 0 : i32
    %c0_i32_0 = arith.constant 0 : i32
    return %arg0, %c0_i32 : i32, i32
  }
  func.func @transform_2(%arg0: i32) -> (i32, i32) {
    %c0_i32 = arith.constant 0 : i32
    %c0_i32_0 = arith.constant 0 : i32
    return %arg0, %c0_i32 : i32, i32
  }
  func.func @transform_3(%arg0: i32) -> (i32, i32) {
    %c0_i32 = arith.constant 0 : i32
    %c0_i32_0 = arith.constant 0 : i32
    return %arg0, %c0_i32 : i32, i32
  }
}

module attributes {stable_mosaic.version = 14 : i64} {
  func.func @_tc_mid_body(%arg0: i32, %arg1: memref<2x1280x128xf32, #tpu.memory_space<vmem>>, %arg2: memref<1280x128xf32, #tpu.memory_space<vmem>>, %arg3: memref<1280x1xf32, #tpu.memory_space<vmem>>, %arg4: memref<128x256xf32, #tpu.memory_space<vmem>>, %arg5: memref<1x256xf32, #tpu.memory_space<vmem>>, %arg6: memref<256x128xf32, #tpu.memory_space<vmem>>, %arg7: memref<1280x128xf32, #tpu.memory_space<vmem>>) attributes {dimension_semantics = [#tpu.dimension_semantics<arbitrary>], iteration_bounds = array<i64: 8>, scalar_prefetch = 0 : i64, scratch_operands = 0 : i64, tpu.core_type = #tpu.core_type<tc>, window_params = [{transform_indices = @transform_0, window_bounds = array<i64: 2, 1280, 128>}, {transform_indices = @transform_1, window_bounds = array<i64: 1280, 128>}, {transform_indices = @transform_2, window_bounds = array<i64: 1280, 1>}, {pipeline_mode = #tpu.pipeline_mode<synchronous>, transform_indices = @transform_3, window_bounds = array<i64: 128, 256>}, {pipeline_mode = #tpu.pipeline_mode<synchronous>, transform_indices = @transform_4, window_bounds = array<i64: 1, 256>}, {pipeline_mode = #tpu.pipeline_mode<synchronous>, transform_indices = @transform_5, window_bounds = array<i64: 256, 128>}, {transform_indices = @transform_6, window_bounds = array<i64: 1280, 128>}]} {
    %get3A = arith.constant 0 : index
    %get3A_0 = arith.constant 0 : index
    %get3A_1 = vector.load %arg3[%get3A, %get3A_0] : memref<1280x1xf32, #tpu.memory_space<vmem>>, vector<1280x1xf32>
    %get3A_2 = arith.constant 0 : index
    %get3A_3 = arith.constant 0 : index
    %get3A_4 = arith.constant 0 : index
    %get3A_5 = vector.load %arg1[%get3A_2, %get3A_3, %get3A_4] : memref<2x1280x128xf32, #tpu.memory_space<vmem>>, vector<1x1280x128xf32>
    %get3A_6 = vector.shape_cast %get3A_5 : vector<1x1280x128xf32> to vector<1280x128xf32>
    %get3A_7 = arith.constant 1 : index
    %get3A_8 = arith.constant 0 : index
    %get3A_9 = arith.constant 0 : index
    %get3A_10 = vector.load %arg1[%get3A_7, %get3A_8, %get3A_9] : memref<2x1280x128xf32, #tpu.memory_space<vmem>>, vector<1x1280x128xf32>
    %get3A_11 = vector.shape_cast %get3A_10 : vector<1x1280x128xf32> to vector<1280x128xf32>
    %add3A = arith.addf %get3A_6, %get3A_11 : vector<1280x128xf32>
    %get3A_12 = arith.constant 0 : index
    %get3A_13 = arith.constant 0 : index
    %get3A_14 = vector.load %arg2[%get3A_12, %get3A_13] : memref<1280x128xf32, #tpu.memory_space<vmem>>, vector<1280x128xf32>
    %add3A_15 = arith.addf %add3A, %get3A_14 : vector<1280x128xf32>
    %mul3A = vector.broadcast %get3A_1 : vector<1280x1xf32> to vector<1280x128xf32>
    %mul3A_16 = arith.mulf %add3A_15, %mul3A : vector<1280x128xf32>
    %get3A_17 = arith.constant 0 : index
    %get3A_18 = arith.constant 0 : index
    %get3A_19 = vector.load %arg4[%get3A_17, %get3A_18] : memref<128x256xf32, #tpu.memory_space<vmem>>, vector<128x256xf32>
    %dot_general3A = arith.constant dense<0.000000e+00> : vector<1280x256xf32>
    %dot_general3A_20 = tpu.matmul %mul3A_16, %get3A_19, %dot_general3A {dimension_numbers = #tpu.dot_dimension_numbers<[1], [0], [0], [1], [0, 0, 1, 1], [], []>, transpose_lhs_hint = false} : vector<1280x128xf32>, vector<128x256xf32>, vector<1280x256xf32> -> vector<1280x256xf32>
    %get3A_21 = arith.constant 0 : index
    %get3A_22 = arith.constant 0 : index
    %get3A_23 = vector.load %arg5[%get3A_21, %get3A_22] : memref<1x256xf32, #tpu.memory_space<vmem>>, vector<1x256xf32>
    %add3A_24 = vector.broadcast %get3A_23 : vector<1x256xf32> to vector<1280x256xf32>
    %add3A_25 = arith.addf %dot_general3A_20, %add3A_24 : vector<1280x256xf32>
    %max3A = arith.constant 0.000000e+00 : f32
    %max3A_26 = vector.broadcast %max3A : f32 to vector<1280x256xf32>
    %max3A_27 = arith.maximumf %add3A_25, %max3A_26 : vector<1280x256xf32>
    %get3A_28 = arith.constant 0 : index
    %get3A_29 = arith.constant 0 : index
    %get3A_30 = vector.load %arg6[%get3A_28, %get3A_29] : memref<256x128xf32, #tpu.memory_space<vmem>>, vector<256x128xf32>
    %dot_general3A_31 = arith.constant dense<0.000000e+00> : vector<1280x128xf32>
    %dot_general3A_32 = tpu.matmul %max3A_27, %get3A_30, %dot_general3A_31 {dimension_numbers = #tpu.dot_dimension_numbers<[1], [0], [0], [1], [0, 0, 1, 1], [], []>, transpose_lhs_hint = false} : vector<1280x256xf32>, vector<256x128xf32>, vector<1280x128xf32> -> vector<1280x128xf32>
    %mul3A_33 = vector.broadcast %get3A_1 : vector<1280x1xf32> to vector<1280x128xf32>
    %mul3A_34 = arith.mulf %dot_general3A_32, %mul3A_33 : vector<1280x128xf32>
    %swap3A = arith.constant 0 : index
    %swap3A_35 = arith.constant 0 : index
    %swap3A_36 = vector.load %arg7[%swap3A, %swap3A_35] : memref<1280x128xf32, #tpu.memory_space<vmem>>, vector<1280x128xf32>
    tpu.vector_store %arg7[%swap3A, %swap3A_35], %mul3A_34 {strides = array<i32>} : memref<1280x128xf32, #tpu.memory_space<vmem>>, vector<1280x128xf32>,
    return
  }
  func.func @transform_0(%arg0: i32) -> (i32, i32, i32) {
    %c0_i32 = arith.constant 0 : i32
    %c0_i32_0 = arith.constant 0 : i32
    %c0_i32_1 = arith.constant 0 : i32
    return %c0_i32, %arg0, %c0_i32_0 : i32, i32, i32
  }
  func.func @transform_1(%arg0: i32) -> (i32, i32) {
    %c0_i32 = arith.constant 0 : i32
    %c0_i32_0 = arith.constant 0 : i32
    return %arg0, %c0_i32 : i32, i32
  }
  func.func @transform_2(%arg0: i32) -> (i32, i32) {
    %c0_i32 = arith.constant 0 : i32
    %c0_i32_0 = arith.constant 0 : i32
    return %arg0, %c0_i32 : i32, i32
  }
  func.func @transform_3(%arg0: i32) -> (i32, i32) {
    %c0_i32 = arith.constant 0 : i32
    %c0_i32_0 = arith.constant 0 : i32
    %c0_i32_1 = arith.constant 0 : i32
    return %c0_i32, %c0_i32_0 : i32, i32
  }
  func.func @transform_4(%arg0: i32) -> (i32, i32) {
    %c0_i32 = arith.constant 0 : i32
    %c0_i32_0 = arith.constant 0 : i32
    %c0_i32_1 = arith.constant 0 : i32
    return %c0_i32, %c0_i32_0 : i32, i32
  }
  func.func @transform_5(%arg0: i32) -> (i32, i32) {
    %c0_i32 = arith.constant 0 : i32
    %c0_i32_0 = arith.constant 0 : i32
    %c0_i32_1 = arith.constant 0 : i32
    return %c0_i32, %c0_i32_0 : i32, i32
  }
  func.func @transform_6(%arg0: i32) -> (i32, i32) {
    %c0_i32 = arith.constant 0 : i32
    %c0_i32_0 = arith.constant 0 : i32
    return %arg0, %c0_i32 : i32, i32
  }
}

module attributes {stable_mosaic.version = 14 : i64} {
  func.func @_tc_out_body(%arg0: i32, %arg1: memref<2x2000x128xf32, #tpu.memory_space<vmem>>, %arg2: memref<2000x128xf32, #tpu.memory_space<vmem>>, %arg3: memref<2000x1xf32, #tpu.memory_space<vmem>>, %arg4: memref<1x128xf32, #tpu.memory_space<vmem>>, %arg5: memref<2000x128xf32, #tpu.memory_space<vmem>>) attributes {dimension_semantics = [#tpu.dimension_semantics<arbitrary>], iteration_bounds = array<i64: 5>, scalar_prefetch = 0 : i64, scratch_operands = 0 : i64, tpu.core_type = #tpu.core_type<tc>, window_params = [{transform_indices = @transform_0, window_bounds = array<i64: 2, 2000, 128>}, {transform_indices = @transform_1, window_bounds = array<i64: 2000, 128>}, {transform_indices = @transform_2, window_bounds = array<i64: 2000, 1>}, {pipeline_mode = #tpu.pipeline_mode<synchronous>, transform_indices = @transform_3, window_bounds = array<i64: 1, 128>}, {transform_indices = @transform_4, window_bounds = array<i64: 2000, 128>}]} {
    %get3A = arith.constant 0 : index
    %get3A_0 = arith.constant 0 : index
    %get3A_1 = arith.constant 0 : index
    %get3A_2 = vector.load %arg1[%get3A, %get3A_0, %get3A_1] : memref<2x2000x128xf32, #tpu.memory_space<vmem>>, vector<1x2000x128xf32>
    %get3A_3 = vector.shape_cast %get3A_2 : vector<1x2000x128xf32> to vector<2000x128xf32>
    %get3A_4 = arith.constant 1 : index
    %get3A_5 = arith.constant 0 : index
    %get3A_6 = arith.constant 0 : index
    %get3A_7 = vector.load %arg1[%get3A_4, %get3A_5, %get3A_6] : memref<2x2000x128xf32, #tpu.memory_space<vmem>>, vector<1x2000x128xf32>
    %get3A_8 = vector.shape_cast %get3A_7 : vector<1x2000x128xf32> to vector<2000x128xf32>
    %add3A = arith.addf %get3A_3, %get3A_8 : vector<2000x128xf32>
    %get3A_9 = arith.constant 0 : index
    %get3A_10 = arith.constant 0 : index
    %get3A_11 = vector.load %arg2[%get3A_9, %get3A_10] : memref<2000x128xf32, #tpu.memory_space<vmem>>, vector<2000x128xf32>
    %add3A_12 = arith.addf %add3A, %get3A_11 : vector<2000x128xf32>
    %get3A_13 = arith.constant 0 : index
    %get3A_14 = arith.constant 0 : index
    %get3A_15 = vector.load %arg3[%get3A_13, %get3A_14] : memref<2000x1xf32, #tpu.memory_space<vmem>>, vector<2000x1xf32>
    %mul3A = vector.broadcast %get3A_15 : vector<2000x1xf32> to vector<2000x128xf32>
    %mul3A_16 = arith.mulf %add3A_12, %mul3A : vector<2000x128xf32>
    %get3A_17 = arith.constant 0 : index
    %get3A_18 = arith.constant 0 : index
    %get3A_19 = vector.load %arg4[%get3A_17, %get3A_18] : memref<1x128xf32, #tpu.memory_space<vmem>>, vector<1x128xf32>
    %add3A_20 = vector.broadcast %get3A_19 : vector<1x128xf32> to vector<2000x128xf32>
    %add3A_21 = arith.addf %mul3A_16, %add3A_20 : vector<2000x128xf32>
    %max3A = arith.constant 0.000000e+00 : f32
    %max3A_22 = vector.broadcast %max3A : f32 to vector<2000x128xf32>
    %max3A_23 = arith.maximumf %add3A_21, %max3A_22 : vector<2000x128xf32>
    %swap3A = arith.constant 0 : index
    %swap3A_24 = arith.constant 0 : index
    %swap3A_25 = vector.load %arg5[%swap3A, %swap3A_24] : memref<2000x128xf32, #tpu.memory_space<vmem>>, vector<2000x128xf32>
    tpu.vector_store %arg5[%swap3A, %swap3A_24], %max3A_23 {strides = array<i32>} : memref<2000x128xf32, #tpu.memory_space<vmem>>, vector<2000x128xf32>,
    return
  }
  func.func @transform_0(%arg0: i32) -> (i32, i32, i32) {
    %c0_i32 = arith.constant 0 : i32
    %c0_i32_0 = arith.constant 0 : i32
    %c0_i32_1 = arith.constant 0 : i32
    return %c0_i32, %arg0, %c0_i32_0 : i32, i32, i32
  }
  func.func @transform_1(%arg0: i32) -> (i32, i32) {
    %c0_i32 = arith.constant 0 : i32
    %c0_i32_0 = arith.constant 0 : i32
    return %arg0, %c0_i32 : i32, i32
  }
  func.func @transform_2(%arg0: i32) -> (i32, i32) {
    %c0_i32 = arith.constant 0 : i32
    %c0_i32_0 = arith.constant 0 : i32
    return %arg0, %c0_i32 : i32, i32
  }
  func.func @transform_3(%arg0: i32) -> (i32, i32) {
    %c0_i32 = arith.constant 0 : i32
    %c0_i32_0 = arith.constant 0 : i32
    %c0_i32_1 = arith.constant 0 : i32
    return %c0_i32, %c0_i32_0 : i32, i32
  }
  func.func @transform_4(%arg0: i32) -> (i32, i32) {
    %c0_i32 = arith.constant 0 : i32
    %c0_i32_0 = arith.constant 0 : i32
    return %arg0, %c0_i32 : i32, i32
  }
}

</mosaic_0001>

<sc_bundles>
// kernel: kernel.11.cloned.1.call-start
scs
__scs_entry_jumppad:
0x0: {  	(pc) =	sbr.rel $0x88, $3  }
0x1: {  	(tag) =	ssettag $0x0;
	lr =	simm.s32 $0x1  }
0x2: {  	[smem:$0x3F9B] =	sst lr;
	_ =	strace $0xD0000000  }
0x3: {  	_ = 	snop  }
0x4: {  	_ = 	snop  }
0x5: {  	_ = 	snop  }
0x6: {  	_ = 	snop  }
0x7: {  	_ = 	snop  }
__scs_overlays_trampoline_lowered:
0x8: {  	[smem:$0x3FAA] =	sst s0  }
0x9: {  	[smem:$0x3FAB] =	sst s1  }
0xa: {  	[smem:$0x3FAC] =	sst s2  }
0xb: {  	[smem:$0x3FAD] =	sst s3  }
0xc: {  	[smem:$0x3FAE] =	sst s4  }
0xd: {  	[smem:$0x3FAF] =	sst s5  }
0xe: {  	[smem:$0x3FB0] =	sst s6  }
0xf: {  	[smem:$0x3FB1] =	sst s7  }
0x10: {  	[smem:$0x3FB2] =	sst s8  }
0x11: {  	[smem:$0x3FB3] =	sst s9;
	s0 =	simm.s32 @!p0 $0x0  }
0x12: {  	s1 =	sld [smem:$0x3F99];
	s0 =	simm.s32 @p0 $0x1  }
0x13: {  	[smem:$0x3FB4] =	sst s0;
	s0 =	simm.s32 @!p1 $0x0  }
0x14: {  	s2 =	sld [smem:$0x3F98];
	s0 =	simm.s32 @p1 $0x1  }
0x15: {  	[smem:$0x3FB5] =	sst s0;
	s0 =	simm.s32 @!p2 $0x0  }
0x16: {  	s3 =	sld [smem:$0x3FDB];
	s0 =	simm.s32 @p2 $0x1  }
0x17: {  	s4 =	simm.s32 $0x1BF5;
	[smem:$0x3FB7] =	sst s0  }
0x18: {  	s0 =	sld [smem:$0x3F9A];
	_ =	swait.ge [sflag:s4], $0x0  }
0x19: {  	s7 =	sld [smem:$0x3F9B]  }
0x1a: {  	s8 =	sadd.s32 $0xFFFFE003, lr  }
0x1b: {  	s9 =	sadd.s32 $0xFFFFFEF7, lr;
	s5 =	simm.s32 $0xFFFFFFFF;
	p2 =	slt.u32 s8, $0xFFFFF086  }
0x1c: {  	p1 =	slt.u32 s9, $0xF7A;
	s5 =	simm.s32 @!p2 $0x0  }
0x1d: {  	s5 =	simm.s32 @p1 $0x1;
	p0 =	seq.s32 s7, s2  }
0x1e: {  	s7 =	smul.u32 @!p0 $0xF7A, s2;
	p2 =	seq.s32 @!p0 s5, $0x0  }
0x1f: {  	s9 =	smul.u32 $0xF7A, s1;
	s8 =	simm.s32 @!p0 $0x1BF5;
	p2 =	por !p2, p0  }
0x20: {  	[sflag:s8] =	ssyncset.s32 @!p0 $0xFFFFF086;
	s6 =	sadd.s32 @!p0 s3, s7;
	s7 =	simm.s32 @!p0 $0x108  }
0x21: {  	s3 =	sadd.s32 s3, s9;
	s6 =	sadd.s32 @!p0 $0x88, s6;
	s7 =	simm.s32 @p2 $0x1082  }
0x22: {  	[simem:s7], [sflag:s8] =	dma.local @!p0 [hbm:s6], $0xF7A  }
0x23: {  	s9 =	sor.u32 $0xD0000000, s2;
	s6 =	simm.s32 $0x108;
	_ =	swait.ge @!p0 [sflag:s8], $0x0  }
0x24: {  	s3 =	sadd.s32 $0x88, s3;
	s6 =	simm.s32 @!p1 $0x1082;
	[sflag:s4] =	ssyncset.s32 $0xFFFFF086  }
0x25: {  	[simem:s6], [sflag:s4] =	dma.local [hbm:s3], $0xF7A  }
0x26: {  	[smem:$0x3F9B] =	sst s1;
	(tag) =	ssettag s2;
	_ =	strace s9  }
0x27: {  	s1 =	sld [smem:$0x3FAB]  }
0x28: {  	s2 =	sld [smem:$0x3FAC]  }
0x29: {  	s4 =	sld [smem:$0x3FAE]  }
0x2a: {  	p0 =	seq.s32 s5, $0x0;
	s5 =	sld [smem:$0x3FAF]  }
0x2b: {  	s6 =	sld [smem:$0x3FB0]  }
0x2c: {  	s7 =	sld [smem:$0x3FB1]  }
0x2d: {  	s3 =	simm.s32 $0x108;
	s8 =	sld [smem:$0x3FB2]  }
0x2e: {  	s3 =	simm.s32 @!p0 $0x1082;
	s9 =	sld [smem:$0x3FB3]  }
0x2f: {  	lr =	sadd.s32 s0, s3;
	s0 =	sld [smem:$0x3FAA]  }
0x30: {  	s3 =	sld [smem:$0x3FAD]  }
0x31: {  	[smem:$0x3FB6] =	sst s10  }
0x32: {  	s10 =	sld [smem:$0x3FB4];
	_ =	sdelay $0x3  }
0x33: {  	p0 =	seq.s32 s10, $0x1;
	s10 =	sld [smem:$0x3FB6];
	_ =	sdelay $0x3  }
0x34: {  	[smem:$0x3FB6] =	sst s10  }
0x35: {  	s10 =	sld [smem:$0x3FB5];
	_ =	sdelay $0x3  }
0x36: {  	p1 =	seq.s32 s10, $0x1;
	s10 =	sld [smem:$0x3FB6];
	_ =	sdelay $0x3  }
0x37: {  	[smem:$0x3FB6] =	sst s10  }
0x38: {  	s10 =	sld [smem:$0x3FB7]  }
0x39: {  	_ = 	snop;
	(pc) =	sbr.ind lr, $3  }
0x3a: {  	_ = 	snop  }
0x3b: {  	_ = 	snop  }
0x3c: {  	p2 =	seq.s32 s10, $0x1;
	s10 =	sld [smem:$0x3FB6]  }
0x3d: {  	_ =	shalt  }
0x3e: {  	_ =	shalt  }
0x3f: {  	_ =	shalt  }
0x40: {  	_ =	shalt  }
0x41: {  	_ =	shalt  }
0x42: {  	_ =	shalt  }
0x43: {  	_ =	shalt  }
0x44: {  	_ =	shalt  }
0x45: {  	_ =	shalt  }
0x46: {  	_ =	shalt  }
0x47: {  	_ =	shalt  }
0x48: {  	_ =	shalt  }
0x49: {  	_ =	shalt  }
0x4a: {  	_ =	shalt  }
0x4b: {  	_ =	shalt  }
0x4c: {  	_ =	shalt  }
0x4d: {  	_ =	shalt  }
0x4e: {  	_ =	shalt  }
0x4f: {  	_ =	shalt  }
0x50: {  	_ =	shalt  }
0x51: {  	_ =	shalt  }
0x52: {  	_ =	shalt  }
0x53: {  	_ =	shalt  }
0x54: {  	_ =	shalt  }
0x55: {  	_ =	shalt  }
0x56: {  	_ =	shalt  }
0x57: {  	_ =	shalt  }
0x58: {  	_ =	shalt  }
0x59: {  	_ =	shalt  }
0x5a: {  	_ =	shalt  }
0x5b: {  	_ =	shalt  }
0x5c: {  	_ =	shalt  }
0x5d: {  	_ =	shalt  }
0x5e: {  	_ =	shalt  }
0x5f: {  	_ =	shalt  }
0x60: {  	_ =	shalt  }
0x61: {  	_ =	shalt  }
0x62: {  	_ =	shalt  }
0x63: {  	_ =	shalt  }
0x64: {  	_ =	shalt  }
0x65: {  	_ =	shalt  }
0x66: {  	_ =	shalt  }
0x67: {  	_ =	shalt  }
0x68: {  	_ =	shalt  }
0x69: {  	_ =	shalt  }
0x6a: {  	_ =	shalt  }
0x6b: {  	_ =	shalt  }
0x6c: {  	_ =	shalt  }
0x6d: {  	_ =	shalt  }
0x6e: {  	_ =	shalt  }
0x6f: {  	_ =	shalt  }
0x70: {  	_ =	shalt  }
0x71: {  	_ =	shalt  }
0x72: {  	_ =	shalt  }
0x73: {  	_ =	shalt  }
0x74: {  	_ =	shalt  }
0x75: {  	_ =	shalt  }
0x76: {  	_ =	shalt  }
0x77: {  	_ =	shalt  }
0x78: {  	_ =	shalt  }
0x79: {  	_ =	shalt  }
0x7a: {  	_ =	shalt  }
0x7b: {  	_ =	shalt  }
0x7c: {  	_ =	shalt  }
0x7d: {  	_ =	shalt  }
0x7e: {  	_ =	shalt  }
0x7f: {  	_ =	shalt  }
0x80: {  	_ =	shalt  }
0x81: {  	_ =	shalt  }
0x82: {  	_ =	shalt  }
0x83: {  	_ =	shalt  }
0x84: {  	_ =	shalt  }
0x85: {  	_ =	shalt  }
0x86: {  	_ =	shalt  }
0x87: {  	_ =	shalt  }
.Lfunc_end0:
.L_simem_size_0:
called_computation.1_lowered:
.L_overlay_start_0:
0x88: {  	s2 =	sld [smem:$0x3FD9]  }
0x89: {  	s3 =	sld [smem:$0x3FFE];
	_ =	sdelay $0x1  }
0x8a: {  	s1 =	srdreg.scid  }
0x8b: {  	s0 =	sand.u32 $0x1, s1  }
0x8c: {  	s17 =	sshll.u32 s0, $0xA;
	s2 =	sadd.s32 s3, s2  }
0x8d: {  	s2 =	sadd.s32 s2, s17  }
0x8e: {  	[smem:$0x3FC2] =	sst s2  }
0x8f: {  	_ = 	snop  }
0x90: {  	s2 =	sld [smem:$0x3FD0];
	(tm) =	ssettm $0x1  }
0x91: {  	s18 =	sld [smem:$0x3FFB];
	_ =	sdelay $0x3  }
0x92: {  	_ =	strace s18  }
0x93: {  	s3 =	sld [smem:$0x3FFC];
	_ =	sdelay $0x3  }
0x94: {  	_ =	strace s3  }
0x95: {  	s3 =	sld [smem:$0x3FFD];
	_ =	sdelay $0x3  }
0x96: {  	_ =	strace s3  }
0x97: {  	_ =	strace $0x8FFFFFFF  }
0x98: {  	s19 =	sld [smem:$0x3FDB];
	_ =	sdelay $0x1  }
0x99: {  	s4 =	simm.s32 $_scs_section_size  }
0x9a: {  	s5 =	simm.s32 $_size__tile_overlayer_lowered;
	s6 =	simm.s32 $_tile_overlayer_lowered  }
0x9b: {  	s22 =	simm.s32 $0x1BFF;
	s21 =	sshll.u32 s6, $0x1;
	s3 =	sadd.s32 s4, s19  }
0x9c: {  	s7 =	simm.s32 $0x0;
	s20 =	sshll.u32 s5, $0x1;
	s5 =	sadd.s32 s21, s3  }
0x9d: {  	[timem:s7], [sflag:s22] =	dma.local [hbm:s5], s20  }
0x9e: {  	_ =	swait.ge [sflag:s22], s20  }
0x9f: {  	s4 =	ssub.s32 $0x0, s20;
	[sflag:s22] =	ssyncset.done $0x0  }
0xa0: {  	[sflag:s22] =	ssyncadd.s32 s4;
	_ =	sdelay $0x1  }
0xa1: {  	s23 =	simm.s32 $0x1B8B  }
0xa2: {  	_ =	swait.ge [sflag:s23], $0x1  }
0xa3: {  	[sflag:s23] =	ssyncset.done $0x0  }
0xa4: {  	s25 =	simm.s32 $0x1B8E;
	s24 =	sld [smem:$0x3FFE];
	[sflag:s23] =	ssyncadd.s32 $0xFFFFFFFF  }
0xa5: {  	s26 =	simm.s32 $execute0_lowered;
	[smem:$0x3FD2] =	sst s25  }
0xa6: {  	s5 =	sshll.u32 s26, $0x1;
	_ =	strace $0x80000049;
	[dreg:$0x1] =	wrdreg $0xFFFFFFFF  }
0xa7: {  	s28 =	simm.s32 $_size_execute0_lowered;
	s3 =	sadd.s32 s3, s5;
	[dreg:$0x0] =	wrdreg $0x0  }
0xa8: {  	s5 =	sshll.u32 s28, $0x1;
	[dreg:$0x2] =	wrdreg s3  }
0xa9: {  	[dreg:$0x3] =	wrdreg s5  }
0xaa: {  	[dreg:$0x4] =	wrdreg $0xC0  }
0xab: {  	_ =	task [dreg:s7], $0x5FFFF  }
0xac: {  	[dreg:$0x1] =	wrdreg $0xFFFFFFFF  }
0xad: {  	[dreg:$0x0] =	wrdreg $0x60  }
0xae: {  	[dreg:$0x2] =	wrdreg s24  }
0xaf: {  	[dreg:$0x3] =	wrdreg s2  }
0xb0: {  	[dreg:$0x4] =	wrdreg $0xA8000  }
0xb1: {  	[dreg:$0x5] =	wrdreg $0x9  }
0xb2: {  	_ =	task.clear_ibuf [dreg:s7], $0x6FFFF;
	_ =	strace $0x90000049  }
0xb3: {  	s29 =	simm.s32 $0x9;
	_ =	strace $0x8000004B  }
0xb4: {  	_ =	swait.ge [sflag:s29], $0x1  }
0xb5: {  	[sflag:s29] =	ssyncadd.s32 $0xFFFFFFFF  }
0xb6: {  	_ =	strace $0x9000004B  }
0xb7: {  	_ =	sfence  }
0xb8: {  	s30 =	sld [smem:$0x0];
	_ =	sdelay $0x2  }
0xb9: {  	s31 =	sshll.u32 s1, $0xD;
	s1 =	sshrl.u32 s1, $0x2  }
0xba: {  	s3 =	sand.u32 $0x4000, s31;
	s1 =	sadd.s32 s1, s30  }
0xbb: {  	s0 =	sor.u32 s3, s0;
	s1 =	sshll.u32 s1, $0x11  }
0xbc: {  	s0 =	sor.u32 s1, s0  }
0xbd: {  	s0 =	sadd.s32 $0x8F2B, s0  }
0xbe: {  	[sflag:s0] =	ssyncadd.remote.s32 $0x1  }
0xbf: {  	_ =	sfence.sel $0xFFFF  }
0xc0: {  	[dreg:$0x0] =	wrdreg $0xFFFFFFFF;
	(pc) =	sbr.abs _section_cstart, $3  }
0xc1: {  	[dreg:$0x1] =	wrdreg $0xFFFFFFFF  }
0xc2: {  	_ =	task.clear_ibuf [dreg:s7], $0x2FFFF;
	_ =	strace $0x9FFFFFFF  }
0xc3: {  	(tm) =	ssettm $0x7FFFFFFF  }
tec
execute0_lowered:
.L_overlay_start_1:
0x0: {  	(tag) =	ssettag $0x1  }
0x1: {  	s0 =	rddreg [dreg:$0x0]  }
0x2: {  	s1 =	rddreg [dreg:$0x1]  }
0x3: {  	s2 =	rddreg [dreg:$0x2];
	s4 =	srdreg.scid  }
0x4: {  	s11 =	stileid.u32;
	s3 =	simm.s32 $0x0;
	s28 =	simm.s32 $0x1400  }
0x5: {  	s29 =	simm.s32 $0x40;
	s30 =	simm.s32 $0x80;
	s6 =	smul.u32 $0x2800, s11  }
0x6: {  	s31 =	simm.s32 $0x4800;
	s5 =	sand.u32 $0x1, s4;
	s8 =	smul.u32 $0x50000, s11  }
0x7: {  	[smem:$0x7FF] =	sst s3;
	s4 =	sadd.s32 $0x2AC00, s0;
	s9 =	sadd.s32 $0x16C00, s0  }
0x8: {  	s7 =	smul.u32 $0x28000, s5;
	_ =	strace $0x8000004A;
	s25 =	sshrl.u32 s8, $0x2  }
0x9: {  	s24 =	ssub.s32 $0x2, s5;
	s10 =	sshll.u32 s5, $0x4;
	s5 =	sadd.s32 s25, s2  }
0xa: {  	s26 =	sshrl.u32 s24, $0x1;
	s11 =	sor.u32 s11, s10;
	s12 =	sadd.s32 $0x2000, s5  }
0xb: {  	s10 =	simm.s32 $0x3;
	s13 =	sadd.s32 $0x4000, s5;
	[dreg:$0x4] =	wrdreg s12  }
0xc: {  	s6 =	sadd.s32 s6, s7;
	s14 =	sadd.s32 $0x6000, s5;
	[dreg:$0x5] =	wrdreg s13  }
0xd: {  	s15 =	smul.u32 $0x5000, s11;
	s16 =	sadd.s32 $0x8000, s5;
	[dreg:$0x6] =	wrdreg s14  }
0xe: {  	s7 =	smul.u32 $0xA00, s11;
	s17 =	sadd.s32 $0xA000, s5;
	[dreg:$0x7] =	wrdreg s16  }
0xf: {  	s11 =	simm.s32 $0x4;
	s18 =	sadd.s32 $0xC000, s5;
	[dreg:$0x8] =	wrdreg s17  }
0x10: {  	s0 =	sadd.s32 s6, s0;
	s19 =	sadd.s32 $0xE000, s5;
	[dreg:$0x9] =	wrdreg s18  }
0x11: {  	s6 =	ssub.s32 s24, s26;
	s20 =	sadd.s32 $0x10000, s5;
	[dreg:$0xa] =	wrdreg s19  }
0x12: {  	s21 =	sadd.s32 $0x12000, s5;
	s8 =	sshrl.u32 s15, $0x3;
	[dreg:$0xb] =	wrdreg s20  }
0x13: {  	[dreg:$0xc] =	wrdreg s21;
	s23 =	sadd.s32 s1, s7;
	s7 =	sadd.s32 s9, s7  }
0x14: {  	s12 =	simm.s32 $0x2600;
	s13 =	simm.s32 $0x2680;
	s14 =	simm.s32 $0x2700  }
0x15: {  	s15 =	simm.s32 $0x2780;
	s22 =	sadd.s32 $0x280, s8;
	[dreg:$0xd] =	wrdreg s23  }
0x16: {  	[dreg:$0xe] =	wrdreg s7;
	s26 =	sadd.s32 $0x500, s8;
	s8 =	sadd.s32 $0x780, s8  }
0x17: {  	s23 =	sadd.s32 $0x52C00, s0;
	s0 =	simm.s32 $0x100;
	s7 =	simm.s32 $0x8800  }
0x18: {  	s24 =	sadd.s32 s1, s22;
	s25 =	sadd.s32 s9, s22;
	s19 =	sadd.s32 s1, s26  }
0x19: {  	s20 =	sadd.s32 s9, s26;
	s21 =	sadd.s32 s1, s8;
	s22 =	sadd.s32 s9, s8  }
0x1a: {  	s26 =	simm.s32 $0x5;
	s1 =	simm.s32 $0x6800;
	[dreg:$0xf] =	wrdreg s24  }
0x1b: {  	s8 =	simm.s32 $0x1;
	s9 =	simm.s32 $0x2;
	[dreg:$0x10] =	wrdreg s25  }
0x1c: {  	v0 =	vimm.f32 $0.0e+00;
	s24 =	smax.u32 s6, $0x1;
	s25 =	simm.s32 $0x2800;
	s6 =	simm.s32 $0x180  }
.LBB2_1:
0x1d: {  	s16 =	simm.s32 $0x0;
	s17 =	simm.s32 $0x200  }
.LBB2_2:
0x1e: {  	p0 =	sne.s32 s17, $0x7E00;
	[tilespmem:s16+$0x2870] =	vst v0  }
0x1f: {  	[tilespmem:s16+$0x2800] =	vst v0  }
0x20: {  	[tilespmem:s16+$0x2810] =	vst v0  }
.Ltmp0:
0x21: {  	[tilespmem:s16+$0x2820] =	vst v0;
	(pc) =	sbr.rel @p0 .LBB2_2-.Ltmp0, $4  }
0x22: {  	[tilespmem:s16+$0x2830] =	vst v0  }
0x23: {  	[tilespmem:s16+$0x2840] =	vst v0  }
0x24: {  	[tilespmem:s16+$0x2850] =	vst v0  }
0x25: {  	[tilespmem:s16+$0x2860] =	vst v0;
	s16 =	sshra.s32 s17, $0x2;
	s17 =	sadd.s32 $0x200, s17  }
0x26: {  	[tilespmem:s16+$0x2870] =	vst v0  }
0x27: {  	[tilespmem:s16+$0x2800] =	vst v0  }
0x28: {  	[tilespmem:s16+$0x2810] =	vst v0  }
0x29: {  	[tilespmem:s16+$0x2820] =	vst v0  }
0x2a: {  	[tilespmem:s16+$0x2830] =	vst v0  }
0x2b: {  	[tilespmem:s16+$0x2840] =	vst v0  }
0x2c: {  	[tilespmem:s16+$0x2850] =	vst v0  }
0x2d: {  	[tilespmem:s16+$0x2860] =	vst v0  }
0x2e: {  	[spmem:s5] =	stream.linear.scatter [tilespmem:s25], [sflag:$0x5], $0x2000, $0x38;
	[tilespmem:$0x1E800] =	vst v63  }
0x2f: {  	_ =	swait.ge [sflag:s26], $0x2000  }
0x30: {  	[sflag:s26] =	ssyncset.done $0x0  }
0x31: {  	s17 =	rddreg [dreg:$0x4];
	[sflag:s26] =	ssyncadd.s32 $0xFFFFE000  }
0x32: {  	[spmem:s17] =	stream.linear.scatter [tilespmem:s25], [sflag:$0x5], $0x2000, $0x38;
	[tilespmem:$0x1E800] =	vst v63  }
0x33: {  	_ =	swait.ge [sflag:s26], $0x2000  }
0x34: {  	[sflag:s26] =	ssyncset.done $0x0  }
0x35: {  	s18 =	rddreg [dreg:$0x5];
	[sflag:s26] =	ssyncadd.s32 $0xFFFFE000  }
0x36: {  	[spmem:s18] =	stream.linear.scatter [tilespmem:s25], [sflag:$0x5], $0x2000, $0x38;
	[tilespmem:$0x1E800] =	vst v63  }
0x37: {  	_ =	swait.ge [sflag:s26], $0x2000  }
0x38: {  	[sflag:s26] =	ssyncset.done $0x0  }
0x39: {  	s17 =	rddreg [dreg:$0x6];
	[sflag:s26] =	ssyncadd.s32 $0xFFFFE000  }
0x3a: {  	[spmem:s17] =	stream.linear.scatter [tilespmem:s25], [sflag:$0x5], $0x2000, $0x38;
	[tilespmem:$0x1E800] =	vst v63  }
0x3b: {  	_ =	swait.ge [sflag:s26], $0x2000  }
0x3c: {  	[sflag:s26] =	ssyncset.done $0x0  }
0x3d: {  	s18 =	rddreg [dreg:$0x7];
	[sflag:s26] =	ssyncadd.s32 $0xFFFFE000  }
0x3e: {  	[spmem:s18] =	stream.linear.scatter [tilespmem:s25], [sflag:$0x5], $0x2000, $0x38;
	[tilespmem:$0x1E800] =	vst v63  }
0x3f: {  	_ =	swait.ge [sflag:s26], $0x2000  }
0x40: {  	[sflag:s26] =	ssyncset.done $0x0  }
0x41: {  	s17 =	rddreg [dreg:$0x8];
	[sflag:s26] =	ssyncadd.s32 $0xFFFFE000  }
0x42: {  	[spmem:s17] =	stream.linear.scatter [tilespmem:s25], [sflag:$0x5], $0x2000, $0x38;
	[tilespmem:$0x1E800] =	vst v63  }
0x43: {  	_ =	swait.ge [sflag:s26], $0x2000  }
0x44: {  	[sflag:s26] =	ssyncset.done $0x0  }
0x45: {  	s18 =	rddreg [dreg:$0x9];
	[sflag:s26] =	ssyncadd.s32 $0xFFFFE000  }
0x46: {  	[spmem:s18] =	stream.linear.scatter [tilespmem:s25], [sflag:$0x5], $0x2000, $0x38;
	[tilespmem:$0x1E800] =	vst v63  }
0x47: {  	_ =	swait.ge [sflag:s26], $0x2000  }
0x48: {  	[sflag:s26] =	ssyncset.done $0x0  }
0x49: {  	s17 =	rddreg [dreg:$0xa];
	[sflag:s26] =	ssyncadd.s32 $0xFFFFE000  }
0x4a: {  	[spmem:s17] =	stream.linear.scatter [tilespmem:s25], [sflag:$0x5], $0x2000, $0x38;
	[tilespmem:$0x1E800] =	vst v63  }
0x4b: {  	_ =	swait.ge [sflag:s26], $0x2000  }
0x4c: {  	[sflag:s26] =	ssyncset.done $0x0  }
0x4d: {  	s18 =	rddreg [dreg:$0xb];
	[sflag:s26] =	ssyncadd.s32 $0xFFFFE000  }
0x4e: {  	[spmem:s18] =	stream.linear.scatter [tilespmem:s25], [sflag:$0x5], $0x2000, $0x38;
	[tilespmem:$0x1E800] =	vst v63  }
0x4f: {  	_ =	swait.ge [sflag:s26], $0x2000  }
0x50: {  	[sflag:s26] =	ssyncset.done $0x0  }
0x51: {  	s17 =	rddreg [dreg:$0xc];
	[sflag:s26] =	ssyncadd.s32 $0xFFFFE000  }
0x52: {  	[spmem:s17] =	stream.linear.scatter [tilespmem:s25], [sflag:$0x5], $0x2000, $0x38;
	[tilespmem:$0x1E800] =	vst v63  }
0x53: {  	_ =	swait.ge [sflag:s26], $0x2000  }
0x54: {  	[sflag:s26] =	ssyncset.done $0x0  }
0x55: {  	[sflag:s26] =	ssyncadd.s32 $0xFFFFE000  }
0x56: {  	[bflag:$0x0] =	sbarrier.arrive $0xFFFF  }
0x57: {  	s16 =	simm.s32 $0x0;
	s17 =	rddreg [dreg:$0xd]  }
0x58: {  	[tilespmem:s16], [sflag:$0x5] =	stream.linear.gather [hbm4b:s17+s16], $0x1400, $0x38;
	[tilespmem:$0x1E800] =	vst v63  }
0x59: {  	_ =	swait.ge [sflag:s26], $0x1400  }
0x5a: {  	[sflag:s26] =	ssyncset.done $0x0  }
0x5b: {  	s18 =	rddreg [dreg:$0xe];
	[sflag:s26] =	ssyncadd.s32 $0xFFFFEC00  }
0x5c: {  	[tilespmem:s28], [sflag:$0x5] =	stream.linear.gather [hbm4b:s18+s16], $0x1400, $0x38;
	[tilespmem:$0x1E800] =	vst v63  }
0x5d: {  	_ =	swait.ge [sflag:s26], $0x1400  }
0x5e: {  	[sflag:s26] =	ssyncset.done $0x0  }
0x5f: {  	[sflag:s26] =	ssyncadd.s32 $0xFFFFEC00  }
0x60: {  	[tilespmem:s25], [sflag:$0x1] =	stream.indirect.gather [hbm4b:s4+s29], $0x80, s16, s29, $0xb8;
	[tilespmem:$0x1E800] =	vst v63  }
0x61: {  	_ = 	snop  }
0x62: {  	[tilespmem:s31], [sflag:$0x2] =	stream.indirect.gather [hbm4b:s4+s29], $0x80, s30, s29, $0xb8;
	[tilespmem:$0x1E800] =	vst v63  }
0x63: {  	_ = 	snop  }
0x64: {  	[tilespmem:s1], [sflag:$0x3] =	stream.indirect.gather [hbm4b:s4+s29], $0x80, s0, s29, $0xb8;
	[tilespmem:$0x1E800] =	vst v63  }
0x65: {  	_ = 	snop  }
0x66: {  	[tilespmem:s7], [sflag:$0x4] =	stream.indirect.gather [hbm4b:s4+s29], $0x80, s6, s29, $0xb8;
	[tilespmem:$0x1E800] =	vst v63  }
0x67: {  	_ =	swait.ge [sflag:s8], $0x2000  }
0x68: {  	[sflag:s8] =	ssyncset.done $0x0  }
0x69: {  	s18 =	simm.s32 $0x1400;
	[sflag:s8] =	ssyncadd.s32 $0xFFFFE000  }
0x6a: {  	[spmem:s2] =	stream.indirect.scatter.add.f32 [tilespmem:s25], [sflag:$0x5], $0x80, s18, s29, $0xb8;
	[tilespmem:$0x1E800] =	vst v63  }
0x6b: {  	_ =	swait.ge [sflag:s26], $0x2000  }
0x6c: {  	[sflag:s26] =	ssyncset.done $0x0  }
0x6d: {  	s17 =	simm.s32 $0x200;
	[sflag:s26] =	ssyncadd.s32 $0xFFFFE000  }
0x6e: {  	[tilespmem:s25], [sflag:$0x1] =	stream.indirect.gather [hbm4b:s4+s29], $0x80, s17, s29, $0xb8;
	[tilespmem:$0x1E800] =	vst v63  }
0x6f: {  	_ =	swait.ge [sflag:s9], $0x2000  }
0x70: {  	[sflag:s9] =	ssyncset.done $0x0  }
0x71: {  	s18 =	simm.s32 $0x1480;
	[sflag:s9] =	ssyncadd.s32 $0xFFFFE000  }
0x72: {  	[spmem:s2] =	stream.indirect.scatter.add.f32 [tilespmem:s31], [sflag:$0x5], $0x80, s18, s29, $0xb8;
	[tilespmem:$0x1E800] =	vst v63  }
0x73: {  	_ =	swait.ge [sflag:s26], $0x2000  }
0x74: {  	[sflag:s26] =	ssyncset.done $0x0  }
0x75: {  	s17 =	simm.s32 $0x280;
	[sflag:s26] =	ssyncadd.s32 $0xFFFFE000  }
0x76: {  	[tilespmem:s31], [sflag:$0x2] =	stream.indirect.gather [hbm4b:s4+s29], $0x80, s17, s29, $0xb8;
	[tilespmem:$0x1E800] =	vst v63  }
0x77: {  	_ =	swait.ge [sflag:s10], $0x2000  }
0x78: {  	[sflag:s10] =	ssyncset.done $0x0  }
0x79: {  	s18 =	simm.s32 $0x1500;
	[sflag:s10] =	ssyncadd.s32 $0xFFFFE000  }
0x7a: {  	[spmem:s2] =	stream.indirect.scatter.add.f32 [tilespmem:s1], [sflag:$0x5], $0x80, s18, s29, $0xb8;
	[tilespmem:$0x1E800] =	vst v63  }
0x7b: {  	_ =	swait.ge [sflag:s26], $0x2000  }
0x7c: {  	[sflag:s26] =	ssyncset.done $0x0  }
0x7d: {  	s17 =	simm.s32 $0x300;
	[sflag:s26] =	ssyncadd.s32 $0xFFFFE000  }
0x7e: {  	[tilespmem:s1], [sflag:$0x3] =	stream.indirect.gather [hbm4b:s4+s29], $0x80, s17, s29, $0xb8;
	[tilespmem:$0x1E800] =	vst v63  }
0x7f: {  	_ =	swait.ge [sflag:s11], $0x2000  }
0x80: {  	[sflag:s11] =	ssyncset.done $0x0  }
0x81: {  	s18 =	simm.s32 $0x1580;
	[sflag:s11] =	ssyncadd.s32 $0xFFFFE000  }
0x82: {  	[spmem:s2] =	stream.indirect.scatter.add.f32 [tilespmem:s7], [sflag:$0x5], $0x80, s18, s29, $0xb8;
	[tilespmem:$0x1E800] =	vst v63  }
0x83: {  	_ =	swait.ge [sflag:s26], $0x2000  }
0x84: {  	[sflag:s26] =	ssyncset.done $0x0  }
0x85: {  	s16 =	simm.s32 $0x800;
	s17 =	simm.s32 $0x380;
	[sflag:s26] =	ssyncadd.s32 $0xFFFFE000  }
.LBB2_4:
0x86: {  	[tilespmem:s7], [sflag:$0x4] =	stream.indirect.gather [hbm4b:s4+s29], $0x80, s17, s29, $0xb8;
	[tilespmem:$0x1E800] =	vst v63  }
0x87: {  	s17 =	smov.u32 s16  }
0x88: {  	p0 =	sne.s32 s16, $0x4000;
	s16 =	sadd.s32 $0x800, s16;
	_ =	swait.ge [sflag:s8], $0x2000  }
0x89: {  	s17 =	sshra.s32 s17, $0x2;
	[sflag:s8] =	ssyncset.done $0x0  }
0x8a: {  	s18 =	sadd.s32 $0x1400, s17;
	[sflag:s8] =	ssyncadd.s32 $0xFFFFE000  }
0x8b: {  	[spmem:s2] =	stream.indirect.scatter.add.f32 [tilespmem:s25], [sflag:$0x5], $0x80, s18, s29, $0xb8;
	[tilespmem:$0x1E800] =	vst v63  }
0x8c: {  	_ =	swait.ge [sflag:s26], $0x2000  }
0x8d: {  	[sflag:s26] =	ssyncset.done $0x0  }
0x8e: {  	s18 =	sadd.s32 $0x200, s17;
	[sflag:s26] =	ssyncadd.s32 $0xFFFFE000  }
0x8f: {  	[tilespmem:s25], [sflag:$0x1] =	stream.indirect.gather [hbm4b:s4+s29], $0x80, s18, s29, $0xb8;
	[tilespmem:$0x1E800] =	vst v63  }
0x90: {  	_ =	swait.ge [sflag:s9], $0x2000  }
0x91: {  	[sflag:s9] =	ssyncset.done $0x0  }
0x92: {  	s18 =	sadd.s32 $0x1480, s17;
	[sflag:s9] =	ssyncadd.s32 $0xFFFFE000  }
0x93: {  	[spmem:s2] =	stream.indirect.scatter.add.f32 [tilespmem:s31], [sflag:$0x5], $0x80, s18, s29, $0xb8;
	[tilespmem:$0x1E800] =	vst v63  }
0x94: {  	_ =	swait.ge [sflag:s26], $0x2000  }
0x95: {  	[sflag:s26] =	ssyncset.done $0x0  }
0x96: {  	s18 =	sadd.s32 $0x280, s17;
	[sflag:s26] =	ssyncadd.s32 $0xFFFFE000  }
0x97: {  	[tilespmem:s31], [sflag:$0x2] =	stream.indirect.gather [hbm4b:s4+s29], $0x80, s18, s29, $0xb8;
	[tilespmem:$0x1E800] =	vst v63  }
0x98: {  	_ =	swait.ge [sflag:s10], $0x2000  }
0x99: {  	[sflag:s10] =	ssyncset.done $0x0  }
0x9a: {  	s18 =	sadd.s32 $0x1500, s17;
	[sflag:s10] =	ssyncadd.s32 $0xFFFFE000  }
0x9b: {  	[spmem:s2] =	stream.indirect.scatter.add.f32 [tilespmem:s1], [sflag:$0x5], $0x80, s18, s29, $0xb8;
	[tilespmem:$0x1E800] =	vst v63  }
0x9c: {  	_ =	swait.ge [sflag:s26], $0x2000  }
0x9d: {  	[sflag:s26] =	ssyncset.done $0x0  }
0x9e: {  	s18 =	sadd.s32 $0x300, s17;
	[sflag:s26] =	ssyncadd.s32 $0xFFFFE000  }
0x9f: {  	[tilespmem:s1], [sflag:$0x3] =	stream.indirect.gather [hbm4b:s4+s29], $0x80, s18, s29, $0xb8;
	[tilespmem:$0x1E800] =	vst v63  }
0xa0: {  	_ =	swait.ge [sflag:s11], $0x2000  }
0xa1: {  	[sflag:s11] =	ssyncset.done $0x0  }
.Ltmp1:
0xa2: {  	s18 =	sadd.s32 $0x1580, s17;
	[sflag:s11] =	ssyncadd.s32 $0xFFFFE000;
	(pc) =	sbr.rel @p0 .LBB2_4-.Ltmp1, $4  }
0xa3: {  	[spmem:s2] =	stream.indirect.scatter.add.f32 [tilespmem:s7], [sflag:$0x5], $0x80, s18, s29, $0xb8;
	[tilespmem:$0x1E800] =	vst v63  }
0xa4: {  	_ =	swait.ge [sflag:s26], $0x2000  }
0xa5: {  	[sflag:s26] =	ssyncset.done $0x0  }
0xa6: {  	s17 =	sadd.s32 $0x380, s17;
	[sflag:s26] =	ssyncadd.s32 $0xFFFFE000  }
0xa7: {  	[tilespmem:s7], [sflag:$0x4] =	stream.indirect.gather [hbm4b:s4+s29], $0x80, s17, s29, $0xb8;
	[tilespmem:$0x1E800] =	vst v63  }
0xa8: {  	_ =	swait.ge [sflag:s8], $0x2000  }
0xa9: {  	[sflag:s8] =	ssyncset.done $0x0  }
0xaa: {  	[sflag:s8] =	ssyncadd.s32 $0xFFFFE000  }
0xab: {  	[spmem:s2] =	stream.indirect.scatter.add.f32 [tilespmem:s25], [sflag:$0x5], $0x80, s12, s29, $0xb8;
	[tilespmem:$0x1E800] =	vst v63  }
0xac: {  	_ =	swait.ge [sflag:s26], $0x2000  }
0xad: {  	[sflag:s26] =	ssyncset.done $0x0  }
0xae: {  	[sflag:s26] =	ssyncadd.s32 $0xFFFFE000  }
0xaf: {  	_ =	swait.ge [sflag:s9], $0x2000  }
0xb0: {  	[sflag:s9] =	ssyncset.done $0x0  }
0xb1: {  	[sflag:s9] =	ssyncadd.s32 $0xFFFFE000  }
0xb2: {  	[spmem:s2] =	stream.indirect.scatter.add.f32 [tilespmem:s31], [sflag:$0x5], $0x80, s13, s29, $0xb8;
	[tilespmem:$0x1E800] =	vst v63  }
0xb3: {  	_ =	swait.ge [sflag:s26], $0x2000  }
0xb4: {  	[sflag:s26] =	ssyncset.done $0x0  }
0xb5: {  	[sflag:s26] =	ssyncadd.s32 $0xFFFFE000  }
0xb6: {  	_ =	swait.ge [sflag:s10], $0x2000  }
0xb7: {  	[sflag:s10] =	ssyncset.done $0x0  }
0xb8: {  	[sflag:s10] =	ssyncadd.s32 $0xFFFFE000  }
0xb9: {  	[spmem:s2] =	stream.indirect.scatter.add.f32 [tilespmem:s1], [sflag:$0x5], $0x80, s14, s29, $0xb8;
	[tilespmem:$0x1E800] =	vst v63  }
0xba: {  	_ =	swait.ge [sflag:s26], $0x2000  }
0xbb: {  	[sflag:s26] =	ssyncset.done $0x0  }
0xbc: {  	[sflag:s26] =	ssyncadd.s32 $0xFFFFE000  }
0xbd: {  	_ =	swait.ge [sflag:s11], $0x2000  }
0xbe: {  	[sflag:s11] =	ssyncset.done $0x0  }
0xbf: {  	[sflag:s11] =	ssyncadd.s32 $0xFFFFE000  }
0xc0: {  	[spmem:s2] =	stream.indirect.scatter.add.f32 [tilespmem:s7], [sflag:$0x5], $0x80, s15, s29, $0xb8;
	[tilespmem:$0x1E800] =	vst v63  }
0xc1: {  	_ =	swait.ge [sflag:s26], $0x2000  }
0xc2: {  	[sflag:s26] =	ssyncset.done $0x0  }
0xc3: {  	s16 =	simm.s32 $0x0;
	s18 =	rddreg [dreg:$0xf];
	[sflag:s26] =	ssyncadd.s32 $0xFFFFE000  }
0xc4: {  	[tilespmem:s16], [sflag:$0x5] =	stream.linear.gather [hbm4b:s18+s16], $0x1400, $0x38;
	[tilespmem:$0x1E800] =	vst v63  }
0xc5: {  	_ =	swait.ge [sflag:s26], $0x1400  }
0xc6: {  	[sflag:s26] =	ssyncset.done $0x0  }
0xc7: {  	s18 =	rddreg [dreg:$0x10];
	[sflag:s26] =	ssyncadd.s32 $0xFFFFEC00  }
0xc8: {  	[tilespmem:s28], [sflag:$0x5] =	stream.linear.gather [hbm4b:s18+s16], $0x1400, $0x38;
	[tilespmem:$0x1E800] =	vst v63  }
0xc9: {  	_ =	swait.ge [sflag:s26], $0x1400  }
0xca: {  	[sflag:s26] =	ssyncset.done $0x0  }
0xcb: {  	[sflag:s26] =	ssyncadd.s32 $0xFFFFEC00  }
0xcc: {  	[tilespmem:s25], [sflag:$0x1] =	stream.indirect.gather [hbm4b:s4+s29], $0x80, s16, s29, $0xb8;
	[tilespmem:$0x1E800] =	vst v63  }
0xcd: {  	_ = 	snop  }
0xce: {  	[tilespmem:s31], [sflag:$0x2] =	stream.indirect.gather [hbm4b:s4+s29], $0x80, s30, s29, $0xb8;
	[tilespmem:$0x1E800] =	vst v63  }
0xcf: {  	_ = 	snop  }
0xd0: {  	[tilespmem:s1], [sflag:$0x3] =	stream.indirect.gather [hbm4b:s4+s29], $0x80, s0, s29, $0xb8;
	[tilespmem:$0x1E800] =	vst v63  }
0xd1: {  	_ = 	snop  }
0xd2: {  	[tilespmem:s7], [sflag:$0x4] =	stream.indirect.gather [hbm4b:s4+s29], $0x80, s6, s29, $0xb8;
	[tilespmem:$0x1E800] =	vst v63  }
0xd3: {  	_ =	swait.ge [sflag:s8], $0x2000  }
0xd4: {  	[sflag:s8] =	ssyncset.done $0x0  }
0xd5: {  	s18 =	simm.s32 $0x1400;
	[sflag:s8] =	ssyncadd.s32 $0xFFFFE000  }
0xd6: {  	[spmem:s2] =	stream.indirect.scatter.add.f32 [tilespmem:s25], [sflag:$0x5], $0x80, s18, s29, $0xb8;
	[tilespmem:$0x1E800] =	vst v63  }
0xd7: {  	_ =	swait.ge [sflag:s26], $0x2000  }
0xd8: {  	[sflag:s26] =	ssyncset.done $0x0  }
0xd9: {  	s17 =	simm.s32 $0x200;
	[sflag:s26] =	ssyncadd.s32 $0xFFFFE000  }
0xda: {  	[tilespmem:s25], [sflag:$0x1] =	stream.indirect.gather [hbm4b:s4+s29], $0x80, s17, s29, $0xb8;
	[tilespmem:$0x1E800] =	vst v63  }
0xdb: {  	_ =	swait.ge [sflag:s9], $0x2000  }
0xdc: {  	[sflag:s9] =	ssyncset.done $0x0  }
0xdd: {  	s18 =	simm.s32 $0x1480;
	[sflag:s9] =	ssyncadd.s32 $0xFFFFE000  }
0xde: {  	[spmem:s2] =	stream.indirect.scatter.add.f32 [tilespmem:s31], [sflag:$0x5], $0x80, s18, s29, $0xb8;
	[tilespmem:$0x1E800] =	vst v63  }
0xdf: {  	_ =	swait.ge [sflag:s26], $0x2000  }
0xe0: {  	[sflag:s26] =	ssyncset.done $0x0  }
0xe1: {  	s17 =	simm.s32 $0x280;
	[sflag:s26] =	ssyncadd.s32 $0xFFFFE000  }
0xe2: {  	[tilespmem:s31], [sflag:$0x2] =	stream.indirect.gather [hbm4b:s4+s29], $0x80, s17, s29, $0xb8;
	[tilespmem:$0x1E800] =	vst v63  }
0xe3: {  	_ =	swait.ge [sflag:s10], $0x2000  }
0xe4: {  	[sflag:s10] =	ssyncset.done $0x0  }
0xe5: {  	s18 =	simm.s32 $0x1500;
	[sflag:s10] =	ssyncadd.s32 $0xFFFFE000  }
0xe6: {  	[spmem:s2] =	stream.indirect.scatter.add.f32 [tilespmem:s1], [sflag:$0x5], $0x80, s18, s29, $0xb8;
	[tilespmem:$0x1E800] =	vst v63  }
0xe7: {  	_ =	swait.ge [sflag:s26], $0x2000  }
0xe8: {  	[sflag:s26] =	ssyncset.done $0x0  }
0xe9: {  	s17 =	simm.s32 $0x300;
	[sflag:s26] =	ssyncadd.s32 $0xFFFFE000  }
0xea: {  	[tilespmem:s1], [sflag:$0x3] =	stream.indirect.gather [hbm4b:s4+s29], $0x80, s17, s29, $0xb8;
	[tilespmem:$0x1E800] =	vst v63  }
0xeb: {  	_ =	swait.ge [sflag:s11], $0x2000  }
0xec: {  	[sflag:s11] =	ssyncset.done $0x0  }
0xed: {  	s18 =	simm.s32 $0x1580;
	[sflag:s11] =	ssyncadd.s32 $0xFFFFE000  }
0xee: {  	[spmem:s2] =	stream.indirect.scatter.add.f32 [tilespmem:s7], [sflag:$0x5], $0x80, s18, s29, $0xb8;
	[tilespmem:$0x1E800] =	vst v63  }
0xef: {  	_ =	swait.ge [sflag:s26], $0x2000  }
0xf0: {  	[sflag:s26] =	ssyncset.done $0x0  }
0xf1: {  	s16 =	simm.s32 $0x800;
	s17 =	simm.s32 $0x380;
	[sflag:s26] =	ssyncadd.s32 $0xFFFFE000  }
.LBB2_6:
0xf2: {  	[tilespmem:s7], [sflag:$0x4] =	stream.indirect.gather [hbm4b:s4+s29], $0x80, s17, s29, $0xb8;
	[tilespmem:$0x1E800] =	vst v63  }
0xf3: {  	s17 =	smov.u32 s16  }
0xf4: {  	p0 =	sne.s32 s16, $0x4000;
	s16 =	sadd.s32 $0x800, s16;
	_ =	swait.ge [sflag:s8], $0x2000  }
0xf5: {  	s17 =	sshra.s32 s17, $0x2;
	[sflag:s8] =	ssyncset.done $0x0  }
0xf6: {  	s18 =	sadd.s32 $0x1400, s17;
	[sflag:s8] =	ssyncadd.s32 $0xFFFFE000  }
0xf7: {  	[spmem:s2] =	stream.indirect.scatter.add.f32 [tilespmem:s25], [sflag:$0x5], $0x80, s18, s29, $0xb8;
	[tilespmem:$0x1E800] =	vst v63  }
0xf8: {  	_ =	swait.ge [sflag:s26], $0x2000  }
0xf9: {  	[sflag:s26] =	ssyncset.done $0x0  }
0xfa: {  	s18 =	sadd.s32 $0x200, s17;
	[sflag:s26] =	ssyncadd.s32 $0xFFFFE000  }
0xfb: {  	[tilespmem:s25], [sflag:$0x1] =	stream.indirect.gather [hbm4b:s4+s29], $0x80, s18, s29, $0xb8;
	[tilespmem:$0x1E800] =	vst v63  }
0xfc: {  	_ =	swait.ge [sflag:s9], $0x2000  }
0xfd: {  	[sflag:s9] =	ssyncset.done $0x0  }
0xfe: {  	s18 =	sadd.s32 $0x1480, s17;
	[sflag:s9] =	ssyncadd.s32 $0xFFFFE000  }
0xff: {  	[spmem:s2] =	stream.indirect.scatter.add.f32 [tilespmem:s31], [sflag:$0x5], $0x80, s18, s29, $0xb8;
	[tilespmem:$0x1E800] =	vst v63  }
0x100: {  	_ =	swait.ge [sflag:s26], $0x2000  }
0x101: {  	[sflag:s26] =	ssyncset.done $0x0  }
0x102: {  	s18 =	sadd.s32 $0x280, s17;
	[sflag:s26] =	ssyncadd.s32 $0xFFFFE000  }
0x103: {  	[tilespmem:s31], [sflag:$0x2] =	stream.indirect.gather [hbm4b:s4+s29], $0x80, s18, s29, $0xb8;
	[tilespmem:$0x1E800] =	vst v63  }
0x104: {  	_ =	swait.ge [sflag:s10], $0x2000  }
0x105: {  	[sflag:s10] =	ssyncset.done $0x0  }
0x106: {  	s18 =	sadd.s32 $0x1500, s17;
	[sflag:s10] =	ssyncadd.s32 $0xFFFFE000  }
0x107: {  	[spmem:s2] =	stream.indirect.scatter.add.f32 [tilespmem:s1], [sflag:$0x5], $0x80, s18, s29, $0xb8;
	[tilespmem:$0x1E800] =	vst v63  }
0x108: {  	_ =	swait.ge [sflag:s26], $0x2000  }
0x109: {  	[sflag:s26] =	ssyncset.done $0x0  }
0x10a: {  	s18 =	sadd.s32 $0x300, s17;
	[sflag:s26] =	ssyncadd.s32 $0xFFFFE000  }
0x10b: {  	[tilespmem:s1], [sflag:$0x3] =	stream.indirect.gather [hbm4b:s4+s29], $0x80, s18, s29, $0xb8;
	[tilespmem:$0x1E800] =	vst v63  }
0x10c: {  	_ =	swait.ge [sflag:s11], $0x2000  }
0x10d: {  	[sflag:s11] =	ssyncset.done $0x0  }
.Ltmp2:
0x10e: {  	s18 =	sadd.s32 $0x1580, s17;
	[sflag:s11] =	ssyncadd.s32 $0xFFFFE000;
	(pc) =	sbr.rel @p0 .LBB2_6-.Ltmp2, $4  }
0x10f: {  	[spmem:s2] =	stream.indirect.scatter.add.f32 [tilespmem:s7], [sflag:$0x5], $0x80, s18, s29, $0xb8;
	[tilespmem:$0x1E800] =	vst v63  }
0x110: {  	_ =	swait.ge [sflag:s26], $0x2000  }
0x111: {  	[sflag:s26] =	ssyncset.done $0x0  }
0x112: {  	s17 =	sadd.s32 $0x380, s17;
	[sflag:s26] =	ssyncadd.s32 $0xFFFFE000  }
0x113: {  	[tilespmem:s7], [sflag:$0x4] =	stream.indirect.gather [hbm4b:s4+s29], $0x80, s17, s29, $0xb8;
	[tilespmem:$0x1E800] =	vst v63  }
0x114: {  	_ =	swait.ge [sflag:s8], $0x2000  }
0x115: {  	[sflag:s8] =	ssyncset.done $0x0  }
0x116: {  	[sflag:s8] =	ssyncadd.s32 $0xFFFFE000  }
0x117: {  	[spmem:s2] =	stream.indirect.scatter.add.f32 [tilespmem:s25], [sflag:$0x5], $0x80, s12, s29, $0xb8;
	[tilespmem:$0x1E800] =	vst v63  }
0x118: {  	_ =	swait.ge [sflag:s26], $0x2000  }
0x119: {  	[sflag:s26] =	ssyncset.done $0x0  }
0x11a: {  	[sflag:s26] =	ssyncadd.s32 $0xFFFFE000  }
0x11b: {  	_ =	swait.ge [sflag:s9], $0x2000  }
0x11c: {  	[sflag:s9] =	ssyncset.done $0x0  }
0x11d: {  	[sflag:s9] =	ssyncadd.s32 $0xFFFFE000  }
0x11e: {  	[spmem:s2] =	stream.indirect.scatter.add.f32 [tilespmem:s31], [sflag:$0x5], $0x80, s13, s29, $0xb8;
	[tilespmem:$0x1E800] =	vst v63  }
0x11f: {  	_ =	swait.ge [sflag:s26], $0x2000  }
0x120: {  	[sflag:s26] =	ssyncset.done $0x0  }
0x121: {  	[sflag:s26] =	ssyncadd.s32 $0xFFFFE000  }
0x122: {  	_ =	swait.ge [sflag:s10], $0x2000  }
0x123: {  	[sflag:s10] =	ssyncset.done $0x0  }
0x124: {  	[sflag:s10] =	ssyncadd.s32 $0xFFFFE000  }
0x125: {  	[spmem:s2] =	stream.indirect.scatter.add.f32 [tilespmem:s1], [sflag:$0x5], $0x80, s14, s29, $0xb8;
	[tilespmem:$0x1E800] =	vst v63  }
0x126: {  	_ =	swait.ge [sflag:s26], $0x2000  }
0x127: {  	[sflag:s26] =	ssyncset.done $0x0  }
0x128: {  	[sflag:s26] =	ssyncadd.s32 $0xFFFFE000  }
0x129: {  	_ =	swait.ge [sflag:s11], $0x2000  }
0x12a: {  	[sflag:s11] =	ssyncset.done $0x0  }
0x12b: {  	[sflag:s11] =	ssyncadd.s32 $0xFFFFE000  }
0x12c: {  	[spmem:s2] =	stream.indirect.scatter.add.f32 [tilespmem:s7], [sflag:$0x5], $0x80, s15, s29, $0xb8;
	[tilespmem:$0x1E800] =	vst v63  }
0x12d: {  	_ =	swait.ge [sflag:s26], $0x2000  }
0x12e: {  	[sflag:s26] =	ssyncset.done $0x0  }
0x12f: {  	s16 =	simm.s32 $0x0;
	[sflag:s26] =	ssyncadd.s32 $0xFFFFE000  }
0x130: {  	[tilespmem:s16], [sflag:$0x5] =	stream.linear.gather [hbm4b:s19+s16], $0x1400, $0x38;
	[tilespmem:$0x1E800] =	vst v63  }
0x131: {  	_ =	swait.ge [sflag:s26], $0x1400  }
0x132: {  	[sflag:s26] =	ssyncset.done $0x0  }
0x133: {  	[sflag:s26] =	ssyncadd.s32 $0xFFFFEC00  }
0x134: {  	[tilespmem:s28], [sflag:$0x5] =	stream.linear.gather [hbm4b:s20+s16], $0x1400, $0x38;
	[tilespmem:$0x1E800] =	vst v63  }
0x135: {  	_ =	swait.ge [sflag:s26], $0x1400  }
0x136: {  	[sflag:s26] =	ssyncset.done $0x0  }
0x137: {  	[sflag:s26] =	ssyncadd.s32 $0xFFFFEC00  }
0x138: {  	[tilespmem:s25], [sflag:$0x1] =	stream.indirect.gather [hbm4b:s4+s29], $0x80, s16, s29, $0xb8;
	[tilespmem:$0x1E800] =	vst v63  }
0x139: {  	_ = 	snop  }
0x13a: {  	[tilespmem:s31], [sflag:$0x2] =	stream.indirect.gather [hbm4b:s4+s29], $0x80, s30, s29, $0xb8;
	[tilespmem:$0x1E800] =	vst v63  }
0x13b: {  	_ = 	snop  }
0x13c: {  	[tilespmem:s1], [sflag:$0x3] =	stream.indirect.gather [hbm4b:s4+s29], $0x80, s0, s29, $0xb8;
	[tilespmem:$0x1E800] =	vst v63  }
0x13d: {  	_ = 	snop  }
0x13e: {  	[tilespmem:s7], [sflag:$0x4] =	stream.indirect.gather [hbm4b:s4+s29], $0x80, s6, s29, $0xb8;
	[tilespmem:$0x1E800] =	vst v63  }
0x13f: {  	_ =	swait.ge [sflag:s8], $0x2000  }
0x140: {  	[sflag:s8] =	ssyncset.done $0x0  }
0x141: {  	s18 =	simm.s32 $0x1400;
	[sflag:s8] =	ssyncadd.s32 $0xFFFFE000  }
0x142: {  	[spmem:s2] =	stream.indirect.scatter.add.f32 [tilespmem:s25], [sflag:$0x5], $0x80, s18, s29, $0xb8;
	[tilespmem:$0x1E800] =	vst v63  }
0x143: {  	_ =	swait.ge [sflag:s26], $0x2000  }
0x144: {  	[sflag:s26] =	ssyncset.done $0x0  }
0x145: {  	s17 =	simm.s32 $0x200;
	[sflag:s26] =	ssyncadd.s32 $0xFFFFE000  }
0x146: {  	[tilespmem:s25], [sflag:$0x1] =	stream.indirect.gather [hbm4b:s4+s29], $0x80, s17, s29, $0xb8;
	[tilespmem:$0x1E800] =	vst v63  }
0x147: {  	_ =	swait.ge [sflag:s9], $0x2000  }
0x148: {  	[sflag:s9] =	ssyncset.done $0x0  }
0x149: {  	s18 =	simm.s32 $0x1480;
	[sflag:s9] =	ssyncadd.s32 $0xFFFFE000  }
0x14a: {  	[spmem:s2] =	stream.indirect.scatter.add.f32 [tilespmem:s31], [sflag:$0x5], $0x80, s18, s29, $0xb8;
	[tilespmem:$0x1E800] =	vst v63  }
0x14b: {  	_ =	swait.ge [sflag:s26], $0x2000  }
0x14c: {  	[sflag:s26] =	ssyncset.done $0x0  }
0x14d: {  	s17 =	simm.s32 $0x280;
	[sflag:s26] =	ssyncadd.s32 $0xFFFFE000  }
0x14e: {  	[tilespmem:s31], [sflag:$0x2] =	stream.indirect.gather [hbm4b:s4+s29], $0x80, s17, s29, $0xb8;
	[tilespmem:$0x1E800] =	vst v63  }
0x14f: {  	_ =	swait.ge [sflag:s10], $0x2000  }
0x150: {  	[sflag:s10] =	ssyncset.done $0x0  }
0x151: {  	s18 =	simm.s32 $0x1500;
	[sflag:s10] =	ssyncadd.s32 $0xFFFFE000  }
0x152: {  	[spmem:s2] =	stream.indirect.scatter.add.f32 [tilespmem:s1], [sflag:$0x5], $0x80, s18, s29, $0xb8;
	[tilespmem:$0x1E800] =	vst v63  }
0x153: {  	_ =	swait.ge [sflag:s26], $0x2000  }
0x154: {  	[sflag:s26] =	ssyncset.done $0x0  }
0x155: {  	s17 =	simm.s32 $0x300;
	[sflag:s26] =	ssyncadd.s32 $0xFFFFE000  }
0x156: {  	[tilespmem:s1], [sflag:$0x3] =	stream.indirect.gather [hbm4b:s4+s29], $0x80, s17, s29, $0xb8;
	[tilespmem:$0x1E800] =	vst v63  }
0x157: {  	_ =	swait.ge [sflag:s11], $0x2000  }
0x158: {  	[sflag:s11] =	ssyncset.done $0x0  }
0x159: {  	s18 =	simm.s32 $0x1580;
	[sflag:s11] =	ssyncadd.s32 $0xFFFFE000  }
0x15a: {  	[spmem:s2] =	stream.indirect.scatter.add.f32 [tilespmem:s7], [sflag:$0x5], $0x80, s18, s29, $0xb8;
	[tilespmem:$0x1E800] =	vst v63  }
0x15b: {  	_ =	swait.ge [sflag:s26], $0x2000  }
0x15c: {  	[sflag:s26] =	ssyncset.done $0x0  }
0x15d: {  	s16 =	simm.s32 $0x800;
	s17 =	simm.s32 $0x380;
	[sflag:s26] =	ssyncadd.s32 $0xFFFFE000  }
.LBB2_8:
0x15e: {  	[tilespmem:s7], [sflag:$0x4] =	stream.indirect.gather [hbm4b:s4+s29], $0x80, s17, s29, $0xb8;
	[tilespmem:$0x1E800] =	vst v63  }
0x15f: {  	s17 =	smov.u32 s16  }
0x160: {  	p0 =	sne.s32 s16, $0x4000;
	s16 =	sadd.s32 $0x800, s16;
	_ =	swait.ge [sflag:s8], $0x2000  }
0x161: {  	s17 =	sshra.s32 s17, $0x2;
	[sflag:s8] =	ssyncset.done $0x0  }
0x162: {  	s18 =	sadd.s32 $0x1400, s17;
	[sflag:s8] =	ssyncadd.s32 $0xFFFFE000  }
0x163: {  	[spmem:s2] =	stream.indirect.scatter.add.f32 [tilespmem:s25], [sflag:$0x5], $0x80, s18, s29, $0xb8;
	[tilespmem:$0x1E800] =	vst v63  }
0x164: {  	_ =	swait.ge [sflag:s26], $0x2000  }
0x165: {  	[sflag:s26] =	ssyncset.done $0x0  }
0x166: {  	s18 =	sadd.s32 $0x200, s17;
	[sflag:s26] =	ssyncadd.s32 $0xFFFFE000  }
0x167: {  	[tilespmem:s25], [sflag:$0x1] =	stream.indirect.gather [hbm4b:s4+s29], $0x80, s18, s29, $0xb8;
	[tilespmem:$0x1E800] =	vst v63  }
0x168: {  	_ =	swait.ge [sflag:s9], $0x2000  }
0x169: {  	[sflag:s9] =	ssyncset.done $0x0  }
0x16a: {  	s18 =	sadd.s32 $0x1480, s17;
	[sflag:s9] =	ssyncadd.s32 $0xFFFFE000  }
0x16b: {  	[spmem:s2] =	stream.indirect.scatter.add.f32 [tilespmem:s31], [sflag:$0x5], $0x80, s18, s29, $0xb8;
	[tilespmem:$0x1E800] =	vst v63  }
0x16c: {  	_ =	swait.ge [sflag:s26], $0x2000  }
0x16d: {  	[sflag:s26] =	ssyncset.done $0x0  }
0x16e: {  	s18 =	sadd.s32 $0x280, s17;
	[sflag:s26] =	ssyncadd.s32 $0xFFFFE000  }
0x16f: {  	[tilespmem:s31], [sflag:$0x2] =	stream.indirect.gather [hbm4b:s4+s29], $0x80, s18, s29, $0xb8;
	[tilespmem:$0x1E800] =	vst v63  }
0x170: {  	_ =	swait.ge [sflag:s10], $0x2000  }
0x171: {  	[sflag:s10] =	ssyncset.done $0x0  }
0x172: {  	s18 =	sadd.s32 $0x1500, s17;
	[sflag:s10] =	ssyncadd.s32 $0xFFFFE000  }
0x173: {  	[spmem:s2] =	stream.indirect.scatter.add.f32 [tilespmem:s1], [sflag:$0x5], $0x80, s18, s29, $0xb8;
	[tilespmem:$0x1E800] =	vst v63  }
0x174: {  	_ =	swait.ge [sflag:s26], $0x2000  }
0x175: {  	[sflag:s26] =	ssyncset.done $0x0  }
0x176: {  	s18 =	sadd.s32 $0x300, s17;
	[sflag:s26] =	ssyncadd.s32 $0xFFFFE000  }
0x177: {  	[tilespmem:s1], [sflag:$0x3] =	stream.indirect.gather [hbm4b:s4+s29], $0x80, s18, s29, $0xb8;
	[tilespmem:$0x1E800] =	vst v63  }
0x178: {  	_ =	swait.ge [sflag:s11], $0x2000  }
0x179: {  	[sflag:s11] =	ssyncset.done $0x0  }
.Ltmp3:
0x17a: {  	s18 =	sadd.s32 $0x1580, s17;
	[sflag:s11] =	ssyncadd.s32 $0xFFFFE000;
	(pc) =	sbr.rel @p0 .LBB2_8-.Ltmp3, $4  }
0x17b: {  	[spmem:s2] =	stream.indirect.scatter.add.f32 [tilespmem:s7], [sflag:$0x5], $0x80, s18, s29, $0xb8;
	[tilespmem:$0x1E800] =	vst v63  }
0x17c: {  	_ =	swait.ge [sflag:s26], $0x2000  }
0x17d: {  	[sflag:s26] =	ssyncset.done $0x0  }
0x17e: {  	s17 =	sadd.s32 $0x380, s17;
	[sflag:s26] =	ssyncadd.s32 $0xFFFFE000  }
0x17f: {  	[tilespmem:s7], [sflag:$0x4] =	stream.indirect.gather [hbm4b:s4+s29], $0x80, s17, s29, $0xb8;
	[tilespmem:$0x1E800] =	vst v63  }
0x180: {  	_ =	swait.ge [sflag:s8], $0x2000  }
0x181: {  	[sflag:s8] =	ssyncset.done $0x0  }
0x182: {  	[sflag:s8] =	ssyncadd.s32 $0xFFFFE000  }
0x183: {  	[spmem:s2] =	stream.indirect.scatter.add.f32 [tilespmem:s25], [sflag:$0x5], $0x80, s12, s29, $0xb8;
	[tilespmem:$0x1E800] =	vst v63  }
0x184: {  	_ =	swait.ge [sflag:s26], $0x2000  }
0x185: {  	[sflag:s26] =	ssyncset.done $0x0  }
0x186: {  	[sflag:s26] =	ssyncadd.s32 $0xFFFFE000  }
0x187: {  	_ =	swait.ge [sflag:s9], $0x2000  }
0x188: {  	[sflag:s9] =	ssyncset.done $0x0  }
0x189: {  	[sflag:s9] =	ssyncadd.s32 $0xFFFFE000  }
0x18a: {  	[spmem:s2] =	stream.indirect.scatter.add.f32 [tilespmem:s31], [sflag:$0x5], $0x80, s13, s29, $0xb8;
	[tilespmem:$0x1E800] =	vst v63  }
0x18b: {  	_ =	swait.ge [sflag:s26], $0x2000  }
0x18c: {  	[sflag:s26] =	ssyncset.done $0x0  }
0x18d: {  	[sflag:s26] =	ssyncadd.s32 $0xFFFFE000  }
0x18e: {  	_ =	swait.ge [sflag:s10], $0x2000  }
0x18f: {  	[sflag:s10] =	ssyncset.done $0x0  }
0x190: {  	[sflag:s10] =	ssyncadd.s32 $0xFFFFE000  }
0x191: {  	[spmem:s2] =	stream.indirect.scatter.add.f32 [tilespmem:s1], [sflag:$0x5], $0x80, s14, s29, $0xb8;
	[tilespmem:$0x1E800] =	vst v63  }
0x192: {  	_ =	swait.ge [sflag:s26], $0x2000  }
0x193: {  	[sflag:s26] =	ssyncset.done $0x0  }
0x194: {  	[sflag:s26] =	ssyncadd.s32 $0xFFFFE000  }
0x195: {  	_ =	swait.ge [sflag:s11], $0x2000  }
0x196: {  	[sflag:s11] =	ssyncset.done $0x0  }
0x197: {  	[sflag:s11] =	ssyncadd.s32 $0xFFFFE000  }
0x198: {  	[spmem:s2] =	stream.indirect.scatter.add.f32 [tilespmem:s7], [sflag:$0x5], $0x80, s15, s29, $0xb8;
	[tilespmem:$0x1E800] =	vst v63  }
0x199: {  	_ =	swait.ge [sflag:s26], $0x2000  }
0x19a: {  	[sflag:s26] =	ssyncset.done $0x0  }
0x19b: {  	s16 =	simm.s32 $0x0;
	[sflag:s26] =	ssyncadd.s32 $0xFFFFE000  }
0x19c: {  	[tilespmem:s16], [sflag:$0x5] =	stream.linear.gather [hbm4b:s21+s16], $0x1400, $0x38;
	[tilespmem:$0x1E800] =	vst v63  }
0x19d: {  	_ =	swait.ge [sflag:s26], $0x1400  }
0x19e: {  	[sflag:s26] =	ssyncset.done $0x0  }
0x19f: {  	[sflag:s26] =	ssyncadd.s32 $0xFFFFEC00  }
0x1a0: {  	[tilespmem:s28], [sflag:$0x5] =	stream.linear.gather [hbm4b:s22+s16], $0x1400, $0x38;
	[tilespmem:$0x1E800] =	vst v63  }
0x1a1: {  	_ =	swait.ge [sflag:s26], $0x1400  }
0x1a2: {  	[sflag:s26] =	ssyncset.done $0x0  }
0x1a3: {  	[sflag:s26] =	ssyncadd.s32 $0xFFFFEC00  }
0x1a4: {  	[tilespmem:s25], [sflag:$0x1] =	stream.indirect.gather [hbm4b:s4+s29], $0x80, s16, s29, $0xb8;
	[tilespmem:$0x1E800] =	vst v63  }
0x1a5: {  	_ = 	snop  }
0x1a6: {  	[tilespmem:s31], [sflag:$0x2] =	stream.indirect.gather [hbm4b:s4+s29], $0x80, s30, s29, $0xb8;
	[tilespmem:$0x1E800] =	vst v63  }
0x1a7: {  	_ = 	snop  }
0x1a8: {  	[tilespmem:s1], [sflag:$0x3] =	stream.indirect.gather [hbm4b:s4+s29], $0x80, s0, s29, $0xb8;
	[tilespmem:$0x1E800] =	vst v63  }
0x1a9: {  	_ = 	snop  }
0x1aa: {  	[tilespmem:s7], [sflag:$0x4] =	stream.indirect.gather [hbm4b:s4+s29], $0x80, s6, s29, $0xb8;
	[tilespmem:$0x1E800] =	vst v63  }
0x1ab: {  	_ =	swait.ge [sflag:s8], $0x2000  }
0x1ac: {  	[sflag:s8] =	ssyncset.done $0x0  }
0x1ad: {  	s18 =	simm.s32 $0x1400;
	[sflag:s8] =	ssyncadd.s32 $0xFFFFE000  }
0x1ae: {  	[spmem:s2] =	stream.indirect.scatter.add.f32 [tilespmem:s25], [sflag:$0x5], $0x80, s18, s29, $0xb8;
	[tilespmem:$0x1E800] =	vst v63  }
0x1af: {  	_ =	swait.ge [sflag:s26], $0x2000  }
0x1b0: {  	[sflag:s26] =	ssyncset.done $0x0  }
0x1b1: {  	s17 =	simm.s32 $0x200;
	[sflag:s26] =	ssyncadd.s32 $0xFFFFE000  }
0x1b2: {  	[tilespmem:s25], [sflag:$0x1] =	stream.indirect.gather [hbm4b:s4+s29], $0x80, s17, s29, $0xb8;
	[tilespmem:$0x1E800] =	vst v63  }
0x1b3: {  	_ =	swait.ge [sflag:s9], $0x2000  }
0x1b4: {  	[sflag:s9] =	ssyncset.done $0x0  }
0x1b5: {  	s18 =	simm.s32 $0x1480;
	[sflag:s9] =	ssyncadd.s32 $0xFFFFE000  }
0x1b6: {  	[spmem:s2] =	stream.indirect.scatter.add.f32 [tilespmem:s31], [sflag:$0x5], $0x80, s18, s29, $0xb8;
	[tilespmem:$0x1E800] =	vst v63  }
0x1b7: {  	_ =	swait.ge [sflag:s26], $0x2000  }
0x1b8: {  	[sflag:s26] =	ssyncset.done $0x0  }
0x1b9: {  	s17 =	simm.s32 $0x280;
	[sflag:s26] =	ssyncadd.s32 $0xFFFFE000  }
0x1ba: {  	[tilespmem:s31], [sflag:$0x2] =	stream.indirect.gather [hbm4b:s4+s29], $0x80, s17, s29, $0xb8;
	[tilespmem:$0x1E800] =	vst v63  }
0x1bb: {  	_ =	swait.ge [sflag:s10], $0x2000  }
0x1bc: {  	[sflag:s10] =	ssyncset.done $0x0  }
0x1bd: {  	s18 =	simm.s32 $0x1500;
	[sflag:s10] =	ssyncadd.s32 $0xFFFFE000  }
0x1be: {  	[spmem:s2] =	stream.indirect.scatter.add.f32 [tilespmem:s1], [sflag:$0x5], $0x80, s18, s29, $0xb8;
	[tilespmem:$0x1E800] =	vst v63  }
0x1bf: {  	_ =	swait.ge [sflag:s26], $0x2000  }
0x1c0: {  	[sflag:s26] =	ssyncset.done $0x0  }
0x1c1: {  	s17 =	simm.s32 $0x300;
	[sflag:s26] =	ssyncadd.s32 $0xFFFFE000  }
0x1c2: {  	[tilespmem:s1], [sflag:$0x3] =	stream.indirect.gather [hbm4b:s4+s29], $0x80, s17, s29, $0xb8;
	[tilespmem:$0x1E800] =	vst v63  }
0x1c3: {  	_ =	swait.ge [sflag:s11], $0x2000  }
0x1c4: {  	[sflag:s11] =	ssyncset.done $0x0  }
0x1c5: {  	s18 =	simm.s32 $0x1580;
	[sflag:s11] =	ssyncadd.s32 $0xFFFFE000  }
0x1c6: {  	[spmem:s2] =	stream.indirect.scatter.add.f32 [tilespmem:s7], [sflag:$0x5], $0x80, s18, s29, $0xb8;
	[tilespmem:$0x1E800] =	vst v63  }
0x1c7: {  	_ =	swait.ge [sflag:s26], $0x2000  }
0x1c8: {  	[sflag:s26] =	ssyncset.done $0x0  }
0x1c9: {  	s16 =	simm.s32 $0x800;
	s17 =	simm.s32 $0x380;
	[sflag:s26] =	ssyncadd.s32 $0xFFFFE000  }
.LBB2_10:
0x1ca: {  	[tilespmem:s7], [sflag:$0x4] =	stream.indirect.gather [hbm4b:s4+s29], $0x80, s17, s29, $0xb8;
	[tilespmem:$0x1E800] =	vst v63  }
0x1cb: {  	s17 =	smov.u32 s16  }
0x1cc: {  	p0 =	sne.s32 s16, $0x4000;
	s16 =	sadd.s32 $0x800, s16;
	_ =	swait.ge [sflag:s8], $0x2000  }
0x1cd: {  	s17 =	sshra.s32 s17, $0x2;
	[sflag:s8] =	ssyncset.done $0x0  }
0x1ce: {  	s18 =	sadd.s32 $0x1400, s17;
	[sflag:s8] =	ssyncadd.s32 $0xFFFFE000  }
0x1cf: {  	[spmem:s2] =	stream.indirect.scatter.add.f32 [tilespmem:s25], [sflag:$0x5], $0x80, s18, s29, $0xb8;
	[tilespmem:$0x1E800] =	vst v63  }
0x1d0: {  	_ =	swait.ge [sflag:s26], $0x2000  }
0x1d1: {  	[sflag:s26] =	ssyncset.done $0x0  }
0x1d2: {  	s18 =	sadd.s32 $0x200, s17;
	[sflag:s26] =	ssyncadd.s32 $0xFFFFE000  }
0x1d3: {  	[tilespmem:s25], [sflag:$0x1] =	stream.indirect.gather [hbm4b:s4+s29], $0x80, s18, s29, $0xb8;
	[tilespmem:$0x1E800] =	vst v63  }
0x1d4: {  	_ =	swait.ge [sflag:s9], $0x2000  }
0x1d5: {  	[sflag:s9] =	ssyncset.done $0x0  }
0x1d6: {  	s18 =	sadd.s32 $0x1480, s17;
	[sflag:s9] =	ssyncadd.s32 $0xFFFFE000  }
0x1d7: {  	[spmem:s2] =	stream.indirect.scatter.add.f32 [tilespmem:s31], [sflag:$0x5], $0x80, s18, s29, $0xb8;
	[tilespmem:$0x1E800] =	vst v63  }
0x1d8: {  	_ =	swait.ge [sflag:s26], $0x2000  }
0x1d9: {  	[sflag:s26] =	ssyncset.done $0x0  }
0x1da: {  	s18 =	sadd.s32 $0x280, s17;
	[sflag:s26] =	ssyncadd.s32 $0xFFFFE000  }
0x1db: {  	[tilespmem:s31], [sflag:$0x2] =	stream.indirect.gather [hbm4b:s4+s29], $0x80, s18, s29, $0xb8;
	[tilespmem:$0x1E800] =	vst v63  }
0x1dc: {  	_ =	swait.ge [sflag:s10], $0x2000  }
0x1dd: {  	[sflag:s10] =	ssyncset.done $0x0  }
0x1de: {  	s18 =	sadd.s32 $0x1500, s17;
	[sflag:s10] =	ssyncadd.s32 $0xFFFFE000  }
0x1df: {  	[spmem:s2] =	stream.indirect.scatter.add.f32 [tilespmem:s1], [sflag:$0x5], $0x80, s18, s29, $0xb8;
	[tilespmem:$0x1E800] =	vst v63  }
0x1e0: {  	_ =	swait.ge [sflag:s26], $0x2000  }
0x1e1: {  	[sflag:s26] =	ssyncset.done $0x0  }
0x1e2: {  	s18 =	sadd.s32 $0x300, s17;
	[sflag:s26] =	ssyncadd.s32 $0xFFFFE000  }
0x1e3: {  	[tilespmem:s1], [sflag:$0x3] =	stream.indirect.gather [hbm4b:s4+s29], $0x80, s18, s29, $0xb8;
	[tilespmem:$0x1E800] =	vst v63  }
0x1e4: {  	_ =	swait.ge [sflag:s11], $0x2000  }
0x1e5: {  	[sflag:s11] =	ssyncset.done $0x0  }
.Ltmp4:
0x1e6: {  	s18 =	sadd.s32 $0x1580, s17;
	[sflag:s11] =	ssyncadd.s32 $0xFFFFE000;
	(pc) =	sbr.rel @p0 .LBB2_10-.Ltmp4, $4  }
0x1e7: {  	[spmem:s2] =	stream.indirect.scatter.add.f32 [tilespmem:s7], [sflag:$0x5], $0x80, s18, s29, $0xb8;
	[tilespmem:$0x1E800] =	vst v63  }
0x1e8: {  	_ =	swait.ge [sflag:s26], $0x2000  }
0x1e9: {  	[sflag:s26] =	ssyncset.done $0x0  }
0x1ea: {  	s17 =	sadd.s32 $0x380, s17;
	[sflag:s26] =	ssyncadd.s32 $0xFFFFE000  }
0x1eb: {  	[tilespmem:s7], [sflag:$0x4] =	stream.indirect.gather [hbm4b:s4+s29], $0x80, s17, s29, $0xb8;
	[tilespmem:$0x1E800] =	vst v63  }
0x1ec: {  	_ =	swait.ge [sflag:s8], $0x2000  }
0x1ed: {  	[sflag:s8] =	ssyncset.done $0x0  }
0x1ee: {  	[sflag:s8] =	ssyncadd.s32 $0xFFFFE000  }
0x1ef: {  	[spmem:s2] =	stream.indirect.scatter.add.f32 [tilespmem:s25], [sflag:$0x5], $0x80, s12, s29, $0xb8;
	[tilespmem:$0x1E800] =	vst v63  }
0x1f0: {  	_ =	swait.ge [sflag:s26], $0x2000  }
0x1f1: {  	[sflag:s26] =	ssyncset.done $0x0  }
0x1f2: {  	[sflag:s26] =	ssyncadd.s32 $0xFFFFE000  }
0x1f3: {  	_ =	swait.ge [sflag:s9], $0x2000  }
0x1f4: {  	[sflag:s9] =	ssyncset.done $0x0  }
0x1f5: {  	[sflag:s9] =	ssyncadd.s32 $0xFFFFE000  }
0x1f6: {  	[spmem:s2] =	stream.indirect.scatter.add.f32 [tilespmem:s31], [sflag:$0x5], $0x80, s13, s29, $0xb8;
	[tilespmem:$0x1E800] =	vst v63  }
0x1f7: {  	_ =	swait.ge [sflag:s26], $0x2000  }
0x1f8: {  	[sflag:s26] =	ssyncset.done $0x0  }
0x1f9: {  	[sflag:s26] =	ssyncadd.s32 $0xFFFFE000  }
0x1fa: {  	_ =	swait.ge [sflag:s10], $0x2000  }
0x1fb: {  	[sflag:s10] =	ssyncset.done $0x0  }
0x1fc: {  	[sflag:s10] =	ssyncadd.s32 $0xFFFFE000  }
0x1fd: {  	[spmem:s2] =	stream.indirect.scatter.add.f32 [tilespmem:s1], [sflag:$0x5], $0x80, s14, s29, $0xb8;
	[tilespmem:$0x1E800] =	vst v63  }
0x1fe: {  	_ =	swait.ge [sflag:s26], $0x2000  }
0x1ff: {  	[sflag:s26] =	ssyncset.done $0x0  }
0x200: {  	[sflag:s26] =	ssyncadd.s32 $0xFFFFE000  }
0x201: {  	_ =	swait.ge [sflag:s11], $0x2000  }
0x202: {  	[sflag:s11] =	ssyncset.done $0x0  }
0x203: {  	[sflag:s11] =	ssyncadd.s32 $0xFFFFE000  }
0x204: {  	[spmem:s2] =	stream.indirect.scatter.add.f32 [tilespmem:s7], [sflag:$0x5], $0x80, s15, s29, $0xb8;
	[tilespmem:$0x1E800] =	vst v63  }
0x205: {  	s16 =	stileid.u32;
	_ =	swait.ge [sflag:s26], $0x2000  }
0x206: {  	s18 =	sshrl.u32 s5, $0x3;
	s3 =	sadd.s32 $0x1, s3;
	[sflag:s26] =	ssyncset.done $0x0  }
0x207: {  	s16 =	sshll.u32 s16, $0x6;
	p0 =	sne.s32 s3, s24;
	[sflag:s26] =	ssyncadd.s32 $0xFFFFE000  }
.Ltmp5:
0x208: {  	s16 =	sor.u32 $0x1C05, s16;
	[bflag:$0x0] =	sbarrier.arrive $0xFFFF;
	(pc) =	sbr.rel @p0 .LBB2_1-.Ltmp5, $4  }
0x209: {  	[hbm:s23], [sflag:s16] =	dma.local [spmem:s18], $0x2800  }
0x20a: {  	_ =	swait.ge [sflag:s26], $0x2800  }
0x20b: {  	[sflag:s26] =	ssyncset.done $0x0  }
0x20c: {  	[sflag:s26] =	ssyncadd.s32 $0xFFFFD800  }
0x20d: {  	_ =	sfence.sel $0x180000  }
0x20e: {  	[bflag:$0x0] =	sbarrier.arrive $0xFFFF  }
0x20f: {  	_ =	strace $0x9000004A  }
0x210: {  	s0 =	stileid.u32;
	[bflag:$0x2] =	sbarrier.arrive $0xFFFF  }
0x211: {  	p0 =	sne.s32 s0, $0x0;
	s0 =	rddreg [dreg:$0x3]  }
0x212: {  	s0 =	sadd.s32 @!p0 $0x100000, s0  }
0x213: {  	[sflag:s0] =	ssyncadd.tile.s32 @!p0 $0x1;
	_ =	shalt  }
.Lfunc_end2:
_tile_overlayer_lowered:
.L_overlay_start_2:
0x214: {  	(tag) =	ssettag $0x2  }
0x215: {  	s0 =	rddreg [dreg:$0x0];
	s2 =	stileid.u32  }
0x216: {  	s1 =	rddreg [dreg:$0x1];
	p0 =	sne.s32 s2, $0x0  }
0x217: {  	s3 =	rddreg [dreg:$0x2];
	[bflag:$0x3] =	sbarrier.arrive $0xFFFF;
	s2 =	simm.s32 @!p0 $0x1C05  }
0x218: {  	[timem:s3], [sflag:s2] =	dma.local @!p0 [hbm:s0], s1  }
0x219: {  	s0 =	simm.s32 @!p0 $0x5  }
0x21a: {  	_ =	swait.ge @!p0 [sflag:s0], s1  }
0x21b: {  	s1 =	ssub.s32 @!p0 $0x0, s1;
	[sflag:s0] =	ssyncset.done @!p0 $0x0  }
0x21c: {  	[sflag:s0] =	ssyncadd.s32 @!p0 s1  }
0x21d: {  	[bflag:$0x3] =	sbarrier.arrive $0xFFFF  }
0x21e: {  	_ =	shalt  }

// kernel: kernel.14.cloned.1.call-start
scs
__scs_entry_jumppad:
0x0: {  	(pc) =	sbr.rel $0x88, $3  }
0x1: {  	(tag) =	ssettag $0x0;
	lr =	simm.s32 $0x1  }
0x2: {  	[smem:$0x3F9B] =	sst lr;
	_ =	strace $0xD0000000  }
0x3: {  	_ = 	snop  }
0x4: {  	_ = 	snop  }
0x5: {  	_ = 	snop  }
0x6: {  	_ = 	snop  }
0x7: {  	_ = 	snop  }
__scs_overlays_trampoline_lowered:
0x8: {  	[smem:$0x3FAA] =	sst s0  }
0x9: {  	[smem:$0x3FAB] =	sst s1  }
0xa: {  	[smem:$0x3FAC] =	sst s2  }
0xb: {  	[smem:$0x3FAD] =	sst s3  }
0xc: {  	[smem:$0x3FAE] =	sst s4  }
0xd: {  	[smem:$0x3FAF] =	sst s5  }
0xe: {  	[smem:$0x3FB0] =	sst s6  }
0xf: {  	[smem:$0x3FB1] =	sst s7  }
0x10: {  	[smem:$0x3FB2] =	sst s8  }
0x11: {  	[smem:$0x3FB3] =	sst s9;
	s0 =	simm.s32 @!p0 $0x0  }
0x12: {  	s1 =	sld [smem:$0x3F99];
	s0 =	simm.s32 @p0 $0x1  }
0x13: {  	[smem:$0x3FB4] =	sst s0;
	s0 =	simm.s32 @!p1 $0x0  }
0x14: {  	s2 =	sld [smem:$0x3F98];
	s0 =	simm.s32 @p1 $0x1  }
0x15: {  	[smem:$0x3FB5] =	sst s0;
	s0 =	simm.s32 @!p2 $0x0  }
0x16: {  	s3 =	sld [smem:$0x3FDB];
	s0 =	simm.s32 @p2 $0x1  }
0x17: {  	s4 =	simm.s32 $0x1BF5;
	[smem:$0x3FB7] =	sst s0  }
0x18: {  	s0 =	sld [smem:$0x3F9A];
	_ =	swait.ge [sflag:s4], $0x0  }
0x19: {  	s7 =	sld [smem:$0x3F9B]  }
0x1a: {  	s8 =	sadd.s32 $0xFFFFE003, lr  }
0x1b: {  	s9 =	sadd.s32 $0xFFFFFEF7, lr;
	s5 =	simm.s32 $0xFFFFFFFF;
	p2 =	slt.u32 s8, $0xFFFFF086  }
0x1c: {  	p1 =	slt.u32 s9, $0xF7A;
	s5 =	simm.s32 @!p2 $0x0  }
0x1d: {  	s5 =	simm.s32 @p1 $0x1;
	p0 =	seq.s32 s7, s2  }
0x1e: {  	s7 =	smul.u32 @!p0 $0xF7A, s2;
	p2 =	seq.s32 @!p0 s5, $0x0  }
0x1f: {  	s9 =	smul.u32 $0xF7A, s1;
	s8 =	simm.s32 @!p0 $0x1BF5;
	p2 =	por !p2, p0  }
0x20: {  	[sflag:s8] =	ssyncset.s32 @!p0 $0xFFFFF086;
	s6 =	sadd.s32 @!p0 s3, s7;
	s7 =	simm.s32 @!p0 $0x108  }
0x21: {  	s3 =	sadd.s32 s3, s9;
	s6 =	sadd.s32 @!p0 $0x88, s6;
	s7 =	simm.s32 @p2 $0x1082  }
0x22: {  	[simem:s7], [sflag:s8] =	dma.local @!p0 [hbm:s6], $0xF7A  }
0x23: {  	s9 =	sor.u32 $0xD0000000, s2;
	s6 =	simm.s32 $0x108;
	_ =	swait.ge @!p0 [sflag:s8], $0x0  }
0x24: {  	s3 =	sadd.s32 $0x88, s3;
	s6 =	simm.s32 @!p1 $0x1082;
	[sflag:s4] =	ssyncset.s32 $0xFFFFF086  }
0x25: {  	[simem:s6], [sflag:s4] =	dma.local [hbm:s3], $0xF7A  }
0x26: {  	[smem:$0x3F9B] =	sst s1;
	(tag) =	ssettag s2;
	_ =	strace s9  }
0x27: {  	s1 =	sld [smem:$0x3FAB]  }
0x28: {  	s2 =	sld [smem:$0x3FAC]  }
0x29: {  	s4 =	sld [smem:$0x3FAE]  }
0x2a: {  	p0 =	seq.s32 s5, $0x0;
	s5 =	sld [smem:$0x3FAF]  }
0x2b: {  	s6 =	sld [smem:$0x3FB0]  }
0x2c: {  	s7 =	sld [smem:$0x3FB1]  }
0x2d: {  	s3 =	simm.s32 $0x108;
	s8 =	sld [smem:$0x3FB2]  }
0x2e: {  	s3 =	simm.s32 @!p0 $0x1082;
	s9 =	sld [smem:$0x3FB3]  }
0x2f: {  	lr =	sadd.s32 s0, s3;
	s0 =	sld [smem:$0x3FAA]  }
0x30: {  	s3 =	sld [smem:$0x3FAD]  }
0x31: {  	[smem:$0x3FB6] =	sst s10  }
0x32: {  	s10 =	sld [smem:$0x3FB4];
	_ =	sdelay $0x3  }
0x33: {  	p0 =	seq.s32 s10, $0x1;
	s10 =	sld [smem:$0x3FB6];
	_ =	sdelay $0x3  }
0x34: {  	[smem:$0x3FB6] =	sst s10  }
0x35: {  	s10 =	sld [smem:$0x3FB5];
	_ =	sdelay $0x3  }
0x36: {  	p1 =	seq.s32 s10, $0x1;
	s10 =	sld [smem:$0x3FB6];
	_ =	sdelay $0x3  }
0x37: {  	[smem:$0x3FB6] =	sst s10  }
0x38: {  	s10 =	sld [smem:$0x3FB7]  }
0x39: {  	_ = 	snop;
	(pc) =	sbr.ind lr, $3  }
0x3a: {  	_ = 	snop  }
0x3b: {  	_ = 	snop  }
0x3c: {  	p2 =	seq.s32 s10, $0x1;
	s10 =	sld [smem:$0x3FB6]  }
0x3d: {  	_ =	shalt  }
0x3e: {  	_ =	shalt  }
0x3f: {  	_ =	shalt  }
0x40: {  	_ =	shalt  }
0x41: {  	_ =	shalt  }
0x42: {  	_ =	shalt  }
0x43: {  	_ =	shalt  }
0x44: {  	_ =	shalt  }
0x45: {  	_ =	shalt  }
0x46: {  	_ =	shalt  }
0x47: {  	_ =	shalt  }
0x48: {  	_ =	shalt  }
0x49: {  	_ =	shalt  }
0x4a: {  	_ =	shalt  }
0x4b: {  	_ =	shalt  }
0x4c: {  	_ =	shalt  }
0x4d: {  	_ =	shalt  }
0x4e: {  	_ =	shalt  }
0x4f: {  	_ =	shalt  }
0x50: {  	_ =	shalt  }
0x51: {  	_ =	shalt  }
0x52: {  	_ =	shalt  }
0x53: {  	_ =	shalt  }
0x54: {  	_ =	shalt  }
0x55: {  	_ =	shalt  }
0x56: {  	_ =	shalt  }
0x57: {  	_ =	shalt  }
0x58: {  	_ =	shalt  }
0x59: {  	_ =	shalt  }
0x5a: {  	_ =	shalt  }
0x5b: {  	_ =	shalt  }
0x5c: {  	_ =	shalt  }
0x5d: {  	_ =	shalt  }
0x5e: {  	_ =	shalt  }
0x5f: {  	_ =	shalt  }
0x60: {  	_ =	shalt  }
0x61: {  	_ =	shalt  }
0x62: {  	_ =	shalt  }
0x63: {  	_ =	shalt  }
0x64: {  	_ =	shalt  }
0x65: {  	_ =	shalt  }
0x66: {  	_ =	shalt  }
0x67: {  	_ =	shalt  }
0x68: {  	_ =	shalt  }
0x69: {  	_ =	shalt  }
0x6a: {  	_ =	shalt  }
0x6b: {  	_ =	shalt  }
0x6c: {  	_ =	shalt  }
0x6d: {  	_ =	shalt  }
0x6e: {  	_ =	shalt  }
0x6f: {  	_ =	shalt  }
0x70: {  	_ =	shalt  }
0x71: {  	_ =	shalt  }
0x72: {  	_ =	shalt  }
0x73: {  	_ =	shalt  }
0x74: {  	_ =	shalt  }
0x75: {  	_ =	shalt  }
0x76: {  	_ =	shalt  }
0x77: {  	_ =	shalt  }
0x78: {  	_ =	shalt  }
0x79: {  	_ =	shalt  }
0x7a: {  	_ =	shalt  }
0x7b: {  	_ =	shalt  }
0x7c: {  	_ =	shalt  }
0x7d: {  	_ =	shalt  }
0x7e: {  	_ =	shalt  }
0x7f: {  	_ =	shalt  }
0x80: {  	_ =	shalt  }
0x81: {  	_ =	shalt  }
0x82: {  	_ =	shalt  }
0x83: {  	_ =	shalt  }
0x84: {  	_ =	shalt  }
0x85: {  	_ =	shalt  }
0x86: {  	_ =	shalt  }
0x87: {  	_ =	shalt  }
.Lfunc_end0:
.L_simem_size_0:
called_computation.2_lowered:
.L_overlay_start_0:
0x88: {  	s2 =	sld [smem:$0x3FD9]  }
0x89: {  	s3 =	sld [smem:$0x3FFE];
	_ =	sdelay $0x1  }
0x8a: {  	s1 =	srdreg.scid  }
0x8b: {  	s0 =	sand.u32 $0x1, s1  }
0x8c: {  	s17 =	sshll.u32 s0, $0xA;
	s2 =	sadd.s32 s3, s2  }
0x8d: {  	s2 =	sadd.s32 s2, s17  }
0x8e: {  	[smem:$0x3FC2] =	sst s2  }
0x8f: {  	_ = 	snop  }
0x90: {  	s2 =	sld [smem:$0x3FD0];
	(tm) =	ssettm $0x1  }
0x91: {  	s18 =	sld [smem:$0x3FFB];
	_ =	sdelay $0x3  }
0x92: {  	_ =	strace s18  }
0x93: {  	s3 =	sld [smem:$0x3FFC];
	_ =	sdelay $0x3  }
0x94: {  	_ =	strace s3  }
0x95: {  	s3 =	sld [smem:$0x3FFD];
	_ =	sdelay $0x3  }
0x96: {  	_ =	strace s3  }
0x97: {  	_ =	strace $0x8FFFFFFF  }
0x98: {  	s19 =	sld [smem:$0x3FDB];
	_ =	sdelay $0x1  }
0x99: {  	s4 =	simm.s32 $_scs_section_size  }
0x9a: {  	s5 =	simm.s32 $_size__tile_overlayer_lowered;
	s6 =	simm.s32 $_tile_overlayer_lowered  }
0x9b: {  	s22 =	simm.s32 $0x1BFF;
	s21 =	sshll.u32 s6, $0x1;
	s3 =	sadd.s32 s4, s19  }
0x9c: {  	s7 =	simm.s32 $0x0;
	s20 =	sshll.u32 s5, $0x1;
	s5 =	sadd.s32 s21, s3  }
0x9d: {  	[timem:s7], [sflag:s22] =	dma.local [hbm:s5], s20  }
0x9e: {  	_ =	swait.ge [sflag:s22], s20  }
0x9f: {  	s4 =	ssub.s32 $0x0, s20;
	[sflag:s22] =	ssyncset.done $0x0  }
0xa0: {  	[sflag:s22] =	ssyncadd.s32 s4;
	_ =	sdelay $0x1  }
0xa1: {  	s23 =	simm.s32 $0x1B8B  }
0xa2: {  	_ =	swait.ge [sflag:s23], $0x1  }
0xa3: {  	[sflag:s23] =	ssyncset.done $0x0  }
0xa4: {  	s25 =	simm.s32 $0x1B8E;
	s24 =	sld [smem:$0x3FFE];
	[sflag:s23] =	ssyncadd.s32 $0xFFFFFFFF  }
0xa5: {  	s26 =	simm.s32 $execute0_lowered;
	[smem:$0x3FD2] =	sst s25  }
0xa6: {  	s5 =	sshll.u32 s26, $0x1;
	_ =	strace $0x8000004C;
	[dreg:$0x1] =	wrdreg $0xFFFFFFFF  }
0xa7: {  	s28 =	simm.s32 $_size_execute0_lowered;
	s3 =	sadd.s32 s3, s5;
	[dreg:$0x0] =	wrdreg $0x0  }
0xa8: {  	s5 =	sshll.u32 s28, $0x1;
	[dreg:$0x2] =	wrdreg s3  }
0xa9: {  	[dreg:$0x3] =	wrdreg s5  }
0xaa: {  	[dreg:$0x4] =	wrdreg $0xC0  }
0xab: {  	_ =	task [dreg:s7], $0x5FFFF  }
0xac: {  	[dreg:$0x1] =	wrdreg $0xFFFFFFFF  }
0xad: {  	[dreg:$0x0] =	wrdreg $0x60  }
0xae: {  	[dreg:$0x2] =	wrdreg s24  }
0xaf: {  	[dreg:$0x3] =	wrdreg s2  }
0xb0: {  	[dreg:$0x4] =	wrdreg $0xA8000  }
0xb1: {  	[dreg:$0x5] =	wrdreg $0x9  }
0xb2: {  	_ =	task.clear_ibuf [dreg:s7], $0x6FFFF;
	_ =	strace $0x9000004C  }
0xb3: {  	s29 =	simm.s32 $0x9;
	_ =	strace $0x8000004E  }
0xb4: {  	_ =	swait.ge [sflag:s29], $0x1  }
0xb5: {  	[sflag:s29] =	ssyncadd.s32 $0xFFFFFFFF  }
0xb6: {  	_ =	strace $0x9000004E  }
0xb7: {  	_ =	sfence  }
0xb8: {  	s30 =	sld [smem:$0x0];
	_ =	sdelay $0x2  }
0xb9: {  	s31 =	sshll.u32 s1, $0xD;
	s1 =	sshrl.u32 s1, $0x2  }
0xba: {  	s3 =	sand.u32 $0x4000, s31;
	s1 =	sadd.s32 s1, s30  }
0xbb: {  	s0 =	sor.u32 s3, s0;
	s1 =	sshll.u32 s1, $0x11  }
0xbc: {  	s0 =	sor.u32 s1, s0  }
0xbd: {  	s0 =	sadd.s32 $0x8F2B, s0  }
0xbe: {  	[sflag:s0] =	ssyncadd.remote.s32 $0x1  }
0xbf: {  	_ =	sfence.sel $0xFFFF  }
0xc0: {  	[dreg:$0x0] =	wrdreg $0xFFFFFFFF;
	(pc) =	sbr.abs _section_cstart, $3  }
0xc1: {  	[dreg:$0x1] =	wrdreg $0xFFFFFFFF  }
0xc2: {  	_ =	task.clear_ibuf [dreg:s7], $0x2FFFF;
	_ =	strace $0x9FFFFFFF  }
0xc3: {  	(tm) =	ssettm $0x7FFFFFFF  }
tec
execute0_lowered:
.L_overlay_start_1:
0x0: {  	(tag) =	ssettag $0x1  }
0x1: {  	s0 =	rddreg [dreg:$0x0]  }
0x2: {  	s1 =	rddreg [dreg:$0x1]  }
0x3: {  	s2 =	rddreg [dreg:$0x2];
	s4 =	srdreg.scid  }
0x4: {  	s11 =	stileid.u32;
	s3 =	simm.s32 $0x0;
	s28 =	simm.s32 $0x1400  }
0x5: {  	s29 =	simm.s32 $0x40;
	s30 =	simm.s32 $0x80;
	s6 =	smul.u32 $0x2800, s11  }
0x6: {  	s31 =	simm.s32 $0x4800;
	s5 =	sand.u32 $0x1, s4;
	s8 =	smul.u32 $0x50000, s11  }
0x7: {  	[smem:$0x7FF] =	sst s3;
	s4 =	sadd.s32 $0x2AC00, s0;
	s9 =	sadd.s32 $0x16C00, s0  }
0x8: {  	s7 =	smul.u32 $0x28000, s5;
	_ =	strace $0x8000004D;
	s25 =	sshrl.u32 s8, $0x2  }
0x9: {  	s24 =	ssub.s32 $0x2, s5;
	s10 =	sshll.u32 s5, $0x4;
	s5 =	sadd.s32 s25, s2  }
0xa: {  	s26 =	sshrl.u32 s24, $0x1;
	s11 =	sor.u32 s11, s10;
	s12 =	sadd.s32 $0x2000, s5  }
0xb: {  	s10 =	simm.s32 $0x3;
	s13 =	sadd.s32 $0x4000, s5;
	[dreg:$0x4] =	wrdreg s12  }
0xc: {  	s6 =	sadd.s32 s6, s7;
	s14 =	sadd.s32 $0x6000, s5;
	[dreg:$0x5] =	wrdreg s13  }
0xd: {  	s15 =	smul.u32 $0x5000, s11;
	s16 =	sadd.s32 $0x8000, s5;
	[dreg:$0x6] =	wrdreg s14  }
0xe: {  	s7 =	smul.u32 $0xA00, s11;
	s17 =	sadd.s32 $0xA000, s5;
	[dreg:$0x7] =	wrdreg s16  }
0xf: {  	s11 =	simm.s32 $0x4;
	s18 =	sadd.s32 $0xC000, s5;
	[dreg:$0x8] =	wrdreg s17  }
0x10: {  	s0 =	sadd.s32 s6, s0;
	s19 =	sadd.s32 $0xE000, s5;
	[dreg:$0x9] =	wrdreg s18  }
0x11: {  	s6 =	ssub.s32 s24, s26;
	s20 =	sadd.s32 $0x10000, s5;
	[dreg:$0xa] =	wrdreg s19  }
0x12: {  	s21 =	sadd.s32 $0x12000, s5;
	s8 =	sshrl.u32 s15, $0x3;
	[dreg:$0xb] =	wrdreg s20  }
0x13: {  	[dreg:$0xc] =	wrdreg s21;
	s23 =	sadd.s32 s1, s7;
	s7 =	sadd.s32 s9, s7  }
0x14: {  	s12 =	simm.s32 $0x2600;
	s13 =	simm.s32 $0x2680;
	s14 =	simm.s32 $0x2700  }
0x15: {  	s15 =	simm.s32 $0x2780;
	s22 =	sadd.s32 $0x280, s8;
	[dreg:$0xd] =	wrdreg s23  }
0x16: {  	[dreg:$0xe] =	wrdreg s7;
	s26 =	sadd.s32 $0x500, s8;
	s8 =	sadd.s32 $0x780, s8  }
0x17: {  	s23 =	sadd.s32 $0x52C00, s0;
	s0 =	simm.s32 $0x100;
	s7 =	simm.s32 $0x8800  }
0x18: {  	s24 =	sadd.s32 s1, s22;
	s25 =	sadd.s32 s9, s22;
	s19 =	sadd.s32 s1, s26  }
0x19: {  	s20 =	sadd.s32 s9, s26;
	s21 =	sadd.s32 s1, s8;
	s22 =	sadd.s32 s9, s8  }
0x1a: {  	s26 =	simm.s32 $0x5;
	s1 =	simm.s32 $0x6800;
	[dreg:$0xf] =	wrdreg s24  }
0x1b: {  	s8 =	simm.s32 $0x1;
	s9 =	simm.s32 $0x2;
	[dreg:$0x10] =	wrdreg s25  }
0x1c: {  	v0 =	vimm.f32 $0.0e+00;
	s24 =	smax.u32 s6, $0x1;
	s25 =	simm.s32 $0x2800;
	s6 =	simm.s32 $0x180  }
.LBB2_1:
0x1d: {  	s16 =	simm.s32 $0x0;
	s17 =	simm.s32 $0x200  }
.LBB2_2:
0x1e: {  	p0 =	sne.s32 s17, $0x7E00;
	[tilespmem:s16+$0x2870] =	vst v0  }
0x1f: {  	[tilespmem:s16+$0x2800] =	vst v0  }
0x20: {  	[tilespmem:s16+$0x2810] =	vst v0  }
.Ltmp0:
0x21: {  	[tilespmem:s16+$0x2820] =	vst v0;
	(pc) =	sbr.rel @p0 .LBB2_2-.Ltmp0, $4  }
0x22: {  	[tilespmem:s16+$0x2830] =	vst v0  }
0x23: {  	[tilespmem:s16+$0x2840] =	vst v0  }
0x24: {  	[tilespmem:s16+$0x2850] =	vst v0  }
0x25: {  	[tilespmem:s16+$0x2860] =	vst v0;
	s16 =	sshra.s32 s17, $0x2;
	s17 =	sadd.s32 $0x200, s17  }
0x26: {  	[tilespmem:s16+$0x2870] =	vst v0  }
0x27: {  	[tilespmem:s16+$0x2800] =	vst v0  }
0x28: {  	[tilespmem:s16+$0x2810] =	vst v0  }
0x29: {  	[tilespmem:s16+$0x2820] =	vst v0  }
0x2a: {  	[tilespmem:s16+$0x2830] =	vst v0  }
0x2b: {  	[tilespmem:s16+$0x2840] =	vst v0  }
0x2c: {  	[tilespmem:s16+$0x2850] =	vst v0  }
0x2d: {  	[tilespmem:s16+$0x2860] =	vst v0  }
0x2e: {  	[spmem:s5] =	stream.linear.scatter [tilespmem:s25], [sflag:$0x5], $0x2000, $0x38;
	[tilespmem:$0x1E800] =	vst v63  }
0x2f: {  	_ =	swait.ge [sflag:s26], $0x2000  }
0x30: {  	[sflag:s26] =	ssyncset.done $0x0  }
0x31: {  	s17 =	rddreg [dreg:$0x4];
	[sflag:s26] =	ssyncadd.s32 $0xFFFFE000  }
0x32: {  	[spmem:s17] =	stream.linear.scatter [tilespmem:s25], [sflag:$0x5], $0x2000, $0x38;
	[tilespmem:$0x1E800] =	vst v63  }
0x33: {  	_ =	swait.ge [sflag:s26], $0x2000  }
0x34: {  	[sflag:s26] =	ssyncset.done $0x0  }
0x35: {  	s18 =	rddreg [dreg:$0x5];
	[sflag:s26] =	ssyncadd.s32 $0xFFFFE000  }
0x36: {  	[spmem:s18] =	stream.linear.scatter [tilespmem:s25], [sflag:$0x5], $0x2000, $0x38;
	[tilespmem:$0x1E800] =	vst v63  }
0x37: {  	_ =	swait.ge [sflag:s26], $0x2000  }
0x38: {  	[sflag:s26] =	ssyncset.done $0x0  }
0x39: {  	s17 =	rddreg [dreg:$0x6];
	[sflag:s26] =	ssyncadd.s32 $0xFFFFE000  }
0x3a: {  	[spmem:s17] =	stream.linear.scatter [tilespmem:s25], [sflag:$0x5], $0x2000, $0x38;
	[tilespmem:$0x1E800] =	vst v63  }
0x3b: {  	_ =	swait.ge [sflag:s26], $0x2000  }
0x3c: {  	[sflag:s26] =	ssyncset.done $0x0  }
0x3d: {  	s18 =	rddreg [dreg:$0x7];
	[sflag:s26] =	ssyncadd.s32 $0xFFFFE000  }
0x3e: {  	[spmem:s18] =	stream.linear.scatter [tilespmem:s25], [sflag:$0x5], $0x2000, $0x38;
	[tilespmem:$0x1E800] =	vst v63  }
0x3f: {  	_ =	swait.ge [sflag:s26], $0x2000  }
0x40: {  	[sflag:s26] =	ssyncset.done $0x0  }
0x41: {  	s17 =	rddreg [dreg:$0x8];
	[sflag:s26] =	ssyncadd.s32 $0xFFFFE000  }
0x42: {  	[spmem:s17] =	stream.linear.scatter [tilespmem:s25], [sflag:$0x5], $0x2000, $0x38;
	[tilespmem:$0x1E800] =	vst v63  }
0x43: {  	_ =	swait.ge [sflag:s26], $0x2000  }
0x44: {  	[sflag:s26] =	ssyncset.done $0x0  }
0x45: {  	s18 =	rddreg [dreg:$0x9];
	[sflag:s26] =	ssyncadd.s32 $0xFFFFE000  }
0x46: {  	[spmem:s18] =	stream.linear.scatter [tilespmem:s25], [sflag:$0x5], $0x2000, $0x38;
	[tilespmem:$0x1E800] =	vst v63  }
0x47: {  	_ =	swait.ge [sflag:s26], $0x2000  }
0x48: {  	[sflag:s26] =	ssyncset.done $0x0  }
0x49: {  	s17 =	rddreg [dreg:$0xa];
	[sflag:s26] =	ssyncadd.s32 $0xFFFFE000  }
0x4a: {  	[spmem:s17] =	stream.linear.scatter [tilespmem:s25], [sflag:$0x5], $0x2000, $0x38;
	[tilespmem:$0x1E800] =	vst v63  }
0x4b: {  	_ =	swait.ge [sflag:s26], $0x2000  }
0x4c: {  	[sflag:s26] =	ssyncset.done $0x0  }
0x4d: {  	s18 =	rddreg [dreg:$0xb];
	[sflag:s26] =	ssyncadd.s32 $0xFFFFE000  }
0x4e: {  	[spmem:s18] =	stream.linear.scatter [tilespmem:s25], [sflag:$0x5], $0x2000, $0x38;
	[tilespmem:$0x1E800] =	vst v63  }
0x4f: {  	_ =	swait.ge [sflag:s26], $0x2000  }
0x50: {  	[sflag:s26] =	ssyncset.done $0x0  }
0x51: {  	s17 =	rddreg [dreg:$0xc];
	[sflag:s26] =	ssyncadd.s32 $0xFFFFE000  }
0x52: {  	[spmem:s17] =	stream.linear.scatter [tilespmem:s25], [sflag:$0x5], $0x2000, $0x38;
	[tilespmem:$0x1E800] =	vst v63  }
0x53: {  	_ =	swait.ge [sflag:s26], $0x2000  }
0x54: {  	[sflag:s26] =	ssyncset.done $0x0  }
0x55: {  	[sflag:s26] =	ssyncadd.s32 $0xFFFFE000  }
0x56: {  	[bflag:$0x0] =	sbarrier.arrive $0xFFFF  }
0x57: {  	s16 =	simm.s32 $0x0;
	s17 =	rddreg [dreg:$0xd]  }
0x58: {  	[tilespmem:s16], [sflag:$0x5] =	stream.linear.gather [hbm4b:s17+s16], $0x1400, $0x38;
	[tilespmem:$0x1E800] =	vst v63  }
0x59: {  	_ =	swait.ge [sflag:s26], $0x1400  }
0x5a: {  	[sflag:s26] =	ssyncset.done $0x0  }
0x5b: {  	s18 =	rddreg [dreg:$0xe];
	[sflag:s26] =	ssyncadd.s32 $0xFFFFEC00  }
0x5c: {  	[tilespmem:s28], [sflag:$0x5] =	stream.linear.gather [hbm4b:s18+s16], $0x1400, $0x38;
	[tilespmem:$0x1E800] =	vst v63  }
0x5d: {  	_ =	swait.ge [sflag:s26], $0x1400  }
0x5e: {  	[sflag:s26] =	ssyncset.done $0x0  }
0x5f: {  	[sflag:s26] =	ssyncadd.s32 $0xFFFFEC00  }
0x60: {  	[tilespmem:s25], [sflag:$0x1] =	stream.indirect.gather [hbm4b:s4+s29], $0x80, s16, s29, $0xb8;
	[tilespmem:$0x1E800] =	vst v63  }
0x61: {  	_ = 	snop  }
0x62: {  	[tilespmem:s31], [sflag:$0x2] =	stream.indirect.gather [hbm4b:s4+s29], $0x80, s30, s29, $0xb8;
	[tilespmem:$0x1E800] =	vst v63  }
0x63: {  	_ = 	snop  }
0x64: {  	[tilespmem:s1], [sflag:$0x3] =	stream.indirect.gather [hbm4b:s4+s29], $0x80, s0, s29, $0xb8;
	[tilespmem:$0x1E800] =	vst v63  }
0x65: {  	_ = 	snop  }
0x66: {  	[tilespmem:s7], [sflag:$0x4] =	stream.indirect.gather [hbm4b:s4+s29], $0x80, s6, s29, $0xb8;
	[tilespmem:$0x1E800] =	vst v63  }
0x67: {  	_ =	swait.ge [sflag:s8], $0x2000  }
0x68: {  	[sflag:s8] =	ssyncset.done $0x0  }
0x69: {  	s18 =	simm.s32 $0x1400;
	[sflag:s8] =	ssyncadd.s32 $0xFFFFE000  }
0x6a: {  	[spmem:s2] =	stream.indirect.scatter.add.f32 [tilespmem:s25], [sflag:$0x5], $0x80, s18, s29, $0xb8;
	[tilespmem:$0x1E800] =	vst v63  }
0x6b: {  	_ =	swait.ge [sflag:s26], $0x2000  }
0x6c: {  	[sflag:s26] =	ssyncset.done $0x0  }
0x6d: {  	s17 =	simm.s32 $0x200;
	[sflag:s26] =	ssyncadd.s32 $0xFFFFE000  }
0x6e: {  	[tilespmem:s25], [sflag:$0x1] =	stream.indirect.gather [hbm4b:s4+s29], $0x80, s17, s29, $0xb8;
	[tilespmem:$0x1E800] =	vst v63  }
0x6f: {  	_ =	swait.ge [sflag:s9], $0x2000  }
0x70: {  	[sflag:s9] =	ssyncset.done $0x0  }
0x71: {  	s18 =	simm.s32 $0x1480;
	[sflag:s9] =	ssyncadd.s32 $0xFFFFE000  }
0x72: {  	[spmem:s2] =	stream.indirect.scatter.add.f32 [tilespmem:s31], [sflag:$0x5], $0x80, s18, s29, $0xb8;
	[tilespmem:$0x1E800] =	vst v63  }
0x73: {  	_ =	swait.ge [sflag:s26], $0x2000  }
0x74: {  	[sflag:s26] =	ssyncset.done $0x0  }
0x75: {  	s17 =	simm.s32 $0x280;
	[sflag:s26] =	ssyncadd.s32 $0xFFFFE000  }
0x76: {  	[tilespmem:s31], [sflag:$0x2] =	stream.indirect.gather [hbm4b:s4+s29], $0x80, s17, s29, $0xb8;
	[tilespmem:$0x1E800] =	vst v63  }
0x77: {  	_ =	swait.ge [sflag:s10], $0x2000  }
0x78: {  	[sflag:s10] =	ssyncset.done $0x0  }
0x79: {  	s18 =	simm.s32 $0x1500;
	[sflag:s10] =	ssyncadd.s32 $0xFFFFE000  }
0x7a: {  	[spmem:s2] =	stream.indirect.scatter.add.f32 [tilespmem:s1], [sflag:$0x5], $0x80, s18, s29, $0xb8;
	[tilespmem:$0x1E800] =	vst v63  }
0x7b: {  	_ =	swait.ge [sflag:s26], $0x2000  }
0x7c: {  	[sflag:s26] =	ssyncset.done $0x0  }
0x7d: {  	s17 =	simm.s32 $0x300;
	[sflag:s26] =	ssyncadd.s32 $0xFFFFE000  }
0x7e: {  	[tilespmem:s1], [sflag:$0x3] =	stream.indirect.gather [hbm4b:s4+s29], $0x80, s17, s29, $0xb8;
	[tilespmem:$0x1E800] =	vst v63  }
0x7f: {  	_ =	swait.ge [sflag:s11], $0x2000  }
0x80: {  	[sflag:s11] =	ssyncset.done $0x0  }
0x81: {  	s18 =	simm.s32 $0x1580;
	[sflag:s11] =	ssyncadd.s32 $0xFFFFE000  }
0x82: {  	[spmem:s2] =	stream.indirect.scatter.add.f32 [tilespmem:s7], [sflag:$0x5], $0x80, s18, s29, $0xb8;
	[tilespmem:$0x1E800] =	vst v63  }
0x83: {  	_ =	swait.ge [sflag:s26], $0x2000  }
0x84: {  	[sflag:s26] =	ssyncset.done $0x0  }
0x85: {  	s16 =	simm.s32 $0x800;
	s17 =	simm.s32 $0x380;
	[sflag:s26] =	ssyncadd.s32 $0xFFFFE000  }
.LBB2_4:
0x86: {  	[tilespmem:s7], [sflag:$0x4] =	stream.indirect.gather [hbm4b:s4+s29], $0x80, s17, s29, $0xb8;
	[tilespmem:$0x1E800] =	vst v63  }
0x87: {  	s17 =	smov.u32 s16  }
0x88: {  	p0 =	sne.s32 s16, $0x4000;
	s16 =	sadd.s32 $0x800, s16;
	_ =	swait.ge [sflag:s8], $0x2000  }
0x89: {  	s17 =	sshra.s32 s17, $0x2;
	[sflag:s8] =	ssyncset.done $0x0  }
0x8a: {  	s18 =	sadd.s32 $0x1400, s17;
	[sflag:s8] =	ssyncadd.s32 $0xFFFFE000  }
0x8b: {  	[spmem:s2] =	stream.indirect.scatter.add.f32 [tilespmem:s25], [sflag:$0x5], $0x80, s18, s29, $0xb8;
	[tilespmem:$0x1E800] =	vst v63  }
0x8c: {  	_ =	swait.ge [sflag:s26], $0x2000  }
0x8d: {  	[sflag:s26] =	ssyncset.done $0x0  }
0x8e: {  	s18 =	sadd.s32 $0x200, s17;
	[sflag:s26] =	ssyncadd.s32 $0xFFFFE000  }
0x8f: {  	[tilespmem:s25], [sflag:$0x1] =	stream.indirect.gather [hbm4b:s4+s29], $0x80, s18, s29, $0xb8;
	[tilespmem:$0x1E800] =	vst v63  }
0x90: {  	_ =	swait.ge [sflag:s9], $0x2000  }
0x91: {  	[sflag:s9] =	ssyncset.done $0x0  }
0x92: {  	s18 =	sadd.s32 $0x1480, s17;
	[sflag:s9] =	ssyncadd.s32 $0xFFFFE000  }
0x93: {  	[spmem:s2] =	stream.indirect.scatter.add.f32 [tilespmem:s31], [sflag:$0x5], $0x80, s18, s29, $0xb8;
	[tilespmem:$0x1E800] =	vst v63  }
0x94: {  	_ =	swait.ge [sflag:s26], $0x2000  }
0x95: {  	[sflag:s26] =	ssyncset.done $0x0  }
0x96: {  	s18 =	sadd.s32 $0x280, s17;
	[sflag:s26] =	ssyncadd.s32 $0xFFFFE000  }
0x97: {  	[tilespmem:s31], [sflag:$0x2] =	stream.indirect.gather [hbm4b:s4+s29], $0x80, s18, s29, $0xb8;
	[tilespmem:$0x1E800] =	vst v63  }
0x98: {  	_ =	swait.ge [sflag:s10], $0x2000  }
0x99: {  	[sflag:s10] =	ssyncset.done $0x0  }
0x9a: {  	s18 =	sadd.s32 $0x1500, s17;
	[sflag:s10] =	ssyncadd.s32 $0xFFFFE000  }
0x9b: {  	[spmem:s2] =	stream.indirect.scatter.add.f32 [tilespmem:s1], [sflag:$0x5], $0x80, s18, s29, $0xb8;
	[tilespmem:$0x1E800] =	vst v63  }
0x9c: {  	_ =	swait.ge [sflag:s26], $0x2000  }
0x9d: {  	[sflag:s26] =	ssyncset.done $0x0  }
0x9e: {  	s18 =	sadd.s32 $0x300, s17;
	[sflag:s26] =	ssyncadd.s32 $0xFFFFE000  }
0x9f: {  	[tilespmem:s1], [sflag:$0x3] =	stream.indirect.gather [hbm4b:s4+s29], $0x80, s18, s29, $0xb8;
	[tilespmem:$0x1E800] =	vst v63  }
0xa0: {  	_ =	swait.ge [sflag:s11], $0x2000  }
0xa1: {  	[sflag:s11] =	ssyncset.done $0x0  }
.Ltmp1:
0xa2: {  	s18 =	sadd.s32 $0x1580, s17;
	[sflag:s11] =	ssyncadd.s32 $0xFFFFE000;
	(pc) =	sbr.rel @p0 .LBB2_4-.Ltmp1, $4  }
0xa3: {  	[spmem:s2] =	stream.indirect.scatter.add.f32 [tilespmem:s7], [sflag:$0x5], $0x80, s18, s29, $0xb8;
	[tilespmem:$0x1E800] =	vst v63  }
0xa4: {  	_ =	swait.ge [sflag:s26], $0x2000  }
0xa5: {  	[sflag:s26] =	ssyncset.done $0x0  }
0xa6: {  	s17 =	sadd.s32 $0x380, s17;
	[sflag:s26] =	ssyncadd.s32 $0xFFFFE000  }
0xa7: {  	[tilespmem:s7], [sflag:$0x4] =	stream.indirect.gather [hbm4b:s4+s29], $0x80, s17, s29, $0xb8;
	[tilespmem:$0x1E800] =	vst v63  }
0xa8: {  	_ =	swait.ge [sflag:s8], $0x2000  }
0xa9: {  	[sflag:s8] =	ssyncset.done $0x0  }
0xaa: {  	[sflag:s8] =	ssyncadd.s32 $0xFFFFE000  }
0xab: {  	[spmem:s2] =	stream.indirect.scatter.add.f32 [tilespmem:s25], [sflag:$0x5], $0x80, s12, s29, $0xb8;
	[tilespmem:$0x1E800] =	vst v63  }
0xac: {  	_ =	swait.ge [sflag:s26], $0x2000  }
0xad: {  	[sflag:s26] =	ssyncset.done $0x0  }
0xae: {  	[sflag:s26] =	ssyncadd.s32 $0xFFFFE000  }
0xaf: {  	_ =	swait.ge [sflag:s9], $0x2000  }
0xb0: {  	[sflag:s9] =	ssyncset.done $0x0  }
0xb1: {  	[sflag:s9] =	ssyncadd.s32 $0xFFFFE000  }
0xb2: {  	[spmem:s2] =	stream.indirect.scatter.add.f32 [tilespmem:s31], [sflag:$0x5], $0x80, s13, s29, $0xb8;
	[tilespmem:$0x1E800] =	vst v63  }
0xb3: {  	_ =	swait.ge [sflag:s26], $0x2000  }
0xb4: {  	[sflag:s26] =	ssyncset.done $0x0  }
0xb5: {  	[sflag:s26] =	ssyncadd.s32 $0xFFFFE000  }
0xb6: {  	_ =	swait.ge [sflag:s10], $0x2000  }
0xb7: {  	[sflag:s10] =	ssyncset.done $0x0  }
0xb8: {  	[sflag:s10] =	ssyncadd.s32 $0xFFFFE000  }
0xb9: {  	[spmem:s2] =	stream.indirect.scatter.add.f32 [tilespmem:s1], [sflag:$0x5], $0x80, s14, s29, $0xb8;
	[tilespmem:$0x1E800] =	vst v63  }
0xba: {  	_ =	swait.ge [sflag:s26], $0x2000  }
0xbb: {  	[sflag:s26] =	ssyncset.done $0x0  }
0xbc: {  	[sflag:s26] =	ssyncadd.s32 $0xFFFFE000  }
0xbd: {  	_ =	swait.ge [sflag:s11], $0x2000  }
0xbe: {  	[sflag:s11] =	ssyncset.done $0x0  }
0xbf: {  	[sflag:s11] =	ssyncadd.s32 $0xFFFFE000  }
0xc0: {  	[spmem:s2] =	stream.indirect.scatter.add.f32 [tilespmem:s7], [sflag:$0x5], $0x80, s15, s29, $0xb8;
	[tilespmem:$0x1E800] =	vst v63  }
0xc1: {  	_ =	swait.ge [sflag:s26], $0x2000  }
0xc2: {  	[sflag:s26] =	ssyncset.done $0x0  }
0xc3: {  	s16 =	simm.s32 $0x0;
	s18 =	rddreg [dreg:$0xf];
	[sflag:s26] =	ssyncadd.s32 $0xFFFFE000  }
0xc4: {  	[tilespmem:s16], [sflag:$0x5] =	stream.linear.gather [hbm4b:s18+s16], $0x1400, $0x38;
	[tilespmem:$0x1E800] =	vst v63  }
0xc5: {  	_ =	swait.ge [sflag:s26], $0x1400  }
0xc6: {  	[sflag:s26] =	ssyncset.done $0x0  }
0xc7: {  	s18 =	rddreg [dreg:$0x10];
	[sflag:s26] =	ssyncadd.s32 $0xFFFFEC00  }
0xc8: {  	[tilespmem:s28], [sflag:$0x5] =	stream.linear.gather [hbm4b:s18+s16], $0x1400, $0x38;
	[tilespmem:$0x1E800] =	vst v63  }
0xc9: {  	_ =	swait.ge [sflag:s26], $0x1400  }
0xca: {  	[sflag:s26] =	ssyncset.done $0x0  }
0xcb: {  	[sflag:s26] =	ssyncadd.s32 $0xFFFFEC00  }
0xcc: {  	[tilespmem:s25], [sflag:$0x1] =	stream.indirect.gather [hbm4b:s4+s29], $0x80, s16, s29, $0xb8;
	[tilespmem:$0x1E800] =	vst v63  }
0xcd: {  	_ = 	snop  }
0xce: {  	[tilespmem:s31], [sflag:$0x2] =	stream.indirect.gather [hbm4b:s4+s29], $0x80, s30, s29, $0xb8;
	[tilespmem:$0x1E800] =	vst v63  }
0xcf: {  	_ = 	snop  }
0xd0: {  	[tilespmem:s1], [sflag:$0x3] =	stream.indirect.gather [hbm4b:s4+s29], $0x80, s0, s29, $0xb8;
	[tilespmem:$0x1E800] =	vst v63  }
0xd1: {  	_ = 	snop  }
0xd2: {  	[tilespmem:s7], [sflag:$0x4] =	stream.indirect.gather [hbm4b:s4+s29], $0x80, s6, s29, $0xb8;
	[tilespmem:$0x1E800] =	vst v63  }
0xd3: {  	_ =	swait.ge [sflag:s8], $0x2000  }
0xd4: {  	[sflag:s8] =	ssyncset.done $0x0  }
0xd5: {  	s18 =	simm.s32 $0x1400;
	[sflag:s8] =	ssyncadd.s32 $0xFFFFE000  }
0xd6: {  	[spmem:s2] =	stream.indirect.scatter.add.f32 [tilespmem:s25], [sflag:$0x5], $0x80, s18, s29, $0xb8;
	[tilespmem:$0x1E800] =	vst v63  }
0xd7: {  	_ =	swait.ge [sflag:s26], $0x2000  }
0xd8: {  	[sflag:s26] =	ssyncset.done $0x0  }
0xd9: {  	s17 =	simm.s32 $0x200;
	[sflag:s26] =	ssyncadd.s32 $0xFFFFE000  }
0xda: {  	[tilespmem:s25], [sflag:$0x1] =	stream.indirect.gather [hbm4b:s4+s29], $0x80, s17, s29, $0xb8;
	[tilespmem:$0x1E800] =	vst v63  }
0xdb: {  	_ =	swait.ge [sflag:s9], $0x2000  }
0xdc: {  	[sflag:s9] =	ssyncset.done $0x0  }
0xdd: {  	s18 =	simm.s32 $0x1480;
	[sflag:s9] =	ssyncadd.s32 $0xFFFFE000  }
0xde: {  	[spmem:s2] =	stream.indirect.scatter.add.f32 [tilespmem:s31], [sflag:$0x5], $0x80, s18, s29, $0xb8;
	[tilespmem:$0x1E800] =	vst v63  }
0xdf: {  	_ =	swait.ge [sflag:s26], $0x2000  }
0xe0: {  	[sflag:s26] =	ssyncset.done $0x0  }
0xe1: {  	s17 =	simm.s32 $0x280;
	[sflag:s26] =	ssyncadd.s32 $0xFFFFE000  }
0xe2: {  	[tilespmem:s31], [sflag:$0x2] =	stream.indirect.gather [hbm4b:s4+s29], $0x80, s17, s29, $0xb8;
	[tilespmem:$0x1E800] =	vst v63  }
0xe3: {  	_ =	swait.ge [sflag:s10], $0x2000  }
0xe4: {  	[sflag:s10] =	ssyncset.done $0x0  }
0xe5: {  	s18 =	simm.s32 $0x1500;
	[sflag:s10] =	ssyncadd.s32 $0xFFFFE000  }
0xe6: {  	[spmem:s2] =	stream.indirect.scatter.add.f32 [tilespmem:s1], [sflag:$0x5], $0x80, s18, s29, $0xb8;
	[tilespmem:$0x1E800] =	vst v63  }
0xe7: {  	_ =	swait.ge [sflag:s26], $0x2000  }
0xe8: {  	[sflag:s26] =	ssyncset.done $0x0  }
0xe9: {  	s17 =	simm.s32 $0x300;
	[sflag:s26] =	ssyncadd.s32 $0xFFFFE000  }
0xea: {  	[tilespmem:s1], [sflag:$0x3] =	stream.indirect.gather [hbm4b:s4+s29], $0x80, s17, s29, $0xb8;
	[tilespmem:$0x1E800] =	vst v63  }
0xeb: {  	_ =	swait.ge [sflag:s11], $0x2000  }
0xec: {  	[sflag:s11] =	ssyncset.done $0x0  }
0xed: {  	s18 =	simm.s32 $0x1580;
	[sflag:s11] =	ssyncadd.s32 $0xFFFFE000  }
0xee: {  	[spmem:s2] =	stream.indirect.scatter.add.f32 [tilespmem:s7], [sflag:$0x5], $0x80, s18, s29, $0xb8;
	[tilespmem:$0x1E800] =	vst v63  }
0xef: {  	_ =	swait.ge [sflag:s26], $0x2000  }
0xf0: {  	[sflag:s26] =	ssyncset.done $0x0  }
0xf1: {  	s16 =	simm.s32 $0x800;
	s17 =	simm.s32 $0x380;
	[sflag:s26] =	ssyncadd.s32 $0xFFFFE000  }
.LBB2_6:
0xf2: {  	[tilespmem:s7], [sflag:$0x4] =	stream.indirect.gather [hbm4b:s4+s29], $0x80, s17, s29, $0xb8;
	[tilespmem:$0x1E800] =	vst v63  }
0xf3: {  	s17 =	smov.u32 s16  }
0xf4: {  	p0 =	sne.s32 s16, $0x4000;
	s16 =	sadd.s32 $0x800, s16;
	_ =	swait.ge [sflag:s8], $0x2000  }
0xf5: {  	s17 =	sshra.s32 s17, $0x2;
	[sflag:s8] =	ssyncset.done $0x0  }
0xf6: {  	s18 =	sadd.s32 $0x1400, s17;
	[sflag:s8] =	ssyncadd.s32 $0xFFFFE000  }
0xf7: {  	[spmem:s2] =	stream.indirect.scatter.add.f32 [tilespmem:s25], [sflag:$0x5], $0x80, s18, s29, $0xb8;
	[tilespmem:$0x1E800] =	vst v63  }
0xf8: {  	_ =	swait.ge [sflag:s26], $0x2000  }
0xf9: {  	[sflag:s26] =	ssyncset.done $0x0  }
0xfa: {  	s18 =	sadd.s32 $0x200, s17;
	[sflag:s26] =	ssyncadd.s32 $0xFFFFE000  }
0xfb: {  	[tilespmem:s25], [sflag:$0x1] =	stream.indirect.gather [hbm4b:s4+s29], $0x80, s18, s29, $0xb8;
	[tilespmem:$0x1E800] =	vst v63  }
0xfc: {  	_ =	swait.ge [sflag:s9], $0x2000  }
0xfd: {  	[sflag:s9] =	ssyncset.done $0x0  }
0xfe: {  	s18 =	sadd.s32 $0x1480, s17;
	[sflag:s9] =	ssyncadd.s32 $0xFFFFE000  }
0xff: {  	[spmem:s2] =	stream.indirect.scatter.add.f32 [tilespmem:s31], [sflag:$0x5], $0x80, s18, s29, $0xb8;
	[tilespmem:$0x1E800] =	vst v63  }
0x100: {  	_ =	swait.ge [sflag:s26], $0x2000  }
0x101: {  	[sflag:s26] =	ssyncset.done $0x0  }
0x102: {  	s18 =	sadd.s32 $0x280, s17;
	[sflag:s26] =	ssyncadd.s32 $0xFFFFE000  }
0x103: {  	[tilespmem:s31], [sflag:$0x2] =	stream.indirect.gather [hbm4b:s4+s29], $0x80, s18, s29, $0xb8;
	[tilespmem:$0x1E800] =	vst v63  }
0x104: {  	_ =	swait.ge [sflag:s10], $0x2000  }
0x105: {  	[sflag:s10] =	ssyncset.done $0x0  }
0x106: {  	s18 =	sadd.s32 $0x1500, s17;
	[sflag:s10] =	ssyncadd.s32 $0xFFFFE000  }
0x107: {  	[spmem:s2] =	stream.indirect.scatter.add.f32 [tilespmem:s1], [sflag:$0x5], $0x80, s18, s29, $0xb8;
	[tilespmem:$0x1E800] =	vst v63  }
0x108: {  	_ =	swait.ge [sflag:s26], $0x2000  }
0x109: {  	[sflag:s26] =	ssyncset.done $0x0  }
0x10a: {  	s18 =	sadd.s32 $0x300, s17;
	[sflag:s26] =	ssyncadd.s32 $0xFFFFE000  }
0x10b: {  	[tilespmem:s1], [sflag:$0x3] =	stream.indirect.gather [hbm4b:s4+s29], $0x80, s18, s29, $0xb8;
	[tilespmem:$0x1E800] =	vst v63  }
0x10c: {  	_ =	swait.ge [sflag:s11], $0x2000  }
0x10d: {  	[sflag:s11] =	ssyncset.done $0x0  }
.Ltmp2:
0x10e: {  	s18 =	sadd.s32 $0x1580, s17;
	[sflag:s11] =	ssyncadd.s32 $0xFFFFE000;
	(pc) =	sbr.rel @p0 .LBB2_6-.Ltmp2, $4  }
0x10f: {  	[spmem:s2] =	stream.indirect.scatter.add.f32 [tilespmem:s7], [sflag:$0x5], $0x80, s18, s29, $0xb8;
	[tilespmem:$0x1E800] =	vst v63  }
0x110: {  	_ =	swait.ge [sflag:s26], $0x2000  }
0x111: {  	[sflag:s26] =	ssyncset.done $0x0  }
0x112: {  	s17 =	sadd.s32 $0x380, s17;
	[sflag:s26] =	ssyncadd.s32 $0xFFFFE000  }
0x113: {  	[tilespmem:s7], [sflag:$0x4] =	stream.indirect.gather [hbm4b:s4+s29], $0x80, s17, s29, $0xb8;
	[tilespmem:$0x1E800] =	vst v63  }
0x114: {  	_ =	swait.ge [sflag:s8], $0x2000  }
0x115: {  	[sflag:s8] =	ssyncset.done $0x0  }
0x116: {  	[sflag:s8] =	ssyncadd.s32 $0xFFFFE000  }
0x117: {  	[spmem:s2] =	stream.indirect.scatter.add.f32 [tilespmem:s25], [sflag:$0x5], $0x80, s12, s29, $0xb8;
	[tilespmem:$0x1E800] =	vst v63  }
0x118: {  	_ =	swait.ge [sflag:s26], $0x2000  }
0x119: {  	[sflag:s26] =	ssyncset.done $0x0  }
0x11a: {  	[sflag:s26] =	ssyncadd.s32 $0xFFFFE000  }
0x11b: {  	_ =	swait.ge [sflag:s9], $0x2000  }
0x11c: {  	[sflag:s9] =	ssyncset.done $0x0  }
0x11d: {  	[sflag:s9] =	ssyncadd.s32 $0xFFFFE000  }
0x11e: {  	[spmem:s2] =	stream.indirect.scatter.add.f32 [tilespmem:s31], [sflag:$0x5], $0x80, s13, s29, $0xb8;
	[tilespmem:$0x1E800] =	vst v63  }
0x11f: {  	_ =	swait.ge [sflag:s26], $0x2000  }
0x120: {  	[sflag:s26] =	ssyncset.done $0x0  }
0x121: {  	[sflag:s26] =	ssyncadd.s32 $0xFFFFE000  }
0x122: {  	_ =	swait.ge [sflag:s10], $0x2000  }
0x123: {  	[sflag:s10] =	ssyncset.done $0x0  }
0x124: {  	[sflag:s10] =	ssyncadd.s32 $0xFFFFE000  }
0x125: {  	[spmem:s2] =	stream.indirect.scatter.add.f32 [tilespmem:s1], [sflag:$0x5], $0x80, s14, s29, $0xb8;
	[tilespmem:$0x1E800] =	vst v63  }
0x126: {  	_ =	swait.ge [sflag:s26], $0x2000  }
0x127: {  	[sflag:s26] =	ssyncset.done $0x0  }
0x128: {  	[sflag:s26] =	ssyncadd.s32 $0xFFFFE000  }
0x129: {  	_ =	swait.ge [sflag:s11], $0x2000  }
0x12a: {  	[sflag:s11] =	ssyncset.done $0x0  }
0x12b: {  	[sflag:s11] =	ssyncadd.s32 $0xFFFFE000  }
0x12c: {  	[spmem:s2] =	stream.indirect.scatter.add.f32 [tilespmem:s7], [sflag:$0x5], $0x80, s15, s29, $0xb8;
	[tilespmem:$0x1E800] =	vst v63  }
0x12d: {  	_ =	swait.ge [sflag:s26], $0x2000  }
0x12e: {  	[sflag:s26] =	ssyncset.done $0x0  }
0x12f: {  	s16 =	simm.s32 $0x0;
	[sflag:s26] =	ssyncadd.s32 $0xFFFFE000  }
0x130: {  	[tilespmem:s16], [sflag:$0x5] =	stream.linear.gather [hbm4b:s19+s16], $0x1400, $0x38;
	[tilespmem:$0x1E800] =	vst v63  }
0x131: {  	_ =	swait.ge [sflag:s26], $0x1400  }
0x132: {  	[sflag:s26] =	ssyncset.done $0x0  }
0x133: {  	[sflag:s26] =	ssyncadd.s32 $0xFFFFEC00  }
0x134: {  	[tilespmem:s28], [sflag:$0x5] =	stream.linear.gather [hbm4b:s20+s16], $0x1400, $0x38;
	[tilespmem:$0x1E800] =	vst v63  }
0x135: {  	_ =	swait.ge [sflag:s26], $0x1400  }
0x136: {  	[sflag:s26] =	ssyncset.done $0x0  }
0x137: {  	[sflag:s26] =	ssyncadd.s32 $0xFFFFEC00  }
0x138: {  	[tilespmem:s25], [sflag:$0x1] =	stream.indirect.gather [hbm4b:s4+s29], $0x80, s16, s29, $0xb8;
	[tilespmem:$0x1E800] =	vst v63  }
0x139: {  	_ = 	snop  }
0x13a: {  	[tilespmem:s31], [sflag:$0x2] =	stream.indirect.gather [hbm4b:s4+s29], $0x80, s30, s29, $0xb8;
	[tilespmem:$0x1E800] =	vst v63  }
0x13b: {  	_ = 	snop  }
0x13c: {  	[tilespmem:s1], [sflag:$0x3] =	stream.indirect.gather [hbm4b:s4+s29], $0x80, s0, s29, $0xb8;
	[tilespmem:$0x1E800] =	vst v63  }
0x13d: {  	_ = 	snop  }
0x13e: {  	[tilespmem:s7], [sflag:$0x4] =	stream.indirect.gather [hbm4b:s4+s29], $0x80, s6, s29, $0xb8;
	[tilespmem:$0x1E800] =	vst v63  }
0x13f: {  	_ =	swait.ge [sflag:s8], $0x2000  }
0x140: {  	[sflag:s8] =	ssyncset.done $0x0  }
0x141: {  	s18 =	simm.s32 $0x1400;
	[sflag:s8] =	ssyncadd.s32 $0xFFFFE000  }
0x142: {  	[spmem:s2] =	stream.indirect.scatter.add.f32 [tilespmem:s25], [sflag:$0x5], $0x80, s18, s29, $0xb8;
	[tilespmem:$0x1E800] =	vst v63  }
0x143: {  	_ =	swait.ge [sflag:s26], $0x2000  }
0x144: {  	[sflag:s26] =	ssyncset.done $0x0  }
0x145: {  	s17 =	simm.s32 $0x200;
	[sflag:s26] =	ssyncadd.s32 $0xFFFFE000  }
0x146: {  	[tilespmem:s25], [sflag:$0x1] =	stream.indirect.gather [hbm4b:s4+s29], $0x80, s17, s29, $0xb8;
	[tilespmem:$0x1E800] =	vst v63  }
0x147: {  	_ =	swait.ge [sflag:s9], $0x2000  }
0x148: {  	[sflag:s9] =	ssyncset.done $0x0  }
0x149: {  	s18 =	simm.s32 $0x1480;
	[sflag:s9] =	ssyncadd.s32 $0xFFFFE000  }
0x14a: {  	[spmem:s2] =	stream.indirect.scatter.add.f32 [tilespmem:s31], [sflag:$0x5], $0x80, s18, s29, $0xb8;
	[tilespmem:$0x1E800] =	vst v63  }
0x14b: {  	_ =	swait.ge [sflag:s26], $0x2000  }
0x14c: {  	[sflag:s26] =	ssyncset.done $0x0  }
0x14d: {  	s17 =	simm.s32 $0x280;
	[sflag:s26] =	ssyncadd.s32 $0xFFFFE000  }
0x14e: {  	[tilespmem:s31], [sflag:$0x2] =	stream.indirect.gather [hbm4b:s4+s29], $0x80, s17, s29, $0xb8;
	[tilespmem:$0x1E800] =	vst v63  }
0x14f: {  	_ =	swait.ge [sflag:s10], $0x2000  }
0x150: {  	[sflag:s10] =	ssyncset.done $0x0  }
0x151: {  	s18 =	simm.s32 $0x1500;
	[sflag:s10] =	ssyncadd.s32 $0xFFFFE000  }
0x152: {  	[spmem:s2] =	stream.indirect.scatter.add.f32 [tilespmem:s1], [sflag:$0x5], $0x80, s18, s29, $0xb8;
	[tilespmem:$0x1E800] =	vst v63  }
0x153: {  	_ =	swait.ge [sflag:s26], $0x2000  }
0x154: {  	[sflag:s26] =	ssyncset.done $0x0  }
0x155: {  	s17 =	simm.s32 $0x300;
	[sflag:s26] =	ssyncadd.s32 $0xFFFFE000  }
0x156: {  	[tilespmem:s1], [sflag:$0x3] =	stream.indirect.gather [hbm4b:s4+s29], $0x80, s17, s29, $0xb8;
	[tilespmem:$0x1E800] =	vst v63  }
0x157: {  	_ =	swait.ge [sflag:s11], $0x2000  }
0x158: {  	[sflag:s11] =	ssyncset.done $0x0  }
0x159: {  	s18 =	simm.s32 $0x1580;
	[sflag:s11] =	ssyncadd.s32 $0xFFFFE000  }
0x15a: {  	[spmem:s2] =	stream.indirect.scatter.add.f32 [tilespmem:s7], [sflag:$0x5], $0x80, s18, s29, $0xb8;
	[tilespmem:$0x1E800] =	vst v63  }
0x15b: {  	_ =	swait.ge [sflag:s26], $0x2000  }
0x15c: {  	[sflag:s26] =	ssyncset.done $0x0  }
0x15d: {  	s16 =	simm.s32 $0x800;
	s17 =	simm.s32 $0x380;
	[sflag:s26] =	ssyncadd.s32 $0xFFFFE000  }
.LBB2_8:
0x15e: {  	[tilespmem:s7], [sflag:$0x4] =	stream.indirect.gather [hbm4b:s4+s29], $0x80, s17, s29, $0xb8;
	[tilespmem:$0x1E800] =	vst v63  }
0x15f: {  	s17 =	smov.u32 s16  }
0x160: {  	p0 =	sne.s32 s16, $0x4000;
	s16 =	sadd.s32 $0x800, s16;
	_ =	swait.ge [sflag:s8], $0x2000  }
0x161: {  	s17 =	sshra.s32 s17, $0x2;
	[sflag:s8] =	ssyncset.done $0x0  }
0x162: {  	s18 =	sadd.s32 $0x1400, s17;
	[sflag:s8] =	ssyncadd.s32 $0xFFFFE000  }
0x163: {  	[spmem:s2] =	stream.indirect.scatter.add.f32 [tilespmem:s25], [sflag:$0x5], $0x80, s18, s29, $0xb8;
	[tilespmem:$0x1E800] =	vst v63  }
0x164: {  	_ =	swait.ge [sflag:s26], $0x2000  }
0x165: {  	[sflag:s26] =	ssyncset.done $0x0  }
0x166: {  	s18 =	sadd.s32 $0x200, s17;
	[sflag:s26] =	ssyncadd.s32 $0xFFFFE000  }
0x167: {  	[tilespmem:s25], [sflag:$0x1] =	stream.indirect.gather [hbm4b:s4+s29], $0x80, s18, s29, $0xb8;
	[tilespmem:$0x1E800] =	vst v63  }
0x168: {  	_ =	swait.ge [sflag:s9], $0x2000  }
0x169: {  	[sflag:s9] =	ssyncset.done $0x0  }
0x16a: {  	s18 =	sadd.s32 $0x1480, s17;
	[sflag:s9] =	ssyncadd.s32 $0xFFFFE000  }
0x16b: {  	[spmem:s2] =	stream.indirect.scatter.add.f32 [tilespmem:s31], [sflag:$0x5], $0x80, s18, s29, $0xb8;
	[tilespmem:$0x1E800] =	vst v63  }
0x16c: {  	_ =	swait.ge [sflag:s26], $0x2000  }
0x16d: {  	[sflag:s26] =	ssyncset.done $0x0  }
0x16e: {  	s18 =	sadd.s32 $0x280, s17;
	[sflag:s26] =	ssyncadd.s32 $0xFFFFE000  }
0x16f: {  	[tilespmem:s31], [sflag:$0x2] =	stream.indirect.gather [hbm4b:s4+s29], $0x80, s18, s29, $0xb8;
	[tilespmem:$0x1E800] =	vst v63  }
0x170: {  	_ =	swait.ge [sflag:s10], $0x2000  }
0x171: {  	[sflag:s10] =	ssyncset.done $0x0  }
0x172: {  	s18 =	sadd.s32 $0x1500, s17;
	[sflag:s10] =	ssyncadd.s32 $0xFFFFE000  }
0x173: {  	[spmem:s2] =	stream.indirect.scatter.add.f32 [tilespmem:s1], [sflag:$0x5], $0x80, s18, s29, $0xb8;
	[tilespmem:$0x1E800] =	vst v63  }
0x174: {  	_ =	swait.ge [sflag:s26], $0x2000  }
0x175: {  	[sflag:s26] =	ssyncset.done $0x0  }
0x176: {  	s18 =	sadd.s32 $0x300, s17;
	[sflag:s26] =	ssyncadd.s32 $0xFFFFE000  }
0x177: {  	[tilespmem:s1], [sflag:$0x3] =	stream.indirect.gather [hbm4b:s4+s29], $0x80, s18, s29, $0xb8;
	[tilespmem:$0x1E800] =	vst v63  }
0x178: {  	_ =	swait.ge [sflag:s11], $0x2000  }
0x179: {  	[sflag:s11] =	ssyncset.done $0x0  }
.Ltmp3:
0x17a: {  	s18 =	sadd.s32 $0x1580, s17;
	[sflag:s11] =	ssyncadd.s32 $0xFFFFE000;
	(pc) =	sbr.rel @p0 .LBB2_8-.Ltmp3, $4  }
0x17b: {  	[spmem:s2] =	stream.indirect.scatter.add.f32 [tilespmem:s7], [sflag:$0x5], $0x80, s18, s29, $0xb8;
	[tilespmem:$0x1E800] =	vst v63  }
0x17c: {  	_ =	swait.ge [sflag:s26], $0x2000  }
0x17d: {  	[sflag:s26] =	ssyncset.done $0x0  }
0x17e: {  	s17 =	sadd.s32 $0x380, s17;
	[sflag:s26] =	ssyncadd.s32 $0xFFFFE000  }
0x17f: {  	[tilespmem:s7], [sflag:$0x4] =	stream.indirect.gather [hbm4b:s4+s29], $0x80, s17, s29, $0xb8;
	[tilespmem:$0x1E800] =	vst v63  }
0x180: {  	_ =	swait.ge [sflag:s8], $0x2000  }
0x181: {  	[sflag:s8] =	ssyncset.done $0x0  }
0x182: {  	[sflag:s8] =	ssyncadd.s32 $0xFFFFE000  }
0x183: {  	[spmem:s2] =	stream.indirect.scatter.add.f32 [tilespmem:s25], [sflag:$0x5], $0x80, s12, s29, $0xb8;
	[tilespmem:$0x1E800] =	vst v63  }
0x184: {  	_ =	swait.ge [sflag:s26], $0x2000  }
0x185: {  	[sflag:s26] =	ssyncset.done $0x0  }
0x186: {  	[sflag:s26] =	ssyncadd.s32 $0xFFFFE000  }
0x187: {  	_ =	swait.ge [sflag:s9], $0x2000  }
0x188: {  	[sflag:s9] =	ssyncset.done $0x0  }
0x189: {  	[sflag:s9] =	ssyncadd.s32 $0xFFFFE000  }
0x18a: {  	[spmem:s2] =	stream.indirect.scatter.add.f32 [tilespmem:s31], [sflag:$0x5], $0x80, s13, s29, $0xb8;
	[tilespmem:$0x1E800] =	vst v63  }
0x18b: {  	_ =	swait.ge [sflag:s26], $0x2000  }
0x18c: {  	[sflag:s26] =	ssyncset.done $0x0  }
0x18d: {  	[sflag:s26] =	ssyncadd.s32 $0xFFFFE000  }
0x18e: {  	_ =	swait.ge [sflag:s10], $0x2000  }
0x18f: {  	[sflag:s10] =	ssyncset.done $0x0  }
0x190: {  	[sflag:s10] =	ssyncadd.s32 $0xFFFFE000  }
0x191: {  	[spmem:s2] =	stream.indirect.scatter.add.f32 [tilespmem:s1], [sflag:$0x5], $0x80, s14, s29, $0xb8;
	[tilespmem:$0x1E800] =	vst v63  }
0x192: {  	_ =	swait.ge [sflag:s26], $0x2000  }
0x193: {  	[sflag:s26] =	ssyncset.done $0x0  }
0x194: {  	[sflag:s26] =	ssyncadd.s32 $0xFFFFE000  }
0x195: {  	_ =	swait.ge [sflag:s11], $0x2000  }
0x196: {  	[sflag:s11] =	ssyncset.done $0x0  }
0x197: {  	[sflag:s11] =	ssyncadd.s32 $0xFFFFE000  }
0x198: {  	[spmem:s2] =	stream.indirect.scatter.add.f32 [tilespmem:s7], [sflag:$0x5], $0x80, s15, s29, $0xb8;
	[tilespmem:$0x1E800] =	vst v63  }
0x199: {  	_ =	swait.ge [sflag:s26], $0x2000  }
0x19a: {  	[sflag:s26] =	ssyncset.done $0x0  }
0x19b: {  	s16 =	simm.s32 $0x0;
	[sflag:s26] =	ssyncadd.s32 $0xFFFFE000  }
0x19c: {  	[tilespmem:s16], [sflag:$0x5] =	stream.linear.gather [hbm4b:s21+s16], $0x1400, $0x38;
	[tilespmem:$0x1E800] =	vst v63  }
0x19d: {  	_ =	swait.ge [sflag:s26], $0x1400  }
0x19e: {  	[sflag:s26] =	ssyncset.done $0x0  }
0x19f: {  	[sflag:s26] =	ssyncadd.s32 $0xFFFFEC00  }
0x1a0: {  	[tilespmem:s28], [sflag:$0x5] =	stream.linear.gather [hbm4b:s22+s16], $0x1400, $0x38;
	[tilespmem:$0x1E800] =	vst v63  }
0x1a1: {  	_ =	swait.ge [sflag:s26], $0x1400  }
0x1a2: {  	[sflag:s26] =	ssyncset.done $0x0  }
0x1a3: {  	[sflag:s26] =	ssyncadd.s32 $0xFFFFEC00  }
0x1a4: {  	[tilespmem:s25], [sflag:$0x1] =	stream.indirect.gather [hbm4b:s4+s29], $0x80, s16, s29, $0xb8;
	[tilespmem:$0x1E800] =	vst v63  }
0x1a5: {  	_ = 	snop  }
0x1a6: {  	[tilespmem:s31], [sflag:$0x2] =	stream.indirect.gather [hbm4b:s4+s29], $0x80, s30, s29, $0xb8;
	[tilespmem:$0x1E800] =	vst v63  }
0x1a7: {  	_ = 	snop  }
0x1a8: {  	[tilespmem:s1], [sflag:$0x3] =	stream.indirect.gather [hbm4b:s4+s29], $0x80, s0, s29, $0xb8;
	[tilespmem:$0x1E800] =	vst v63  }
0x1a9: {  	_ = 	snop  }
0x1aa: {  	[tilespmem:s7], [sflag:$0x4] =	stream.indirect.gather [hbm4b:s4+s29], $0x80, s6, s29, $0xb8;
	[tilespmem:$0x1E800] =	vst v63  }
0x1ab: {  	_ =	swait.ge [sflag:s8], $0x2000  }
0x1ac: {  	[sflag:s8] =	ssyncset.done $0x0  }
0x1ad: {  	s18 =	simm.s32 $0x1400;
	[sflag:s8] =	ssyncadd.s32 $0xFFFFE000  }
0x1ae: {  	[spmem:s2] =	stream.indirect.scatter.add.f32 [tilespmem:s25], [sflag:$0x5], $0x80, s18, s29, $0xb8;
	[tilespmem:$0x1E800] =	vst v63  }
0x1af: {  	_ =	swait.ge [sflag:s26], $0x2000  }
0x1b0: {  	[sflag:s26] =	ssyncset.done $0x0  }
0x1b1: {  	s17 =	simm.s32 $0x200;
	[sflag:s26] =	ssyncadd.s32 $0xFFFFE000  }
0x1b2: {  	[tilespmem:s25], [sflag:$0x1] =	stream.indirect.gather [hbm4b:s4+s29], $0x80, s17, s29, $0xb8;
	[tilespmem:$0x1E800] =	vst v63  }
0x1b3: {  	_ =	swait.ge [sflag:s9], $0x2000  }
0x1b4: {  	[sflag:s9] =	ssyncset.done $0x0  }
0x1b5: {  	s18 =	simm.s32 $0x1480;
	[sflag:s9] =	ssyncadd.s32 $0xFFFFE000  }
0x1b6: {  	[spmem:s2] =	stream.indirect.scatter.add.f32 [tilespmem:s31], [sflag:$0x5], $0x80, s18, s29, $0xb8;
	[tilespmem:$0x1E800] =	vst v63  }
0x1b7: {  	_ =	swait.ge [sflag:s26], $0x2000  }
0x1b8: {  	[sflag:s26] =	ssyncset.done $0x0  }
0x1b9: {  	s17 =	simm.s32 $0x280;
	[sflag:s26] =	ssyncadd.s32 $0xFFFFE000  }
0x1ba: {  	[tilespmem:s31], [sflag:$0x2] =	stream.indirect.gather [hbm4b:s4+s29], $0x80, s17, s29, $0xb8;
	[tilespmem:$0x1E800] =	vst v63  }
0x1bb: {  	_ =	swait.ge [sflag:s10], $0x2000  }
0x1bc: {  	[sflag:s10] =	ssyncset.done $0x0  }
0x1bd: {  	s18 =	simm.s32 $0x1500;
	[sflag:s10] =	ssyncadd.s32 $0xFFFFE000  }
0x1be: {  	[spmem:s2] =	stream.indirect.scatter.add.f32 [tilespmem:s1], [sflag:$0x5], $0x80, s18, s29, $0xb8;
	[tilespmem:$0x1E800] =	vst v63  }
0x1bf: {  	_ =	swait.ge [sflag:s26], $0x2000  }
0x1c0: {  	[sflag:s26] =	ssyncset.done $0x0  }
0x1c1: {  	s17 =	simm.s32 $0x300;
	[sflag:s26] =	ssyncadd.s32 $0xFFFFE000  }
0x1c2: {  	[tilespmem:s1], [sflag:$0x3] =	stream.indirect.gather [hbm4b:s4+s29], $0x80, s17, s29, $0xb8;
	[tilespmem:$0x1E800] =	vst v63  }
0x1c3: {  	_ =	swait.ge [sflag:s11], $0x2000  }
0x1c4: {  	[sflag:s11] =	ssyncset.done $0x0  }
0x1c5: {  	s18 =	simm.s32 $0x1580;
	[sflag:s11] =	ssyncadd.s32 $0xFFFFE000  }
0x1c6: {  	[spmem:s2] =	stream.indirect.scatter.add.f32 [tilespmem:s7], [sflag:$0x5], $0x80, s18, s29, $0xb8;
	[tilespmem:$0x1E800] =	vst v63  }
0x1c7: {  	_ =	swait.ge [sflag:s26], $0x2000  }
0x1c8: {  	[sflag:s26] =	ssyncset.done $0x0  }
0x1c9: {  	s16 =	simm.s32 $0x800;
	s17 =	simm.s32 $0x380;
	[sflag:s26] =	ssyncadd.s32 $0xFFFFE000  }
.LBB2_10:
0x1ca: {  	[tilespmem:s7], [sflag:$0x4] =	stream.indirect.gather [hbm4b:s4+s29], $0x80, s17, s29, $0xb8;
	[tilespmem:$0x1E800] =	vst v63  }
0x1cb: {  	s17 =	smov.u32 s16  }
0x1cc: {  	p0 =	sne.s32 s16, $0x4000;
	s16 =	sadd.s32 $0x800, s16;
	_ =	swait.ge [sflag:s8], $0x2000  }
0x1cd: {  	s17 =	sshra.s32 s17, $0x2;
	[sflag:s8] =	ssyncset.done $0x0  }
0x1ce: {  	s18 =	sadd.s32 $0x1400, s17;
	[sflag:s8] =	ssyncadd.s32 $0xFFFFE000  }
0x1cf: {  	[spmem:s2] =	stream.indirect.scatter.add.f32 [tilespmem:s25], [sflag:$0x5], $0x80, s18, s29, $0xb8;
	[tilespmem:$0x1E800] =	vst v63  }
0x1d0: {  	_ =	swait.ge [sflag:s26], $0x2000  }
0x1d1: {  	[sflag:s26] =	ssyncset.done $0x0  }
0x1d2: {  	s18 =	sadd.s32 $0x200, s17;
	[sflag:s26] =	ssyncadd.s32 $0xFFFFE000  }
0x1d3: {  	[tilespmem:s25], [sflag:$0x1] =	stream.indirect.gather [hbm4b:s4+s29], $0x80, s18, s29, $0xb8;
	[tilespmem:$0x1E800] =	vst v63  }
0x1d4: {  	_ =	swait.ge [sflag:s9], $0x2000  }
0x1d5: {  	[sflag:s9] =	ssyncset.done $0x0  }
0x1d6: {  	s18 =	sadd.s32 $0x1480, s17;
	[sflag:s9] =	ssyncadd.s32 $0xFFFFE000  }
0x1d7: {  	[spmem:s2] =	stream.indirect.scatter.add.f32 [tilespmem:s31], [sflag:$0x5], $0x80, s18, s29, $0xb8;
	[tilespmem:$0x1E800] =	vst v63  }
0x1d8: {  	_ =	swait.ge [sflag:s26], $0x2000  }
0x1d9: {  	[sflag:s26] =	ssyncset.done $0x0  }
0x1da: {  	s18 =	sadd.s32 $0x280, s17;
	[sflag:s26] =	ssyncadd.s32 $0xFFFFE000  }
0x1db: {  	[tilespmem:s31], [sflag:$0x2] =	stream.indirect.gather [hbm4b:s4+s29], $0x80, s18, s29, $0xb8;
	[tilespmem:$0x1E800] =	vst v63  }
0x1dc: {  	_ =	swait.ge [sflag:s10], $0x2000  }
0x1dd: {  	[sflag:s10] =	ssyncset.done $0x0  }
0x1de: {  	s18 =	sadd.s32 $0x1500, s17;
	[sflag:s10] =	ssyncadd.s32 $0xFFFFE000  }
0x1df: {  	[spmem:s2] =	stream.indirect.scatter.add.f32 [tilespmem:s1], [sflag:$0x5], $0x80, s18, s29, $0xb8;
	[tilespmem:$0x1E800] =	vst v63  }
0x1e0: {  	_ =	swait.ge [sflag:s26], $0x2000  }
0x1e1: {  	[sflag:s26] =	ssyncset.done $0x0  }
0x1e2: {  	s18 =	sadd.s32 $0x300, s17;
	[sflag:s26] =	ssyncadd.s32 $0xFFFFE000  }
0x1e3: {  	[tilespmem:s1], [sflag:$0x3] =	stream.indirect.gather [hbm4b:s4+s29], $0x80, s18, s29, $0xb8;
	[tilespmem:$0x1E800] =	vst v63  }
0x1e4: {  	_ =	swait.ge [sflag:s11], $0x2000  }
0x1e5: {  	[sflag:s11] =	ssyncset.done $0x0  }
.Ltmp4:
0x1e6: {  	s18 =	sadd.s32 $0x1580, s17;
	[sflag:s11] =	ssyncadd.s32 $0xFFFFE000;
	(pc) =	sbr.rel @p0 .LBB2_10-.Ltmp4, $4  }
0x1e7: {  	[spmem:s2] =	stream.indirect.scatter.add.f32 [tilespmem:s7], [sflag:$0x5], $0x80, s18, s29, $0xb8;
	[tilespmem:$0x1E800] =	vst v63  }
0x1e8: {  	_ =	swait.ge [sflag:s26], $0x2000  }
0x1e9: {  	[sflag:s26] =	ssyncset.done $0x0  }
0x1ea: {  	s17 =	sadd.s32 $0x380, s17;
	[sflag:s26] =	ssyncadd.s32 $0xFFFFE000  }
0x1eb: {  	[tilespmem:s7], [sflag:$0x4] =	stream.indirect.gather [hbm4b:s4+s29], $0x80, s17, s29, $0xb8;
	[tilespmem:$0x1E800] =	vst v63  }
0x1ec: {  	_ =	swait.ge [sflag:s8], $0x2000  }
0x1ed: {  	[sflag:s8] =	ssyncset.done $0x0  }
0x1ee: {  	[sflag:s8] =	ssyncadd.s32 $0xFFFFE000  }
0x1ef: {  	[spmem:s2] =	stream.indirect.scatter.add.f32 [tilespmem:s25], [sflag:$0x5], $0x80, s12, s29, $0xb8;
	[tilespmem:$0x1E800] =	vst v63  }
0x1f0: {  	_ =	swait.ge [sflag:s26], $0x2000  }
0x1f1: {  	[sflag:s26] =	ssyncset.done $0x0  }
0x1f2: {  	[sflag:s26] =	ssyncadd.s32 $0xFFFFE000  }
0x1f3: {  	_ =	swait.ge [sflag:s9], $0x2000  }
0x1f4: {  	[sflag:s9] =	ssyncset.done $0x0  }
0x1f5: {  	[sflag:s9] =	ssyncadd.s32 $0xFFFFE000  }
0x1f6: {  	[spmem:s2] =	stream.indirect.scatter.add.f32 [tilespmem:s31], [sflag:$0x5], $0x80, s13, s29, $0xb8;
	[tilespmem:$0x1E800] =	vst v63  }
0x1f7: {  	_ =	swait.ge [sflag:s26], $0x2000  }
0x1f8: {  	[sflag:s26] =	ssyncset.done $0x0  }
0x1f9: {  	[sflag:s26] =	ssyncadd.s32 $0xFFFFE000  }
0x1fa: {  	_ =	swait.ge [sflag:s10], $0x2000  }
0x1fb: {  	[sflag:s10] =	ssyncset.done $0x0  }
0x1fc: {  	[sflag:s10] =	ssyncadd.s32 $0xFFFFE000  }
0x1fd: {  	[spmem:s2] =	stream.indirect.scatter.add.f32 [tilespmem:s1], [sflag:$0x5], $0x80, s14, s29, $0xb8;
	[tilespmem:$0x1E800] =	vst v63  }
0x1fe: {  	_ =	swait.ge [sflag:s26], $0x2000  }
0x1ff: {  	[sflag:s26] =	ssyncset.done $0x0  }
0x200: {  	[sflag:s26] =	ssyncadd.s32 $0xFFFFE000  }
0x201: {  	_ =	swait.ge [sflag:s11], $0x2000  }
0x202: {  	[sflag:s11] =	ssyncset.done $0x0  }
0x203: {  	[sflag:s11] =	ssyncadd.s32 $0xFFFFE000  }
0x204: {  	[spmem:s2] =	stream.indirect.scatter.add.f32 [tilespmem:s7], [sflag:$0x5], $0x80, s15, s29, $0xb8;
	[tilespmem:$0x1E800] =	vst v63  }
0x205: {  	s16 =	stileid.u32;
	_ =	swait.ge [sflag:s26], $0x2000  }
0x206: {  	s18 =	sshrl.u32 s5, $0x3;
	s3 =	sadd.s32 $0x1, s3;
	[sflag:s26] =	ssyncset.done $0x0  }
0x207: {  	s16 =	sshll.u32 s16, $0x6;
	p0 =	sne.s32 s3, s24;
	[sflag:s26] =	ssyncadd.s32 $0xFFFFE000  }
.Ltmp5:
0x208: {  	s16 =	sor.u32 $0x1C05, s16;
	[bflag:$0x0] =	sbarrier.arrive $0xFFFF;
	(pc) =	sbr.rel @p0 .LBB2_1-.Ltmp5, $4  }
0x209: {  	[hbm:s23], [sflag:s16] =	dma.local [spmem:s18], $0x2800  }
0x20a: {  	_ =	swait.ge [sflag:s26], $0x2800  }
0x20b: {  	[sflag:s26] =	ssyncset.done $0x0  }
0x20c: {  	[sflag:s26] =	ssyncadd.s32 $0xFFFFD800  }
0x20d: {  	_ =	sfence.sel $0x180000  }
0x20e: {  	[bflag:$0x0] =	sbarrier.arrive $0xFFFF  }
0x20f: {  	_ =	strace $0x9000004D  }
0x210: {  	s0 =	stileid.u32;
	[bflag:$0x2] =	sbarrier.arrive $0xFFFF  }
0x211: {  	p0 =	sne.s32 s0, $0x0;
	s0 =	rddreg [dreg:$0x3]  }
0x212: {  	s0 =	sadd.s32 @!p0 $0x100000, s0  }
0x213: {  	[sflag:s0] =	ssyncadd.tile.s32 @!p0 $0x1;
	_ =	shalt  }
.Lfunc_end2:
_tile_overlayer_lowered:
.L_overlay_start_2:
0x214: {  	(tag) =	ssettag $0x2  }
0x215: {  	s0 =	rddreg [dreg:$0x0];
	s2 =	stileid.u32  }
0x216: {  	s1 =	rddreg [dreg:$0x1];
	p0 =	sne.s32 s2, $0x0  }
0x217: {  	s3 =	rddreg [dreg:$0x2];
	[bflag:$0x3] =	sbarrier.arrive $0xFFFF;
	s2 =	simm.s32 @!p0 $0x1C05  }
0x218: {  	[timem:s3], [sflag:s2] =	dma.local @!p0 [hbm:s0], s1  }
0x219: {  	s0 =	simm.s32 @!p0 $0x5  }
0x21a: {  	_ =	swait.ge @!p0 [sflag:s0], s1  }
0x21b: {  	s1 =	ssub.s32 @!p0 $0x0, s1;
	[sflag:s0] =	ssyncset.done @!p0 $0x0  }
0x21c: {  	[sflag:s0] =	ssyncadd.s32 @!p0 s1  }
0x21d: {  	[bflag:$0x3] =	sbarrier.arrive $0xFFFF  }
0x21e: {  	_ =	shalt  }

// kernel: kernel.8.cloned.1.call-start
scs
__scs_entry_jumppad:
0x0: {  	(pc) =	sbr.rel $0x88, $3  }
0x1: {  	(tag) =	ssettag $0x0;
	lr =	simm.s32 $0x1  }
0x2: {  	[smem:$0x3F9B] =	sst lr;
	_ =	strace $0xD0000000  }
0x3: {  	_ = 	snop  }
0x4: {  	_ = 	snop  }
0x5: {  	_ = 	snop  }
0x6: {  	_ = 	snop  }
0x7: {  	_ = 	snop  }
__scs_overlays_trampoline_lowered:
0x8: {  	[smem:$0x3FAA] =	sst s0  }
0x9: {  	[smem:$0x3FAB] =	sst s1  }
0xa: {  	[smem:$0x3FAC] =	sst s2  }
0xb: {  	[smem:$0x3FAD] =	sst s3  }
0xc: {  	[smem:$0x3FAE] =	sst s4  }
0xd: {  	[smem:$0x3FAF] =	sst s5  }
0xe: {  	[smem:$0x3FB0] =	sst s6  }
0xf: {  	[smem:$0x3FB1] =	sst s7  }
0x10: {  	[smem:$0x3FB2] =	sst s8  }
0x11: {  	[smem:$0x3FB3] =	sst s9;
	s0 =	simm.s32 @!p0 $0x0  }
0x12: {  	s1 =	sld [smem:$0x3F99];
	s0 =	simm.s32 @p0 $0x1  }
0x13: {  	[smem:$0x3FB4] =	sst s0;
	s0 =	simm.s32 @!p1 $0x0  }
0x14: {  	s2 =	sld [smem:$0x3F98];
	s0 =	simm.s32 @p1 $0x1  }
0x15: {  	[smem:$0x3FB5] =	sst s0;
	s0 =	simm.s32 @!p2 $0x0  }
0x16: {  	s3 =	sld [smem:$0x3FDB];
	s0 =	simm.s32 @p2 $0x1  }
0x17: {  	s4 =	simm.s32 $0x1BF5;
	[smem:$0x3FB7] =	sst s0  }
0x18: {  	s0 =	sld [smem:$0x3F9A];
	_ =	swait.ge [sflag:s4], $0x0  }
0x19: {  	s7 =	sld [smem:$0x3F9B]  }
0x1a: {  	s8 =	sadd.s32 $0xFFFFE003, lr  }
0x1b: {  	s9 =	sadd.s32 $0xFFFFFEF7, lr;
	s5 =	simm.s32 $0xFFFFFFFF;
	p2 =	slt.u32 s8, $0xFFFFF086  }
0x1c: {  	p1 =	slt.u32 s9, $0xF7A;
	s5 =	simm.s32 @!p2 $0x0  }
0x1d: {  	s5 =	simm.s32 @p1 $0x1;
	p0 =	seq.s32 s7, s2  }
0x1e: {  	s7 =	smul.u32 @!p0 $0xF7A, s2;
	p2 =	seq.s32 @!p0 s5, $0x0  }
0x1f: {  	s9 =	smul.u32 $0xF7A, s1;
	s8 =	simm.s32 @!p0 $0x1BF5;
	p2 =	por !p2, p0  }
0x20: {  	[sflag:s8] =	ssyncset.s32 @!p0 $0xFFFFF086;
	s6 =	sadd.s32 @!p0 s3, s7;
	s7 =	simm.s32 @!p0 $0x108  }
0x21: {  	s3 =	sadd.s32 s3, s9;
	s6 =	sadd.s32 @!p0 $0x88, s6;
	s7 =	simm.s32 @p2 $0x1082  }
0x22: {  	[simem:s7], [sflag:s8] =	dma.local @!p0 [hbm:s6], $0xF7A  }
0x23: {  	s9 =	sor.u32 $0xD0000000, s2;
	s6 =	simm.s32 $0x108;
	_ =	swait.ge @!p0 [sflag:s8], $0x0  }
0x24: {  	s3 =	sadd.s32 $0x88, s3;
	s6 =	simm.s32 @!p1 $0x1082;
	[sflag:s4] =	ssyncset.s32 $0xFFFFF086  }
0x25: {  	[simem:s6], [sflag:s4] =	dma.local [hbm:s3], $0xF7A  }
0x26: {  	[smem:$0x3F9B] =	sst s1;
	(tag) =	ssettag s2;
	_ =	strace s9  }
0x27: {  	s1 =	sld [smem:$0x3FAB]  }
0x28: {  	s2 =	sld [smem:$0x3FAC]  }
0x29: {  	s4 =	sld [smem:$0x3FAE]  }
0x2a: {  	p0 =	seq.s32 s5, $0x0;
	s5 =	sld [smem:$0x3FAF]  }
0x2b: {  	s6 =	sld [smem:$0x3FB0]  }
0x2c: {  	s7 =	sld [smem:$0x3FB1]  }
0x2d: {  	s3 =	simm.s32 $0x108;
	s8 =	sld [smem:$0x3FB2]  }
0x2e: {  	s3 =	simm.s32 @!p0 $0x1082;
	s9 =	sld [smem:$0x3FB3]  }
0x2f: {  	lr =	sadd.s32 s0, s3;
	s0 =	sld [smem:$0x3FAA]  }
0x30: {  	s3 =	sld [smem:$0x3FAD]  }
0x31: {  	[smem:$0x3FB6] =	sst s10  }
0x32: {  	s10 =	sld [smem:$0x3FB4];
	_ =	sdelay $0x3  }
0x33: {  	p0 =	seq.s32 s10, $0x1;
	s10 =	sld [smem:$0x3FB6];
	_ =	sdelay $0x3  }
0x34: {  	[smem:$0x3FB6] =	sst s10  }
0x35: {  	s10 =	sld [smem:$0x3FB5];
	_ =	sdelay $0x3  }
0x36: {  	p1 =	seq.s32 s10, $0x1;
	s10 =	sld [smem:$0x3FB6];
	_ =	sdelay $0x3  }
0x37: {  	[smem:$0x3FB6] =	sst s10  }
0x38: {  	s10 =	sld [smem:$0x3FB7]  }
0x39: {  	_ = 	snop;
	(pc) =	sbr.ind lr, $3  }
0x3a: {  	_ = 	snop  }
0x3b: {  	_ = 	snop  }
0x3c: {  	p2 =	seq.s32 s10, $0x1;
	s10 =	sld [smem:$0x3FB6]  }
0x3d: {  	_ =	shalt  }
0x3e: {  	_ =	shalt  }
0x3f: {  	_ =	shalt  }
0x40: {  	_ =	shalt  }
0x41: {  	_ =	shalt  }
0x42: {  	_ =	shalt  }
0x43: {  	_ =	shalt  }
0x44: {  	_ =	shalt  }
0x45: {  	_ =	shalt  }
0x46: {  	_ =	shalt  }
0x47: {  	_ =	shalt  }
0x48: {  	_ =	shalt  }
0x49: {  	_ =	shalt  }
0x4a: {  	_ =	shalt  }
0x4b: {  	_ =	shalt  }
0x4c: {  	_ =	shalt  }
0x4d: {  	_ =	shalt  }
0x4e: {  	_ =	shalt  }
0x4f: {  	_ =	shalt  }
0x50: {  	_ =	shalt  }
0x51: {  	_ =	shalt  }
0x52: {  	_ =	shalt  }
0x53: {  	_ =	shalt  }
0x54: {  	_ =	shalt  }
0x55: {  	_ =	shalt  }
0x56: {  	_ =	shalt  }
0x57: {  	_ =	shalt  }
0x58: {  	_ =	shalt  }
0x59: {  	_ =	shalt  }
0x5a: {  	_ =	shalt  }
0x5b: {  	_ =	shalt  }
0x5c: {  	_ =	shalt  }
0x5d: {  	_ =	shalt  }
0x5e: {  	_ =	shalt  }
0x5f: {  	_ =	shalt  }
0x60: {  	_ =	shalt  }
0x61: {  	_ =	shalt  }
0x62: {  	_ =	shalt  }
0x63: {  	_ =	shalt  }
0x64: {  	_ =	shalt  }
0x65: {  	_ =	shalt  }
0x66: {  	_ =	shalt  }
0x67: {  	_ =	shalt  }
0x68: {  	_ =	shalt  }
0x69: {  	_ =	shalt  }
0x6a: {  	_ =	shalt  }
0x6b: {  	_ =	shalt  }
0x6c: {  	_ =	shalt  }
0x6d: {  	_ =	shalt  }
0x6e: {  	_ =	shalt  }
0x6f: {  	_ =	shalt  }
0x70: {  	_ =	shalt  }
0x71: {  	_ =	shalt  }
0x72: {  	_ =	shalt  }
0x73: {  	_ =	shalt  }
0x74: {  	_ =	shalt  }
0x75: {  	_ =	shalt  }
0x76: {  	_ =	shalt  }
0x77: {  	_ =	shalt  }
0x78: {  	_ =	shalt  }
0x79: {  	_ =	shalt  }
0x7a: {  	_ =	shalt  }
0x7b: {  	_ =	shalt  }
0x7c: {  	_ =	shalt  }
0x7d: {  	_ =	shalt  }
0x7e: {  	_ =	shalt  }
0x7f: {  	_ =	shalt  }
0x80: {  	_ =	shalt  }
0x81: {  	_ =	shalt  }
0x82: {  	_ =	shalt  }
0x83: {  	_ =	shalt  }
0x84: {  	_ =	shalt  }
0x85: {  	_ =	shalt  }
0x86: {  	_ =	shalt  }
0x87: {  	_ =	shalt  }
.Lfunc_end0:
.L_simem_size_0:
called_computation_lowered:
.L_overlay_start_0:
0x88: {  	s2 =	sld [smem:$0x3FD9]  }
0x89: {  	s3 =	sld [smem:$0x3FFE];
	_ =	sdelay $0x1  }
0x8a: {  	s1 =	srdreg.scid  }
0x8b: {  	s0 =	sand.u32 $0x1, s1  }
0x8c: {  	s16 =	sshll.u32 s0, $0xA;
	s2 =	sadd.s32 s3, s2  }
0x8d: {  	s2 =	sadd.s32 s2, s16  }
0x8e: {  	[smem:$0x3FC2] =	sst s2  }
0x8f: {  	_ = 	snop  }
0x90: {  	(tm) =	ssettm $0x1  }
0x91: {  	s17 =	sld [smem:$0x3FFB];
	_ =	sdelay $0x3  }
0x92: {  	_ =	strace s17  }
0x93: {  	s2 =	sld [smem:$0x3FFC];
	_ =	sdelay $0x3  }
0x94: {  	_ =	strace s2  }
0x95: {  	s2 =	sld [smem:$0x3FFD];
	_ =	sdelay $0x3  }
0x96: {  	_ =	strace s2  }
0x97: {  	_ =	strace $0x8FFFFFFF  }
0x98: {  	s18 =	sld [smem:$0x3FDB];
	_ =	sdelay $0x1  }
0x99: {  	s19 =	simm.s32 $_scs_section_size  }
0x9a: {  	s4 =	simm.s32 $_size__tile_overlayer_lowered;
	s5 =	simm.s32 $_tile_overlayer_lowered  }
0x9b: {  	s22 =	simm.s32 $0x1BFF;
	s21 =	sshll.u32 s5, $0x1;
	s2 =	sadd.s32 s19, s18  }
0x9c: {  	s6 =	simm.s32 $0x0;
	s20 =	sshll.u32 s4, $0x1;
	s4 =	sadd.s32 s21, s2  }
0x9d: {  	[timem:s6], [sflag:s22] =	dma.local [hbm:s4], s20  }
0x9e: {  	_ =	swait.ge [sflag:s22], s20  }
0x9f: {  	s3 =	ssub.s32 $0x0, s20;
	[sflag:s22] =	ssyncset.done $0x0  }
0xa0: {  	[sflag:s22] =	ssyncadd.s32 s3;
	_ =	sdelay $0x1  }
0xa1: {  	s23 =	simm.s32 $0x1B8B  }
0xa2: {  	_ =	swait.ge [sflag:s23], $0x1  }
0xa3: {  	[sflag:s23] =	ssyncset.done $0x0  }
0xa4: {  	s25 =	simm.s32 $0x1B8E;
	s24 =	sld [smem:$0x3FFE];
	[sflag:s23] =	ssyncadd.s32 $0xFFFFFFFF  }
0xa5: {  	s26 =	simm.s32 $execute0_lowered;
	[smem:$0x3FD2] =	sst s25  }
0xa6: {  	s4 =	sshll.u32 s26, $0x1;
	_ =	strace $0x80000046;
	[dreg:$0x1] =	wrdreg $0xFFFFFFFF  }
0xa7: {  	s28 =	simm.s32 $_size_execute0_lowered;
	s2 =	sadd.s32 s2, s4;
	[dreg:$0x0] =	wrdreg $0x0  }
0xa8: {  	s4 =	sshll.u32 s28, $0x1;
	[dreg:$0x2] =	wrdreg s2  }
0xa9: {  	[dreg:$0x3] =	wrdreg s4  }
0xaa: {  	[dreg:$0x4] =	wrdreg $0xC0  }
0xab: {  	_ =	task [dreg:s6], $0x5FFFF  }
0xac: {  	[dreg:$0x1] =	wrdreg $0xFFFFFFFF  }
0xad: {  	[dreg:$0x0] =	wrdreg $0x60  }
0xae: {  	[dreg:$0x2] =	wrdreg s24  }
0xaf: {  	[dreg:$0x3] =	wrdreg $0x9  }
0xb0: {  	_ =	task.clear_ibuf [dreg:s6], $0x4FFFF;
	_ =	strace $0x90000046  }
0xb1: {  	s29 =	simm.s32 $0x9;
	_ =	strace $0x80000048  }
0xb2: {  	_ =	swait.ge [sflag:s29], $0x1  }
0xb3: {  	[sflag:s29] =	ssyncadd.s32 $0xFFFFFFFF  }
0xb4: {  	_ =	strace $0x90000048  }
0xb5: {  	_ =	sfence  }
0xb6: {  	s30 =	sld [smem:$0x0];
	_ =	sdelay $0x2  }
0xb7: {  	s31 =	sshll.u32 s1, $0xD;
	s1 =	sshrl.u32 s1, $0x2  }
0xb8: {  	s3 =	sand.u32 $0x4000, s31;
	s1 =	sadd.s32 s1, s30  }
0xb9: {  	s0 =	sor.u32 s3, s0;
	s1 =	sshll.u32 s1, $0x11  }
0xba: {  	s0 =	sor.u32 s1, s0  }
0xbb: {  	s0 =	sadd.s32 $0x8F2B, s0  }
0xbc: {  	[sflag:s0] =	ssyncadd.remote.s32 $0x1  }
0xbd: {  	_ =	sfence.sel $0xFFFF  }
0xbe: {  	[dreg:$0x0] =	wrdreg $0xFFFFFFFF;
	(pc) =	sbr.abs _section_cstart, $3  }
0xbf: {  	[dreg:$0x1] =	wrdreg $0xFFFFFFFF  }
0xc0: {  	_ =	task.clear_ibuf [dreg:s6], $0x2FFFF;
	_ =	strace $0x9FFFFFFF  }
0xc1: {  	(tm) =	ssettm $0x7FFFFFFF  }
tec
execute0_lowered:
.L_overlay_start_1:
0x0: {  	(tag) =	ssettag $0x1  }
0x1: {  	s0 =	srdreg.scid  }
0x2: {  	s4 =	rddreg [dreg:$0x0];
	s3 =	sand.u32 $0x1, s0  }
0x3: {  	s1 =	stileid.u32;
	s7 =	simm.s32 $0x2800;
	s2 =	sshll.u32 s3, $0x4  }
0x4: {  	s0 =	rddreg [dreg:$0x1];
	s3 =	ssub.s32 $0x2, s3;
	s5 =	sor.u32 s1, s2  }
0x5: {  	s2 =	simm.s32 $0x0;
	s6 =	sshrl.u32 s3, $0x1;
	s5 =	smul.u32 $0x500, s5  }
0x6: {  	s8 =	simm.s32 $0x0;
	[smem:$0x7FF] =	sst s2;
	s31 =	ssub.s32 s3, s6  }
0x7: {  	s6 =	simm.s32 $0x1;
	_ =	strace $0x80000047;
	s4 =	sadd.s32 s5, s4  }
0x8: {  	v0 =	vimm.f32 $0.0e+00;
	v1 =	vimm.f32 $1.000000000e+00;
	s5 =	smax.u32 s31, $0x1;
	s3 =	sadd.s32 $0x2C00, s4;
	s4 =	sadd.s32 $0xCC00, s4  }
.LBB2_1:
0x9: {  	s9 =	simm.s32 $0x0;
	s10 =	simm.s32 $0x200  }
.LBB2_2:
0xa: {  	p0 =	sne.s32 s10, $0x9E00;
	[tilespmem:s9+$0x2870] =	vst v0  }
0xb: {  	[tilespmem:s9+$0x2800] =	vst v0  }
0xc: {  	[tilespmem:s9+$0x2810] =	vst v0  }
.Ltmp0:
0xd: {  	[tilespmem:s9+$0x2820] =	vst v0;
	(pc) =	sbr.rel @p0 .LBB2_2-.Ltmp0, $4  }
0xe: {  	[tilespmem:s9+$0x2830] =	vst v0  }
0xf: {  	[tilespmem:s9+$0x2840] =	vst v0  }
0x10: {  	[tilespmem:s9+$0x2850] =	vst v0  }
0x11: {  	[tilespmem:s9+$0x2860] =	vst v0;
	s9 =	sshra.s32 s10, $0x2;
	s10 =	sadd.s32 $0x200, s10  }
0x12: {  	[tilespmem:s9+$0x2870] =	vst v0  }
0x13: {  	[tilespmem:s9+$0x2800] =	vst v0  }
0x14: {  	[tilespmem:s9+$0x2810] =	vst v0  }
0x15: {  	[tilespmem:s9+$0x2820] =	vst v0  }
0x16: {  	[tilespmem:s9+$0x2830] =	vst v0  }
0x17: {  	[tilespmem:s9+$0x2840] =	vst v0  }
0x18: {  	[tilespmem:s9+$0x2850] =	vst v0  }
0x19: {  	[tilespmem:s9+$0x2860] =	vst v0;
	s31 =	simm.s32 $0x0  }
0x1a: {  	[tilespmem:s31], [sflag:$0x1] =	stream.linear.gather [hbm4b:s3+s31], $0x2800, $0x38;
	[tilespmem:$0x5000] =	vst v63  }
0x1b: {  	_ =	swait.ge [sflag:s6], $0x2800  }
0x1c: {  	[sflag:s6] =	ssyncset.done $0x0  }
0x1d: {  	s10 =	simm.s32 $0x0;
	s9 =	simm.s32 $0x40;
	[sflag:s6] =	ssyncadd.s32 $0xFFFFD800  }
.LBB2_4:
0x1e: {  	p0 =	sne.s32 s9, $0x9FC0;
	v2 =	vld [tilespmem:s10+$0x0];
	_ =	sdelay $0x3  }
.Ltmp1:
0x1f: {  	(pc) =	sbr.rel @p0 .LBB2_4-.Ltmp1, $2  }
0x20: {  	_ =	sdelay $0x2  }
0x21: {  	s10 =	sshra.s32 s9, $0x2;
	s9 =	sadd.s32 $0x40, s9;
	[tilespmem:v2+s7+$0x0] =	vst.idx.add.f32.msk $0xffff, v1  }
0x22: {  	v2 =	vld [tilespmem:s10+$0x0];
	_ =	sdelay $0x5  }
0x23: {  	s8 =	sadd.s32 $0x1, s8  }
0x24: {  	p0 =	sne.s32 s8, s5  }
.Ltmp2:
0x25: {  	[tilespmem:v2+s7+$0x0] =	vst.idx.add.f32.msk $0xffff, v1;
	(pc) =	sbr.rel @p0 .LBB2_1-.Ltmp2, $4  }
0x26: {  	[hbm4b:s4+s2] =	stream.linear.scatter [tilespmem:s7], [sflag:$0x1], $0x2800, $0x38;
	[tilespmem:$0x5000] =	vst v63  }
0x27: {  	_ =	swait.ge [sflag:s6], $0x2800  }
0x28: {  	[sflag:s6] =	ssyncset.done $0x0  }
0x29: {  	[sflag:s6] =	ssyncadd.s32 $0xFFFFD800  }
0x2a: {  	_ =	sfence.sel $0x180000  }
0x2b: {  	[bflag:$0x0] =	sbarrier.arrive $0xFFFF  }
0x2c: {  	p0 =	sne.s32 s1, $0x0;
	_ =	strace $0x90000047  }
0x2d: {  	s0 =	sadd.s32 @!p0 $0x100000, s0;
	[bflag:$0x2] =	sbarrier.arrive $0xFFFF  }
0x2e: {  	[sflag:s0] =	ssyncadd.tile.s32 @!p0 $0x1;
	_ =	shalt  }
.Lfunc_end2:
_tile_overlayer_lowered:
.L_overlay_start_2:
0x2f: {  	(tag) =	ssettag $0x2  }
0x30: {  	s0 =	rddreg [dreg:$0x0];
	s2 =	stileid.u32  }
0x31: {  	s1 =	rddreg [dreg:$0x1];
	p0 =	sne.s32 s2, $0x0  }
0x32: {  	s3 =	rddreg [dreg:$0x2];
	[bflag:$0x3] =	sbarrier.arrive $0xFFFF;
	s2 =	simm.s32 @!p0 $0x1C01  }
0x33: {  	[timem:s3], [sflag:s2] =	dma.local @!p0 [hbm:s0], s1  }
0x34: {  	s0 =	simm.s32 @!p0 $0x1  }
0x35: {  	_ =	swait.ge @!p0 [sflag:s0], s1  }
0x36: {  	s1 =	ssub.s32 @!p0 $0x0, s1;
	[sflag:s0] =	ssyncset.done @!p0 $0x0  }
0x37: {  	[sflag:s0] =	ssyncadd.s32 @!p0 s1  }
0x38: {  	[bflag:$0x3] =	sbarrier.arrive $0xFFFF  }
0x39: {  	_ =	shalt  }

</sc_bundles>
